<compile_context>
chip_gen: v7x
topology: tpu7x:2x2x1
jax: 0.10.2.dev20260603
libtpu: 0.0.44.dev20260713+nightly
codegen_flags: <defaults>
</compile_context>

<pallas_src>
import functools

import jax
import jax.numpy as jnp
from jax import lax
from jax.experimental import pallas as pl
from jax.experimental.pallas import tpu as pltpu
from jax.experimental.pallas import tpu_sc as plsc

_VOCAB = 100000
_D = 64
_B = 4096
_H = 200
_C = 5
_DP = 16

_NC = 2
_NS = 16
_NW = _NC * _NS
_BPW = _B // _NW

_VBLK = 4096
_NSLOT = 4


def _proj_body(tt_ref, w_ref, o_ref):
    prod = lax.dot_general(tt_ref[...], w_ref[...],
                           dimension_numbers=(((0,), (0,)), ((), ())),
                           preferred_element_type=jnp.float32)
    o_ref[:, : _C] = prod


def _project(table_t, w):
    return pl.pallas_call(
        _proj_body,
        grid=(-(-_VOCAB // _VBLK),),
        in_specs=[
            pl.BlockSpec((_D, _VBLK), lambda i: (0, i)),
            pl.BlockSpec((_D, _C), lambda i: (0, 0)),
        ],
        out_specs=pl.BlockSpec((_VBLK, 128), lambda i: (i, 0)),
        out_shape=jax.ShapeDtypeStruct((_VOCAB, 128), jnp.float32),
    )(table_t, w)


_NSLOT2 = 8


def _make_pool():
    mesh = plsc.VectorSubcoreMesh(core_axis_name="c", subcore_axis_name="s")

    @functools.partial(
        pl.kernel,
        mesh=mesh,
        out_type=jax.ShapeDtypeStruct((_B, _DP), jnp.float32),
        scratch_types=[
            pltpu.VMEM((3, 8, _BPW), jnp.int32),
            pltpu.VMEM((_NSLOT2, _BPW, _DP), jnp.float32),
            pltpu.VMEM((_BPW, _DP), jnp.float32),
            pltpu.VMEM((_DP,), jnp.float32),
            pltpu.VMEM_SHARED((_VOCAB, _DP), jnp.float32),
            [pltpu.SemaphoreType.DMA] * _NSLOT2,
            pltpu.SemaphoreType.DMA,
            pltpu.SemaphoreType.DMA,
        ],
        compiler_params=pltpu.CompilerParams(use_tc_tiling_on_sc=False),
    )
    def pool(x4_hbm, tw_hbm, bias_hbm, out_hbm, idx_v, rows_v, acc_v, bias_v,
             dense_s, sems, isem, dsem):
        ngrp = _H // _NSLOT2
        wid = lax.axis_index("s") * _NC + lax.axis_index("c")
        base = wid * _BPW
        pltpu.sync_copy(x4_hbm.at[0, wid], idx_v.at[0])
        pltpu.async_copy(x4_hbm.at[1, wid], idx_v.at[1], isem)
        pltpu.sync_copy(bias_hbm, bias_v)
        bias = bias_v[...]
        for b in range(_BPW):
            acc_v[b] = bias

        sid = lax.axis_index("s")
        vps = _VOCAB // _NS
        nchunk = 10
        cl = vps // nchunk
        for k in range(nchunk):
            pltpu.async_copy(
                tw_hbm.at[pl.ds(sid * vps + k * cl, cl), pl.ds(0, _DP)],
                dense_s.at[pl.ds(sid * vps + k * cl, cl)], dsem)
        for k in range(nchunk):
            pltpu.make_async_copy(
                tw_hbm.at[pl.ds(0, cl), pl.ds(0, _DP)],
                dense_s.at[pl.ds(0, cl)], dsem).wait()
        plsc.subcore_barrier()

        def issue(islot, row, s):
            pltpu.async_copy(dense_s.at[idx_v.at[islot, row]],
                             rows_v.at[s], sems[s])

        def drain(s):
            pltpu.make_async_copy(dense_s.at[idx_v.at[0, 0]],
                                  rows_v.at[s], sems[s]).wait()

        for s in range(_NSLOT2):
            issue(0, s, s)

        def group(g, carry):
            @pl.when(g < ngrp - 1)
            def _():
                pltpu.make_async_copy(x4_hbm.at[0, wid], idx_v.at[0],
                                      isem).wait()

            @pl.when(g + 2 < ngrp)
            def _():
                pltpu.async_copy(x4_hbm.at[g + 2, wid],
                                 idx_v.at[lax.rem(g + 2, 3)], isem)

            nslot = lax.rem(g + 1, 3)
            for phase in range(2):
                j0 = _NSLOT2 * g + 4 * phase
                slots = range(4 * phase, 4 * phase + 4)
                for s in slots:
                    drain(s)

                def accum(c, carry, phase=phase):
                    for t in range(16):
                        b = 16 * c + t
                        acc_v[b] = (acc_v[b]
                                    + (rows_v[4 * phase, b]
                                       + rows_v[4 * phase + 1, b])
                                    + (rows_v[4 * phase + 2, b]
                                       + rows_v[4 * phase + 3, b]))
                    return carry

                lax.fori_loop(0, _BPW // 16, accum, 0)

                @pl.when(j0 + _NSLOT2 < _H)
                def _():
                    for s in slots:
                        issue(nslot, s, s)
            return carry

        lax.fori_loop(0, ngrp, group, 0)
        pltpu.sync_copy(acc_v, out_hbm.at[pl.ds(base, _BPW)])

    return pool


_pool_call = _make_pool()


def kernel(x, table, W, b):
    x = x.astype(jnp.int32)
    bp = jnp.pad(b, (0, _DP - _C))
    tw = _project(table.T, W)
    x4 = x.T.reshape(_H // 8, 8, _B // _BPW, _BPW).transpose(0, 2, 1, 3)
    out16 = _pool_call(x4, tw, bp)
    return out16[:, :_C]

# --- scband reference (transcript-rebuilt; emitter-appended) ---
"""Pipeline reference for scband-bag-of-words-model-953482740168 (READ-ONLY COPY).

The authoritative reference and input builder live on the scoring server;
editing this copy changes nothing except your own understanding.
"""

import jax, jax.numpy as jnp
import numpy as np

VOCAB = 100000
EMBED_DIM = 64
BATCH = 4096
HIST = 200
NUM_CLASSES = 5

def setup_inputs(seed: int = 0) -> dict:
    key = jax.random.key(seed)
    k1, k2, k3, k4 = jax.random.split(key, 4)
    x = jax.random.randint(k1, (BATCH, HIST), 0, VOCAB, dtype=jnp.int64 if jax.config.jax_enable_x64 else jnp.int32)
    table = jax.random.normal(k2, (VOCAB, EMBED_DIM), dtype=jnp.float32)
    # Linear(embed_dim, 5): torch default init ~ U(-1/sqrt(fan_in), 1/sqrt(fan_in))
    bound = 1.0 / np.sqrt(EMBED_DIM)
    W = jax.random.uniform(k3, (EMBED_DIM, NUM_CLASSES), minval=-bound, maxval=bound, dtype=jnp.float32)
    b = jax.random.uniform(k4, (NUM_CLASSES,), minval=-bound, maxval=bound, dtype=jnp.float32)
    return {"x": x, "table": table, "W": W, "b": b}

def reference(x, table, W, b):
    # self.embed(x) -> gather rows from table: [B, L, D]
    emb = jnp.take(table, x, axis=0)
    # .sum(1) -> [B, D]
    pooled = emb.sum(axis=1)
    # self.classify -> [B, 5]
    return pooled @ W + b

if __name__ == "__main__":
    import jax
    _d = setup_inputs()
    print(jax.jit(kernel)(*tuple(_d.values())))

</pallas_src>

<mosaic_0001>
#map = affine_map<(d0, d1) -> (0, 0, 0, 0)>
#map1 = affine_map<(d0, d1) -> (0, 0)>
#map2 = affine_map<(d0, d1) -> (0)>
module attributes {stable_mosaic.version = 14 : i64} {
  func.func @pool(%arg0: i32, %arg1: i32, %arg2: memref<25x32x8x128xi32, #tpu.memory_space<hbm>>, %arg3: memref<100000x128xf32, #tpu.memory_space<hbm>>, %arg4: memref<16xf32, #tpu.memory_space<hbm>>, %arg5: memref<4096x16xf32, #tpu.memory_space<hbm>>, %arg6: memref<3x8x128xi32, #tpu.memory_space<vmem>>, %arg7: memref<8x128x16xf32, #tpu.memory_space<vmem>>, %arg8: memref<128x16xf32, #tpu.memory_space<vmem>>, %arg9: memref<16xf32, #tpu.memory_space<vmem>>, %arg10: memref<100000x16xf32, #tpu.memory_space<vmem_shared>>, %arg11: memref<!tpu.dma_semaphore, #tpu.memory_space<semaphore_mem>>, %arg12: memref<!tpu.dma_semaphore, #tpu.memory_space<semaphore_mem>>, %arg13: memref<!tpu.dma_semaphore, #tpu.memory_space<semaphore_mem>>, %arg14: memref<!tpu.dma_semaphore, #tpu.memory_space<semaphore_mem>>, %arg15: memref<!tpu.dma_semaphore, #tpu.memory_space<semaphore_mem>>, %arg16: memref<!tpu.dma_semaphore, #tpu.memory_space<semaphore_mem>>, %arg17: memref<!tpu.dma_semaphore, #tpu.memory_space<semaphore_mem>>, %arg18: memref<!tpu.dma_semaphore, #tpu.memory_space<semaphore_mem>>, %arg19: memref<!tpu.dma_semaphore, #tpu.memory_space<semaphore_mem>>, %arg20: memref<!tpu.dma_semaphore, #tpu.memory_space<semaphore_mem>>) attributes {dimension_semantics = [#tpu.dimension_semantics<core_parallel>, #tpu.dimension_semantics<subcore_parallel>], iteration_bounds = array<i64: 2, 16>, scalar_prefetch = 0 : i64, scratch_operands = 15 : i64, tpu.core_type = #tpu.core_type<sc_vector_subcore>, window_params = [{transform_indices = #map}, {transform_indices = #map1}, {transform_indices = #map2}, {transform_indices = #map1}]} {
    %mul3A = arith.constant 2 : i32
    %mul3A_0 = arith.muli %arg1, %mul3A : i32
    %add3A = arith.addi %mul3A_0, %arg0 : i32
    %mul3A_1 = arith.constant 128 : i32
    %mul3A_2 = arith.muli %add3A, %mul3A_1 : i32
    %run_scoped3A = arith.constant 0 : i32
    %run_scoped3A_3 = arith.constant 0 : i32
    "tpu.region"() ({
      %run_scoped3A_1078 = tpu.sem_alloc : memref<!tpu.dma_semaphore, #tpu.memory_space<semaphore_mem>>
      %dma_start3A_1079 = arith.constant 0 : i32
      %dma_start3A_1080 = arith.constant 0 : i32
      %dma_start3A_1081 = tpu.memref_slice %arg6[%run_scoped3A_3, %dma_start3A_1079, %dma_start3A_1080] : memref<3x8x128xi32, #tpu.memory_space<vmem>> -> memref<1x8x128xi32, #tpu.memory_space<vmem>>
      %dma_start3A_1082 = tpu.memref_squeeze %dma_start3A_1081 : memref<1x8x128xi32, #tpu.memory_space<vmem>> -> memref<8x128xi32, #tpu.memory_space<vmem>>
      %dma_start3A_1083 = arith.constant 0 : i32
      %dma_start3A_1084 = arith.constant 0 : i32
      %dma_start3A_1085 = tpu.memref_slice %arg2[%run_scoped3A, %add3A, %dma_start3A_1083, %dma_start3A_1084] : memref<25x32x8x128xi32, #tpu.memory_space<hbm>> -> memref<1x1x8x128xi32, #tpu.memory_space<hbm>>
      %dma_start3A_1086 = tpu.memref_squeeze %dma_start3A_1085 : memref<1x1x8x128xi32, #tpu.memory_space<hbm>> -> memref<8x128xi32, #tpu.memory_space<hbm>>
      %dma_start3A_1087 = arith.constant 0 : i32
      %dma_start3A_1088 = arith.constant 0 : i32
      %dma_start3A_1089 = tpu.memref_slice %arg6[%run_scoped3A_3, %dma_start3A_1087, %dma_start3A_1088] : memref<3x8x128xi32, #tpu.memory_space<vmem>> -> memref<1x8x128xi32, #tpu.memory_space<vmem>>
      %dma_start3A_1090 = tpu.memref_squeeze %dma_start3A_1089 : memref<1x8x128xi32, #tpu.memory_space<vmem>> -> memref<8x128xi32, #tpu.memory_space<vmem>>
      %dma_start3A_1091 = arith.constant 0 : i32
      %dma_start3A_1092 = arith.constant 0 : i32
      %dma_start3A_1093 = tpu.memref_slice %arg2[%run_scoped3A, %add3A, %dma_start3A_1091, %dma_start3A_1092] : memref<25x32x8x128xi32, #tpu.memory_space<hbm>> -> memref<1x1x8x128xi32, #tpu.memory_space<hbm>>
      %dma_start3A_1094 = tpu.memref_squeeze %dma_start3A_1093 : memref<1x1x8x128xi32, #tpu.memory_space<hbm>> -> memref<8x128xi32, #tpu.memory_space<hbm>>
      tpu.enqueue_dma source(%dma_start3A_1094 : memref<8x128xi32, #tpu.memory_space<hbm>>) target(%dma_start3A_1090 : memref<8x128xi32, #tpu.memory_space<vmem>>) target_semaphore(%run_scoped3A_1078 : memref<!tpu.dma_semaphore, #tpu.memory_space<semaphore_mem>>)
      %dma_wait3A_1095 = arith.constant 0 : i32
      %dma_wait3A_1096 = arith.constant 0 : i32
      %dma_wait3A_1097 = tpu.memref_slice %arg6[%run_scoped3A_3, %dma_wait3A_1095, %dma_wait3A_1096] : memref<3x8x128xi32, #tpu.memory_space<vmem>> -> memref<1x8x128xi32, #tpu.memory_space<vmem>>
      %dma_wait3A_1098 = tpu.memref_squeeze %dma_wait3A_1097 : memref<1x8x128xi32, #tpu.memory_space<vmem>> -> memref<8x128xi32, #tpu.memory_space<vmem>>
      %dma_wait3A_1099 = arith.constant 0 : i32
      %dma_wait3A_1100 = arith.constant 0 : i32
      %dma_wait3A_1101 = tpu.memref_slice %arg2[%run_scoped3A, %add3A, %dma_wait3A_1099, %dma_wait3A_1100] : memref<25x32x8x128xi32, #tpu.memory_space<hbm>> -> memref<1x1x8x128xi32, #tpu.memory_space<hbm>>
      %dma_wait3A_1102 = tpu.memref_squeeze %dma_wait3A_1101 : memref<1x1x8x128xi32, #tpu.memory_space<hbm>> -> memref<8x128xi32, #tpu.memory_space<hbm>>
      %dma_wait3A_1103 = arith.constant 0 : i32
      %dma_wait3A_1104 = arith.constant 0 : i32
      %dma_wait3A_1105 = tpu.memref_slice %arg6[%run_scoped3A_3, %dma_wait3A_1103, %dma_wait3A_1104] : memref<3x8x128xi32, #tpu.memory_space<vmem>> -> memref<1x8x128xi32, #tpu.memory_space<vmem>>
      %dma_wait3A_1106 = tpu.memref_squeeze %dma_wait3A_1105 : memref<1x8x128xi32, #tpu.memory_space<vmem>> -> memref<8x128xi32, #tpu.memory_space<vmem>>
      %dma_wait3A_1107 = arith.constant 0 : i32
      %dma_wait3A_1108 = arith.constant 0 : i32
      %dma_wait3A_1109 = tpu.memref_slice %arg2[%run_scoped3A, %add3A, %dma_wait3A_1107, %dma_wait3A_1108] : memref<25x32x8x128xi32, #tpu.memory_space<hbm>> -> memref<1x1x8x128xi32, #tpu.memory_space<hbm>>
      %dma_wait3A_1110 = tpu.memref_squeeze %dma_wait3A_1109 : memref<1x1x8x128xi32, #tpu.memory_space<hbm>> -> memref<8x128xi32, #tpu.memory_space<hbm>>
      tpu.wait_dma2 semaphore(%run_scoped3A_1078 : memref<!tpu.dma_semaphore, #tpu.memory_space<semaphore_mem>>) src(%dma_wait3A_1110 : memref<8x128xi32, #tpu.memory_space<hbm>>) dst(%dma_wait3A_1106 : memref<8x128xi32, #tpu.memory_space<vmem>>)
      tpu.yield
    }) : () -> ()
    %dma_start3A = arith.constant 1 : i32
    %dma_start3A_4 = arith.constant 1 : i32
    %dma_start3A_5 = arith.constant 0 : i32
    %dma_start3A_6 = arith.constant 0 : i32
    %dma_start3A_7 = tpu.memref_slice %arg6[%dma_start3A_4, %dma_start3A_5, %dma_start3A_6] : memref<3x8x128xi32, #tpu.memory_space<vmem>> -> memref<1x8x128xi32, #tpu.memory_space<vmem>>
    %dma_start3A_8 = tpu.memref_squeeze %dma_start3A_7 : memref<1x8x128xi32, #tpu.memory_space<vmem>> -> memref<8x128xi32, #tpu.memory_space<vmem>>
    %dma_start3A_9 = arith.constant 0 : i32
    %dma_start3A_10 = arith.constant 0 : i32
    %dma_start3A_11 = tpu.memref_slice %arg2[%dma_start3A, %add3A, %dma_start3A_9, %dma_start3A_10] : memref<25x32x8x128xi32, #tpu.memory_space<hbm>> -> memref<1x1x8x128xi32, #tpu.memory_space<hbm>>
    %dma_start3A_12 = tpu.memref_squeeze %dma_start3A_11 : memref<1x1x8x128xi32, #tpu.memory_space<hbm>> -> memref<8x128xi32, #tpu.memory_space<hbm>>
    %dma_start3A_13 = arith.constant 0 : i32
    %dma_start3A_14 = arith.constant 0 : i32
    %dma_start3A_15 = tpu.memref_slice %arg6[%dma_start3A_4, %dma_start3A_13, %dma_start3A_14] : memref<3x8x128xi32, #tpu.memory_space<vmem>> -> memref<1x8x128xi32, #tpu.memory_space<vmem>>
    %dma_start3A_16 = tpu.memref_squeeze %dma_start3A_15 : memref<1x8x128xi32, #tpu.memory_space<vmem>> -> memref<8x128xi32, #tpu.memory_space<vmem>>
    %dma_start3A_17 = arith.constant 0 : i32
    %dma_start3A_18 = arith.constant 0 : i32
    %dma_start3A_19 = tpu.memref_slice %arg2[%dma_start3A, %add3A, %dma_start3A_17, %dma_start3A_18] : memref<25x32x8x128xi32, #tpu.memory_space<hbm>> -> memref<1x1x8x128xi32, #tpu.memory_space<hbm>>
    %dma_start3A_20 = tpu.memref_squeeze %dma_start3A_19 : memref<1x1x8x128xi32, #tpu.memory_space<hbm>> -> memref<8x128xi32, #tpu.memory_space<hbm>>
    tpu.enqueue_dma source(%dma_start3A_20 : memref<8x128xi32, #tpu.memory_space<hbm>>) target(%dma_start3A_16 : memref<8x128xi32, #tpu.memory_space<vmem>>) target_semaphore(%arg19 : memref<!tpu.dma_semaphore, #tpu.memory_space<semaphore_mem>>)
    "tpu.region"() ({
      %run_scoped3A_1078 = tpu.sem_alloc : memref<!tpu.dma_semaphore, #tpu.memory_space<semaphore_mem>>
      tpu.enqueue_dma source(%arg4 : memref<16xf32, #tpu.memory_space<hbm>>) target(%arg9 : memref<16xf32, #tpu.memory_space<vmem>>) target_semaphore(%run_scoped3A_1078 : memref<!tpu.dma_semaphore, #tpu.memory_space<semaphore_mem>>)
      tpu.wait_dma2 semaphore(%run_scoped3A_1078 : memref<!tpu.dma_semaphore, #tpu.memory_space<semaphore_mem>>) src(%arg4 : memref<16xf32, #tpu.memory_space<hbm>>) dst(%arg9 : memref<16xf32, #tpu.memory_space<vmem>>)
      tpu.yield
    }) : () -> ()
    %get3A = arith.constant 0 : index
    %get3A_21 = tpu.vector_load %arg9[%get3A] {strides = array<i32>} : memref<16xf32, #tpu.memory_space<vmem>>, vector<16xf32>,
    %get3A_22 = vector.shape_cast %get3A_21 : vector<16xf32> to vector<16xf32>
    %swap3A = arith.constant 0 : i32
    %swap3A_23 = arith.index_cast %swap3A : i32 to index
    %swap3A_24 = arith.constant 0 : index
    %swap3A_25 = tpu.vector_load %arg8[%swap3A_23, %swap3A_24] {strides = array<i32>} : memref<128x16xf32, #tpu.memory_space<vmem>>, vector<1x16xf32>,
    %swap3A_26 = vector.shape_cast %swap3A_25 : vector<1x16xf32> to vector<16xf32>
    %swap3A_27 = vector.shape_cast %get3A_22 : vector<16xf32> to vector<1x16xf32>
    tpu.vector_store %arg8[%swap3A_23, %swap3A_24], %swap3A_27 {strides = array<i32>} : memref<128x16xf32, #tpu.memory_space<vmem>>, vector<1x16xf32>,
    %swap3A_28 = arith.constant 1 : i32
    %swap3A_29 = arith.index_cast %swap3A_28 : i32 to index
    %swap3A_30 = arith.constant 0 : index
    %swap3A_31 = tpu.vector_load %arg8[%swap3A_29, %swap3A_30] {strides = array<i32>} : memref<128x16xf32, #tpu.memory_space<vmem>>, vector<1x16xf32>,
    %swap3A_32 = vector.shape_cast %swap3A_31 : vector<1x16xf32> to vector<16xf32>
    %swap3A_33 = vector.shape_cast %get3A_22 : vector<16xf32> to vector<1x16xf32>
    tpu.vector_store %arg8[%swap3A_29, %swap3A_30], %swap3A_33 {strides = array<i32>} : memref<128x16xf32, #tpu.memory_space<vmem>>, vector<1x16xf32>,
    %swap3A_34 = arith.constant 2 : i32
    %swap3A_35 = arith.index_cast %swap3A_34 : i32 to index
    %swap3A_36 = arith.constant 0 : index
    %swap3A_37 = tpu.vector_load %arg8[%swap3A_35, %swap3A_36] {strides = array<i32>} : memref<128x16xf32, #tpu.memory_space<vmem>>, vector<1x16xf32>,
    %swap3A_38 = vector.shape_cast %swap3A_37 : vector<1x16xf32> to vector<16xf32>
    %swap3A_39 = vector.shape_cast %get3A_22 : vector<16xf32> to vector<1x16xf32>
    tpu.vector_store %arg8[%swap3A_35, %swap3A_36], %swap3A_39 {strides = array<i32>} : memref<128x16xf32, #tpu.memory_space<vmem>>, vector<1x16xf32>,
    %swap3A_40 = arith.constant 3 : i32
    %swap3A_41 = arith.index_cast %swap3A_40 : i32 to index
    %swap3A_42 = arith.constant 0 : index
    %swap3A_43 = tpu.vector_load %arg8[%swap3A_41, %swap3A_42] {strides = array<i32>} : memref<128x16xf32, #tpu.memory_space<vmem>>, vector<1x16xf32>,
    %swap3A_44 = vector.shape_cast %swap3A_43 : vector<1x16xf32> to vector<16xf32>
    %swap3A_45 = vector.shape_cast %get3A_22 : vector<16xf32> to vector<1x16xf32>
    tpu.vector_store %arg8[%swap3A_41, %swap3A_42], %swap3A_45 {strides = array<i32>} : memref<128x16xf32, #tpu.memory_space<vmem>>, vector<1x16xf32>,
    %swap3A_46 = arith.constant 4 : i32
    %swap3A_47 = arith.index_cast %swap3A_46 : i32 to index
    %swap3A_48 = arith.constant 0 : index
    %swap3A_49 = tpu.vector_load %arg8[%swap3A_47, %swap3A_48] {strides = array<i32>} : memref<128x16xf32, #tpu.memory_space<vmem>>, vector<1x16xf32>,
    %swap3A_50 = vector.shape_cast %swap3A_49 : vector<1x16xf32> to vector<16xf32>
    %swap3A_51 = vector.shape_cast %get3A_22 : vector<16xf32> to vector<1x16xf32>
    tpu.vector_store %arg8[%swap3A_47, %swap3A_48], %swap3A_51 {strides = array<i32>} : memref<128x16xf32, #tpu.memory_space<vmem>>, vector<1x16xf32>,
    %swap3A_52 = arith.constant 5 : i32
    %swap3A_53 = arith.index_cast %swap3A_52 : i32 to index
    %swap3A_54 = arith.constant 0 : index
    %swap3A_55 = tpu.vector_load %arg8[%swap3A_53, %swap3A_54] {strides = array<i32>} : memref<128x16xf32, #tpu.memory_space<vmem>>, vector<1x16xf32>,
    %swap3A_56 = vector.shape_cast %swap3A_55 : vector<1x16xf32> to vector<16xf32>
    %swap3A_57 = vector.shape_cast %get3A_22 : vector<16xf32> to vector<1x16xf32>
    tpu.vector_store %arg8[%swap3A_53, %swap3A_54], %swap3A_57 {strides = array<i32>} : memref<128x16xf32, #tpu.memory_space<vmem>>, vector<1x16xf32>,
    %swap3A_58 = arith.constant 6 : i32
    %swap3A_59 = arith.index_cast %swap3A_58 : i32 to index
    %swap3A_60 = arith.constant 0 : index
    %swap3A_61 = tpu.vector_load %arg8[%swap3A_59, %swap3A_60] {strides = array<i32>} : memref<128x16xf32, #tpu.memory_space<vmem>>, vector<1x16xf32>,
    %swap3A_62 = vector.shape_cast %swap3A_61 : vector<1x16xf32> to vector<16xf32>
    %swap3A_63 = vector.shape_cast %get3A_22 : vector<16xf32> to vector<1x16xf32>
    tpu.vector_store %arg8[%swap3A_59, %swap3A_60], %swap3A_63 {strides = array<i32>} : memref<128x16xf32, #tpu.memory_space<vmem>>, vector<1x16xf32>,
    %swap3A_64 = arith.constant 7 : i32
    %swap3A_65 = arith.index_cast %swap3A_64 : i32 to index
    %swap3A_66 = arith.constant 0 : index
    %swap3A_67 = tpu.vector_load %arg8[%swap3A_65, %swap3A_66] {strides = array<i32>} : memref<128x16xf32, #tpu.memory_space<vmem>>, vector<1x16xf32>,
    %swap3A_68 = vector.shape_cast %swap3A_67 : vector<1x16xf32> to vector<16xf32>
    %swap3A_69 = vector.shape_cast %get3A_22 : vector<16xf32> to vector<1x16xf32>
    tpu.vector_store %arg8[%swap3A_65, %swap3A_66], %swap3A_69 {strides = array<i32>} : memref<128x16xf32, #tpu.memory_space<vmem>>, vector<1x16xf32>,
    %swap3A_70 = arith.constant 8 : i32
    %swap3A_71 = arith.index_cast %swap3A_70 : i32 to index
    %swap3A_72 = arith.constant 0 : index
    %swap3A_73 = tpu.vector_load %arg8[%swap3A_71, %swap3A_72] {strides = array<i32>} : memref<128x16xf32, #tpu.memory_space<vmem>>, vector<1x16xf32>,
    %swap3A_74 = vector.shape_cast %swap3A_73 : vector<1x16xf32> to vector<16xf32>
    %swap3A_75 = vector.shape_cast %get3A_22 : vector<16xf32> to vector<1x16xf32>
    tpu.vector_store %arg8[%swap3A_71, %swap3A_72], %swap3A_75 {strides = array<i32>} : memref<128x16xf32, #tpu.memory_space<vmem>>, vector<1x16xf32>,
    %swap3A_76 = arith.constant 9 : i32
    %swap3A_77 = arith.index_cast %swap3A_76 : i32 to index
    %swap3A_78 = arith.constant 0 : index
    %swap3A_79 = tpu.vector_load %arg8[%swap3A_77, %swap3A_78] {strides = array<i32>} : memref<128x16xf32, #tpu.memory_space<vmem>>, vector<1x16xf32>,
    %swap3A_80 = vector.shape_cast %swap3A_79 : vector<1x16xf32> to vector<16xf32>
    %swap3A_81 = vector.shape_cast %get3A_22 : vector<16xf32> to vector<1x16xf32>
    tpu.vector_store %arg8[%swap3A_77, %swap3A_78], %swap3A_81 {strides = array<i32>} : memref<128x16xf32, #tpu.memory_space<vmem>>, vector<1x16xf32>,
    %swap3A_82 = arith.constant 10 : i32
    %swap3A_83 = arith.index_cast %swap3A_82 : i32 to index
    %swap3A_84 = arith.constant 0 : index
    %swap3A_85 = tpu.vector_load %arg8[%swap3A_83, %swap3A_84] {strides = array<i32>} : memref<128x16xf32, #tpu.memory_space<vmem>>, vector<1x16xf32>,
    %swap3A_86 = vector.shape_cast %swap3A_85 : vector<1x16xf32> to vector<16xf32>
    %swap3A_87 = vector.shape_cast %get3A_22 : vector<16xf32> to vector<1x16xf32>
    tpu.vector_store %arg8[%swap3A_83, %swap3A_84], %swap3A_87 {strides = array<i32>} : memref<128x16xf32, #tpu.memory_space<vmem>>, vector<1x16xf32>,
    %swap3A_88 = arith.constant 11 : i32
    %swap3A_89 = arith.index_cast %swap3A_88 : i32 to index
    %swap3A_90 = arith.constant 0 : index
    %swap3A_91 = tpu.vector_load %arg8[%swap3A_89, %swap3A_90] {strides = array<i32>} : memref<128x16xf32, #tpu.memory_space<vmem>>, vector<1x16xf32>,
    %swap3A_92 = vector.shape_cast %swap3A_91 : vector<1x16xf32> to vector<16xf32>
    %swap3A_93 = vector.shape_cast %get3A_22 : vector<16xf32> to vector<1x16xf32>
    tpu.vector_store %arg8[%swap3A_89, %swap3A_90], %swap3A_93 {strides = array<i32>} : memref<128x16xf32, #tpu.memory_space<vmem>>, vector<1x16xf32>,
    %swap3A_94 = arith.constant 12 : i32
    %swap3A_95 = arith.index_cast %swap3A_94 : i32 to index
    %swap3A_96 = arith.constant 0 : index
    %swap3A_97 = tpu.vector_load %arg8[%swap3A_95, %swap3A_96] {strides = array<i32>} : memref<128x16xf32, #tpu.memory_space<vmem>>, vector<1x16xf32>,
    %swap3A_98 = vector.shape_cast %swap3A_97 : vector<1x16xf32> to vector<16xf32>
    %swap3A_99 = vector.shape_cast %get3A_22 : vector<16xf32> to vector<1x16xf32>
    tpu.vector_store %arg8[%swap3A_95, %swap3A_96], %swap3A_99 {strides = array<i32>} : memref<128x16xf32, #tpu.memory_space<vmem>>, vector<1x16xf32>,
    %swap3A_100 = arith.constant 13 : i32
    %swap3A_101 = arith.index_cast %swap3A_100 : i32 to index
    %swap3A_102 = arith.constant 0 : index
    %swap3A_103 = tpu.vector_load %arg8[%swap3A_101, %swap3A_102] {strides = array<i32>} : memref<128x16xf32, #tpu.memory_space<vmem>>, vector<1x16xf32>,
    %swap3A_104 = vector.shape_cast %swap3A_103 : vector<1x16xf32> to vector<16xf32>
    %swap3A_105 = vector.shape_cast %get3A_22 : vector<16xf32> to vector<1x16xf32>
    tpu.vector_store %arg8[%swap3A_101, %swap3A_102], %swap3A_105 {strides = array<i32>} : memref<128x16xf32, #tpu.memory_space<vmem>>, vector<1x16xf32>,
    %swap3A_106 = arith.constant 14 : i32
    %swap3A_107 = arith.index_cast %swap3A_106 : i32 to index
    %swap3A_108 = arith.constant 0 : index
    %swap3A_109 = tpu.vector_load %arg8[%swap3A_107, %swap3A_108] {strides = array<i32>} : memref<128x16xf32, #tpu.memory_space<vmem>>, vector<1x16xf32>,
    %swap3A_110 = vector.shape_cast %swap3A_109 : vector<1x16xf32> to vector<16xf32>
    %swap3A_111 = vector.shape_cast %get3A_22 : vector<16xf32> to vector<1x16xf32>
    tpu.vector_store %arg8[%swap3A_107, %swap3A_108], %swap3A_111 {strides = array<i32>} : memref<128x16xf32, #tpu.memory_space<vmem>>, vector<1x16xf32>,
    %swap3A_112 = arith.constant 15 : i32
    %swap3A_113 = arith.index_cast %swap3A_112 : i32 to index
    %swap3A_114 = arith.constant 0 : index
    %swap3A_115 = tpu.vector_load %arg8[%swap3A_113, %swap3A_114] {strides = array<i32>} : memref<128x16xf32, #tpu.memory_space<vmem>>, vector<1x16xf32>,
    %swap3A_116 = vector.shape_cast %swap3A_115 : vector<1x16xf32> to vector<16xf32>
    %swap3A_117 = vector.shape_cast %get3A_22 : vector<16xf32> to vector<1x16xf32>
    tpu.vector_store %arg8[%swap3A_113, %swap3A_114], %swap3A_117 {strides = array<i32>} : memref<128x16xf32, #tpu.memory_space<vmem>>, vector<1x16xf32>,
    %swap3A_118 = arith.constant 16 : i32
    %swap3A_119 = arith.index_cast %swap3A_118 : i32 to index
    %swap3A_120 = arith.constant 0 : index
    %swap3A_121 = tpu.vector_load %arg8[%swap3A_119, %swap3A_120] {strides = array<i32>} : memref<128x16xf32, #tpu.memory_space<vmem>>, vector<1x16xf32>,
    %swap3A_122 = vector.shape_cast %swap3A_121 : vector<1x16xf32> to vector<16xf32>
    %swap3A_123 = vector.shape_cast %get3A_22 : vector<16xf32> to vector<1x16xf32>
    tpu.vector_store %arg8[%swap3A_119, %swap3A_120], %swap3A_123 {strides = array<i32>} : memref<128x16xf32, #tpu.memory_space<vmem>>, vector<1x16xf32>,
    %swap3A_124 = arith.constant 17 : i32
    %swap3A_125 = arith.index_cast %swap3A_124 : i32 to index
    %swap3A_126 = arith.constant 0 : index
    %swap3A_127 = tpu.vector_load %arg8[%swap3A_125, %swap3A_126] {strides = array<i32>} : memref<128x16xf32, #tpu.memory_space<vmem>>, vector<1x16xf32>,
    %swap3A_128 = vector.shape_cast %swap3A_127 : vector<1x16xf32> to vector<16xf32>
    %swap3A_129 = vector.shape_cast %get3A_22 : vector<16xf32> to vector<1x16xf32>
    tpu.vector_store %arg8[%swap3A_125, %swap3A_126], %swap3A_129 {strides = array<i32>} : memref<128x16xf32, #tpu.memory_space<vmem>>, vector<1x16xf32>,
    %swap3A_130 = arith.constant 18 : i32
    %swap3A_131 = arith.index_cast %swap3A_130 : i32 to index
    %swap3A_132 = arith.constant 0 : index
    %swap3A_133 = tpu.vector_load %arg8[%swap3A_131, %swap3A_132] {strides = array<i32>} : memref<128x16xf32, #tpu.memory_space<vmem>>, vector<1x16xf32>,
    %swap3A_134 = vector.shape_cast %swap3A_133 : vector<1x16xf32> to vector<16xf32>
    %swap3A_135 = vector.shape_cast %get3A_22 : vector<16xf32> to vector<1x16xf32>
    tpu.vector_store %arg8[%swap3A_131, %swap3A_132], %swap3A_135 {strides = array<i32>} : memref<128x16xf32, #tpu.memory_space<vmem>>, vector<1x16xf32>,
    %swap3A_136 = arith.constant 19 : i32
    %swap3A_137 = arith.index_cast %swap3A_136 : i32 to index
    %swap3A_138 = arith.constant 0 : index
    %swap3A_139 = tpu.vector_load %arg8[%swap3A_137, %swap3A_138] {strides = array<i32>} : memref<128x16xf32, #tpu.memory_space<vmem>>, vector<1x16xf32>,
    %swap3A_140 = vector.shape_cast %swap3A_139 : vector<1x16xf32> to vector<16xf32>
    %swap3A_141 = vector.shape_cast %get3A_22 : vector<16xf32> to vector<1x16xf32>
    tpu.vector_store %arg8[%swap3A_137, %swap3A_138], %swap3A_141 {strides = array<i32>} : memref<128x16xf32, #tpu.memory_space<vmem>>, vector<1x16xf32>,
    %swap3A_142 = arith.constant 20 : i32
    %swap3A_143 = arith.index_cast %swap3A_142 : i32 to index
    %swap3A_144 = arith.constant 0 : index
    %swap3A_145 = tpu.vector_load %arg8[%swap3A_143, %swap3A_144] {strides = array<i32>} : memref<128x16xf32, #tpu.memory_space<vmem>>, vector<1x16xf32>,
    %swap3A_146 = vector.shape_cast %swap3A_145 : vector<1x16xf32> to vector<16xf32>
    %swap3A_147 = vector.shape_cast %get3A_22 : vector<16xf32> to vector<1x16xf32>
    tpu.vector_store %arg8[%swap3A_143, %swap3A_144], %swap3A_147 {strides = array<i32>} : memref<128x16xf32, #tpu.memory_space<vmem>>, vector<1x16xf32>,
    %swap3A_148 = arith.constant 21 : i32
    %swap3A_149 = arith.index_cast %swap3A_148 : i32 to index
    %swap3A_150 = arith.constant 0 : index
    %swap3A_151 = tpu.vector_load %arg8[%swap3A_149, %swap3A_150] {strides = array<i32>} : memref<128x16xf32, #tpu.memory_space<vmem>>, vector<1x16xf32>,
    %swap3A_152 = vector.shape_cast %swap3A_151 : vector<1x16xf32> to vector<16xf32>
    %swap3A_153 = vector.shape_cast %get3A_22 : vector<16xf32> to vector<1x16xf32>
    tpu.vector_store %arg8[%swap3A_149, %swap3A_150], %swap3A_153 {strides = array<i32>} : memref<128x16xf32, #tpu.memory_space<vmem>>, vector<1x16xf32>,
    %swap3A_154 = arith.constant 22 : i32
    %swap3A_155 = arith.index_cast %swap3A_154 : i32 to index
    %swap3A_156 = arith.constant 0 : index
    %swap3A_157 = tpu.vector_load %arg8[%swap3A_155, %swap3A_156] {strides = array<i32>} : memref<128x16xf32, #tpu.memory_space<vmem>>, vector<1x16xf32>,
    %swap3A_158 = vector.shape_cast %swap3A_157 : vector<1x16xf32> to vector<16xf32>
    %swap3A_159 = vector.shape_cast %get3A_22 : vector<16xf32> to vector<1x16xf32>
    tpu.vector_store %arg8[%swap3A_155, %swap3A_156], %swap3A_159 {strides = array<i32>} : memref<128x16xf32, #tpu.memory_space<vmem>>, vector<1x16xf32>,
    %swap3A_160 = arith.constant 23 : i32
    %swap3A_161 = arith.index_cast %swap3A_160 : i32 to index
    %swap3A_162 = arith.constant 0 : index
    %swap3A_163 = tpu.vector_load %arg8[%swap3A_161, %swap3A_162] {strides = array<i32>} : memref<128x16xf32, #tpu.memory_space<vmem>>, vector<1x16xf32>,
    %swap3A_164 = vector.shape_cast %swap3A_163 : vector<1x16xf32> to vector<16xf32>
    %swap3A_165 = vector.shape_cast %get3A_22 : vector<16xf32> to vector<1x16xf32>
    tpu.vector_store %arg8[%swap3A_161, %swap3A_162], %swap3A_165 {strides = array<i32>} : memref<128x16xf32, #tpu.memory_space<vmem>>, vector<1x16xf32>,
    %swap3A_166 = arith.constant 24 : i32
    %swap3A_167 = arith.index_cast %swap3A_166 : i32 to index
    %swap3A_168 = arith.constant 0 : index
    %swap3A_169 = tpu.vector_load %arg8[%swap3A_167, %swap3A_168] {strides = array<i32>} : memref<128x16xf32, #tpu.memory_space<vmem>>, vector<1x16xf32>,
    %swap3A_170 = vector.shape_cast %swap3A_169 : vector<1x16xf32> to vector<16xf32>
    %swap3A_171 = vector.shape_cast %get3A_22 : vector<16xf32> to vector<1x16xf32>
    tpu.vector_store %arg8[%swap3A_167, %swap3A_168], %swap3A_171 {strides = array<i32>} : memref<128x16xf32, #tpu.memory_space<vmem>>, vector<1x16xf32>,
    %swap3A_172 = arith.constant 25 : i32
    %swap3A_173 = arith.index_cast %swap3A_172 : i32 to index
    %swap3A_174 = arith.constant 0 : index
    %swap3A_175 = tpu.vector_load %arg8[%swap3A_173, %swap3A_174] {strides = array<i32>} : memref<128x16xf32, #tpu.memory_space<vmem>>, vector<1x16xf32>,
    %swap3A_176 = vector.shape_cast %swap3A_175 : vector<1x16xf32> to vector<16xf32>
    %swap3A_177 = vector.shape_cast %get3A_22 : vector<16xf32> to vector<1x16xf32>
    tpu.vector_store %arg8[%swap3A_173, %swap3A_174], %swap3A_177 {strides = array<i32>} : memref<128x16xf32, #tpu.memory_space<vmem>>, vector<1x16xf32>,
    %swap3A_178 = arith.constant 26 : i32
    %swap3A_179 = arith.index_cast %swap3A_178 : i32 to index
    %swap3A_180 = arith.constant 0 : index
    %swap3A_181 = tpu.vector_load %arg8[%swap3A_179, %swap3A_180] {strides = array<i32>} : memref<128x16xf32, #tpu.memory_space<vmem>>, vector<1x16xf32>,
    %swap3A_182 = vector.shape_cast %swap3A_181 : vector<1x16xf32> to vector<16xf32>
    %swap3A_183 = vector.shape_cast %get3A_22 : vector<16xf32> to vector<1x16xf32>
    tpu.vector_store %arg8[%swap3A_179, %swap3A_180], %swap3A_183 {strides = array<i32>} : memref<128x16xf32, #tpu.memory_space<vmem>>, vector<1x16xf32>,
    %swap3A_184 = arith.constant 27 : i32
    %swap3A_185 = arith.index_cast %swap3A_184 : i32 to index
    %swap3A_186 = arith.constant 0 : index
    %swap3A_187 = tpu.vector_load %arg8[%swap3A_185, %swap3A_186] {strides = array<i32>} : memref<128x16xf32, #tpu.memory_space<vmem>>, vector<1x16xf32>,
    %swap3A_188 = vector.shape_cast %swap3A_187 : vector<1x16xf32> to vector<16xf32>
    %swap3A_189 = vector.shape_cast %get3A_22 : vector<16xf32> to vector<1x16xf32>
    tpu.vector_store %arg8[%swap3A_185, %swap3A_186], %swap3A_189 {strides = array<i32>} : memref<128x16xf32, #tpu.memory_space<vmem>>, vector<1x16xf32>,
    %swap3A_190 = arith.constant 28 : i32
    %swap3A_191 = arith.index_cast %swap3A_190 : i32 to index
    %swap3A_192 = arith.constant 0 : index
    %swap3A_193 = tpu.vector_load %arg8[%swap3A_191, %swap3A_192] {strides = array<i32>} : memref<128x16xf32, #tpu.memory_space<vmem>>, vector<1x16xf32>,
    %swap3A_194 = vector.shape_cast %swap3A_193 : vector<1x16xf32> to vector<16xf32>
    %swap3A_195 = vector.shape_cast %get3A_22 : vector<16xf32> to vector<1x16xf32>
    tpu.vector_store %arg8[%swap3A_191, %swap3A_192], %swap3A_195 {strides = array<i32>} : memref<128x16xf32, #tpu.memory_space<vmem>>, vector<1x16xf32>,
    %swap3A_196 = arith.constant 29 : i32
    %swap3A_197 = arith.index_cast %swap3A_196 : i32 to index
    %swap3A_198 = arith.constant 0 : index
    %swap3A_199 = tpu.vector_load %arg8[%swap3A_197, %swap3A_198] {strides = array<i32>} : memref<128x16xf32, #tpu.memory_space<vmem>>, vector<1x16xf32>,
    %swap3A_200 = vector.shape_cast %swap3A_199 : vector<1x16xf32> to vector<16xf32>
    %swap3A_201 = vector.shape_cast %get3A_22 : vector<16xf32> to vector<1x16xf32>
    tpu.vector_store %arg8[%swap3A_197, %swap3A_198], %swap3A_201 {strides = array<i32>} : memref<128x16xf32, #tpu.memory_space<vmem>>, vector<1x16xf32>,
    %swap3A_202 = arith.constant 30 : i32
    %swap3A_203 = arith.index_cast %swap3A_202 : i32 to index
    %swap3A_204 = arith.constant 0 : index
    %swap3A_205 = tpu.vector_load %arg8[%swap3A_203, %swap3A_204] {strides = array<i32>} : memref<128x16xf32, #tpu.memory_space<vmem>>, vector<1x16xf32>,
    %swap3A_206 = vector.shape_cast %swap3A_205 : vector<1x16xf32> to vector<16xf32>
    %swap3A_207 = vector.shape_cast %get3A_22 : vector<16xf32> to vector<1x16xf32>
    tpu.vector_store %arg8[%swap3A_203, %swap3A_204], %swap3A_207 {strides = array<i32>} : memref<128x16xf32, #tpu.memory_space<vmem>>, vector<1x16xf32>,
    %swap3A_208 = arith.constant 31 : i32
    %swap3A_209 = arith.index_cast %swap3A_208 : i32 to index
    %swap3A_210 = arith.constant 0 : index
    %swap3A_211 = tpu.vector_load %arg8[%swap3A_209, %swap3A_210] {strides = array<i32>} : memref<128x16xf32, #tpu.memory_space<vmem>>, vector<1x16xf32>,
    %swap3A_212 = vector.shape_cast %swap3A_211 : vector<1x16xf32> to vector<16xf32>
    %swap3A_213 = vector.shape_cast %get3A_22 : vector<16xf32> to vector<1x16xf32>
    tpu.vector_store %arg8[%swap3A_209, %swap3A_210], %swap3A_213 {strides = array<i32>} : memref<128x16xf32, #tpu.memory_space<vmem>>, vector<1x16xf32>,
    %swap3A_214 = arith.constant 32 : i32
    %swap3A_215 = arith.index_cast %swap3A_214 : i32 to index
    %swap3A_216 = arith.constant 0 : index
    %swap3A_217 = tpu.vector_load %arg8[%swap3A_215, %swap3A_216] {strides = array<i32>} : memref<128x16xf32, #tpu.memory_space<vmem>>, vector<1x16xf32>,
    %swap3A_218 = vector.shape_cast %swap3A_217 : vector<1x16xf32> to vector<16xf32>
    %swap3A_219 = vector.shape_cast %get3A_22 : vector<16xf32> to vector<1x16xf32>
    tpu.vector_store %arg8[%swap3A_215, %swap3A_216], %swap3A_219 {strides = array<i32>} : memref<128x16xf32, #tpu.memory_space<vmem>>, vector<1x16xf32>,
    %swap3A_220 = arith.constant 33 : i32
    %swap3A_221 = arith.index_cast %swap3A_220 : i32 to index
    %swap3A_222 = arith.constant 0 : index
    %swap3A_223 = tpu.vector_load %arg8[%swap3A_221, %swap3A_222] {strides = array<i32>} : memref<128x16xf32, #tpu.memory_space<vmem>>, vector<1x16xf32>,
    %swap3A_224 = vector.shape_cast %swap3A_223 : vector<1x16xf32> to vector<16xf32>
    %swap3A_225 = vector.shape_cast %get3A_22 : vector<16xf32> to vector<1x16xf32>
    tpu.vector_store %arg8[%swap3A_221, %swap3A_222], %swap3A_225 {strides = array<i32>} : memref<128x16xf32, #tpu.memory_space<vmem>>, vector<1x16xf32>,
    %swap3A_226 = arith.constant 34 : i32
    %swap3A_227 = arith.index_cast %swap3A_226 : i32 to index
    %swap3A_228 = arith.constant 0 : index
    %swap3A_229 = tpu.vector_load %arg8[%swap3A_227, %swap3A_228] {strides = array<i32>} : memref<128x16xf32, #tpu.memory_space<vmem>>, vector<1x16xf32>,
    %swap3A_230 = vector.shape_cast %swap3A_229 : vector<1x16xf32> to vector<16xf32>
    %swap3A_231 = vector.shape_cast %get3A_22 : vector<16xf32> to vector<1x16xf32>
    tpu.vector_store %arg8[%swap3A_227, %swap3A_228], %swap3A_231 {strides = array<i32>} : memref<128x16xf32, #tpu.memory_space<vmem>>, vector<1x16xf32>,
    %swap3A_232 = arith.constant 35 : i32
    %swap3A_233 = arith.index_cast %swap3A_232 : i32 to index
    %swap3A_234 = arith.constant 0 : index
    %swap3A_235 = tpu.vector_load %arg8[%swap3A_233, %swap3A_234] {strides = array<i32>} : memref<128x16xf32, #tpu.memory_space<vmem>>, vector<1x16xf32>,
    %swap3A_236 = vector.shape_cast %swap3A_235 : vector<1x16xf32> to vector<16xf32>
    %swap3A_237 = vector.shape_cast %get3A_22 : vector<16xf32> to vector<1x16xf32>
    tpu.vector_store %arg8[%swap3A_233, %swap3A_234], %swap3A_237 {strides = array<i32>} : memref<128x16xf32, #tpu.memory_space<vmem>>, vector<1x16xf32>,
    %swap3A_238 = arith.constant 36 : i32
    %swap3A_239 = arith.index_cast %swap3A_238 : i32 to index
    %swap3A_240 = arith.constant 0 : index
    %swap3A_241 = tpu.vector_load %arg8[%swap3A_239, %swap3A_240] {strides = array<i32>} : memref<128x16xf32, #tpu.memory_space<vmem>>, vector<1x16xf32>,
    %swap3A_242 = vector.shape_cast %swap3A_241 : vector<1x16xf32> to vector<16xf32>
    %swap3A_243 = vector.shape_cast %get3A_22 : vector<16xf32> to vector<1x16xf32>
    tpu.vector_store %arg8[%swap3A_239, %swap3A_240], %swap3A_243 {strides = array<i32>} : memref<128x16xf32, #tpu.memory_space<vmem>>, vector<1x16xf32>,
    %swap3A_244 = arith.constant 37 : i32
    %swap3A_245 = arith.index_cast %swap3A_244 : i32 to index
    %swap3A_246 = arith.constant 0 : index
    %swap3A_247 = tpu.vector_load %arg8[%swap3A_245, %swap3A_246] {strides = array<i32>} : memref<128x16xf32, #tpu.memory_space<vmem>>, vector<1x16xf32>,
    %swap3A_248 = vector.shape_cast %swap3A_247 : vector<1x16xf32> to vector<16xf32>
    %swap3A_249 = vector.shape_cast %get3A_22 : vector<16xf32> to vector<1x16xf32>
    tpu.vector_store %arg8[%swap3A_245, %swap3A_246], %swap3A_249 {strides = array<i32>} : memref<128x16xf32, #tpu.memory_space<vmem>>, vector<1x16xf32>,
    %swap3A_250 = arith.constant 38 : i32
    %swap3A_251 = arith.index_cast %swap3A_250 : i32 to index
    %swap3A_252 = arith.constant 0 : index
    %swap3A_253 = tpu.vector_load %arg8[%swap3A_251, %swap3A_252] {strides = array<i32>} : memref<128x16xf32, #tpu.memory_space<vmem>>, vector<1x16xf32>,
    %swap3A_254 = vector.shape_cast %swap3A_253 : vector<1x16xf32> to vector<16xf32>
    %swap3A_255 = vector.shape_cast %get3A_22 : vector<16xf32> to vector<1x16xf32>
    tpu.vector_store %arg8[%swap3A_251, %swap3A_252], %swap3A_255 {strides = array<i32>} : memref<128x16xf32, #tpu.memory_space<vmem>>, vector<1x16xf32>,
    %swap3A_256 = arith.constant 39 : i32
    %swap3A_257 = arith.index_cast %swap3A_256 : i32 to index
    %swap3A_258 = arith.constant 0 : index
    %swap3A_259 = tpu.vector_load %arg8[%swap3A_257, %swap3A_258] {strides = array<i32>} : memref<128x16xf32, #tpu.memory_space<vmem>>, vector<1x16xf32>,
    %swap3A_260 = vector.shape_cast %swap3A_259 : vector<1x16xf32> to vector<16xf32>
    %swap3A_261 = vector.shape_cast %get3A_22 : vector<16xf32> to vector<1x16xf32>
    tpu.vector_store %arg8[%swap3A_257, %swap3A_258], %swap3A_261 {strides = array<i32>} : memref<128x16xf32, #tpu.memory_space<vmem>>, vector<1x16xf32>,
    %swap3A_262 = arith.constant 40 : i32
    %swap3A_263 = arith.index_cast %swap3A_262 : i32 to index
    %swap3A_264 = arith.constant 0 : index
    %swap3A_265 = tpu.vector_load %arg8[%swap3A_263, %swap3A_264] {strides = array<i32>} : memref<128x16xf32, #tpu.memory_space<vmem>>, vector<1x16xf32>,
    %swap3A_266 = vector.shape_cast %swap3A_265 : vector<1x16xf32> to vector<16xf32>
    %swap3A_267 = vector.shape_cast %get3A_22 : vector<16xf32> to vector<1x16xf32>
    tpu.vector_store %arg8[%swap3A_263, %swap3A_264], %swap3A_267 {strides = array<i32>} : memref<128x16xf32, #tpu.memory_space<vmem>>, vector<1x16xf32>,
    %swap3A_268 = arith.constant 41 : i32
    %swap3A_269 = arith.index_cast %swap3A_268 : i32 to index
    %swap3A_270 = arith.constant 0 : index
    %swap3A_271 = tpu.vector_load %arg8[%swap3A_269, %swap3A_270] {strides = array<i32>} : memref<128x16xf32, #tpu.memory_space<vmem>>, vector<1x16xf32>,
    %swap3A_272 = vector.shape_cast %swap3A_271 : vector<1x16xf32> to vector<16xf32>
    %swap3A_273 = vector.shape_cast %get3A_22 : vector<16xf32> to vector<1x16xf32>
    tpu.vector_store %arg8[%swap3A_269, %swap3A_270], %swap3A_273 {strides = array<i32>} : memref<128x16xf32, #tpu.memory_space<vmem>>, vector<1x16xf32>,
    %swap3A_274 = arith.constant 42 : i32
    %swap3A_275 = arith.index_cast %swap3A_274 : i32 to index
    %swap3A_276 = arith.constant 0 : index
    %swap3A_277 = tpu.vector_load %arg8[%swap3A_275, %swap3A_276] {strides = array<i32>} : memref<128x16xf32, #tpu.memory_space<vmem>>, vector<1x16xf32>,
    %swap3A_278 = vector.shape_cast %swap3A_277 : vector<1x16xf32> to vector<16xf32>
    %swap3A_279 = vector.shape_cast %get3A_22 : vector<16xf32> to vector<1x16xf32>
    tpu.vector_store %arg8[%swap3A_275, %swap3A_276], %swap3A_279 {strides = array<i32>} : memref<128x16xf32, #tpu.memory_space<vmem>>, vector<1x16xf32>,
    %swap3A_280 = arith.constant 43 : i32
    %swap3A_281 = arith.index_cast %swap3A_280 : i32 to index
    %swap3A_282 = arith.constant 0 : index
    %swap3A_283 = tpu.vector_load %arg8[%swap3A_281, %swap3A_282] {strides = array<i32>} : memref<128x16xf32, #tpu.memory_space<vmem>>, vector<1x16xf32>,
    %swap3A_284 = vector.shape_cast %swap3A_283 : vector<1x16xf32> to vector<16xf32>
    %swap3A_285 = vector.shape_cast %get3A_22 : vector<16xf32> to vector<1x16xf32>
    tpu.vector_store %arg8[%swap3A_281, %swap3A_282], %swap3A_285 {strides = array<i32>} : memref<128x16xf32, #tpu.memory_space<vmem>>, vector<1x16xf32>,
    %swap3A_286 = arith.constant 44 : i32
    %swap3A_287 = arith.index_cast %swap3A_286 : i32 to index
    %swap3A_288 = arith.constant 0 : index
    %swap3A_289 = tpu.vector_load %arg8[%swap3A_287, %swap3A_288] {strides = array<i32>} : memref<128x16xf32, #tpu.memory_space<vmem>>, vector<1x16xf32>,
    %swap3A_290 = vector.shape_cast %swap3A_289 : vector<1x16xf32> to vector<16xf32>
    %swap3A_291 = vector.shape_cast %get3A_22 : vector<16xf32> to vector<1x16xf32>
    tpu.vector_store %arg8[%swap3A_287, %swap3A_288], %swap3A_291 {strides = array<i32>} : memref<128x16xf32, #tpu.memory_space<vmem>>, vector<1x16xf32>,
    %swap3A_292 = arith.constant 45 : i32
    %swap3A_293 = arith.index_cast %swap3A_292 : i32 to index
    %swap3A_294 = arith.constant 0 : index
    %swap3A_295 = tpu.vector_load %arg8[%swap3A_293, %swap3A_294] {strides = array<i32>} : memref<128x16xf32, #tpu.memory_space<vmem>>, vector<1x16xf32>,
    %swap3A_296 = vector.shape_cast %swap3A_295 : vector<1x16xf32> to vector<16xf32>
    %swap3A_297 = vector.shape_cast %get3A_22 : vector<16xf32> to vector<1x16xf32>
    tpu.vector_store %arg8[%swap3A_293, %swap3A_294], %swap3A_297 {strides = array<i32>} : memref<128x16xf32, #tpu.memory_space<vmem>>, vector<1x16xf32>,
    %swap3A_298 = arith.constant 46 : i32
    %swap3A_299 = arith.index_cast %swap3A_298 : i32 to index
    %swap3A_300 = arith.constant 0 : index
    %swap3A_301 = tpu.vector_load %arg8[%swap3A_299, %swap3A_300] {strides = array<i32>} : memref<128x16xf32, #tpu.memory_space<vmem>>, vector<1x16xf32>,
    %swap3A_302 = vector.shape_cast %swap3A_301 : vector<1x16xf32> to vector<16xf32>
    %swap3A_303 = vector.shape_cast %get3A_22 : vector<16xf32> to vector<1x16xf32>
    tpu.vector_store %arg8[%swap3A_299, %swap3A_300], %swap3A_303 {strides = array<i32>} : memref<128x16xf32, #tpu.memory_space<vmem>>, vector<1x16xf32>,
    %swap3A_304 = arith.constant 47 : i32
    %swap3A_305 = arith.index_cast %swap3A_304 : i32 to index
    %swap3A_306 = arith.constant 0 : index
    %swap3A_307 = tpu.vector_load %arg8[%swap3A_305, %swap3A_306] {strides = array<i32>} : memref<128x16xf32, #tpu.memory_space<vmem>>, vector<1x16xf32>,
    %swap3A_308 = vector.shape_cast %swap3A_307 : vector<1x16xf32> to vector<16xf32>
    %swap3A_309 = vector.shape_cast %get3A_22 : vector<16xf32> to vector<1x16xf32>
    tpu.vector_store %arg8[%swap3A_305, %swap3A_306], %swap3A_309 {strides = array<i32>} : memref<128x16xf32, #tpu.memory_space<vmem>>, vector<1x16xf32>,
    %swap3A_310 = arith.constant 48 : i32
    %swap3A_311 = arith.index_cast %swap3A_310 : i32 to index
    %swap3A_312 = arith.constant 0 : index
    %swap3A_313 = tpu.vector_load %arg8[%swap3A_311, %swap3A_312] {strides = array<i32>} : memref<128x16xf32, #tpu.memory_space<vmem>>, vector<1x16xf32>,
    %swap3A_314 = vector.shape_cast %swap3A_313 : vector<1x16xf32> to vector<16xf32>
    %swap3A_315 = vector.shape_cast %get3A_22 : vector<16xf32> to vector<1x16xf32>
    tpu.vector_store %arg8[%swap3A_311, %swap3A_312], %swap3A_315 {strides = array<i32>} : memref<128x16xf32, #tpu.memory_space<vmem>>, vector<1x16xf32>,
    %swap3A_316 = arith.constant 49 : i32
    %swap3A_317 = arith.index_cast %swap3A_316 : i32 to index
    %swap3A_318 = arith.constant 0 : index
    %swap3A_319 = tpu.vector_load %arg8[%swap3A_317, %swap3A_318] {strides = array<i32>} : memref<128x16xf32, #tpu.memory_space<vmem>>, vector<1x16xf32>,
    %swap3A_320 = vector.shape_cast %swap3A_319 : vector<1x16xf32> to vector<16xf32>
    %swap3A_321 = vector.shape_cast %get3A_22 : vector<16xf32> to vector<1x16xf32>
    tpu.vector_store %arg8[%swap3A_317, %swap3A_318], %swap3A_321 {strides = array<i32>} : memref<128x16xf32, #tpu.memory_space<vmem>>, vector<1x16xf32>,
    %swap3A_322 = arith.constant 50 : i32
    %swap3A_323 = arith.index_cast %swap3A_322 : i32 to index
    %swap3A_324 = arith.constant 0 : index
    %swap3A_325 = tpu.vector_load %arg8[%swap3A_323, %swap3A_324] {strides = array<i32>} : memref<128x16xf32, #tpu.memory_space<vmem>>, vector<1x16xf32>,
    %swap3A_326 = vector.shape_cast %swap3A_325 : vector<1x16xf32> to vector<16xf32>
    %swap3A_327 = vector.shape_cast %get3A_22 : vector<16xf32> to vector<1x16xf32>
    tpu.vector_store %arg8[%swap3A_323, %swap3A_324], %swap3A_327 {strides = array<i32>} : memref<128x16xf32, #tpu.memory_space<vmem>>, vector<1x16xf32>,
    %swap3A_328 = arith.constant 51 : i32
    %swap3A_329 = arith.index_cast %swap3A_328 : i32 to index
    %swap3A_330 = arith.constant 0 : index
    %swap3A_331 = tpu.vector_load %arg8[%swap3A_329, %swap3A_330] {strides = array<i32>} : memref<128x16xf32, #tpu.memory_space<vmem>>, vector<1x16xf32>,
    %swap3A_332 = vector.shape_cast %swap3A_331 : vector<1x16xf32> to vector<16xf32>
    %swap3A_333 = vector.shape_cast %get3A_22 : vector<16xf32> to vector<1x16xf32>
    tpu.vector_store %arg8[%swap3A_329, %swap3A_330], %swap3A_333 {strides = array<i32>} : memref<128x16xf32, #tpu.memory_space<vmem>>, vector<1x16xf32>,
    %swap3A_334 = arith.constant 52 : i32
    %swap3A_335 = arith.index_cast %swap3A_334 : i32 to index
    %swap3A_336 = arith.constant 0 : index
    %swap3A_337 = tpu.vector_load %arg8[%swap3A_335, %swap3A_336] {strides = array<i32>} : memref<128x16xf32, #tpu.memory_space<vmem>>, vector<1x16xf32>,
    %swap3A_338 = vector.shape_cast %swap3A_337 : vector<1x16xf32> to vector<16xf32>
    %swap3A_339 = vector.shape_cast %get3A_22 : vector<16xf32> to vector<1x16xf32>
    tpu.vector_store %arg8[%swap3A_335, %swap3A_336], %swap3A_339 {strides = array<i32>} : memref<128x16xf32, #tpu.memory_space<vmem>>, vector<1x16xf32>,
    %swap3A_340 = arith.constant 53 : i32
    %swap3A_341 = arith.index_cast %swap3A_340 : i32 to index
    %swap3A_342 = arith.constant 0 : index
    %swap3A_343 = tpu.vector_load %arg8[%swap3A_341, %swap3A_342] {strides = array<i32>} : memref<128x16xf32, #tpu.memory_space<vmem>>, vector<1x16xf32>,
    %swap3A_344 = vector.shape_cast %swap3A_343 : vector<1x16xf32> to vector<16xf32>
    %swap3A_345 = vector.shape_cast %get3A_22 : vector<16xf32> to vector<1x16xf32>
    tpu.vector_store %arg8[%swap3A_341, %swap3A_342], %swap3A_345 {strides = array<i32>} : memref<128x16xf32, #tpu.memory_space<vmem>>, vector<1x16xf32>,
    %swap3A_346 = arith.constant 54 : i32
    %swap3A_347 = arith.index_cast %swap3A_346 : i32 to index
    %swap3A_348 = arith.constant 0 : index
    %swap3A_349 = tpu.vector_load %arg8[%swap3A_347, %swap3A_348] {strides = array<i32>} : memref<128x16xf32, #tpu.memory_space<vmem>>, vector<1x16xf32>,
    %swap3A_350 = vector.shape_cast %swap3A_349 : vector<1x16xf32> to vector<16xf32>
    %swap3A_351 = vector.shape_cast %get3A_22 : vector<16xf32> to vector<1x16xf32>
    tpu.vector_store %arg8[%swap3A_347, %swap3A_348], %swap3A_351 {strides = array<i32>} : memref<128x16xf32, #tpu.memory_space<vmem>>, vector<1x16xf32>,
    %swap3A_352 = arith.constant 55 : i32
    %swap3A_353 = arith.index_cast %swap3A_352 : i32 to index
    %swap3A_354 = arith.constant 0 : index
    %swap3A_355 = tpu.vector_load %arg8[%swap3A_353, %swap3A_354] {strides = array<i32>} : memref<128x16xf32, #tpu.memory_space<vmem>>, vector<1x16xf32>,
    %swap3A_356 = vector.shape_cast %swap3A_355 : vector<1x16xf32> to vector<16xf32>
    %swap3A_357 = vector.shape_cast %get3A_22 : vector<16xf32> to vector<1x16xf32>
    tpu.vector_store %arg8[%swap3A_353, %swap3A_354], %swap3A_357 {strides = array<i32>} : memref<128x16xf32, #tpu.memory_space<vmem>>, vector<1x16xf32>,
    %swap3A_358 = arith.constant 56 : i32
    %swap3A_359 = arith.index_cast %swap3A_358 : i32 to index
    %swap3A_360 = arith.constant 0 : index
    %swap3A_361 = tpu.vector_load %arg8[%swap3A_359, %swap3A_360] {strides = array<i32>} : memref<128x16xf32, #tpu.memory_space<vmem>>, vector<1x16xf32>,
    %swap3A_362 = vector.shape_cast %swap3A_361 : vector<1x16xf32> to vector<16xf32>
    %swap3A_363 = vector.shape_cast %get3A_22 : vector<16xf32> to vector<1x16xf32>
    tpu.vector_store %arg8[%swap3A_359, %swap3A_360], %swap3A_363 {strides = array<i32>} : memref<128x16xf32, #tpu.memory_space<vmem>>, vector<1x16xf32>,
    %swap3A_364 = arith.constant 57 : i32
    %swap3A_365 = arith.index_cast %swap3A_364 : i32 to index
    %swap3A_366 = arith.constant 0 : index
    %swap3A_367 = tpu.vector_load %arg8[%swap3A_365, %swap3A_366] {strides = array<i32>} : memref<128x16xf32, #tpu.memory_space<vmem>>, vector<1x16xf32>,
    %swap3A_368 = vector.shape_cast %swap3A_367 : vector<1x16xf32> to vector<16xf32>
    %swap3A_369 = vector.shape_cast %get3A_22 : vector<16xf32> to vector<1x16xf32>
    tpu.vector_store %arg8[%swap3A_365, %swap3A_366], %swap3A_369 {strides = array<i32>} : memref<128x16xf32, #tpu.memory_space<vmem>>, vector<1x16xf32>,
    %swap3A_370 = arith.constant 58 : i32
    %swap3A_371 = arith.index_cast %swap3A_370 : i32 to index
    %swap3A_372 = arith.constant 0 : index
    %swap3A_373 = tpu.vector_load %arg8[%swap3A_371, %swap3A_372] {strides = array<i32>} : memref<128x16xf32, #tpu.memory_space<vmem>>, vector<1x16xf32>,
    %swap3A_374 = vector.shape_cast %swap3A_373 : vector<1x16xf32> to vector<16xf32>
    %swap3A_375 = vector.shape_cast %get3A_22 : vector<16xf32> to vector<1x16xf32>
    tpu.vector_store %arg8[%swap3A_371, %swap3A_372], %swap3A_375 {strides = array<i32>} : memref<128x16xf32, #tpu.memory_space<vmem>>, vector<1x16xf32>,
    %swap3A_376 = arith.constant 59 : i32
    %swap3A_377 = arith.index_cast %swap3A_376 : i32 to index
    %swap3A_378 = arith.constant 0 : index
    %swap3A_379 = tpu.vector_load %arg8[%swap3A_377, %swap3A_378] {strides = array<i32>} : memref<128x16xf32, #tpu.memory_space<vmem>>, vector<1x16xf32>,
    %swap3A_380 = vector.shape_cast %swap3A_379 : vector<1x16xf32> to vector<16xf32>
    %swap3A_381 = vector.shape_cast %get3A_22 : vector<16xf32> to vector<1x16xf32>
    tpu.vector_store %arg8[%swap3A_377, %swap3A_378], %swap3A_381 {strides = array<i32>} : memref<128x16xf32, #tpu.memory_space<vmem>>, vector<1x16xf32>,
    %swap3A_382 = arith.constant 60 : i32
    %swap3A_383 = arith.index_cast %swap3A_382 : i32 to index
    %swap3A_384 = arith.constant 0 : index
    %swap3A_385 = tpu.vector_load %arg8[%swap3A_383, %swap3A_384] {strides = array<i32>} : memref<128x16xf32, #tpu.memory_space<vmem>>, vector<1x16xf32>,
    %swap3A_386 = vector.shape_cast %swap3A_385 : vector<1x16xf32> to vector<16xf32>
    %swap3A_387 = vector.shape_cast %get3A_22 : vector<16xf32> to vector<1x16xf32>
    tpu.vector_store %arg8[%swap3A_383, %swap3A_384], %swap3A_387 {strides = array<i32>} : memref<128x16xf32, #tpu.memory_space<vmem>>, vector<1x16xf32>,
    %swap3A_388 = arith.constant 61 : i32
    %swap3A_389 = arith.index_cast %swap3A_388 : i32 to index
    %swap3A_390 = arith.constant 0 : index
    %swap3A_391 = tpu.vector_load %arg8[%swap3A_389, %swap3A_390] {strides = array<i32>} : memref<128x16xf32, #tpu.memory_space<vmem>>, vector<1x16xf32>,
    %swap3A_392 = vector.shape_cast %swap3A_391 : vector<1x16xf32> to vector<16xf32>
    %swap3A_393 = vector.shape_cast %get3A_22 : vector<16xf32> to vector<1x16xf32>
    tpu.vector_store %arg8[%swap3A_389, %swap3A_390], %swap3A_393 {strides = array<i32>} : memref<128x16xf32, #tpu.memory_space<vmem>>, vector<1x16xf32>,
    %swap3A_394 = arith.constant 62 : i32
    %swap3A_395 = arith.index_cast %swap3A_394 : i32 to index
    %swap3A_396 = arith.constant 0 : index
    %swap3A_397 = tpu.vector_load %arg8[%swap3A_395, %swap3A_396] {strides = array<i32>} : memref<128x16xf32, #tpu.memory_space<vmem>>, vector<1x16xf32>,
    %swap3A_398 = vector.shape_cast %swap3A_397 : vector<1x16xf32> to vector<16xf32>
    %swap3A_399 = vector.shape_cast %get3A_22 : vector<16xf32> to vector<1x16xf32>
    tpu.vector_store %arg8[%swap3A_395, %swap3A_396], %swap3A_399 {strides = array<i32>} : memref<128x16xf32, #tpu.memory_space<vmem>>, vector<1x16xf32>,
    %swap3A_400 = arith.constant 63 : i32
    %swap3A_401 = arith.index_cast %swap3A_400 : i32 to index
    %swap3A_402 = arith.constant 0 : index
    %swap3A_403 = tpu.vector_load %arg8[%swap3A_401, %swap3A_402] {strides = array<i32>} : memref<128x16xf32, #tpu.memory_space<vmem>>, vector<1x16xf32>,
    %swap3A_404 = vector.shape_cast %swap3A_403 : vector<1x16xf32> to vector<16xf32>
    %swap3A_405 = vector.shape_cast %get3A_22 : vector<16xf32> to vector<1x16xf32>
    tpu.vector_store %arg8[%swap3A_401, %swap3A_402], %swap3A_405 {strides = array<i32>} : memref<128x16xf32, #tpu.memory_space<vmem>>, vector<1x16xf32>,
    %swap3A_406 = arith.constant 64 : i32
    %swap3A_407 = arith.index_cast %swap3A_406 : i32 to index
    %swap3A_408 = arith.constant 0 : index
    %swap3A_409 = tpu.vector_load %arg8[%swap3A_407, %swap3A_408] {strides = array<i32>} : memref<128x16xf32, #tpu.memory_space<vmem>>, vector<1x16xf32>,
    %swap3A_410 = vector.shape_cast %swap3A_409 : vector<1x16xf32> to vector<16xf32>
    %swap3A_411 = vector.shape_cast %get3A_22 : vector<16xf32> to vector<1x16xf32>
    tpu.vector_store %arg8[%swap3A_407, %swap3A_408], %swap3A_411 {strides = array<i32>} : memref<128x16xf32, #tpu.memory_space<vmem>>, vector<1x16xf32>,
    %swap3A_412 = arith.constant 65 : i32
    %swap3A_413 = arith.index_cast %swap3A_412 : i32 to index
    %swap3A_414 = arith.constant 0 : index
    %swap3A_415 = tpu.vector_load %arg8[%swap3A_413, %swap3A_414] {strides = array<i32>} : memref<128x16xf32, #tpu.memory_space<vmem>>, vector<1x16xf32>,
    %swap3A_416 = vector.shape_cast %swap3A_415 : vector<1x16xf32> to vector<16xf32>
    %swap3A_417 = vector.shape_cast %get3A_22 : vector<16xf32> to vector<1x16xf32>
    tpu.vector_store %arg8[%swap3A_413, %swap3A_414], %swap3A_417 {strides = array<i32>} : memref<128x16xf32, #tpu.memory_space<vmem>>, vector<1x16xf32>,
    %swap3A_418 = arith.constant 66 : i32
    %swap3A_419 = arith.index_cast %swap3A_418 : i32 to index
    %swap3A_420 = arith.constant 0 : index
    %swap3A_421 = tpu.vector_load %arg8[%swap3A_419, %swap3A_420] {strides = array<i32>} : memref<128x16xf32, #tpu.memory_space<vmem>>, vector<1x16xf32>,
    %swap3A_422 = vector.shape_cast %swap3A_421 : vector<1x16xf32> to vector<16xf32>
    %swap3A_423 = vector.shape_cast %get3A_22 : vector<16xf32> to vector<1x16xf32>
    tpu.vector_store %arg8[%swap3A_419, %swap3A_420], %swap3A_423 {strides = array<i32>} : memref<128x16xf32, #tpu.memory_space<vmem>>, vector<1x16xf32>,
    %swap3A_424 = arith.constant 67 : i32
    %swap3A_425 = arith.index_cast %swap3A_424 : i32 to index
    %swap3A_426 = arith.constant 0 : index
    %swap3A_427 = tpu.vector_load %arg8[%swap3A_425, %swap3A_426] {strides = array<i32>} : memref<128x16xf32, #tpu.memory_space<vmem>>, vector<1x16xf32>,
    %swap3A_428 = vector.shape_cast %swap3A_427 : vector<1x16xf32> to vector<16xf32>
    %swap3A_429 = vector.shape_cast %get3A_22 : vector<16xf32> to vector<1x16xf32>
    tpu.vector_store %arg8[%swap3A_425, %swap3A_426], %swap3A_429 {strides = array<i32>} : memref<128x16xf32, #tpu.memory_space<vmem>>, vector<1x16xf32>,
    %swap3A_430 = arith.constant 68 : i32
    %swap3A_431 = arith.index_cast %swap3A_430 : i32 to index
    %swap3A_432 = arith.constant 0 : index
    %swap3A_433 = tpu.vector_load %arg8[%swap3A_431, %swap3A_432] {strides = array<i32>} : memref<128x16xf32, #tpu.memory_space<vmem>>, vector<1x16xf32>,
    %swap3A_434 = vector.shape_cast %swap3A_433 : vector<1x16xf32> to vector<16xf32>
    %swap3A_435 = vector.shape_cast %get3A_22 : vector<16xf32> to vector<1x16xf32>
    tpu.vector_store %arg8[%swap3A_431, %swap3A_432], %swap3A_435 {strides = array<i32>} : memref<128x16xf32, #tpu.memory_space<vmem>>, vector<1x16xf32>,
    %swap3A_436 = arith.constant 69 : i32
    %swap3A_437 = arith.index_cast %swap3A_436 : i32 to index
    %swap3A_438 = arith.constant 0 : index
    %swap3A_439 = tpu.vector_load %arg8[%swap3A_437, %swap3A_438] {strides = array<i32>} : memref<128x16xf32, #tpu.memory_space<vmem>>, vector<1x16xf32>,
    %swap3A_440 = vector.shape_cast %swap3A_439 : vector<1x16xf32> to vector<16xf32>
    %swap3A_441 = vector.shape_cast %get3A_22 : vector<16xf32> to vector<1x16xf32>
    tpu.vector_store %arg8[%swap3A_437, %swap3A_438], %swap3A_441 {strides = array<i32>} : memref<128x16xf32, #tpu.memory_space<vmem>>, vector<1x16xf32>,
    %swap3A_442 = arith.constant 70 : i32
    %swap3A_443 = arith.index_cast %swap3A_442 : i32 to index
    %swap3A_444 = arith.constant 0 : index
    %swap3A_445 = tpu.vector_load %arg8[%swap3A_443, %swap3A_444] {strides = array<i32>} : memref<128x16xf32, #tpu.memory_space<vmem>>, vector<1x16xf32>,
    %swap3A_446 = vector.shape_cast %swap3A_445 : vector<1x16xf32> to vector<16xf32>
    %swap3A_447 = vector.shape_cast %get3A_22 : vector<16xf32> to vector<1x16xf32>
    tpu.vector_store %arg8[%swap3A_443, %swap3A_444], %swap3A_447 {strides = array<i32>} : memref<128x16xf32, #tpu.memory_space<vmem>>, vector<1x16xf32>,
    %swap3A_448 = arith.constant 71 : i32
    %swap3A_449 = arith.index_cast %swap3A_448 : i32 to index
    %swap3A_450 = arith.constant 0 : index
    %swap3A_451 = tpu.vector_load %arg8[%swap3A_449, %swap3A_450] {strides = array<i32>} : memref<128x16xf32, #tpu.memory_space<vmem>>, vector<1x16xf32>,
    %swap3A_452 = vector.shape_cast %swap3A_451 : vector<1x16xf32> to vector<16xf32>
    %swap3A_453 = vector.shape_cast %get3A_22 : vector<16xf32> to vector<1x16xf32>
    tpu.vector_store %arg8[%swap3A_449, %swap3A_450], %swap3A_453 {strides = array<i32>} : memref<128x16xf32, #tpu.memory_space<vmem>>, vector<1x16xf32>,
    %swap3A_454 = arith.constant 72 : i32
    %swap3A_455 = arith.index_cast %swap3A_454 : i32 to index
    %swap3A_456 = arith.constant 0 : index
    %swap3A_457 = tpu.vector_load %arg8[%swap3A_455, %swap3A_456] {strides = array<i32>} : memref<128x16xf32, #tpu.memory_space<vmem>>, vector<1x16xf32>,
    %swap3A_458 = vector.shape_cast %swap3A_457 : vector<1x16xf32> to vector<16xf32>
    %swap3A_459 = vector.shape_cast %get3A_22 : vector<16xf32> to vector<1x16xf32>
    tpu.vector_store %arg8[%swap3A_455, %swap3A_456], %swap3A_459 {strides = array<i32>} : memref<128x16xf32, #tpu.memory_space<vmem>>, vector<1x16xf32>,
    %swap3A_460 = arith.constant 73 : i32
    %swap3A_461 = arith.index_cast %swap3A_460 : i32 to index
    %swap3A_462 = arith.constant 0 : index
    %swap3A_463 = tpu.vector_load %arg8[%swap3A_461, %swap3A_462] {strides = array<i32>} : memref<128x16xf32, #tpu.memory_space<vmem>>, vector<1x16xf32>,
    %swap3A_464 = vector.shape_cast %swap3A_463 : vector<1x16xf32> to vector<16xf32>
    %swap3A_465 = vector.shape_cast %get3A_22 : vector<16xf32> to vector<1x16xf32>
    tpu.vector_store %arg8[%swap3A_461, %swap3A_462], %swap3A_465 {strides = array<i32>} : memref<128x16xf32, #tpu.memory_space<vmem>>, vector<1x16xf32>,
    %swap3A_466 = arith.constant 74 : i32
    %swap3A_467 = arith.index_cast %swap3A_466 : i32 to index
    %swap3A_468 = arith.constant 0 : index
    %swap3A_469 = tpu.vector_load %arg8[%swap3A_467, %swap3A_468] {strides = array<i32>} : memref<128x16xf32, #tpu.memory_space<vmem>>, vector<1x16xf32>,
    %swap3A_470 = vector.shape_cast %swap3A_469 : vector<1x16xf32> to vector<16xf32>
    %swap3A_471 = vector.shape_cast %get3A_22 : vector<16xf32> to vector<1x16xf32>
    tpu.vector_store %arg8[%swap3A_467, %swap3A_468], %swap3A_471 {strides = array<i32>} : memref<128x16xf32, #tpu.memory_space<vmem>>, vector<1x16xf32>,
    %swap3A_472 = arith.constant 75 : i32
    %swap3A_473 = arith.index_cast %swap3A_472 : i32 to index
    %swap3A_474 = arith.constant 0 : index
    %swap3A_475 = tpu.vector_load %arg8[%swap3A_473, %swap3A_474] {strides = array<i32>} : memref<128x16xf32, #tpu.memory_space<vmem>>, vector<1x16xf32>,
    %swap3A_476 = vector.shape_cast %swap3A_475 : vector<1x16xf32> to vector<16xf32>
    %swap3A_477 = vector.shape_cast %get3A_22 : vector<16xf32> to vector<1x16xf32>
    tpu.vector_store %arg8[%swap3A_473, %swap3A_474], %swap3A_477 {strides = array<i32>} : memref<128x16xf32, #tpu.memory_space<vmem>>, vector<1x16xf32>,
    %swap3A_478 = arith.constant 76 : i32
    %swap3A_479 = arith.index_cast %swap3A_478 : i32 to index
    %swap3A_480 = arith.constant 0 : index
    %swap3A_481 = tpu.vector_load %arg8[%swap3A_479, %swap3A_480] {strides = array<i32>} : memref<128x16xf32, #tpu.memory_space<vmem>>, vector<1x16xf32>,
    %swap3A_482 = vector.shape_cast %swap3A_481 : vector<1x16xf32> to vector<16xf32>
    %swap3A_483 = vector.shape_cast %get3A_22 : vector<16xf32> to vector<1x16xf32>
    tpu.vector_store %arg8[%swap3A_479, %swap3A_480], %swap3A_483 {strides = array<i32>} : memref<128x16xf32, #tpu.memory_space<vmem>>, vector<1x16xf32>,
    %swap3A_484 = arith.constant 77 : i32
    %swap3A_485 = arith.index_cast %swap3A_484 : i32 to index
    %swap3A_486 = arith.constant 0 : index
    %swap3A_487 = tpu.vector_load %arg8[%swap3A_485, %swap3A_486] {strides = array<i32>} : memref<128x16xf32, #tpu.memory_space<vmem>>, vector<1x16xf32>,
    %swap3A_488 = vector.shape_cast %swap3A_487 : vector<1x16xf32> to vector<16xf32>
    %swap3A_489 = vector.shape_cast %get3A_22 : vector<16xf32> to vector<1x16xf32>
    tpu.vector_store %arg8[%swap3A_485, %swap3A_486], %swap3A_489 {strides = array<i32>} : memref<128x16xf32, #tpu.memory_space<vmem>>, vector<1x16xf32>,
    %swap3A_490 = arith.constant 78 : i32
    %swap3A_491 = arith.index_cast %swap3A_490 : i32 to index
    %swap3A_492 = arith.constant 0 : index
    %swap3A_493 = tpu.vector_load %arg8[%swap3A_491, %swap3A_492] {strides = array<i32>} : memref<128x16xf32, #tpu.memory_space<vmem>>, vector<1x16xf32>,
    %swap3A_494 = vector.shape_cast %swap3A_493 : vector<1x16xf32> to vector<16xf32>
    %swap3A_495 = vector.shape_cast %get3A_22 : vector<16xf32> to vector<1x16xf32>
    tpu.vector_store %arg8[%swap3A_491, %swap3A_492], %swap3A_495 {strides = array<i32>} : memref<128x16xf32, #tpu.memory_space<vmem>>, vector<1x16xf32>,
    %swap3A_496 = arith.constant 79 : i32
    %swap3A_497 = arith.index_cast %swap3A_496 : i32 to index
    %swap3A_498 = arith.constant 0 : index
    %swap3A_499 = tpu.vector_load %arg8[%swap3A_497, %swap3A_498] {strides = array<i32>} : memref<128x16xf32, #tpu.memory_space<vmem>>, vector<1x16xf32>,
    %swap3A_500 = vector.shape_cast %swap3A_499 : vector<1x16xf32> to vector<16xf32>
    %swap3A_501 = vector.shape_cast %get3A_22 : vector<16xf32> to vector<1x16xf32>
    tpu.vector_store %arg8[%swap3A_497, %swap3A_498], %swap3A_501 {strides = array<i32>} : memref<128x16xf32, #tpu.memory_space<vmem>>, vector<1x16xf32>,
    %swap3A_502 = arith.constant 80 : i32
    %swap3A_503 = arith.index_cast %swap3A_502 : i32 to index
    %swap3A_504 = arith.constant 0 : index
    %swap3A_505 = tpu.vector_load %arg8[%swap3A_503, %swap3A_504] {strides = array<i32>} : memref<128x16xf32, #tpu.memory_space<vmem>>, vector<1x16xf32>,
    %swap3A_506 = vector.shape_cast %swap3A_505 : vector<1x16xf32> to vector<16xf32>
    %swap3A_507 = vector.shape_cast %get3A_22 : vector<16xf32> to vector<1x16xf32>
    tpu.vector_store %arg8[%swap3A_503, %swap3A_504], %swap3A_507 {strides = array<i32>} : memref<128x16xf32, #tpu.memory_space<vmem>>, vector<1x16xf32>,
    %swap3A_508 = arith.constant 81 : i32
    %swap3A_509 = arith.index_cast %swap3A_508 : i32 to index
    %swap3A_510 = arith.constant 0 : index
    %swap3A_511 = tpu.vector_load %arg8[%swap3A_509, %swap3A_510] {strides = array<i32>} : memref<128x16xf32, #tpu.memory_space<vmem>>, vector<1x16xf32>,
    %swap3A_512 = vector.shape_cast %swap3A_511 : vector<1x16xf32> to vector<16xf32>
    %swap3A_513 = vector.shape_cast %get3A_22 : vector<16xf32> to vector<1x16xf32>
    tpu.vector_store %arg8[%swap3A_509, %swap3A_510], %swap3A_513 {strides = array<i32>} : memref<128x16xf32, #tpu.memory_space<vmem>>, vector<1x16xf32>,
    %swap3A_514 = arith.constant 82 : i32
    %swap3A_515 = arith.index_cast %swap3A_514 : i32 to index
    %swap3A_516 = arith.constant 0 : index
    %swap3A_517 = tpu.vector_load %arg8[%swap3A_515, %swap3A_516] {strides = array<i32>} : memref<128x16xf32, #tpu.memory_space<vmem>>, vector<1x16xf32>,
    %swap3A_518 = vector.shape_cast %swap3A_517 : vector<1x16xf32> to vector<16xf32>
    %swap3A_519 = vector.shape_cast %get3A_22 : vector<16xf32> to vector<1x16xf32>
    tpu.vector_store %arg8[%swap3A_515, %swap3A_516], %swap3A_519 {strides = array<i32>} : memref<128x16xf32, #tpu.memory_space<vmem>>, vector<1x16xf32>,
    %swap3A_520 = arith.constant 83 : i32
    %swap3A_521 = arith.index_cast %swap3A_520 : i32 to index
    %swap3A_522 = arith.constant 0 : index
    %swap3A_523 = tpu.vector_load %arg8[%swap3A_521, %swap3A_522] {strides = array<i32>} : memref<128x16xf32, #tpu.memory_space<vmem>>, vector<1x16xf32>,
    %swap3A_524 = vector.shape_cast %swap3A_523 : vector<1x16xf32> to vector<16xf32>
    %swap3A_525 = vector.shape_cast %get3A_22 : vector<16xf32> to vector<1x16xf32>
    tpu.vector_store %arg8[%swap3A_521, %swap3A_522], %swap3A_525 {strides = array<i32>} : memref<128x16xf32, #tpu.memory_space<vmem>>, vector<1x16xf32>,
    %swap3A_526 = arith.constant 84 : i32
    %swap3A_527 = arith.index_cast %swap3A_526 : i32 to index
    %swap3A_528 = arith.constant 0 : index
    %swap3A_529 = tpu.vector_load %arg8[%swap3A_527, %swap3A_528] {strides = array<i32>} : memref<128x16xf32, #tpu.memory_space<vmem>>, vector<1x16xf32>,
    %swap3A_530 = vector.shape_cast %swap3A_529 : vector<1x16xf32> to vector<16xf32>
    %swap3A_531 = vector.shape_cast %get3A_22 : vector<16xf32> to vector<1x16xf32>
    tpu.vector_store %arg8[%swap3A_527, %swap3A_528], %swap3A_531 {strides = array<i32>} : memref<128x16xf32, #tpu.memory_space<vmem>>, vector<1x16xf32>,
    %swap3A_532 = arith.constant 85 : i32
    %swap3A_533 = arith.index_cast %swap3A_532 : i32 to index
    %swap3A_534 = arith.constant 0 : index
    %swap3A_535 = tpu.vector_load %arg8[%swap3A_533, %swap3A_534] {strides = array<i32>} : memref<128x16xf32, #tpu.memory_space<vmem>>, vector<1x16xf32>,
    %swap3A_536 = vector.shape_cast %swap3A_535 : vector<1x16xf32> to vector<16xf32>
    %swap3A_537 = vector.shape_cast %get3A_22 : vector<16xf32> to vector<1x16xf32>
    tpu.vector_store %arg8[%swap3A_533, %swap3A_534], %swap3A_537 {strides = array<i32>} : memref<128x16xf32, #tpu.memory_space<vmem>>, vector<1x16xf32>,
    %swap3A_538 = arith.constant 86 : i32
    %swap3A_539 = arith.index_cast %swap3A_538 : i32 to index
    %swap3A_540 = arith.constant 0 : index
    %swap3A_541 = tpu.vector_load %arg8[%swap3A_539, %swap3A_540] {strides = array<i32>} : memref<128x16xf32, #tpu.memory_space<vmem>>, vector<1x16xf32>,
    %swap3A_542 = vector.shape_cast %swap3A_541 : vector<1x16xf32> to vector<16xf32>
    %swap3A_543 = vector.shape_cast %get3A_22 : vector<16xf32> to vector<1x16xf32>
    tpu.vector_store %arg8[%swap3A_539, %swap3A_540], %swap3A_543 {strides = array<i32>} : memref<128x16xf32, #tpu.memory_space<vmem>>, vector<1x16xf32>,
    %swap3A_544 = arith.constant 87 : i32
    %swap3A_545 = arith.index_cast %swap3A_544 : i32 to index
    %swap3A_546 = arith.constant 0 : index
    %swap3A_547 = tpu.vector_load %arg8[%swap3A_545, %swap3A_546] {strides = array<i32>} : memref<128x16xf32, #tpu.memory_space<vmem>>, vector<1x16xf32>,
    %swap3A_548 = vector.shape_cast %swap3A_547 : vector<1x16xf32> to vector<16xf32>
    %swap3A_549 = vector.shape_cast %get3A_22 : vector<16xf32> to vector<1x16xf32>
    tpu.vector_store %arg8[%swap3A_545, %swap3A_546], %swap3A_549 {strides = array<i32>} : memref<128x16xf32, #tpu.memory_space<vmem>>, vector<1x16xf32>,
    %swap3A_550 = arith.constant 88 : i32
    %swap3A_551 = arith.index_cast %swap3A_550 : i32 to index
    %swap3A_552 = arith.constant 0 : index
    %swap3A_553 = tpu.vector_load %arg8[%swap3A_551, %swap3A_552] {strides = array<i32>} : memref<128x16xf32, #tpu.memory_space<vmem>>, vector<1x16xf32>,
    %swap3A_554 = vector.shape_cast %swap3A_553 : vector<1x16xf32> to vector<16xf32>
    %swap3A_555 = vector.shape_cast %get3A_22 : vector<16xf32> to vector<1x16xf32>
    tpu.vector_store %arg8[%swap3A_551, %swap3A_552], %swap3A_555 {strides = array<i32>} : memref<128x16xf32, #tpu.memory_space<vmem>>, vector<1x16xf32>,
    %swap3A_556 = arith.constant 89 : i32
    %swap3A_557 = arith.index_cast %swap3A_556 : i32 to index
    %swap3A_558 = arith.constant 0 : index
    %swap3A_559 = tpu.vector_load %arg8[%swap3A_557, %swap3A_558] {strides = array<i32>} : memref<128x16xf32, #tpu.memory_space<vmem>>, vector<1x16xf32>,
    %swap3A_560 = vector.shape_cast %swap3A_559 : vector<1x16xf32> to vector<16xf32>
    %swap3A_561 = vector.shape_cast %get3A_22 : vector<16xf32> to vector<1x16xf32>
    tpu.vector_store %arg8[%swap3A_557, %swap3A_558], %swap3A_561 {strides = array<i32>} : memref<128x16xf32, #tpu.memory_space<vmem>>, vector<1x16xf32>,
    %swap3A_562 = arith.constant 90 : i32
    %swap3A_563 = arith.index_cast %swap3A_562 : i32 to index
    %swap3A_564 = arith.constant 0 : index
    %swap3A_565 = tpu.vector_load %arg8[%swap3A_563, %swap3A_564] {strides = array<i32>} : memref<128x16xf32, #tpu.memory_space<vmem>>, vector<1x16xf32>,
    %swap3A_566 = vector.shape_cast %swap3A_565 : vector<1x16xf32> to vector<16xf32>
    %swap3A_567 = vector.shape_cast %get3A_22 : vector<16xf32> to vector<1x16xf32>
    tpu.vector_store %arg8[%swap3A_563, %swap3A_564], %swap3A_567 {strides = array<i32>} : memref<128x16xf32, #tpu.memory_space<vmem>>, vector<1x16xf32>,
    %swap3A_568 = arith.constant 91 : i32
    %swap3A_569 = arith.index_cast %swap3A_568 : i32 to index
    %swap3A_570 = arith.constant 0 : index
    %swap3A_571 = tpu.vector_load %arg8[%swap3A_569, %swap3A_570] {strides = array<i32>} : memref<128x16xf32, #tpu.memory_space<vmem>>, vector<1x16xf32>,
    %swap3A_572 = vector.shape_cast %swap3A_571 : vector<1x16xf32> to vector<16xf32>
    %swap3A_573 = vector.shape_cast %get3A_22 : vector<16xf32> to vector<1x16xf32>
    tpu.vector_store %arg8[%swap3A_569, %swap3A_570], %swap3A_573 {strides = array<i32>} : memref<128x16xf32, #tpu.memory_space<vmem>>, vector<1x16xf32>,
    %swap3A_574 = arith.constant 92 : i32
    %swap3A_575 = arith.index_cast %swap3A_574 : i32 to index
    %swap3A_576 = arith.constant 0 : index
    %swap3A_577 = tpu.vector_load %arg8[%swap3A_575, %swap3A_576] {strides = array<i32>} : memref<128x16xf32, #tpu.memory_space<vmem>>, vector<1x16xf32>,
    %swap3A_578 = vector.shape_cast %swap3A_577 : vector<1x16xf32> to vector<16xf32>
    %swap3A_579 = vector.shape_cast %get3A_22 : vector<16xf32> to vector<1x16xf32>
    tpu.vector_store %arg8[%swap3A_575, %swap3A_576], %swap3A_579 {strides = array<i32>} : memref<128x16xf32, #tpu.memory_space<vmem>>, vector<1x16xf32>,
    %swap3A_580 = arith.constant 93 : i32
    %swap3A_581 = arith.index_cast %swap3A_580 : i32 to index
    %swap3A_582 = arith.constant 0 : index
    %swap3A_583 = tpu.vector_load %arg8[%swap3A_581, %swap3A_582] {strides = array<i32>} : memref<128x16xf32, #tpu.memory_space<vmem>>, vector<1x16xf32>,
    %swap3A_584 = vector.shape_cast %swap3A_583 : vector<1x16xf32> to vector<16xf32>
    %swap3A_585 = vector.shape_cast %get3A_22 : vector<16xf32> to vector<1x16xf32>
    tpu.vector_store %arg8[%swap3A_581, %swap3A_582], %swap3A_585 {strides = array<i32>} : memref<128x16xf32, #tpu.memory_space<vmem>>, vector<1x16xf32>,
    %swap3A_586 = arith.constant 94 : i32
    %swap3A_587 = arith.index_cast %swap3A_586 : i32 to index
    %swap3A_588 = arith.constant 0 : index
    %swap3A_589 = tpu.vector_load %arg8[%swap3A_587, %swap3A_588] {strides = array<i32>} : memref<128x16xf32, #tpu.memory_space<vmem>>, vector<1x16xf32>,
    %swap3A_590 = vector.shape_cast %swap3A_589 : vector<1x16xf32> to vector<16xf32>
    %swap3A_591 = vector.shape_cast %get3A_22 : vector<16xf32> to vector<1x16xf32>
    tpu.vector_store %arg8[%swap3A_587, %swap3A_588], %swap3A_591 {strides = array<i32>} : memref<128x16xf32, #tpu.memory_space<vmem>>, vector<1x16xf32>,
    %swap3A_592 = arith.constant 95 : i32
    %swap3A_593 = arith.index_cast %swap3A_592 : i32 to index
    %swap3A_594 = arith.constant 0 : index
    %swap3A_595 = tpu.vector_load %arg8[%swap3A_593, %swap3A_594] {strides = array<i32>} : memref<128x16xf32, #tpu.memory_space<vmem>>, vector<1x16xf32>,
    %swap3A_596 = vector.shape_cast %swap3A_595 : vector<1x16xf32> to vector<16xf32>
    %swap3A_597 = vector.shape_cast %get3A_22 : vector<16xf32> to vector<1x16xf32>
    tpu.vector_store %arg8[%swap3A_593, %swap3A_594], %swap3A_597 {strides = array<i32>} : memref<128x16xf32, #tpu.memory_space<vmem>>, vector<1x16xf32>,
    %swap3A_598 = arith.constant 96 : i32
    %swap3A_599 = arith.index_cast %swap3A_598 : i32 to index
    %swap3A_600 = arith.constant 0 : index
    %swap3A_601 = tpu.vector_load %arg8[%swap3A_599, %swap3A_600] {strides = array<i32>} : memref<128x16xf32, #tpu.memory_space<vmem>>, vector<1x16xf32>,
    %swap3A_602 = vector.shape_cast %swap3A_601 : vector<1x16xf32> to vector<16xf32>
    %swap3A_603 = vector.shape_cast %get3A_22 : vector<16xf32> to vector<1x16xf32>
    tpu.vector_store %arg8[%swap3A_599, %swap3A_600], %swap3A_603 {strides = array<i32>} : memref<128x16xf32, #tpu.memory_space<vmem>>, vector<1x16xf32>,
    %swap3A_604 = arith.constant 97 : i32
    %swap3A_605 = arith.index_cast %swap3A_604 : i32 to index
    %swap3A_606 = arith.constant 0 : index
    %swap3A_607 = tpu.vector_load %arg8[%swap3A_605, %swap3A_606] {strides = array<i32>} : memref<128x16xf32, #tpu.memory_space<vmem>>, vector<1x16xf32>,
    %swap3A_608 = vector.shape_cast %swap3A_607 : vector<1x16xf32> to vector<16xf32>
    %swap3A_609 = vector.shape_cast %get3A_22 : vector<16xf32> to vector<1x16xf32>
    tpu.vector_store %arg8[%swap3A_605, %swap3A_606], %swap3A_609 {strides = array<i32>} : memref<128x16xf32, #tpu.memory_space<vmem>>, vector<1x16xf32>,
    %swap3A_610 = arith.constant 98 : i32
    %swap3A_611 = arith.index_cast %swap3A_610 : i32 to index
    %swap3A_612 = arith.constant 0 : index
    %swap3A_613 = tpu.vector_load %arg8[%swap3A_611, %swap3A_612] {strides = array<i32>} : memref<128x16xf32, #tpu.memory_space<vmem>>, vector<1x16xf32>,
    %swap3A_614 = vector.shape_cast %swap3A_613 : vector<1x16xf32> to vector<16xf32>
    %swap3A_615 = vector.shape_cast %get3A_22 : vector<16xf32> to vector<1x16xf32>
    tpu.vector_store %arg8[%swap3A_611, %swap3A_612], %swap3A_615 {strides = array<i32>} : memref<128x16xf32, #tpu.memory_space<vmem>>, vector<1x16xf32>,
    %swap3A_616 = arith.constant 99 : i32
    %swap3A_617 = arith.index_cast %swap3A_616 : i32 to index
    %swap3A_618 = arith.constant 0 : index
    %swap3A_619 = tpu.vector_load %arg8[%swap3A_617, %swap3A_618] {strides = array<i32>} : memref<128x16xf32, #tpu.memory_space<vmem>>, vector<1x16xf32>,
    %swap3A_620 = vector.shape_cast %swap3A_619 : vector<1x16xf32> to vector<16xf32>
    %swap3A_621 = vector.shape_cast %get3A_22 : vector<16xf32> to vector<1x16xf32>
    tpu.vector_store %arg8[%swap3A_617, %swap3A_618], %swap3A_621 {strides = array<i32>} : memref<128x16xf32, #tpu.memory_space<vmem>>, vector<1x16xf32>,
    %swap3A_622 = arith.constant 100 : i32
    %swap3A_623 = arith.index_cast %swap3A_622 : i32 to index
    %swap3A_624 = arith.constant 0 : index
    %swap3A_625 = tpu.vector_load %arg8[%swap3A_623, %swap3A_624] {strides = array<i32>} : memref<128x16xf32, #tpu.memory_space<vmem>>, vector<1x16xf32>,
    %swap3A_626 = vector.shape_cast %swap3A_625 : vector<1x16xf32> to vector<16xf32>
    %swap3A_627 = vector.shape_cast %get3A_22 : vector<16xf32> to vector<1x16xf32>
    tpu.vector_store %arg8[%swap3A_623, %swap3A_624], %swap3A_627 {strides = array<i32>} : memref<128x16xf32, #tpu.memory_space<vmem>>, vector<1x16xf32>,
    %swap3A_628 = arith.constant 101 : i32
    %swap3A_629 = arith.index_cast %swap3A_628 : i32 to index
    %swap3A_630 = arith.constant 0 : index
    %swap3A_631 = tpu.vector_load %arg8[%swap3A_629, %swap3A_630] {strides = array<i32>} : memref<128x16xf32, #tpu.memory_space<vmem>>, vector<1x16xf32>,
    %swap3A_632 = vector.shape_cast %swap3A_631 : vector<1x16xf32> to vector<16xf32>
    %swap3A_633 = vector.shape_cast %get3A_22 : vector<16xf32> to vector<1x16xf32>
    tpu.vector_store %arg8[%swap3A_629, %swap3A_630], %swap3A_633 {strides = array<i32>} : memref<128x16xf32, #tpu.memory_space<vmem>>, vector<1x16xf32>,
    %swap3A_634 = arith.constant 102 : i32
    %swap3A_635 = arith.index_cast %swap3A_634 : i32 to index
    %swap3A_636 = arith.constant 0 : index
    %swap3A_637 = tpu.vector_load %arg8[%swap3A_635, %swap3A_636] {strides = array<i32>} : memref<128x16xf32, #tpu.memory_space<vmem>>, vector<1x16xf32>,
    %swap3A_638 = vector.shape_cast %swap3A_637 : vector<1x16xf32> to vector<16xf32>
    %swap3A_639 = vector.shape_cast %get3A_22 : vector<16xf32> to vector<1x16xf32>
    tpu.vector_store %arg8[%swap3A_635, %swap3A_636], %swap3A_639 {strides = array<i32>} : memref<128x16xf32, #tpu.memory_space<vmem>>, vector<1x16xf32>,
    %swap3A_640 = arith.constant 103 : i32
    %swap3A_641 = arith.index_cast %swap3A_640 : i32 to index
    %swap3A_642 = arith.constant 0 : index
    %swap3A_643 = tpu.vector_load %arg8[%swap3A_641, %swap3A_642] {strides = array<i32>} : memref<128x16xf32, #tpu.memory_space<vmem>>, vector<1x16xf32>,
    %swap3A_644 = vector.shape_cast %swap3A_643 : vector<1x16xf32> to vector<16xf32>
    %swap3A_645 = vector.shape_cast %get3A_22 : vector<16xf32> to vector<1x16xf32>
    tpu.vector_store %arg8[%swap3A_641, %swap3A_642], %swap3A_645 {strides = array<i32>} : memref<128x16xf32, #tpu.memory_space<vmem>>, vector<1x16xf32>,
    %swap3A_646 = arith.constant 104 : i32
    %swap3A_647 = arith.index_cast %swap3A_646 : i32 to index
    %swap3A_648 = arith.constant 0 : index
    %swap3A_649 = tpu.vector_load %arg8[%swap3A_647, %swap3A_648] {strides = array<i32>} : memref<128x16xf32, #tpu.memory_space<vmem>>, vector<1x16xf32>,
    %swap3A_650 = vector.shape_cast %swap3A_649 : vector<1x16xf32> to vector<16xf32>
    %swap3A_651 = vector.shape_cast %get3A_22 : vector<16xf32> to vector<1x16xf32>
    tpu.vector_store %arg8[%swap3A_647, %swap3A_648], %swap3A_651 {strides = array<i32>} : memref<128x16xf32, #tpu.memory_space<vmem>>, vector<1x16xf32>,
    %swap3A_652 = arith.constant 105 : i32
    %swap3A_653 = arith.index_cast %swap3A_652 : i32 to index
    %swap3A_654 = arith.constant 0 : index
    %swap3A_655 = tpu.vector_load %arg8[%swap3A_653, %swap3A_654] {strides = array<i32>} : memref<128x16xf32, #tpu.memory_space<vmem>>, vector<1x16xf32>,
    %swap3A_656 = vector.shape_cast %swap3A_655 : vector<1x16xf32> to vector<16xf32>
    %swap3A_657 = vector.shape_cast %get3A_22 : vector<16xf32> to vector<1x16xf32>
    tpu.vector_store %arg8[%swap3A_653, %swap3A_654], %swap3A_657 {strides = array<i32>} : memref<128x16xf32, #tpu.memory_space<vmem>>, vector<1x16xf32>,
    %swap3A_658 = arith.constant 106 : i32
    %swap3A_659 = arith.index_cast %swap3A_658 : i32 to index
    %swap3A_660 = arith.constant 0 : index
    %swap3A_661 = tpu.vector_load %arg8[%swap3A_659, %swap3A_660] {strides = array<i32>} : memref<128x16xf32, #tpu.memory_space<vmem>>, vector<1x16xf32>,
    %swap3A_662 = vector.shape_cast %swap3A_661 : vector<1x16xf32> to vector<16xf32>
    %swap3A_663 = vector.shape_cast %get3A_22 : vector<16xf32> to vector<1x16xf32>
    tpu.vector_store %arg8[%swap3A_659, %swap3A_660], %swap3A_663 {strides = array<i32>} : memref<128x16xf32, #tpu.memory_space<vmem>>, vector<1x16xf32>,
    %swap3A_664 = arith.constant 107 : i32
    %swap3A_665 = arith.index_cast %swap3A_664 : i32 to index
    %swap3A_666 = arith.constant 0 : index
    %swap3A_667 = tpu.vector_load %arg8[%swap3A_665, %swap3A_666] {strides = array<i32>} : memref<128x16xf32, #tpu.memory_space<vmem>>, vector<1x16xf32>,
    %swap3A_668 = vector.shape_cast %swap3A_667 : vector<1x16xf32> to vector<16xf32>
    %swap3A_669 = vector.shape_cast %get3A_22 : vector<16xf32> to vector<1x16xf32>
    tpu.vector_store %arg8[%swap3A_665, %swap3A_666], %swap3A_669 {strides = array<i32>} : memref<128x16xf32, #tpu.memory_space<vmem>>, vector<1x16xf32>,
    %swap3A_670 = arith.constant 108 : i32
    %swap3A_671 = arith.index_cast %swap3A_670 : i32 to index
    %swap3A_672 = arith.constant 0 : index
    %swap3A_673 = tpu.vector_load %arg8[%swap3A_671, %swap3A_672] {strides = array<i32>} : memref<128x16xf32, #tpu.memory_space<vmem>>, vector<1x16xf32>,
    %swap3A_674 = vector.shape_cast %swap3A_673 : vector<1x16xf32> to vector<16xf32>
    %swap3A_675 = vector.shape_cast %get3A_22 : vector<16xf32> to vector<1x16xf32>
    tpu.vector_store %arg8[%swap3A_671, %swap3A_672], %swap3A_675 {strides = array<i32>} : memref<128x16xf32, #tpu.memory_space<vmem>>, vector<1x16xf32>,
    %swap3A_676 = arith.constant 109 : i32
    %swap3A_677 = arith.index_cast %swap3A_676 : i32 to index
    %swap3A_678 = arith.constant 0 : index
    %swap3A_679 = tpu.vector_load %arg8[%swap3A_677, %swap3A_678] {strides = array<i32>} : memref<128x16xf32, #tpu.memory_space<vmem>>, vector<1x16xf32>,
    %swap3A_680 = vector.shape_cast %swap3A_679 : vector<1x16xf32> to vector<16xf32>
    %swap3A_681 = vector.shape_cast %get3A_22 : vector<16xf32> to vector<1x16xf32>
    tpu.vector_store %arg8[%swap3A_677, %swap3A_678], %swap3A_681 {strides = array<i32>} : memref<128x16xf32, #tpu.memory_space<vmem>>, vector<1x16xf32>,
    %swap3A_682 = arith.constant 110 : i32
    %swap3A_683 = arith.index_cast %swap3A_682 : i32 to index
    %swap3A_684 = arith.constant 0 : index
    %swap3A_685 = tpu.vector_load %arg8[%swap3A_683, %swap3A_684] {strides = array<i32>} : memref<128x16xf32, #tpu.memory_space<vmem>>, vector<1x16xf32>,
    %swap3A_686 = vector.shape_cast %swap3A_685 : vector<1x16xf32> to vector<16xf32>
    %swap3A_687 = vector.shape_cast %get3A_22 : vector<16xf32> to vector<1x16xf32>
    tpu.vector_store %arg8[%swap3A_683, %swap3A_684], %swap3A_687 {strides = array<i32>} : memref<128x16xf32, #tpu.memory_space<vmem>>, vector<1x16xf32>,
    %swap3A_688 = arith.constant 111 : i32
    %swap3A_689 = arith.index_cast %swap3A_688 : i32 to index
    %swap3A_690 = arith.constant 0 : index
    %swap3A_691 = tpu.vector_load %arg8[%swap3A_689, %swap3A_690] {strides = array<i32>} : memref<128x16xf32, #tpu.memory_space<vmem>>, vector<1x16xf32>,
    %swap3A_692 = vector.shape_cast %swap3A_691 : vector<1x16xf32> to vector<16xf32>
    %swap3A_693 = vector.shape_cast %get3A_22 : vector<16xf32> to vector<1x16xf32>
    tpu.vector_store %arg8[%swap3A_689, %swap3A_690], %swap3A_693 {strides = array<i32>} : memref<128x16xf32, #tpu.memory_space<vmem>>, vector<1x16xf32>,
    %swap3A_694 = arith.constant 112 : i32
    %swap3A_695 = arith.index_cast %swap3A_694 : i32 to index
    %swap3A_696 = arith.constant 0 : index
    %swap3A_697 = tpu.vector_load %arg8[%swap3A_695, %swap3A_696] {strides = array<i32>} : memref<128x16xf32, #tpu.memory_space<vmem>>, vector<1x16xf32>,
    %swap3A_698 = vector.shape_cast %swap3A_697 : vector<1x16xf32> to vector<16xf32>
    %swap3A_699 = vector.shape_cast %get3A_22 : vector<16xf32> to vector<1x16xf32>
    tpu.vector_store %arg8[%swap3A_695, %swap3A_696], %swap3A_699 {strides = array<i32>} : memref<128x16xf32, #tpu.memory_space<vmem>>, vector<1x16xf32>,
    %swap3A_700 = arith.constant 113 : i32
    %swap3A_701 = arith.index_cast %swap3A_700 : i32 to index
    %swap3A_702 = arith.constant 0 : index
    %swap3A_703 = tpu.vector_load %arg8[%swap3A_701, %swap3A_702] {strides = array<i32>} : memref<128x16xf32, #tpu.memory_space<vmem>>, vector<1x16xf32>,
    %swap3A_704 = vector.shape_cast %swap3A_703 : vector<1x16xf32> to vector<16xf32>
    %swap3A_705 = vector.shape_cast %get3A_22 : vector<16xf32> to vector<1x16xf32>
    tpu.vector_store %arg8[%swap3A_701, %swap3A_702], %swap3A_705 {strides = array<i32>} : memref<128x16xf32, #tpu.memory_space<vmem>>, vector<1x16xf32>,
    %swap3A_706 = arith.constant 114 : i32
    %swap3A_707 = arith.index_cast %swap3A_706 : i32 to index
    %swap3A_708 = arith.constant 0 : index
    %swap3A_709 = tpu.vector_load %arg8[%swap3A_707, %swap3A_708] {strides = array<i32>} : memref<128x16xf32, #tpu.memory_space<vmem>>, vector<1x16xf32>,
    %swap3A_710 = vector.shape_cast %swap3A_709 : vector<1x16xf32> to vector<16xf32>
    %swap3A_711 = vector.shape_cast %get3A_22 : vector<16xf32> to vector<1x16xf32>
    tpu.vector_store %arg8[%swap3A_707, %swap3A_708], %swap3A_711 {strides = array<i32>} : memref<128x16xf32, #tpu.memory_space<vmem>>, vector<1x16xf32>,
    %swap3A_712 = arith.constant 115 : i32
    %swap3A_713 = arith.index_cast %swap3A_712 : i32 to index
    %swap3A_714 = arith.constant 0 : index
    %swap3A_715 = tpu.vector_load %arg8[%swap3A_713, %swap3A_714] {strides = array<i32>} : memref<128x16xf32, #tpu.memory_space<vmem>>, vector<1x16xf32>,
    %swap3A_716 = vector.shape_cast %swap3A_715 : vector<1x16xf32> to vector<16xf32>
    %swap3A_717 = vector.shape_cast %get3A_22 : vector<16xf32> to vector<1x16xf32>
    tpu.vector_store %arg8[%swap3A_713, %swap3A_714], %swap3A_717 {strides = array<i32>} : memref<128x16xf32, #tpu.memory_space<vmem>>, vector<1x16xf32>,
    %swap3A_718 = arith.constant 116 : i32
    %swap3A_719 = arith.index_cast %swap3A_718 : i32 to index
    %swap3A_720 = arith.constant 0 : index
    %swap3A_721 = tpu.vector_load %arg8[%swap3A_719, %swap3A_720] {strides = array<i32>} : memref<128x16xf32, #tpu.memory_space<vmem>>, vector<1x16xf32>,
    %swap3A_722 = vector.shape_cast %swap3A_721 : vector<1x16xf32> to vector<16xf32>
    %swap3A_723 = vector.shape_cast %get3A_22 : vector<16xf32> to vector<1x16xf32>
    tpu.vector_store %arg8[%swap3A_719, %swap3A_720], %swap3A_723 {strides = array<i32>} : memref<128x16xf32, #tpu.memory_space<vmem>>, vector<1x16xf32>,
    %swap3A_724 = arith.constant 117 : i32
    %swap3A_725 = arith.index_cast %swap3A_724 : i32 to index
    %swap3A_726 = arith.constant 0 : index
    %swap3A_727 = tpu.vector_load %arg8[%swap3A_725, %swap3A_726] {strides = array<i32>} : memref<128x16xf32, #tpu.memory_space<vmem>>, vector<1x16xf32>,
    %swap3A_728 = vector.shape_cast %swap3A_727 : vector<1x16xf32> to vector<16xf32>
    %swap3A_729 = vector.shape_cast %get3A_22 : vector<16xf32> to vector<1x16xf32>
    tpu.vector_store %arg8[%swap3A_725, %swap3A_726], %swap3A_729 {strides = array<i32>} : memref<128x16xf32, #tpu.memory_space<vmem>>, vector<1x16xf32>,
    %swap3A_730 = arith.constant 118 : i32
    %swap3A_731 = arith.index_cast %swap3A_730 : i32 to index
    %swap3A_732 = arith.constant 0 : index
    %swap3A_733 = tpu.vector_load %arg8[%swap3A_731, %swap3A_732] {strides = array<i32>} : memref<128x16xf32, #tpu.memory_space<vmem>>, vector<1x16xf32>,
    %swap3A_734 = vector.shape_cast %swap3A_733 : vector<1x16xf32> to vector<16xf32>
    %swap3A_735 = vector.shape_cast %get3A_22 : vector<16xf32> to vector<1x16xf32>
    tpu.vector_store %arg8[%swap3A_731, %swap3A_732], %swap3A_735 {strides = array<i32>} : memref<128x16xf32, #tpu.memory_space<vmem>>, vector<1x16xf32>,
    %swap3A_736 = arith.constant 119 : i32
    %swap3A_737 = arith.index_cast %swap3A_736 : i32 to index
    %swap3A_738 = arith.constant 0 : index
    %swap3A_739 = tpu.vector_load %arg8[%swap3A_737, %swap3A_738] {strides = array<i32>} : memref<128x16xf32, #tpu.memory_space<vmem>>, vector<1x16xf32>,
    %swap3A_740 = vector.shape_cast %swap3A_739 : vector<1x16xf32> to vector<16xf32>
    %swap3A_741 = vector.shape_cast %get3A_22 : vector<16xf32> to vector<1x16xf32>
    tpu.vector_store %arg8[%swap3A_737, %swap3A_738], %swap3A_741 {strides = array<i32>} : memref<128x16xf32, #tpu.memory_space<vmem>>, vector<1x16xf32>,
    %swap3A_742 = arith.constant 120 : i32
    %swap3A_743 = arith.index_cast %swap3A_742 : i32 to index
    %swap3A_744 = arith.constant 0 : index
    %swap3A_745 = tpu.vector_load %arg8[%swap3A_743, %swap3A_744] {strides = array<i32>} : memref<128x16xf32, #tpu.memory_space<vmem>>, vector<1x16xf32>,
    %swap3A_746 = vector.shape_cast %swap3A_745 : vector<1x16xf32> to vector<16xf32>
    %swap3A_747 = vector.shape_cast %get3A_22 : vector<16xf32> to vector<1x16xf32>
    tpu.vector_store %arg8[%swap3A_743, %swap3A_744], %swap3A_747 {strides = array<i32>} : memref<128x16xf32, #tpu.memory_space<vmem>>, vector<1x16xf32>,
    %swap3A_748 = arith.constant 121 : i32
    %swap3A_749 = arith.index_cast %swap3A_748 : i32 to index
    %swap3A_750 = arith.constant 0 : index
    %swap3A_751 = tpu.vector_load %arg8[%swap3A_749, %swap3A_750] {strides = array<i32>} : memref<128x16xf32, #tpu.memory_space<vmem>>, vector<1x16xf32>,
    %swap3A_752 = vector.shape_cast %swap3A_751 : vector<1x16xf32> to vector<16xf32>
    %swap3A_753 = vector.shape_cast %get3A_22 : vector<16xf32> to vector<1x16xf32>
    tpu.vector_store %arg8[%swap3A_749, %swap3A_750], %swap3A_753 {strides = array<i32>} : memref<128x16xf32, #tpu.memory_space<vmem>>, vector<1x16xf32>,
    %swap3A_754 = arith.constant 122 : i32
    %swap3A_755 = arith.index_cast %swap3A_754 : i32 to index
    %swap3A_756 = arith.constant 0 : index
    %swap3A_757 = tpu.vector_load %arg8[%swap3A_755, %swap3A_756] {strides = array<i32>} : memref<128x16xf32, #tpu.memory_space<vmem>>, vector<1x16xf32>,
    %swap3A_758 = vector.shape_cast %swap3A_757 : vector<1x16xf32> to vector<16xf32>
    %swap3A_759 = vector.shape_cast %get3A_22 : vector<16xf32> to vector<1x16xf32>
    tpu.vector_store %arg8[%swap3A_755, %swap3A_756], %swap3A_759 {strides = array<i32>} : memref<128x16xf32, #tpu.memory_space<vmem>>, vector<1x16xf32>,
    %swap3A_760 = arith.constant 123 : i32
    %swap3A_761 = arith.index_cast %swap3A_760 : i32 to index
    %swap3A_762 = arith.constant 0 : index
    %swap3A_763 = tpu.vector_load %arg8[%swap3A_761, %swap3A_762] {strides = array<i32>} : memref<128x16xf32, #tpu.memory_space<vmem>>, vector<1x16xf32>,
    %swap3A_764 = vector.shape_cast %swap3A_763 : vector<1x16xf32> to vector<16xf32>
    %swap3A_765 = vector.shape_cast %get3A_22 : vector<16xf32> to vector<1x16xf32>
    tpu.vector_store %arg8[%swap3A_761, %swap3A_762], %swap3A_765 {strides = array<i32>} : memref<128x16xf32, #tpu.memory_space<vmem>>, vector<1x16xf32>,
    %swap3A_766 = arith.constant 124 : i32
    %swap3A_767 = arith.index_cast %swap3A_766 : i32 to index
    %swap3A_768 = arith.constant 0 : index
    %swap3A_769 = tpu.vector_load %arg8[%swap3A_767, %swap3A_768] {strides = array<i32>} : memref<128x16xf32, #tpu.memory_space<vmem>>, vector<1x16xf32>,
    %swap3A_770 = vector.shape_cast %swap3A_769 : vector<1x16xf32> to vector<16xf32>
    %swap3A_771 = vector.shape_cast %get3A_22 : vector<16xf32> to vector<1x16xf32>
    tpu.vector_store %arg8[%swap3A_767, %swap3A_768], %swap3A_771 {strides = array<i32>} : memref<128x16xf32, #tpu.memory_space<vmem>>, vector<1x16xf32>,
    %swap3A_772 = arith.constant 125 : i32
    %swap3A_773 = arith.index_cast %swap3A_772 : i32 to index
    %swap3A_774 = arith.constant 0 : index
    %swap3A_775 = tpu.vector_load %arg8[%swap3A_773, %swap3A_774] {strides = array<i32>} : memref<128x16xf32, #tpu.memory_space<vmem>>, vector<1x16xf32>,
    %swap3A_776 = vector.shape_cast %swap3A_775 : vector<1x16xf32> to vector<16xf32>
    %swap3A_777 = vector.shape_cast %get3A_22 : vector<16xf32> to vector<1x16xf32>
    tpu.vector_store %arg8[%swap3A_773, %swap3A_774], %swap3A_777 {strides = array<i32>} : memref<128x16xf32, #tpu.memory_space<vmem>>, vector<1x16xf32>,
    %swap3A_778 = arith.constant 126 : i32
    %swap3A_779 = arith.index_cast %swap3A_778 : i32 to index
    %swap3A_780 = arith.constant 0 : index
    %swap3A_781 = tpu.vector_load %arg8[%swap3A_779, %swap3A_780] {strides = array<i32>} : memref<128x16xf32, #tpu.memory_space<vmem>>, vector<1x16xf32>,
    %swap3A_782 = vector.shape_cast %swap3A_781 : vector<1x16xf32> to vector<16xf32>
    %swap3A_783 = vector.shape_cast %get3A_22 : vector<16xf32> to vector<1x16xf32>
    tpu.vector_store %arg8[%swap3A_779, %swap3A_780], %swap3A_783 {strides = array<i32>} : memref<128x16xf32, #tpu.memory_space<vmem>>, vector<1x16xf32>,
    %swap3A_784 = arith.constant 127 : i32
    %swap3A_785 = arith.index_cast %swap3A_784 : i32 to index
    %swap3A_786 = arith.constant 0 : index
    %swap3A_787 = tpu.vector_load %arg8[%swap3A_785, %swap3A_786] {strides = array<i32>} : memref<128x16xf32, #tpu.memory_space<vmem>>, vector<1x16xf32>,
    %swap3A_788 = vector.shape_cast %swap3A_787 : vector<1x16xf32> to vector<16xf32>
    %swap3A_789 = vector.shape_cast %get3A_22 : vector<16xf32> to vector<1x16xf32>
    tpu.vector_store %arg8[%swap3A_785, %swap3A_786], %swap3A_789 {strides = array<i32>} : memref<128x16xf32, #tpu.memory_space<vmem>>, vector<1x16xf32>,
    %mul3A_790 = arith.constant 6250 : i32
    %mul3A_791 = arith.muli %arg1, %mul3A_790 : i32
    %add3A_792 = arith.constant 0 : i32
    %add3A_793 = arith.addi %mul3A_791, %add3A_792 : i32
    %mul3A_794 = arith.constant 6250 : i32
    %mul3A_795 = arith.muli %arg1, %mul3A_794 : i32
    %add3A_796 = arith.constant 0 : i32
    %add3A_797 = arith.addi %mul3A_795, %add3A_796 : i32
    %dma_start3A_798 = arith.constant 0 : i32
    %dma_start3A_799 = tpu.memref_slice %arg10[%add3A_797, %dma_start3A_798] : memref<100000x16xf32, #tpu.memory_space<vmem_shared>> -> memref<625x16xf32, #tpu.memory_space<vmem_shared>>
    %dma_start3A_800 = arith.constant 0 : i32
    %dma_start3A_801 = tpu.memref_slice %arg3[%add3A_793, %dma_start3A_800] : memref<100000x128xf32, #tpu.memory_space<hbm>> -> memref<625x16xf32, #tpu.memory_space<hbm>>
    tpu.enqueue_dma source(%dma_start3A_801 : memref<625x16xf32, #tpu.memory_space<hbm>>) target(%dma_start3A_799 : memref<625x16xf32, #tpu.memory_space<vmem_shared>>) target_semaphore(%arg20 : memref<!tpu.dma_semaphore, #tpu.memory_space<semaphore_mem>>)
    %mul3A_802 = arith.constant 6250 : i32
    %mul3A_803 = arith.muli %arg1, %mul3A_802 : i32
    %add3A_804 = arith.constant 625 : i32
    %add3A_805 = arith.addi %mul3A_803, %add3A_804 : i32
    %mul3A_806 = arith.constant 6250 : i32
    %mul3A_807 = arith.muli %arg1, %mul3A_806 : i32
    %add3A_808 = arith.constant 625 : i32
    %add3A_809 = arith.addi %mul3A_807, %add3A_808 : i32
    %dma_start3A_810 = arith.constant 0 : i32
    %dma_start3A_811 = tpu.memref_slice %arg10[%add3A_809, %dma_start3A_810] : memref<100000x16xf32, #tpu.memory_space<vmem_shared>> -> memref<625x16xf32, #tpu.memory_space<vmem_shared>>
    %dma_start3A_812 = arith.constant 0 : i32
    %dma_start3A_813 = tpu.memref_slice %arg3[%add3A_805, %dma_start3A_812] : memref<100000x128xf32, #tpu.memory_space<hbm>> -> memref<625x16xf32, #tpu.memory_space<hbm>>
    tpu.enqueue_dma source(%dma_start3A_813 : memref<625x16xf32, #tpu.memory_space<hbm>>) target(%dma_start3A_811 : memref<625x16xf32, #tpu.memory_space<vmem_shared>>) target_semaphore(%arg20 : memref<!tpu.dma_semaphore, #tpu.memory_space<semaphore_mem>>)
    %mul3A_814 = arith.constant 6250 : i32
    %mul3A_815 = arith.muli %arg1, %mul3A_814 : i32
    %add3A_816 = arith.constant 1250 : i32
    %add3A_817 = arith.addi %mul3A_815, %add3A_816 : i32
    %mul3A_818 = arith.constant 6250 : i32
    %mul3A_819 = arith.muli %arg1, %mul3A_818 : i32
    %add3A_820 = arith.constant 1250 : i32
    %add3A_821 = arith.addi %mul3A_819, %add3A_820 : i32
    %dma_start3A_822 = arith.constant 0 : i32
    %dma_start3A_823 = tpu.memref_slice %arg10[%add3A_821, %dma_start3A_822] : memref<100000x16xf32, #tpu.memory_space<vmem_shared>> -> memref<625x16xf32, #tpu.memory_space<vmem_shared>>
    %dma_start3A_824 = arith.constant 0 : i32
    %dma_start3A_825 = tpu.memref_slice %arg3[%add3A_817, %dma_start3A_824] : memref<100000x128xf32, #tpu.memory_space<hbm>> -> memref<625x16xf32, #tpu.memory_space<hbm>>
    tpu.enqueue_dma source(%dma_start3A_825 : memref<625x16xf32, #tpu.memory_space<hbm>>) target(%dma_start3A_823 : memref<625x16xf32, #tpu.memory_space<vmem_shared>>) target_semaphore(%arg20 : memref<!tpu.dma_semaphore, #tpu.memory_space<semaphore_mem>>)
    %mul3A_826 = arith.constant 6250 : i32
    %mul3A_827 = arith.muli %arg1, %mul3A_826 : i32
    %add3A_828 = arith.constant 1875 : i32
    %add3A_829 = arith.addi %mul3A_827, %add3A_828 : i32
    %mul3A_830 = arith.constant 6250 : i32
    %mul3A_831 = arith.muli %arg1, %mul3A_830 : i32
    %add3A_832 = arith.constant 1875 : i32
    %add3A_833 = arith.addi %mul3A_831, %add3A_832 : i32
    %dma_start3A_834 = arith.constant 0 : i32
    %dma_start3A_835 = tpu.memref_slice %arg10[%add3A_833, %dma_start3A_834] : memref<100000x16xf32, #tpu.memory_space<vmem_shared>> -> memref<625x16xf32, #tpu.memory_space<vmem_shared>>
    %dma_start3A_836 = arith.constant 0 : i32
    %dma_start3A_837 = tpu.memref_slice %arg3[%add3A_829, %dma_start3A_836] : memref<100000x128xf32, #tpu.memory_space<hbm>> -> memref<625x16xf32, #tpu.memory_space<hbm>>
    tpu.enqueue_dma source(%dma_start3A_837 : memref<625x16xf32, #tpu.memory_space<hbm>>) target(%dma_start3A_835 : memref<625x16xf32, #tpu.memory_space<vmem_shared>>) target_semaphore(%arg20 : memref<!tpu.dma_semaphore, #tpu.memory_space<semaphore_mem>>)
    %mul3A_838 = arith.constant 6250 : i32
    %mul3A_839 = arith.muli %arg1, %mul3A_838 : i32
    %add3A_840 = arith.constant 2500 : i32
    %add3A_841 = arith.addi %mul3A_839, %add3A_840 : i32
    %mul3A_842 = arith.constant 6250 : i32
    %mul3A_843 = arith.muli %arg1, %mul3A_842 : i32
    %add3A_844 = arith.constant 2500 : i32
    %add3A_845 = arith.addi %mul3A_843, %add3A_844 : i32
    %dma_start3A_846 = arith.constant 0 : i32
    %dma_start3A_847 = tpu.memref_slice %arg10[%add3A_845, %dma_start3A_846] : memref<100000x16xf32, #tpu.memory_space<vmem_shared>> -> memref<625x16xf32, #tpu.memory_space<vmem_shared>>
    %dma_start3A_848 = arith.constant 0 : i32
    %dma_start3A_849 = tpu.memref_slice %arg3[%add3A_841, %dma_start3A_848] : memref<100000x128xf32, #tpu.memory_space<hbm>> -> memref<625x16xf32, #tpu.memory_space<hbm>>
    tpu.enqueue_dma source(%dma_start3A_849 : memref<625x16xf32, #tpu.memory_space<hbm>>) target(%dma_start3A_847 : memref<625x16xf32, #tpu.memory_space<vmem_shared>>) target_semaphore(%arg20 : memref<!tpu.dma_semaphore, #tpu.memory_space<semaphore_mem>>)
    %mul3A_850 = arith.constant 6250 : i32
    %mul3A_851 = arith.muli %arg1, %mul3A_850 : i32
    %add3A_852 = arith.constant 3125 : i32
    %add3A_853 = arith.addi %mul3A_851, %add3A_852 : i32
    %mul3A_854 = arith.constant 6250 : i32
    %mul3A_855 = arith.muli %arg1, %mul3A_854 : i32
    %add3A_856 = arith.constant 3125 : i32
    %add3A_857 = arith.addi %mul3A_855, %add3A_856 : i32
    %dma_start3A_858 = arith.constant 0 : i32
    %dma_start3A_859 = tpu.memref_slice %arg10[%add3A_857, %dma_start3A_858] : memref<100000x16xf32, #tpu.memory_space<vmem_shared>> -> memref<625x16xf32, #tpu.memory_space<vmem_shared>>
    %dma_start3A_860 = arith.constant 0 : i32
    %dma_start3A_861 = tpu.memref_slice %arg3[%add3A_853, %dma_start3A_860] : memref<100000x128xf32, #tpu.memory_space<hbm>> -> memref<625x16xf32, #tpu.memory_space<hbm>>
    tpu.enqueue_dma source(%dma_start3A_861 : memref<625x16xf32, #tpu.memory_space<hbm>>) target(%dma_start3A_859 : memref<625x16xf32, #tpu.memory_space<vmem_shared>>) target_semaphore(%arg20 : memref<!tpu.dma_semaphore, #tpu.memory_space<semaphore_mem>>)
    %mul3A_862 = arith.constant 6250 : i32
    %mul3A_863 = arith.muli %arg1, %mul3A_862 : i32
    %add3A_864 = arith.constant 3750 : i32
    %add3A_865 = arith.addi %mul3A_863, %add3A_864 : i32
    %mul3A_866 = arith.constant 6250 : i32
    %mul3A_867 = arith.muli %arg1, %mul3A_866 : i32
    %add3A_868 = arith.constant 3750 : i32
    %add3A_869 = arith.addi %mul3A_867, %add3A_868 : i32
    %dma_start3A_870 = arith.constant 0 : i32
    %dma_start3A_871 = tpu.memref_slice %arg10[%add3A_869, %dma_start3A_870] : memref<100000x16xf32, #tpu.memory_space<vmem_shared>> -> memref<625x16xf32, #tpu.memory_space<vmem_shared>>
    %dma_start3A_872 = arith.constant 0 : i32
    %dma_start3A_873 = tpu.memref_slice %arg3[%add3A_865, %dma_start3A_872] : memref<100000x128xf32, #tpu.memory_space<hbm>> -> memref<625x16xf32, #tpu.memory_space<hbm>>
    tpu.enqueue_dma source(%dma_start3A_873 : memref<625x16xf32, #tpu.memory_space<hbm>>) target(%dma_start3A_871 : memref<625x16xf32, #tpu.memory_space<vmem_shared>>) target_semaphore(%arg20 : memref<!tpu.dma_semaphore, #tpu.memory_space<semaphore_mem>>)
    %mul3A_874 = arith.constant 6250 : i32
    %mul3A_875 = arith.muli %arg1, %mul3A_874 : i32
    %add3A_876 = arith.constant 4375 : i32
    %add3A_877 = arith.addi %mul3A_875, %add3A_876 : i32
    %mul3A_878 = arith.constant 6250 : i32
    %mul3A_879 = arith.muli %arg1, %mul3A_878 : i32
    %add3A_880 = arith.constant 4375 : i32
    %add3A_881 = arith.addi %mul3A_879, %add3A_880 : i32
    %dma_start3A_882 = arith.constant 0 : i32
    %dma_start3A_883 = tpu.memref_slice %arg10[%add3A_881, %dma_start3A_882] : memref<100000x16xf32, #tpu.memory_space<vmem_shared>> -> memref<625x16xf32, #tpu.memory_space<vmem_shared>>
    %dma_start3A_884 = arith.constant 0 : i32
    %dma_start3A_885 = tpu.memref_slice %arg3[%add3A_877, %dma_start3A_884] : memref<100000x128xf32, #tpu.memory_space<hbm>> -> memref<625x16xf32, #tpu.memory_space<hbm>>
    tpu.enqueue_dma source(%dma_start3A_885 : memref<625x16xf32, #tpu.memory_space<hbm>>) target(%dma_start3A_883 : memref<625x16xf32, #tpu.memory_space<vmem_shared>>) target_semaphore(%arg20 : memref<!tpu.dma_semaphore, #tpu.memory_space<semaphore_mem>>)
    %mul3A_886 = arith.constant 6250 : i32
    %mul3A_887 = arith.muli %arg1, %mul3A_886 : i32
    %add3A_888 = arith.constant 5000 : i32
    %add3A_889 = arith.addi %mul3A_887, %add3A_888 : i32
    %mul3A_890 = arith.constant 6250 : i32
    %mul3A_891 = arith.muli %arg1, %mul3A_890 : i32
    %add3A_892 = arith.constant 5000 : i32
    %add3A_893 = arith.addi %mul3A_891, %add3A_892 : i32
    %dma_start3A_894 = arith.constant 0 : i32
    %dma_start3A_895 = tpu.memref_slice %arg10[%add3A_893, %dma_start3A_894] : memref<100000x16xf32, #tpu.memory_space<vmem_shared>> -> memref<625x16xf32, #tpu.memory_space<vmem_shared>>
    %dma_start3A_896 = arith.constant 0 : i32
    %dma_start3A_897 = tpu.memref_slice %arg3[%add3A_889, %dma_start3A_896] : memref<100000x128xf32, #tpu.memory_space<hbm>> -> memref<625x16xf32, #tpu.memory_space<hbm>>
    tpu.enqueue_dma source(%dma_start3A_897 : memref<625x16xf32, #tpu.memory_space<hbm>>) target(%dma_start3A_895 : memref<625x16xf32, #tpu.memory_space<vmem_shared>>) target_semaphore(%arg20 : memref<!tpu.dma_semaphore, #tpu.memory_space<semaphore_mem>>)
    %mul3A_898 = arith.constant 6250 : i32
    %mul3A_899 = arith.muli %arg1, %mul3A_898 : i32
    %add3A_900 = arith.constant 5625 : i32
    %add3A_901 = arith.addi %mul3A_899, %add3A_900 : i32
    %mul3A_902 = arith.constant 6250 : i32
    %mul3A_903 = arith.muli %arg1, %mul3A_902 : i32
    %add3A_904 = arith.constant 5625 : i32
    %add3A_905 = arith.addi %mul3A_903, %add3A_904 : i32
    %dma_start3A_906 = arith.constant 0 : i32
    %dma_start3A_907 = tpu.memref_slice %arg10[%add3A_905, %dma_start3A_906] : memref<100000x16xf32, #tpu.memory_space<vmem_shared>> -> memref<625x16xf32, #tpu.memory_space<vmem_shared>>
    %dma_start3A_908 = arith.constant 0 : i32
    %dma_start3A_909 = tpu.memref_slice %arg3[%add3A_901, %dma_start3A_908] : memref<100000x128xf32, #tpu.memory_space<hbm>> -> memref<625x16xf32, #tpu.memory_space<hbm>>
    tpu.enqueue_dma source(%dma_start3A_909 : memref<625x16xf32, #tpu.memory_space<hbm>>) target(%dma_start3A_907 : memref<625x16xf32, #tpu.memory_space<vmem_shared>>) target_semaphore(%arg20 : memref<!tpu.dma_semaphore, #tpu.memory_space<semaphore_mem>>)
    %dma_wait3A = arith.constant 0 : i32
    %dma_wait3A_910 = arith.constant 0 : i32
    %dma_wait3A_911 = tpu.memref_slice %arg10[%dma_wait3A, %dma_wait3A_910] : memref<100000x16xf32, #tpu.memory_space<vmem_shared>> -> memref<625x16xf32, #tpu.memory_space<vmem_shared>>
    %dma_wait3A_912 = arith.constant 0 : i32
    %dma_wait3A_913 = arith.constant 0 : i32
    %dma_wait3A_914 = tpu.memref_slice %arg3[%dma_wait3A_912, %dma_wait3A_913] : memref<100000x128xf32, #tpu.memory_space<hbm>> -> memref<625x16xf32, #tpu.memory_space<hbm>>
    tpu.wait_dma2 semaphore(%arg20 : memref<!tpu.dma_semaphore, #tpu.memory_space<semaphore_mem>>) src(%dma_wait3A_914 : memref<625x16xf32, #tpu.memory_space<hbm>>) dst(%dma_wait3A_911 : memref<625x16xf32, #tpu.memory_space<vmem_shared>>)
    %dma_wait3A_915 = arith.constant 0 : i32
    %dma_wait3A_916 = arith.constant 0 : i32
    %dma_wait3A_917 = tpu.memref_slice %arg10[%dma_wait3A_915, %dma_wait3A_916] : memref<100000x16xf32, #tpu.memory_space<vmem_shared>> -> memref<625x16xf32, #tpu.memory_space<vmem_shared>>
    %dma_wait3A_918 = arith.constant 0 : i32
    %dma_wait3A_919 = arith.constant 0 : i32
    %dma_wait3A_920 = tpu.memref_slice %arg3[%dma_wait3A_918, %dma_wait3A_919] : memref<100000x128xf32, #tpu.memory_space<hbm>> -> memref<625x16xf32, #tpu.memory_space<hbm>>
    tpu.wait_dma2 semaphore(%arg20 : memref<!tpu.dma_semaphore, #tpu.memory_space<semaphore_mem>>) src(%dma_wait3A_920 : memref<625x16xf32, #tpu.memory_space<hbm>>) dst(%dma_wait3A_917 : memref<625x16xf32, #tpu.memory_space<vmem_shared>>)
    %dma_wait3A_921 = arith.constant 0 : i32
    %dma_wait3A_922 = arith.constant 0 : i32
    %dma_wait3A_923 = tpu.memref_slice %arg10[%dma_wait3A_921, %dma_wait3A_922] : memref<100000x16xf32, #tpu.memory_space<vmem_shared>> -> memref<625x16xf32, #tpu.memory_space<vmem_shared>>
    %dma_wait3A_924 = arith.constant 0 : i32
    %dma_wait3A_925 = arith.constant 0 : i32
    %dma_wait3A_926 = tpu.memref_slice %arg3[%dma_wait3A_924, %dma_wait3A_925] : memref<100000x128xf32, #tpu.memory_space<hbm>> -> memref<625x16xf32, #tpu.memory_space<hbm>>
    tpu.wait_dma2 semaphore(%arg20 : memref<!tpu.dma_semaphore, #tpu.memory_space<semaphore_mem>>) src(%dma_wait3A_926 : memref<625x16xf32, #tpu.memory_space<hbm>>) dst(%dma_wait3A_923 : memref<625x16xf32, #tpu.memory_space<vmem_shared>>)
    %dma_wait3A_927 = arith.constant 0 : i32
    %dma_wait3A_928 = arith.constant 0 : i32
    %dma_wait3A_929 = tpu.memref_slice %arg10[%dma_wait3A_927, %dma_wait3A_928] : memref<100000x16xf32, #tpu.memory_space<vmem_shared>> -> memref<625x16xf32, #tpu.memory_space<vmem_shared>>
    %dma_wait3A_930 = arith.constant 0 : i32
    %dma_wait3A_931 = arith.constant 0 : i32
    %dma_wait3A_932 = tpu.memref_slice %arg3[%dma_wait3A_930, %dma_wait3A_931] : memref<100000x128xf32, #tpu.memory_space<hbm>> -> memref<625x16xf32, #tpu.memory_space<hbm>>
    tpu.wait_dma2 semaphore(%arg20 : memref<!tpu.dma_semaphore, #tpu.memory_space<semaphore_mem>>) src(%dma_wait3A_932 : memref<625x16xf32, #tpu.memory_space<hbm>>) dst(%dma_wait3A_929 : memref<625x16xf32, #tpu.memory_space<vmem_shared>>)
    %dma_wait3A_933 = arith.constant 0 : i32
    %dma_wait3A_934 = arith.constant 0 : i32
    %dma_wait3A_935 = tpu.memref_slice %arg10[%dma_wait3A_933, %dma_wait3A_934] : memref<100000x16xf32, #tpu.memory_space<vmem_shared>> -> memref<625x16xf32, #tpu.memory_space<vmem_shared>>
    %dma_wait3A_936 = arith.constant 0 : i32
    %dma_wait3A_937 = arith.constant 0 : i32
    %dma_wait3A_938 = tpu.memref_slice %arg3[%dma_wait3A_936, %dma_wait3A_937] : memref<100000x128xf32, #tpu.memory_space<hbm>> -> memref<625x16xf32, #tpu.memory_space<hbm>>
    tpu.wait_dma2 semaphore(%arg20 : memref<!tpu.dma_semaphore, #tpu.memory_space<semaphore_mem>>) src(%dma_wait3A_938 : memref<625x16xf32, #tpu.memory_space<hbm>>) dst(%dma_wait3A_935 : memref<625x16xf32, #tpu.memory_space<vmem_shared>>)
    %dma_wait3A_939 = arith.constant 0 : i32
    %dma_wait3A_940 = arith.constant 0 : i32
    %dma_wait3A_941 = tpu.memref_slice %arg10[%dma_wait3A_939, %dma_wait3A_940] : memref<100000x16xf32, #tpu.memory_space<vmem_shared>> -> memref<625x16xf32, #tpu.memory_space<vmem_shared>>
    %dma_wait3A_942 = arith.constant 0 : i32
    %dma_wait3A_943 = arith.constant 0 : i32
    %dma_wait3A_944 = tpu.memref_slice %arg3[%dma_wait3A_942, %dma_wait3A_943] : memref<100000x128xf32, #tpu.memory_space<hbm>> -> memref<625x16xf32, #tpu.memory_space<hbm>>
    tpu.wait_dma2 semaphore(%arg20 : memref<!tpu.dma_semaphore, #tpu.memory_space<semaphore_mem>>) src(%dma_wait3A_944 : memref<625x16xf32, #tpu.memory_space<hbm>>) dst(%dma_wait3A_941 : memref<625x16xf32, #tpu.memory_space<vmem_shared>>)
    %dma_wait3A_945 = arith.constant 0 : i32
    %dma_wait3A_946 = arith.constant 0 : i32
    %dma_wait3A_947 = tpu.memref_slice %arg10[%dma_wait3A_945, %dma_wait3A_946] : memref<100000x16xf32, #tpu.memory_space<vmem_shared>> -> memref<625x16xf32, #tpu.memory_space<vmem_shared>>
    %dma_wait3A_948 = arith.constant 0 : i32
    %dma_wait3A_949 = arith.constant 0 : i32
    %dma_wait3A_950 = tpu.memref_slice %arg3[%dma_wait3A_948, %dma_wait3A_949] : memref<100000x128xf32, #tpu.memory_space<hbm>> -> memref<625x16xf32, #tpu.memory_space<hbm>>
    tpu.wait_dma2 semaphore(%arg20 : memref<!tpu.dma_semaphore, #tpu.memory_space<semaphore_mem>>) src(%dma_wait3A_950 : memref<625x16xf32, #tpu.memory_space<hbm>>) dst(%dma_wait3A_947 : memref<625x16xf32, #tpu.memory_space<vmem_shared>>)
    %dma_wait3A_951 = arith.constant 0 : i32
    %dma_wait3A_952 = arith.constant 0 : i32
    %dma_wait3A_953 = tpu.memref_slice %arg10[%dma_wait3A_951, %dma_wait3A_952] : memref<100000x16xf32, #tpu.memory_space<vmem_shared>> -> memref<625x16xf32, #tpu.memory_space<vmem_shared>>
    %dma_wait3A_954 = arith.constant 0 : i32
    %dma_wait3A_955 = arith.constant 0 : i32
    %dma_wait3A_956 = tpu.memref_slice %arg3[%dma_wait3A_954, %dma_wait3A_955] : memref<100000x128xf32, #tpu.memory_space<hbm>> -> memref<625x16xf32, #tpu.memory_space<hbm>>
    tpu.wait_dma2 semaphore(%arg20 : memref<!tpu.dma_semaphore, #tpu.memory_space<semaphore_mem>>) src(%dma_wait3A_956 : memref<625x16xf32, #tpu.memory_space<hbm>>) dst(%dma_wait3A_953 : memref<625x16xf32, #tpu.memory_space<vmem_shared>>)
    %dma_wait3A_957 = arith.constant 0 : i32
    %dma_wait3A_958 = arith.constant 0 : i32
    %dma_wait3A_959 = tpu.memref_slice %arg10[%dma_wait3A_957, %dma_wait3A_958] : memref<100000x16xf32, #tpu.memory_space<vmem_shared>> -> memref<625x16xf32, #tpu.memory_space<vmem_shared>>
    %dma_wait3A_960 = arith.constant 0 : i32
    %dma_wait3A_961 = arith.constant 0 : i32
    %dma_wait3A_962 = tpu.memref_slice %arg3[%dma_wait3A_960, %dma_wait3A_961] : memref<100000x128xf32, #tpu.memory_space<hbm>> -> memref<625x16xf32, #tpu.memory_space<hbm>>
    tpu.wait_dma2 semaphore(%arg20 : memref<!tpu.dma_semaphore, #tpu.memory_space<semaphore_mem>>) src(%dma_wait3A_962 : memref<625x16xf32, #tpu.memory_space<hbm>>) dst(%dma_wait3A_959 : memref<625x16xf32, #tpu.memory_space<vmem_shared>>)
    %dma_wait3A_963 = arith.constant 0 : i32
    %dma_wait3A_964 = arith.constant 0 : i32
    %dma_wait3A_965 = tpu.memref_slice %arg10[%dma_wait3A_963, %dma_wait3A_964] : memref<100000x16xf32, #tpu.memory_space<vmem_shared>> -> memref<625x16xf32, #tpu.memory_space<vmem_shared>>
    %dma_wait3A_966 = arith.constant 0 : i32
    %dma_wait3A_967 = arith.constant 0 : i32
    %dma_wait3A_968 = tpu.memref_slice %arg3[%dma_wait3A_966, %dma_wait3A_967] : memref<100000x128xf32, #tpu.memory_space<hbm>> -> memref<625x16xf32, #tpu.memory_space<hbm>>
    tpu.wait_dma2 semaphore(%arg20 : memref<!tpu.dma_semaphore, #tpu.memory_space<semaphore_mem>>) src(%dma_wait3A_968 : memref<625x16xf32, #tpu.memory_space<hbm>>) dst(%dma_wait3A_965 : memref<625x16xf32, #tpu.memory_space<vmem_shared>>)
    %barrier3A = arith.constant 0 : index
    tpu.barrier barrier_id(%barrier3A)
    %dma_start3A_969 = arith.constant 0 : i32
    %dma_start3A_970 = arith.constant 0 : i32
    %dma_start3A_971 = arith.constant 0 : i32
    %dma_start3A_972 = arith.constant 0 : i32
    %dma_start3A_973 = arith.constant 0 : i32
    %dma_start3A_974 = tpu.memref_slice %arg7[%dma_start3A_971, %dma_start3A_972, %dma_start3A_973] : memref<8x128x16xf32, #tpu.memory_space<vmem>> -> memref<1x128x16xf32, #tpu.memory_space<vmem>>
    %dma_start3A_975 = tpu.memref_squeeze %dma_start3A_974 : memref<1x128x16xf32, #tpu.memory_space<vmem>> -> memref<128x16xf32, #tpu.memory_space<vmem>>
    %dma_start3A_976 = arith.constant 0 : i32
    %dma_start3A_977 = tpu.memref_slice %arg6[%dma_start3A_969, %dma_start3A_970, %dma_start3A_976] : memref<3x8x128xi32, #tpu.memory_space<vmem>> -> memref<1x1x128xi32, #tpu.memory_space<vmem>>
    %dma_start3A_978 = tpu.memref_squeeze %dma_start3A_977 : memref<1x1x128xi32, #tpu.memory_space<vmem>> -> memref<128xi32, #tpu.memory_space<vmem>>
    %dma_start3A_979 = arith.constant 0 : i32
    %dma_start3A_980 = arith.constant 0 : i32
    %dma_start3A_981 = tpu.memref_slice %arg10[%dma_start3A_979, %dma_start3A_980] : memref<100000x16xf32, #tpu.memory_space<vmem_shared>> -> memref<100000x16xf32, #tpu.memory_space<vmem_shared>>
    tpu.enqueue_indirect_dma source(%dma_start3A_981 : memref<100000x16xf32, #tpu.memory_space<vmem_shared>>) target(%dma_start3A_975 : memref<128x16xf32, #tpu.memory_space<vmem>>) offsets(%dma_start3A_978 : memref<128xi32, #tpu.memory_space<vmem>>) semaphore(%arg11 : memref<!tpu.dma_semaphore, #tpu.memory_space<semaphore_mem>>)
    %dma_start3A_982 = arith.constant 0 : i32
    %dma_start3A_983 = arith.constant 1 : i32
    %dma_start3A_984 = arith.constant 1 : i32
    %dma_start3A_985 = arith.constant 0 : i32
    %dma_start3A_986 = arith.constant 0 : i32
    %dma_start3A_987 = tpu.memref_slice %arg7[%dma_start3A_984, %dma_start3A_985, %dma_start3A_986] : memref<8x128x16xf32, #tpu.memory_space<vmem>> -> memref<1x128x16xf32, #tpu.memory_space<vmem>>
    %dma_start3A_988 = tpu.memref_squeeze %dma_start3A_987 : memref<1x128x16xf32, #tpu.memory_space<vmem>> -> memref<128x16xf32, #tpu.memory_space<vmem>>
    %dma_start3A_989 = arith.constant 0 : i32
    %dma_start3A_990 = tpu.memref_slice %arg6[%dma_start3A_982, %dma_start3A_983, %dma_start3A_989] : memref<3x8x128xi32, #tpu.memory_space<vmem>> -> memref<1x1x128xi32, #tpu.memory_space<vmem>>
    %dma_start3A_991 = tpu.memref_squeeze %dma_start3A_990 : memref<1x1x128xi32, #tpu.memory_space<vmem>> -> memref<128xi32, #tpu.memory_space<vmem>>
    %dma_start3A_992 = arith.constant 0 : i32
    %dma_start3A_993 = arith.constant 0 : i32
    %dma_start3A_994 = tpu.memref_slice %arg10[%dma_start3A_992, %dma_start3A_993] : memref<100000x16xf32, #tpu.memory_space<vmem_shared>> -> memref<100000x16xf32, #tpu.memory_space<vmem_shared>>
    tpu.enqueue_indirect_dma source(%dma_start3A_994 : memref<100000x16xf32, #tpu.memory_space<vmem_shared>>) target(%dma_start3A_988 : memref<128x16xf32, #tpu.memory_space<vmem>>) offsets(%dma_start3A_991 : memref<128xi32, #tpu.memory_space<vmem>>) semaphore(%arg12 : memref<!tpu.dma_semaphore, #tpu.memory_space<semaphore_mem>>)
    %dma_start3A_995 = arith.constant 0 : i32
    %dma_start3A_996 = arith.constant 2 : i32
    %dma_start3A_997 = arith.constant 2 : i32
    %dma_start3A_998 = arith.constant 0 : i32
    %dma_start3A_999 = arith.constant 0 : i32
    %dma_start3A_1000 = tpu.memref_slice %arg7[%dma_start3A_997, %dma_start3A_998, %dma_start3A_999] : memref<8x128x16xf32, #tpu.memory_space<vmem>> -> memref<1x128x16xf32, #tpu.memory_space<vmem>>
    %dma_start3A_1001 = tpu.memref_squeeze %dma_start3A_1000 : memref<1x128x16xf32, #tpu.memory_space<vmem>> -> memref<128x16xf32, #tpu.memory_space<vmem>>
    %dma_start3A_1002 = arith.constant 0 : i32
    %dma_start3A_1003 = tpu.memref_slice %arg6[%dma_start3A_995, %dma_start3A_996, %dma_start3A_1002] : memref<3x8x128xi32, #tpu.memory_space<vmem>> -> memref<1x1x128xi32, #tpu.memory_space<vmem>>
    %dma_start3A_1004 = tpu.memref_squeeze %dma_start3A_1003 : memref<1x1x128xi32, #tpu.memory_space<vmem>> -> memref<128xi32, #tpu.memory_space<vmem>>
    %dma_start3A_1005 = arith.constant 0 : i32
    %dma_start3A_1006 = arith.constant 0 : i32
    %dma_start3A_1007 = tpu.memref_slice %arg10[%dma_start3A_1005, %dma_start3A_1006] : memref<100000x16xf32, #tpu.memory_space<vmem_shared>> -> memref<100000x16xf32, #tpu.memory_space<vmem_shared>>
    tpu.enqueue_indirect_dma source(%dma_start3A_1007 : memref<100000x16xf32, #tpu.memory_space<vmem_shared>>) target(%dma_start3A_1001 : memref<128x16xf32, #tpu.memory_space<vmem>>) offsets(%dma_start3A_1004 : memref<128xi32, #tpu.memory_space<vmem>>) semaphore(%arg13 : memref<!tpu.dma_semaphore, #tpu.memory_space<semaphore_mem>>)
    %dma_start3A_1008 = arith.constant 0 : i32
    %dma_start3A_1009 = arith.constant 3 : i32
    %dma_start3A_1010 = arith.constant 3 : i32
    %dma_start3A_1011 = arith.constant 0 : i32
    %dma_start3A_1012 = arith.constant 0 : i32
    %dma_start3A_1013 = tpu.memref_slice %arg7[%dma_start3A_1010, %dma_start3A_1011, %dma_start3A_1012] : memref<8x128x16xf32, #tpu.memory_space<vmem>> -> memref<1x128x16xf32, #tpu.memory_space<vmem>>
    %dma_start3A_1014 = tpu.memref_squeeze %dma_start3A_1013 : memref<1x128x16xf32, #tpu.memory_space<vmem>> -> memref<128x16xf32, #tpu.memory_space<vmem>>
    %dma_start3A_1015 = arith.constant 0 : i32
    %dma_start3A_1016 = tpu.memref_slice %arg6[%dma_start3A_1008, %dma_start3A_1009, %dma_start3A_1015] : memref<3x8x128xi32, #tpu.memory_space<vmem>> -> memref<1x1x128xi32, #tpu.memory_space<vmem>>
    %dma_start3A_1017 = tpu.memref_squeeze %dma_start3A_1016 : memref<1x1x128xi32, #tpu.memory_space<vmem>> -> memref<128xi32, #tpu.memory_space<vmem>>
    %dma_start3A_1018 = arith.constant 0 : i32
    %dma_start3A_1019 = arith.constant 0 : i32
    %dma_start3A_1020 = tpu.memref_slice %arg10[%dma_start3A_1018, %dma_start3A_1019] : memref<100000x16xf32, #tpu.memory_space<vmem_shared>> -> memref<100000x16xf32, #tpu.memory_space<vmem_shared>>
    tpu.enqueue_indirect_dma source(%dma_start3A_1020 : memref<100000x16xf32, #tpu.memory_space<vmem_shared>>) target(%dma_start3A_1014 : memref<128x16xf32, #tpu.memory_space<vmem>>) offsets(%dma_start3A_1017 : memref<128xi32, #tpu.memory_space<vmem>>) semaphore(%arg14 : memref<!tpu.dma_semaphore, #tpu.memory_space<semaphore_mem>>)
    %dma_start3A_1021 = arith.constant 0 : i32
    %dma_start3A_1022 = arith.constant 4 : i32
    %dma_start3A_1023 = arith.constant 4 : i32
    %dma_start3A_1024 = arith.constant 0 : i32
    %dma_start3A_1025 = arith.constant 0 : i32
    %dma_start3A_1026 = tpu.memref_slice %arg7[%dma_start3A_1023, %dma_start3A_1024, %dma_start3A_1025] : memref<8x128x16xf32, #tpu.memory_space<vmem>> -> memref<1x128x16xf32, #tpu.memory_space<vmem>>
    %dma_start3A_1027 = tpu.memref_squeeze %dma_start3A_1026 : memref<1x128x16xf32, #tpu.memory_space<vmem>> -> memref<128x16xf32, #tpu.memory_space<vmem>>
    %dma_start3A_1028 = arith.constant 0 : i32
    %dma_start3A_1029 = tpu.memref_slice %arg6[%dma_start3A_1021, %dma_start3A_1022, %dma_start3A_1028] : memref<3x8x128xi32, #tpu.memory_space<vmem>> -> memref<1x1x128xi32, #tpu.memory_space<vmem>>
    %dma_start3A_1030 = tpu.memref_squeeze %dma_start3A_1029 : memref<1x1x128xi32, #tpu.memory_space<vmem>> -> memref<128xi32, #tpu.memory_space<vmem>>
    %dma_start3A_1031 = arith.constant 0 : i32
    %dma_start3A_1032 = arith.constant 0 : i32
    %dma_start3A_1033 = tpu.memref_slice %arg10[%dma_start3A_1031, %dma_start3A_1032] : memref<100000x16xf32, #tpu.memory_space<vmem_shared>> -> memref<100000x16xf32, #tpu.memory_space<vmem_shared>>
    tpu.enqueue_indirect_dma source(%dma_start3A_1033 : memref<100000x16xf32, #tpu.memory_space<vmem_shared>>) target(%dma_start3A_1027 : memref<128x16xf32, #tpu.memory_space<vmem>>) offsets(%dma_start3A_1030 : memref<128xi32, #tpu.memory_space<vmem>>) semaphore(%arg15 : memref<!tpu.dma_semaphore, #tpu.memory_space<semaphore_mem>>)
    %dma_start3A_1034 = arith.constant 0 : i32
    %dma_start3A_1035 = arith.constant 5 : i32
    %dma_start3A_1036 = arith.constant 5 : i32
    %dma_start3A_1037 = arith.constant 0 : i32
    %dma_start3A_1038 = arith.constant 0 : i32
    %dma_start3A_1039 = tpu.memref_slice %arg7[%dma_start3A_1036, %dma_start3A_1037, %dma_start3A_1038] : memref<8x128x16xf32, #tpu.memory_space<vmem>> -> memref<1x128x16xf32, #tpu.memory_space<vmem>>
    %dma_start3A_1040 = tpu.memref_squeeze %dma_start3A_1039 : memref<1x128x16xf32, #tpu.memory_space<vmem>> -> memref<128x16xf32, #tpu.memory_space<vmem>>
    %dma_start3A_1041 = arith.constant 0 : i32
    %dma_start3A_1042 = tpu.memref_slice %arg6[%dma_start3A_1034, %dma_start3A_1035, %dma_start3A_1041] : memref<3x8x128xi32, #tpu.memory_space<vmem>> -> memref<1x1x128xi32, #tpu.memory_space<vmem>>
    %dma_start3A_1043 = tpu.memref_squeeze %dma_start3A_1042 : memref<1x1x128xi32, #tpu.memory_space<vmem>> -> memref<128xi32, #tpu.memory_space<vmem>>
    %dma_start3A_1044 = arith.constant 0 : i32
    %dma_start3A_1045 = arith.constant 0 : i32
    %dma_start3A_1046 = tpu.memref_slice %arg10[%dma_start3A_1044, %dma_start3A_1045] : memref<100000x16xf32, #tpu.memory_space<vmem_shared>> -> memref<100000x16xf32, #tpu.memory_space<vmem_shared>>
    tpu.enqueue_indirect_dma source(%dma_start3A_1046 : memref<100000x16xf32, #tpu.memory_space<vmem_shared>>) target(%dma_start3A_1040 : memref<128x16xf32, #tpu.memory_space<vmem>>) offsets(%dma_start3A_1043 : memref<128xi32, #tpu.memory_space<vmem>>) semaphore(%arg16 : memref<!tpu.dma_semaphore, #tpu.memory_space<semaphore_mem>>)
    %dma_start3A_1047 = arith.constant 0 : i32
    %dma_start3A_1048 = arith.constant 6 : i32
    %dma_start3A_1049 = arith.constant 6 : i32
    %dma_start3A_1050 = arith.constant 0 : i32
    %dma_start3A_1051 = arith.constant 0 : i32
    %dma_start3A_1052 = tpu.memref_slice %arg7[%dma_start3A_1049, %dma_start3A_1050, %dma_start3A_1051] : memref<8x128x16xf32, #tpu.memory_space<vmem>> -> memref<1x128x16xf32, #tpu.memory_space<vmem>>
    %dma_start3A_1053 = tpu.memref_squeeze %dma_start3A_1052 : memref<1x128x16xf32, #tpu.memory_space<vmem>> -> memref<128x16xf32, #tpu.memory_space<vmem>>
    %dma_start3A_1054 = arith.constant 0 : i32
    %dma_start3A_1055 = tpu.memref_slice %arg6[%dma_start3A_1047, %dma_start3A_1048, %dma_start3A_1054] : memref<3x8x128xi32, #tpu.memory_space<vmem>> -> memref<1x1x128xi32, #tpu.memory_space<vmem>>
    %dma_start3A_1056 = tpu.memref_squeeze %dma_start3A_1055 : memref<1x1x128xi32, #tpu.memory_space<vmem>> -> memref<128xi32, #tpu.memory_space<vmem>>
    %dma_start3A_1057 = arith.constant 0 : i32
    %dma_start3A_1058 = arith.constant 0 : i32
    %dma_start3A_1059 = tpu.memref_slice %arg10[%dma_start3A_1057, %dma_start3A_1058] : memref<100000x16xf32, #tpu.memory_space<vmem_shared>> -> memref<100000x16xf32, #tpu.memory_space<vmem_shared>>
    tpu.enqueue_indirect_dma source(%dma_start3A_1059 : memref<100000x16xf32, #tpu.memory_space<vmem_shared>>) target(%dma_start3A_1053 : memref<128x16xf32, #tpu.memory_space<vmem>>) offsets(%dma_start3A_1056 : memref<128xi32, #tpu.memory_space<vmem>>) semaphore(%arg17 : memref<!tpu.dma_semaphore, #tpu.memory_space<semaphore_mem>>)
    %dma_start3A_1060 = arith.constant 0 : i32
    %dma_start3A_1061 = arith.constant 7 : i32
    %dma_start3A_1062 = arith.constant 7 : i32
    %dma_start3A_1063 = arith.constant 0 : i32
    %dma_start3A_1064 = arith.constant 0 : i32
    %dma_start3A_1065 = tpu.memref_slice %arg7[%dma_start3A_1062, %dma_start3A_1063, %dma_start3A_1064] : memref<8x128x16xf32, #tpu.memory_space<vmem>> -> memref<1x128x16xf32, #tpu.memory_space<vmem>>
    %dma_start3A_1066 = tpu.memref_squeeze %dma_start3A_1065 : memref<1x128x16xf32, #tpu.memory_space<vmem>> -> memref<128x16xf32, #tpu.memory_space<vmem>>
    %dma_start3A_1067 = arith.constant 0 : i32
    %dma_start3A_1068 = tpu.memref_slice %arg6[%dma_start3A_1060, %dma_start3A_1061, %dma_start3A_1067] : memref<3x8x128xi32, #tpu.memory_space<vmem>> -> memref<1x1x128xi32, #tpu.memory_space<vmem>>
    %dma_start3A_1069 = tpu.memref_squeeze %dma_start3A_1068 : memref<1x1x128xi32, #tpu.memory_space<vmem>> -> memref<128xi32, #tpu.memory_space<vmem>>
    %dma_start3A_1070 = arith.constant 0 : i32
    %dma_start3A_1071 = arith.constant 0 : i32
    %dma_start3A_1072 = tpu.memref_slice %arg10[%dma_start3A_1070, %dma_start3A_1071] : memref<100000x16xf32, #tpu.memory_space<vmem_shared>> -> memref<100000x16xf32, #tpu.memory_space<vmem_shared>>
    tpu.enqueue_indirect_dma source(%dma_start3A_1072 : memref<100000x16xf32, #tpu.memory_space<vmem_shared>>) target(%dma_start3A_1066 : memref<128x16xf32, #tpu.memory_space<vmem>>) offsets(%dma_start3A_1069 : memref<128xi32, #tpu.memory_space<vmem>>) semaphore(%arg18 : memref<!tpu.dma_semaphore, #tpu.memory_space<semaphore_mem>>)
    %scan3A = arith.constant 0 : i32
    %scan3A_1073 = arith.constant 0 : i32
    %scan3A_1074 = arith.constant 25 : i32
    %scan3A_1075 = arith.addi %scan3A_1073, %scan3A_1074 : i32
    %scan3A_1076 = arith.constant 1 : i32
    scf.for %scan3A_1078 = %scan3A_1073 to %scan3A_1075 step %scan3A_1076  : i32 {
      %lt3A = arith.constant 24 : i32
      %lt3A_1079 = arith.cmpi slt, %scan3A_1078, %lt3A : i32
      %convert_element_type3A = arith.extui %lt3A_1079 : i1 to i32
      %cond3A = arith.constant 0 : i32
      %cond3A_1080 = arith.cmpi ne, %convert_element_type3A, %cond3A : i32
      scf.if %cond3A_1080 {
        %dma_wait3A_1229 = arith.constant 0 : i32
        %dma_wait3A_1230 = arith.constant 0 : i32
        %dma_wait3A_1231 = arith.constant 0 : i32
        %dma_wait3A_1232 = arith.constant 0 : i32
        %dma_wait3A_1233 = tpu.memref_slice %arg6[%dma_wait3A_1230, %dma_wait3A_1231, %dma_wait3A_1232] : memref<3x8x128xi32, #tpu.memory_space<vmem>> -> memref<1x8x128xi32, #tpu.memory_space<vmem>>
        %dma_wait3A_1234 = tpu.memref_squeeze %dma_wait3A_1233 : memref<1x8x128xi32, #tpu.memory_space<vmem>> -> memref<8x128xi32, #tpu.memory_space<vmem>>
        %dma_wait3A_1235 = arith.constant 0 : i32
        %dma_wait3A_1236 = arith.constant 0 : i32
        %dma_wait3A_1237 = tpu.memref_slice %arg2[%dma_wait3A_1229, %add3A, %dma_wait3A_1235, %dma_wait3A_1236] : memref<25x32x8x128xi32, #tpu.memory_space<hbm>> -> memref<1x1x8x128xi32, #tpu.memory_space<hbm>>
        %dma_wait3A_1238 = tpu.memref_squeeze %dma_wait3A_1237 : memref<1x1x8x128xi32, #tpu.memory_space<hbm>> -> memref<8x128xi32, #tpu.memory_space<hbm>>
        %dma_wait3A_1239 = arith.constant 0 : i32
        %dma_wait3A_1240 = arith.constant 0 : i32
        %dma_wait3A_1241 = tpu.memref_slice %arg6[%dma_wait3A_1230, %dma_wait3A_1239, %dma_wait3A_1240] : memref<3x8x128xi32, #tpu.memory_space<vmem>> -> memref<1x8x128xi32, #tpu.memory_space<vmem>>
        %dma_wait3A_1242 = tpu.memref_squeeze %dma_wait3A_1241 : memref<1x8x128xi32, #tpu.memory_space<vmem>> -> memref<8x128xi32, #tpu.memory_space<vmem>>
        %dma_wait3A_1243 = arith.constant 0 : i32
        %dma_wait3A_1244 = arith.constant 0 : i32
        %dma_wait3A_1245 = tpu.memref_slice %arg2[%dma_wait3A_1229, %add3A, %dma_wait3A_1243, %dma_wait3A_1244] : memref<25x32x8x128xi32, #tpu.memory_space<hbm>> -> memref<1x1x8x128xi32, #tpu.memory_space<hbm>>
        %dma_wait3A_1246 = tpu.memref_squeeze %dma_wait3A_1245 : memref<1x1x8x128xi32, #tpu.memory_space<hbm>> -> memref<8x128xi32, #tpu.memory_space<hbm>>
        tpu.wait_dma2 semaphore(%arg19 : memref<!tpu.dma_semaphore, #tpu.memory_space<semaphore_mem>>) src(%dma_wait3A_1246 : memref<8x128xi32, #tpu.memory_space<hbm>>) dst(%dma_wait3A_1242 : memref<8x128xi32, #tpu.memory_space<vmem>>)
      } else {
      }
      %add3A_1081 = arith.constant 2 : i32
      %add3A_1082 = arith.addi %scan3A_1078, %add3A_1081 : i32
      %lt3A_1083 = arith.constant 25 : i32
      %lt3A_1084 = arith.cmpi slt, %add3A_1082, %lt3A_1083 : i32
      %convert_element_type3A_1085 = arith.extui %lt3A_1084 : i1 to i32
      %cond3A_1086 = arith.constant 0 : i32
      %cond3A_1087 = arith.cmpi ne, %convert_element_type3A_1085, %cond3A_1086 : i32
      scf.if %cond3A_1087 {
        %add3A_1229 = arith.constant 2 : i32
        %add3A_1230 = arith.addi %scan3A_1078, %add3A_1229 : i32
        %add3A_1231 = arith.constant 2 : i32
        %add3A_1232 = arith.addi %scan3A_1078, %add3A_1231 : i32
        %rem3A_1233 = arith.constant 3 : i32
        %rem3A_1234 = arith.remsi %add3A_1232, %rem3A_1233 : i32
        %dma_start3A_1235 = arith.constant 0 : i32
        %dma_start3A_1236 = arith.constant 0 : i32
        %dma_start3A_1237 = tpu.memref_slice %arg6[%rem3A_1234, %dma_start3A_1235, %dma_start3A_1236] : memref<3x8x128xi32, #tpu.memory_space<vmem>> -> memref<1x8x128xi32, #tpu.memory_space<vmem>>
        %dma_start3A_1238 = tpu.memref_squeeze %dma_start3A_1237 : memref<1x8x128xi32, #tpu.memory_space<vmem>> -> memref<8x128xi32, #tpu.memory_space<vmem>>
        %dma_start3A_1239 = arith.constant 0 : i32
        %dma_start3A_1240 = arith.constant 0 : i32
        %dma_start3A_1241 = tpu.memref_slice %arg2[%add3A_1230, %add3A, %dma_start3A_1239, %dma_start3A_1240] : memref<25x32x8x128xi32, #tpu.memory_space<hbm>> -> memref<1x1x8x128xi32, #tpu.memory_space<hbm>>
        %dma_start3A_1242 = tpu.memref_squeeze %dma_start3A_1241 : memref<1x1x8x128xi32, #tpu.memory_space<hbm>> -> memref<8x128xi32, #tpu.memory_space<hbm>>
        %dma_start3A_1243 = arith.constant 0 : i32
        %dma_start3A_1244 = arith.constant 0 : i32
        %dma_start3A_1245 = tpu.memref_slice %arg6[%rem3A_1234, %dma_start3A_1243, %dma_start3A_1244] : memref<3x8x128xi32, #tpu.memory_space<vmem>> -> memref<1x8x128xi32, #tpu.memory_space<vmem>>
        %dma_start3A_1246 = tpu.memref_squeeze %dma_start3A_1245 : memref<1x8x128xi32, #tpu.memory_space<vmem>> -> memref<8x128xi32, #tpu.memory_space<vmem>>
        %dma_start3A_1247 = arith.constant 0 : i32
        %dma_start3A_1248 = arith.constant 0 : i32
        %dma_start3A_1249 = tpu.memref_slice %arg2[%add3A_1230, %add3A, %dma_start3A_1247, %dma_start3A_1248] : memref<25x32x8x128xi32, #tpu.memory_space<hbm>> -> memref<1x1x8x128xi32, #tpu.memory_space<hbm>>
        %dma_start3A_1250 = tpu.memref_squeeze %dma_start3A_1249 : memref<1x1x8x128xi32, #tpu.memory_space<hbm>> -> memref<8x128xi32, #tpu.memory_space<hbm>>
        tpu.enqueue_dma source(%dma_start3A_1250 : memref<8x128xi32, #tpu.memory_space<hbm>>) target(%dma_start3A_1246 : memref<8x128xi32, #tpu.memory_space<vmem>>) target_semaphore(%arg19 : memref<!tpu.dma_semaphore, #tpu.memory_space<semaphore_mem>>)
      } else {
      }
      %add3A_1088 = arith.constant 1 : i32
      %add3A_1089 = arith.addi %scan3A_1078, %add3A_1088 : i32
      %rem3A = arith.constant 3 : i32
      %rem3A_1090 = arith.remsi %add3A_1089, %rem3A : i32
      %mul3A_1091 = arith.constant 8 : i32
      %mul3A_1092 = arith.muli %mul3A_1091, %scan3A_1078 : i32
      %add3A_1093 = arith.constant 0 : i32
      %add3A_1094 = arith.addi %mul3A_1092, %add3A_1093 : i32
      %dma_wait3A_1095 = arith.constant 0 : i32
      %dma_wait3A_1096 = arith.constant 0 : i32
      %dma_wait3A_1097 = arith.constant 0 : i32
      %dma_wait3A_1098 = arith.constant 0 : i32
      %dma_wait3A_1099 = arith.constant 0 : i32
      %dma_wait3A_1100 = tpu.memref_slice %arg7[%dma_wait3A_1097, %dma_wait3A_1098, %dma_wait3A_1099] : memref<8x128x16xf32, #tpu.memory_space<vmem>> -> memref<1x128x16xf32, #tpu.memory_space<vmem>>
      %dma_wait3A_1101 = tpu.memref_squeeze %dma_wait3A_1100 : memref<1x128x16xf32, #tpu.memory_space<vmem>> -> memref<128x16xf32, #tpu.memory_space<vmem>>
      %dma_wait3A_1102 = arith.constant 0 : i32
      %dma_wait3A_1103 = tpu.memref_slice %arg6[%dma_wait3A_1095, %dma_wait3A_1096, %dma_wait3A_1102] : memref<3x8x128xi32, #tpu.memory_space<vmem>> -> memref<1x1x128xi32, #tpu.memory_space<vmem>>
      %dma_wait3A_1104 = tpu.memref_squeeze %dma_wait3A_1103 : memref<1x1x128xi32, #tpu.memory_space<vmem>> -> memref<128xi32, #tpu.memory_space<vmem>>
      %dma_wait3A_1105 = arith.constant 0 : i32
      %dma_wait3A_1106 = arith.constant 0 : i32
      %dma_wait3A_1107 = tpu.memref_slice %arg10[%dma_wait3A_1105, %dma_wait3A_1106] : memref<100000x16xf32, #tpu.memory_space<vmem_shared>> -> memref<100000x16xf32, #tpu.memory_space<vmem_shared>>
      tpu.wait_indirect_dma semaphore(%arg11 : memref<!tpu.dma_semaphore, #tpu.memory_space<semaphore_mem>>) src(%dma_wait3A_1107 : memref<100000x16xf32, #tpu.memory_space<vmem_shared>>) dst(%dma_wait3A_1101 : memref<128x16xf32, #tpu.memory_space<vmem>>)
      %dma_wait3A_1108 = arith.constant 0 : i32
      %dma_wait3A_1109 = arith.constant 0 : i32
      %dma_wait3A_1110 = arith.constant 1 : i32
      %dma_wait3A_1111 = arith.constant 0 : i32
      %dma_wait3A_1112 = arith.constant 0 : i32
      %dma_wait3A_1113 = tpu.memref_slice %arg7[%dma_wait3A_1110, %dma_wait3A_1111, %dma_wait3A_1112] : memref<8x128x16xf32, #tpu.memory_space<vmem>> -> memref<1x128x16xf32, #tpu.memory_space<vmem>>
      %dma_wait3A_1114 = tpu.memref_squeeze %dma_wait3A_1113 : memref<1x128x16xf32, #tpu.memory_space<vmem>> -> memref<128x16xf32, #tpu.memory_space<vmem>>
      %dma_wait3A_1115 = arith.constant 0 : i32
      %dma_wait3A_1116 = tpu.memref_slice %arg6[%dma_wait3A_1108, %dma_wait3A_1109, %dma_wait3A_1115] : memref<3x8x128xi32, #tpu.memory_space<vmem>> -> memref<1x1x128xi32, #tpu.memory_space<vmem>>
      %dma_wait3A_1117 = tpu.memref_squeeze %dma_wait3A_1116 : memref<1x1x128xi32, #tpu.memory_space<vmem>> -> memref<128xi32, #tpu.memory_space<vmem>>
      %dma_wait3A_1118 = arith.constant 0 : i32
      %dma_wait3A_1119 = arith.constant 0 : i32
      %dma_wait3A_1120 = tpu.memref_slice %arg10[%dma_wait3A_1118, %dma_wait3A_1119] : memref<100000x16xf32, #tpu.memory_space<vmem_shared>> -> memref<100000x16xf32, #tpu.memory_space<vmem_shared>>
      tpu.wait_indirect_dma semaphore(%arg12 : memref<!tpu.dma_semaphore, #tpu.memory_space<semaphore_mem>>) src(%dma_wait3A_1120 : memref<100000x16xf32, #tpu.memory_space<vmem_shared>>) dst(%dma_wait3A_1114 : memref<128x16xf32, #tpu.memory_space<vmem>>)
      %dma_wait3A_1121 = arith.constant 0 : i32
      %dma_wait3A_1122 = arith.constant 0 : i32
      %dma_wait3A_1123 = arith.constant 2 : i32
      %dma_wait3A_1124 = arith.constant 0 : i32
      %dma_wait3A_1125 = arith.constant 0 : i32
      %dma_wait3A_1126 = tpu.memref_slice %arg7[%dma_wait3A_1123, %dma_wait3A_1124, %dma_wait3A_1125] : memref<8x128x16xf32, #tpu.memory_space<vmem>> -> memref<1x128x16xf32, #tpu.memory_space<vmem>>
      %dma_wait3A_1127 = tpu.memref_squeeze %dma_wait3A_1126 : memref<1x128x16xf32, #tpu.memory_space<vmem>> -> memref<128x16xf32, #tpu.memory_space<vmem>>
      %dma_wait3A_1128 = arith.constant 0 : i32
      %dma_wait3A_1129 = tpu.memref_slice %arg6[%dma_wait3A_1121, %dma_wait3A_1122, %dma_wait3A_1128] : memref<3x8x128xi32, #tpu.memory_space<vmem>> -> memref<1x1x128xi32, #tpu.memory_space<vmem>>
      %dma_wait3A_1130 = tpu.memref_squeeze %dma_wait3A_1129 : memref<1x1x128xi32, #tpu.memory_space<vmem>> -> memref<128xi32, #tpu.memory_space<vmem>>
      %dma_wait3A_1131 = arith.constant 0 : i32
      %dma_wait3A_1132 = arith.constant 0 : i32
      %dma_wait3A_1133 = tpu.memref_slice %arg10[%dma_wait3A_1131, %dma_wait3A_1132] : memref<100000x16xf32, #tpu.memory_space<vmem_shared>> -> memref<100000x16xf32, #tpu.memory_space<vmem_shared>>
      tpu.wait_indirect_dma semaphore(%arg13 : memref<!tpu.dma_semaphore, #tpu.memory_space<semaphore_mem>>) src(%dma_wait3A_1133 : memref<100000x16xf32, #tpu.memory_space<vmem_shared>>) dst(%dma_wait3A_1127 : memref<128x16xf32, #tpu.memory_space<vmem>>)
      %dma_wait3A_1134 = arith.constant 0 : i32
      %dma_wait3A_1135 = arith.constant 0 : i32
      %dma_wait3A_1136 = arith.constant 3 : i32
      %dma_wait3A_1137 = arith.constant 0 : i32
      %dma_wait3A_1138 = arith.constant 0 : i32
      %dma_wait3A_1139 = tpu.memref_slice %arg7[%dma_wait3A_1136, %dma_wait3A_1137, %dma_wait3A_1138] : memref<8x128x16xf32, #tpu.memory_space<vmem>> -> memref<1x128x16xf32, #tpu.memory_space<vmem>>
      %dma_wait3A_1140 = tpu.memref_squeeze %dma_wait3A_1139 : memref<1x128x16xf32, #tpu.memory_space<vmem>> -> memref<128x16xf32, #tpu.memory_space<vmem>>
      %dma_wait3A_1141 = arith.constant 0 : i32
      %dma_wait3A_1142 = tpu.memref_slice %arg6[%dma_wait3A_1134, %dma_wait3A_1135, %dma_wait3A_1141] : memref<3x8x128xi32, #tpu.memory_space<vmem>> -> memref<1x1x128xi32, #tpu.memory_space<vmem>>
      %dma_wait3A_1143 = tpu.memref_squeeze %dma_wait3A_1142 : memref<1x1x128xi32, #tpu.memory_space<vmem>> -> memref<128xi32, #tpu.memory_space<vmem>>
      %dma_wait3A_1144 = arith.constant 0 : i32
      %dma_wait3A_1145 = arith.constant 0 : i32
      %dma_wait3A_1146 = tpu.memref_slice %arg10[%dma_wait3A_1144, %dma_wait3A_1145] : memref<100000x16xf32, #tpu.memory_space<vmem_shared>> -> memref<100000x16xf32, #tpu.memory_space<vmem_shared>>
      tpu.wait_indirect_dma semaphore(%arg14 : memref<!tpu.dma_semaphore, #tpu.memory_space<semaphore_mem>>) src(%dma_wait3A_1146 : memref<100000x16xf32, #tpu.memory_space<vmem_shared>>) dst(%dma_wait3A_1140 : memref<128x16xf32, #tpu.memory_space<vmem>>)
      %scan3A_1147 = arith.constant 0 : i32
      %scan3A_1148 = arith.constant 0 : i32
      %scan3A_1149 = arith.constant 8 : i32
      %scan3A_1150 = arith.addi %scan3A_1148, %scan3A_1149 : i32
      %scan3A_1151 = arith.constant 1 : i32
      scf.for %scan3A_1229 = %scan3A_1148 to %scan3A_1150 step %scan3A_1151  : i32 {
        %mul3A_1230 = arith.constant 16 : i32
        %mul3A_1231 = arith.muli %mul3A_1230, %scan3A_1229 : i32
        %add3A_1232 = arith.constant 0 : i32
        %add3A_1233 = arith.addi %mul3A_1231, %add3A_1232 : i32
        %get3A_1234 = arith.index_cast %add3A_1233 : i32 to index
        %get3A_1235 = arith.constant 0 : index
        %get3A_1236 = tpu.vector_load %arg8[%get3A_1234, %get3A_1235] {strides = array<i32>} : memref<128x16xf32, #tpu.memory_space<vmem>>, vector<1x16xf32>,
        %get3A_1237 = vector.shape_cast %get3A_1236 : vector<1x16xf32> to vector<16xf32>
        %get3A_1238 = arith.constant 0 : i32
        %get3A_1239 = arith.index_cast %get3A_1238 : i32 to index
        %get3A_1240 = arith.index_cast %add3A_1233 : i32 to index
        %get3A_1241 = arith.constant 0 : index
        %get3A_1242 = tpu.vector_load %arg7[%get3A_1239, %get3A_1240, %get3A_1241] {strides = array<i32>} : memref<8x128x16xf32, #tpu.memory_space<vmem>>, vector<1x1x16xf32>,
        %get3A_1243 = vector.shape_cast %get3A_1242 : vector<1x1x16xf32> to vector<16xf32>
        %get3A_1244 = arith.constant 1 : i32
        %get3A_1245 = arith.index_cast %get3A_1244 : i32 to index
        %get3A_1246 = arith.index_cast %add3A_1233 : i32 to index
        %get3A_1247 = arith.constant 0 : index
        %get3A_1248 = tpu.vector_load %arg7[%get3A_1245, %get3A_1246, %get3A_1247] {strides = array<i32>} : memref<8x128x16xf32, #tpu.memory_space<vmem>>, vector<1x1x16xf32>,
        %get3A_1249 = vector.shape_cast %get3A_1248 : vector<1x1x16xf32> to vector<16xf32>
        %add3A_1250 = arith.addf %get3A_1243, %get3A_1249 : vector<16xf32>
        %add3A_1251 = arith.addf %get3A_1237, %add3A_1250 : vector<16xf32>
        %get3A_1252 = arith.constant 2 : i32
        %get3A_1253 = arith.index_cast %get3A_1252 : i32 to index
        %get3A_1254 = arith.index_cast %add3A_1233 : i32 to index
        %get3A_1255 = arith.constant 0 : index
        %get3A_1256 = tpu.vector_load %arg7[%get3A_1253, %get3A_1254, %get3A_1255] {strides = array<i32>} : memref<8x128x16xf32, #tpu.memory_space<vmem>>, vector<1x1x16xf32>,
        %get3A_1257 = vector.shape_cast %get3A_1256 : vector<1x1x16xf32> to vector<16xf32>
        %get3A_1258 = arith.constant 3 : i32
        %get3A_1259 = arith.index_cast %get3A_1258 : i32 to index
        %get3A_1260 = arith.index_cast %add3A_1233 : i32 to index
        %get3A_1261 = arith.constant 0 : index
        %get3A_1262 = tpu.vector_load %arg7[%get3A_1259, %get3A_1260, %get3A_1261] {strides = array<i32>} : memref<8x128x16xf32, #tpu.memory_space<vmem>>, vector<1x1x16xf32>,
        %get3A_1263 = vector.shape_cast %get3A_1262 : vector<1x1x16xf32> to vector<16xf32>
        %add3A_1264 = arith.addf %get3A_1257, %get3A_1263 : vector<16xf32>
        %add3A_1265 = arith.addf %add3A_1251, %add3A_1264 : vector<16xf32>
        %swap3A_1266 = arith.index_cast %add3A_1233 : i32 to index
        %swap3A_1267 = arith.constant 0 : index
        %swap3A_1268 = tpu.vector_load %arg8[%swap3A_1266, %swap3A_1267] {strides = array<i32>} : memref<128x16xf32, #tpu.memory_space<vmem>>, vector<1x16xf32>,
        %swap3A_1269 = vector.shape_cast %swap3A_1268 : vector<1x16xf32> to vector<16xf32>
        %swap3A_1270 = vector.shape_cast %add3A_1265 : vector<16xf32> to vector<1x16xf32>
        tpu.vector_store %arg8[%swap3A_1266, %swap3A_1267], %swap3A_1270 {strides = array<i32>} : memref<128x16xf32, #tpu.memory_space<vmem>>, vector<1x16xf32>,
        %mul3A_1271 = arith.constant 16 : i32
        %mul3A_1272 = arith.muli %mul3A_1271, %scan3A_1229 : i32
        %add3A_1273 = arith.constant 1 : i32
        %add3A_1274 = arith.addi %mul3A_1272, %add3A_1273 : i32
        %get3A_1275 = arith.index_cast %add3A_1274 : i32 to index
        %get3A_1276 = arith.constant 0 : index
        %get3A_1277 = tpu.vector_load %arg8[%get3A_1275, %get3A_1276] {strides = array<i32>} : memref<128x16xf32, #tpu.memory_space<vmem>>, vector<1x16xf32>,
        %get3A_1278 = vector.shape_cast %get3A_1277 : vector<1x16xf32> to vector<16xf32>
        %get3A_1279 = arith.constant 0 : i32
        %get3A_1280 = arith.index_cast %get3A_1279 : i32 to index
        %get3A_1281 = arith.index_cast %add3A_1274 : i32 to index
        %get3A_1282 = arith.constant 0 : index
        %get3A_1283 = tpu.vector_load %arg7[%get3A_1280, %get3A_1281, %get3A_1282] {strides = array<i32>} : memref<8x128x16xf32, #tpu.memory_space<vmem>>, vector<1x1x16xf32>,
        %get3A_1284 = vector.shape_cast %get3A_1283 : vector<1x1x16xf32> to vector<16xf32>
        %get3A_1285 = arith.constant 1 : i32
        %get3A_1286 = arith.index_cast %get3A_1285 : i32 to index
        %get3A_1287 = arith.index_cast %add3A_1274 : i32 to index
        %get3A_1288 = arith.constant 0 : index
        %get3A_1289 = tpu.vector_load %arg7[%get3A_1286, %get3A_1287, %get3A_1288] {strides = array<i32>} : memref<8x128x16xf32, #tpu.memory_space<vmem>>, vector<1x1x16xf32>,
        %get3A_1290 = vector.shape_cast %get3A_1289 : vector<1x1x16xf32> to vector<16xf32>
        %add3A_1291 = arith.addf %get3A_1284, %get3A_1290 : vector<16xf32>
        %add3A_1292 = arith.addf %get3A_1278, %add3A_1291 : vector<16xf32>
        %get3A_1293 = arith.constant 2 : i32
        %get3A_1294 = arith.index_cast %get3A_1293 : i32 to index
        %get3A_1295 = arith.index_cast %add3A_1274 : i32 to index
        %get3A_1296 = arith.constant 0 : index
        %get3A_1297 = tpu.vector_load %arg7[%get3A_1294, %get3A_1295, %get3A_1296] {strides = array<i32>} : memref<8x128x16xf32, #tpu.memory_space<vmem>>, vector<1x1x16xf32>,
        %get3A_1298 = vector.shape_cast %get3A_1297 : vector<1x1x16xf32> to vector<16xf32>
        %get3A_1299 = arith.constant 3 : i32
        %get3A_1300 = arith.index_cast %get3A_1299 : i32 to index
        %get3A_1301 = arith.index_cast %add3A_1274 : i32 to index
        %get3A_1302 = arith.constant 0 : index
        %get3A_1303 = tpu.vector_load %arg7[%get3A_1300, %get3A_1301, %get3A_1302] {strides = array<i32>} : memref<8x128x16xf32, #tpu.memory_space<vmem>>, vector<1x1x16xf32>,
        %get3A_1304 = vector.shape_cast %get3A_1303 : vector<1x1x16xf32> to vector<16xf32>
        %add3A_1305 = arith.addf %get3A_1298, %get3A_1304 : vector<16xf32>
        %add3A_1306 = arith.addf %add3A_1292, %add3A_1305 : vector<16xf32>
        %swap3A_1307 = arith.index_cast %add3A_1274 : i32 to index
        %swap3A_1308 = arith.constant 0 : index
        %swap3A_1309 = tpu.vector_load %arg8[%swap3A_1307, %swap3A_1308] {strides = array<i32>} : memref<128x16xf32, #tpu.memory_space<vmem>>, vector<1x16xf32>,
        %swap3A_1310 = vector.shape_cast %swap3A_1309 : vector<1x16xf32> to vector<16xf32>
        %swap3A_1311 = vector.shape_cast %add3A_1306 : vector<16xf32> to vector<1x16xf32>
        tpu.vector_store %arg8[%swap3A_1307, %swap3A_1308], %swap3A_1311 {strides = array<i32>} : memref<128x16xf32, #tpu.memory_space<vmem>>, vector<1x16xf32>,
        %mul3A_1312 = arith.constant 16 : i32
        %mul3A_1313 = arith.muli %mul3A_1312, %scan3A_1229 : i32
        %add3A_1314 = arith.constant 2 : i32
        %add3A_1315 = arith.addi %mul3A_1313, %add3A_1314 : i32
        %get3A_1316 = arith.index_cast %add3A_1315 : i32 to index
        %get3A_1317 = arith.constant 0 : index
        %get3A_1318 = tpu.vector_load %arg8[%get3A_1316, %get3A_1317] {strides = array<i32>} : memref<128x16xf32, #tpu.memory_space<vmem>>, vector<1x16xf32>,
        %get3A_1319 = vector.shape_cast %get3A_1318 : vector<1x16xf32> to vector<16xf32>
        %get3A_1320 = arith.constant 0 : i32
        %get3A_1321 = arith.index_cast %get3A_1320 : i32 to index
        %get3A_1322 = arith.index_cast %add3A_1315 : i32 to index
        %get3A_1323 = arith.constant 0 : index
        %get3A_1324 = tpu.vector_load %arg7[%get3A_1321, %get3A_1322, %get3A_1323] {strides = array<i32>} : memref<8x128x16xf32, #tpu.memory_space<vmem>>, vector<1x1x16xf32>,
        %get3A_1325 = vector.shape_cast %get3A_1324 : vector<1x1x16xf32> to vector<16xf32>
        %get3A_1326 = arith.constant 1 : i32
        %get3A_1327 = arith.index_cast %get3A_1326 : i32 to index
        %get3A_1328 = arith.index_cast %add3A_1315 : i32 to index
        %get3A_1329 = arith.constant 0 : index
        %get3A_1330 = tpu.vector_load %arg7[%get3A_1327, %get3A_1328, %get3A_1329] {strides = array<i32>} : memref<8x128x16xf32, #tpu.memory_space<vmem>>, vector<1x1x16xf32>,
        %get3A_1331 = vector.shape_cast %get3A_1330 : vector<1x1x16xf32> to vector<16xf32>
        %add3A_1332 = arith.addf %get3A_1325, %get3A_1331 : vector<16xf32>
        %add3A_1333 = arith.addf %get3A_1319, %add3A_1332 : vector<16xf32>
        %get3A_1334 = arith.constant 2 : i32
        %get3A_1335 = arith.index_cast %get3A_1334 : i32 to index
        %get3A_1336 = arith.index_cast %add3A_1315 : i32 to index
        %get3A_1337 = arith.constant 0 : index
        %get3A_1338 = tpu.vector_load %arg7[%get3A_1335, %get3A_1336, %get3A_1337] {strides = array<i32>} : memref<8x128x16xf32, #tpu.memory_space<vmem>>, vector<1x1x16xf32>,
        %get3A_1339 = vector.shape_cast %get3A_1338 : vector<1x1x16xf32> to vector<16xf32>
        %get3A_1340 = arith.constant 3 : i32
        %get3A_1341 = arith.index_cast %get3A_1340 : i32 to index
        %get3A_1342 = arith.index_cast %add3A_1315 : i32 to index
        %get3A_1343 = arith.constant 0 : index
        %get3A_1344 = tpu.vector_load %arg7[%get3A_1341, %get3A_1342, %get3A_1343] {strides = array<i32>} : memref<8x128x16xf32, #tpu.memory_space<vmem>>, vector<1x1x16xf32>,
        %get3A_1345 = vector.shape_cast %get3A_1344 : vector<1x1x16xf32> to vector<16xf32>
        %add3A_1346 = arith.addf %get3A_1339, %get3A_1345 : vector<16xf32>
        %add3A_1347 = arith.addf %add3A_1333, %add3A_1346 : vector<16xf32>
        %swap3A_1348 = arith.index_cast %add3A_1315 : i32 to index
        %swap3A_1349 = arith.constant 0 : index
        %swap3A_1350 = tpu.vector_load %arg8[%swap3A_1348, %swap3A_1349] {strides = array<i32>} : memref<128x16xf32, #tpu.memory_space<vmem>>, vector<1x16xf32>,
        %swap3A_1351 = vector.shape_cast %swap3A_1350 : vector<1x16xf32> to vector<16xf32>
        %swap3A_1352 = vector.shape_cast %add3A_1347 : vector<16xf32> to vector<1x16xf32>
        tpu.vector_store %arg8[%swap3A_1348, %swap3A_1349], %swap3A_1352 {strides = array<i32>} : memref<128x16xf32, #tpu.memory_space<vmem>>, vector<1x16xf32>,
        %mul3A_1353 = arith.constant 16 : i32
        %mul3A_1354 = arith.muli %mul3A_1353, %scan3A_1229 : i32
        %add3A_1355 = arith.constant 3 : i32
        %add3A_1356 = arith.addi %mul3A_1354, %add3A_1355 : i32
        %get3A_1357 = arith.index_cast %add3A_1356 : i32 to index
        %get3A_1358 = arith.constant 0 : index
        %get3A_1359 = tpu.vector_load %arg8[%get3A_1357, %get3A_1358] {strides = array<i32>} : memref<128x16xf32, #tpu.memory_space<vmem>>, vector<1x16xf32>,
        %get3A_1360 = vector.shape_cast %get3A_1359 : vector<1x16xf32> to vector<16xf32>
        %get3A_1361 = arith.constant 0 : i32
        %get3A_1362 = arith.index_cast %get3A_1361 : i32 to index
        %get3A_1363 = arith.index_cast %add3A_1356 : i32 to index
        %get3A_1364 = arith.constant 0 : index
        %get3A_1365 = tpu.vector_load %arg7[%get3A_1362, %get3A_1363, %get3A_1364] {strides = array<i32>} : memref<8x128x16xf32, #tpu.memory_space<vmem>>, vector<1x1x16xf32>,
        %get3A_1366 = vector.shape_cast %get3A_1365 : vector<1x1x16xf32> to vector<16xf32>
        %get3A_1367 = arith.constant 1 : i32
        %get3A_1368 = arith.index_cast %get3A_1367 : i32 to index
        %get3A_1369 = arith.index_cast %add3A_1356 : i32 to index
        %get3A_1370 = arith.constant 0 : index
        %get3A_1371 = tpu.vector_load %arg7[%get3A_1368, %get3A_1369, %get3A_1370] {strides = array<i32>} : memref<8x128x16xf32, #tpu.memory_space<vmem>>, vector<1x1x16xf32>,
        %get3A_1372 = vector.shape_cast %get3A_1371 : vector<1x1x16xf32> to vector<16xf32>
        %add3A_1373 = arith.addf %get3A_1366, %get3A_1372 : vector<16xf32>
        %add3A_1374 = arith.addf %get3A_1360, %add3A_1373 : vector<16xf32>
        %get3A_1375 = arith.constant 2 : i32
        %get3A_1376 = arith.index_cast %get3A_1375 : i32 to index
        %get3A_1377 = arith.index_cast %add3A_1356 : i32 to index
        %get3A_1378 = arith.constant 0 : index
        %get3A_1379 = tpu.vector_load %arg7[%get3A_1376, %get3A_1377, %get3A_1378] {strides = array<i32>} : memref<8x128x16xf32, #tpu.memory_space<vmem>>, vector<1x1x16xf32>,
        %get3A_1380 = vector.shape_cast %get3A_1379 : vector<1x1x16xf32> to vector<16xf32>
        %get3A_1381 = arith.constant 3 : i32
        %get3A_1382 = arith.index_cast %get3A_1381 : i32 to index
        %get3A_1383 = arith.index_cast %add3A_1356 : i32 to index
        %get3A_1384 = arith.constant 0 : index
        %get3A_1385 = tpu.vector_load %arg7[%get3A_1382, %get3A_1383, %get3A_1384] {strides = array<i32>} : memref<8x128x16xf32, #tpu.memory_space<vmem>>, vector<1x1x16xf32>,
        %get3A_1386 = vector.shape_cast %get3A_1385 : vector<1x1x16xf32> to vector<16xf32>
        %add3A_1387 = arith.addf %get3A_1380, %get3A_1386 : vector<16xf32>
        %add3A_1388 = arith.addf %add3A_1374, %add3A_1387 : vector<16xf32>
        %swap3A_1389 = arith.index_cast %add3A_1356 : i32 to index
        %swap3A_1390 = arith.constant 0 : index
        %swap3A_1391 = tpu.vector_load %arg8[%swap3A_1389, %swap3A_1390] {strides = array<i32>} : memref<128x16xf32, #tpu.memory_space<vmem>>, vector<1x16xf32>,
        %swap3A_1392 = vector.shape_cast %swap3A_1391 : vector<1x16xf32> to vector<16xf32>
        %swap3A_1393 = vector.shape_cast %add3A_1388 : vector<16xf32> to vector<1x16xf32>
        tpu.vector_store %arg8[%swap3A_1389, %swap3A_1390], %swap3A_1393 {strides = array<i32>} : memref<128x16xf32, #tpu.memory_space<vmem>>, vector<1x16xf32>,
        %mul3A_1394 = arith.constant 16 : i32
        %mul3A_1395 = arith.muli %mul3A_1394, %scan3A_1229 : i32
        %add3A_1396 = arith.constant 4 : i32
        %add3A_1397 = arith.addi %mul3A_1395, %add3A_1396 : i32
        %get3A_1398 = arith.index_cast %add3A_1397 : i32 to index
        %get3A_1399 = arith.constant 0 : index
        %get3A_1400 = tpu.vector_load %arg8[%get3A_1398, %get3A_1399] {strides = array<i32>} : memref<128x16xf32, #tpu.memory_space<vmem>>, vector<1x16xf32>,
        %get3A_1401 = vector.shape_cast %get3A_1400 : vector<1x16xf32> to vector<16xf32>
        %get3A_1402 = arith.constant 0 : i32
        %get3A_1403 = arith.index_cast %get3A_1402 : i32 to index
        %get3A_1404 = arith.index_cast %add3A_1397 : i32 to index
        %get3A_1405 = arith.constant 0 : index
        %get3A_1406 = tpu.vector_load %arg7[%get3A_1403, %get3A_1404, %get3A_1405] {strides = array<i32>} : memref<8x128x16xf32, #tpu.memory_space<vmem>>, vector<1x1x16xf32>,
        %get3A_1407 = vector.shape_cast %get3A_1406 : vector<1x1x16xf32> to vector<16xf32>
        %get3A_1408 = arith.constant 1 : i32
        %get3A_1409 = arith.index_cast %get3A_1408 : i32 to index
        %get3A_1410 = arith.index_cast %add3A_1397 : i32 to index
        %get3A_1411 = arith.constant 0 : index
        %get3A_1412 = tpu.vector_load %arg7[%get3A_1409, %get3A_1410, %get3A_1411] {strides = array<i32>} : memref<8x128x16xf32, #tpu.memory_space<vmem>>, vector<1x1x16xf32>,
        %get3A_1413 = vector.shape_cast %get3A_1412 : vector<1x1x16xf32> to vector<16xf32>
        %add3A_1414 = arith.addf %get3A_1407, %get3A_1413 : vector<16xf32>
        %add3A_1415 = arith.addf %get3A_1401, %add3A_1414 : vector<16xf32>
        %get3A_1416 = arith.constant 2 : i32
        %get3A_1417 = arith.index_cast %get3A_1416 : i32 to index
        %get3A_1418 = arith.index_cast %add3A_1397 : i32 to index
        %get3A_1419 = arith.constant 0 : index
        %get3A_1420 = tpu.vector_load %arg7[%get3A_1417, %get3A_1418, %get3A_1419] {strides = array<i32>} : memref<8x128x16xf32, #tpu.memory_space<vmem>>, vector<1x1x16xf32>,
        %get3A_1421 = vector.shape_cast %get3A_1420 : vector<1x1x16xf32> to vector<16xf32>
        %get3A_1422 = arith.constant 3 : i32
        %get3A_1423 = arith.index_cast %get3A_1422 : i32 to index
        %get3A_1424 = arith.index_cast %add3A_1397 : i32 to index
        %get3A_1425 = arith.constant 0 : index
        %get3A_1426 = tpu.vector_load %arg7[%get3A_1423, %get3A_1424, %get3A_1425] {strides = array<i32>} : memref<8x128x16xf32, #tpu.memory_space<vmem>>, vector<1x1x16xf32>,
        %get3A_1427 = vector.shape_cast %get3A_1426 : vector<1x1x16xf32> to vector<16xf32>
        %add3A_1428 = arith.addf %get3A_1421, %get3A_1427 : vector<16xf32>
        %add3A_1429 = arith.addf %add3A_1415, %add3A_1428 : vector<16xf32>
        %swap3A_1430 = arith.index_cast %add3A_1397 : i32 to index
        %swap3A_1431 = arith.constant 0 : index
        %swap3A_1432 = tpu.vector_load %arg8[%swap3A_1430, %swap3A_1431] {strides = array<i32>} : memref<128x16xf32, #tpu.memory_space<vmem>>, vector<1x16xf32>,
        %swap3A_1433 = vector.shape_cast %swap3A_1432 : vector<1x16xf32> to vector<16xf32>
        %swap3A_1434 = vector.shape_cast %add3A_1429 : vector<16xf32> to vector<1x16xf32>
        tpu.vector_store %arg8[%swap3A_1430, %swap3A_1431], %swap3A_1434 {strides = array<i32>} : memref<128x16xf32, #tpu.memory_space<vmem>>, vector<1x16xf32>,
        %mul3A_1435 = arith.constant 16 : i32
        %mul3A_1436 = arith.muli %mul3A_1435, %scan3A_1229 : i32
        %add3A_1437 = arith.constant 5 : i32
        %add3A_1438 = arith.addi %mul3A_1436, %add3A_1437 : i32
        %get3A_1439 = arith.index_cast %add3A_1438 : i32 to index
        %get3A_1440 = arith.constant 0 : index
        %get3A_1441 = tpu.vector_load %arg8[%get3A_1439, %get3A_1440] {strides = array<i32>} : memref<128x16xf32, #tpu.memory_space<vmem>>, vector<1x16xf32>,
        %get3A_1442 = vector.shape_cast %get3A_1441 : vector<1x16xf32> to vector<16xf32>
        %get3A_1443 = arith.constant 0 : i32
        %get3A_1444 = arith.index_cast %get3A_1443 : i32 to index
        %get3A_1445 = arith.index_cast %add3A_1438 : i32 to index
        %get3A_1446 = arith.constant 0 : index
        %get3A_1447 = tpu.vector_load %arg7[%get3A_1444, %get3A_1445, %get3A_1446] {strides = array<i32>} : memref<8x128x16xf32, #tpu.memory_space<vmem>>, vector<1x1x16xf32>,
        %get3A_1448 = vector.shape_cast %get3A_1447 : vector<1x1x16xf32> to vector<16xf32>
        %get3A_1449 = arith.constant 1 : i32
        %get3A_1450 = arith.index_cast %get3A_1449 : i32 to index
        %get3A_1451 = arith.index_cast %add3A_1438 : i32 to index
        %get3A_1452 = arith.constant 0 : index
        %get3A_1453 = tpu.vector_load %arg7[%get3A_1450, %get3A_1451, %get3A_1452] {strides = array<i32>} : memref<8x128x16xf32, #tpu.memory_space<vmem>>, vector<1x1x16xf32>,
        %get3A_1454 = vector.shape_cast %get3A_1453 : vector<1x1x16xf32> to vector<16xf32>
        %add3A_1455 = arith.addf %get3A_1448, %get3A_1454 : vector<16xf32>
        %add3A_1456 = arith.addf %get3A_1442, %add3A_1455 : vector<16xf32>
        %get3A_1457 = arith.constant 2 : i32
        %get3A_1458 = arith.index_cast %get3A_1457 : i32 to index
        %get3A_1459 = arith.index_cast %add3A_1438 : i32 to index
        %get3A_1460 = arith.constant 0 : index
        %get3A_1461 = tpu.vector_load %arg7[%get3A_1458, %get3A_1459, %get3A_1460] {strides = array<i32>} : memref<8x128x16xf32, #tpu.memory_space<vmem>>, vector<1x1x16xf32>,
        %get3A_1462 = vector.shape_cast %get3A_1461 : vector<1x1x16xf32> to vector<16xf32>
        %get3A_1463 = arith.constant 3 : i32
        %get3A_1464 = arith.index_cast %get3A_1463 : i32 to index
        %get3A_1465 = arith.index_cast %add3A_1438 : i32 to index
        %get3A_1466 = arith.constant 0 : index
        %get3A_1467 = tpu.vector_load %arg7[%get3A_1464, %get3A_1465, %get3A_1466] {strides = array<i32>} : memref<8x128x16xf32, #tpu.memory_space<vmem>>, vector<1x1x16xf32>,
        %get3A_1468 = vector.shape_cast %get3A_1467 : vector<1x1x16xf32> to vector<16xf32>
        %add3A_1469 = arith.addf %get3A_1462, %get3A_1468 : vector<16xf32>
        %add3A_1470 = arith.addf %add3A_1456, %add3A_1469 : vector<16xf32>
        %swap3A_1471 = arith.index_cast %add3A_1438 : i32 to index
        %swap3A_1472 = arith.constant 0 : index
        %swap3A_1473 = tpu.vector_load %arg8[%swap3A_1471, %swap3A_1472] {strides = array<i32>} : memref<128x16xf32, #tpu.memory_space<vmem>>, vector<1x16xf32>,
        %swap3A_1474 = vector.shape_cast %swap3A_1473 : vector<1x16xf32> to vector<16xf32>
        %swap3A_1475 = vector.shape_cast %add3A_1470 : vector<16xf32> to vector<1x16xf32>
        tpu.vector_store %arg8[%swap3A_1471, %swap3A_1472], %swap3A_1475 {strides = array<i32>} : memref<128x16xf32, #tpu.memory_space<vmem>>, vector<1x16xf32>,
        %mul3A_1476 = arith.constant 16 : i32
        %mul3A_1477 = arith.muli %mul3A_1476, %scan3A_1229 : i32
        %add3A_1478 = arith.constant 6 : i32
        %add3A_1479 = arith.addi %mul3A_1477, %add3A_1478 : i32
        %get3A_1480 = arith.index_cast %add3A_1479 : i32 to index
        %get3A_1481 = arith.constant 0 : index
        %get3A_1482 = tpu.vector_load %arg8[%get3A_1480, %get3A_1481] {strides = array<i32>} : memref<128x16xf32, #tpu.memory_space<vmem>>, vector<1x16xf32>,
        %get3A_1483 = vector.shape_cast %get3A_1482 : vector<1x16xf32> to vector<16xf32>
        %get3A_1484 = arith.constant 0 : i32
        %get3A_1485 = arith.index_cast %get3A_1484 : i32 to index
        %get3A_1486 = arith.index_cast %add3A_1479 : i32 to index
        %get3A_1487 = arith.constant 0 : index
        %get3A_1488 = tpu.vector_load %arg7[%get3A_1485, %get3A_1486, %get3A_1487] {strides = array<i32>} : memref<8x128x16xf32, #tpu.memory_space<vmem>>, vector<1x1x16xf32>,
        %get3A_1489 = vector.shape_cast %get3A_1488 : vector<1x1x16xf32> to vector<16xf32>
        %get3A_1490 = arith.constant 1 : i32
        %get3A_1491 = arith.index_cast %get3A_1490 : i32 to index
        %get3A_1492 = arith.index_cast %add3A_1479 : i32 to index
        %get3A_1493 = arith.constant 0 : index
        %get3A_1494 = tpu.vector_load %arg7[%get3A_1491, %get3A_1492, %get3A_1493] {strides = array<i32>} : memref<8x128x16xf32, #tpu.memory_space<vmem>>, vector<1x1x16xf32>,
        %get3A_1495 = vector.shape_cast %get3A_1494 : vector<1x1x16xf32> to vector<16xf32>
        %add3A_1496 = arith.addf %get3A_1489, %get3A_1495 : vector<16xf32>
        %add3A_1497 = arith.addf %get3A_1483, %add3A_1496 : vector<16xf32>
        %get3A_1498 = arith.constant 2 : i32
        %get3A_1499 = arith.index_cast %get3A_1498 : i32 to index
        %get3A_1500 = arith.index_cast %add3A_1479 : i32 to index
        %get3A_1501 = arith.constant 0 : index
        %get3A_1502 = tpu.vector_load %arg7[%get3A_1499, %get3A_1500, %get3A_1501] {strides = array<i32>} : memref<8x128x16xf32, #tpu.memory_space<vmem>>, vector<1x1x16xf32>,
        %get3A_1503 = vector.shape_cast %get3A_1502 : vector<1x1x16xf32> to vector<16xf32>
        %get3A_1504 = arith.constant 3 : i32
        %get3A_1505 = arith.index_cast %get3A_1504 : i32 to index
        %get3A_1506 = arith.index_cast %add3A_1479 : i32 to index
        %get3A_1507 = arith.constant 0 : index
        %get3A_1508 = tpu.vector_load %arg7[%get3A_1505, %get3A_1506, %get3A_1507] {strides = array<i32>} : memref<8x128x16xf32, #tpu.memory_space<vmem>>, vector<1x1x16xf32>,
        %get3A_1509 = vector.shape_cast %get3A_1508 : vector<1x1x16xf32> to vector<16xf32>
        %add3A_1510 = arith.addf %get3A_1503, %get3A_1509 : vector<16xf32>
        %add3A_1511 = arith.addf %add3A_1497, %add3A_1510 : vector<16xf32>
        %swap3A_1512 = arith.index_cast %add3A_1479 : i32 to index
        %swap3A_1513 = arith.constant 0 : index
        %swap3A_1514 = tpu.vector_load %arg8[%swap3A_1512, %swap3A_1513] {strides = array<i32>} : memref<128x16xf32, #tpu.memory_space<vmem>>, vector<1x16xf32>,
        %swap3A_1515 = vector.shape_cast %swap3A_1514 : vector<1x16xf32> to vector<16xf32>
        %swap3A_1516 = vector.shape_cast %add3A_1511 : vector<16xf32> to vector<1x16xf32>
        tpu.vector_store %arg8[%swap3A_1512, %swap3A_1513], %swap3A_1516 {strides = array<i32>} : memref<128x16xf32, #tpu.memory_space<vmem>>, vector<1x16xf32>,
        %mul3A_1517 = arith.constant 16 : i32
        %mul3A_1518 = arith.muli %mul3A_1517, %scan3A_1229 : i32
        %add3A_1519 = arith.constant 7 : i32
        %add3A_1520 = arith.addi %mul3A_1518, %add3A_1519 : i32
        %get3A_1521 = arith.index_cast %add3A_1520 : i32 to index
        %get3A_1522 = arith.constant 0 : index
        %get3A_1523 = tpu.vector_load %arg8[%get3A_1521, %get3A_1522] {strides = array<i32>} : memref<128x16xf32, #tpu.memory_space<vmem>>, vector<1x16xf32>,
        %get3A_1524 = vector.shape_cast %get3A_1523 : vector<1x16xf32> to vector<16xf32>
        %get3A_1525 = arith.constant 0 : i32
        %get3A_1526 = arith.index_cast %get3A_1525 : i32 to index
        %get3A_1527 = arith.index_cast %add3A_1520 : i32 to index
        %get3A_1528 = arith.constant 0 : index
        %get3A_1529 = tpu.vector_load %arg7[%get3A_1526, %get3A_1527, %get3A_1528] {strides = array<i32>} : memref<8x128x16xf32, #tpu.memory_space<vmem>>, vector<1x1x16xf32>,
        %get3A_1530 = vector.shape_cast %get3A_1529 : vector<1x1x16xf32> to vector<16xf32>
        %get3A_1531 = arith.constant 1 : i32
        %get3A_1532 = arith.index_cast %get3A_1531 : i32 to index
        %get3A_1533 = arith.index_cast %add3A_1520 : i32 to index
        %get3A_1534 = arith.constant 0 : index
        %get3A_1535 = tpu.vector_load %arg7[%get3A_1532, %get3A_1533, %get3A_1534] {strides = array<i32>} : memref<8x128x16xf32, #tpu.memory_space<vmem>>, vector<1x1x16xf32>,
        %get3A_1536 = vector.shape_cast %get3A_1535 : vector<1x1x16xf32> to vector<16xf32>
        %add3A_1537 = arith.addf %get3A_1530, %get3A_1536 : vector<16xf32>
        %add3A_1538 = arith.addf %get3A_1524, %add3A_1537 : vector<16xf32>
        %get3A_1539 = arith.constant 2 : i32
        %get3A_1540 = arith.index_cast %get3A_1539 : i32 to index
        %get3A_1541 = arith.index_cast %add3A_1520 : i32 to index
        %get3A_1542 = arith.constant 0 : index
        %get3A_1543 = tpu.vector_load %arg7[%get3A_1540, %get3A_1541, %get3A_1542] {strides = array<i32>} : memref<8x128x16xf32, #tpu.memory_space<vmem>>, vector<1x1x16xf32>,
        %get3A_1544 = vector.shape_cast %get3A_1543 : vector<1x1x16xf32> to vector<16xf32>
        %get3A_1545 = arith.constant 3 : i32
        %get3A_1546 = arith.index_cast %get3A_1545 : i32 to index
        %get3A_1547 = arith.index_cast %add3A_1520 : i32 to index
        %get3A_1548 = arith.constant 0 : index
        %get3A_1549 = tpu.vector_load %arg7[%get3A_1546, %get3A_1547, %get3A_1548] {strides = array<i32>} : memref<8x128x16xf32, #tpu.memory_space<vmem>>, vector<1x1x16xf32>,
        %get3A_1550 = vector.shape_cast %get3A_1549 : vector<1x1x16xf32> to vector<16xf32>
        %add3A_1551 = arith.addf %get3A_1544, %get3A_1550 : vector<16xf32>
        %add3A_1552 = arith.addf %add3A_1538, %add3A_1551 : vector<16xf32>
        %swap3A_1553 = arith.index_cast %add3A_1520 : i32 to index
        %swap3A_1554 = arith.constant 0 : index
        %swap3A_1555 = tpu.vector_load %arg8[%swap3A_1553, %swap3A_1554] {strides = array<i32>} : memref<128x16xf32, #tpu.memory_space<vmem>>, vector<1x16xf32>,
        %swap3A_1556 = vector.shape_cast %swap3A_1555 : vector<1x16xf32> to vector<16xf32>
        %swap3A_1557 = vector.shape_cast %add3A_1552 : vector<16xf32> to vector<1x16xf32>
        tpu.vector_store %arg8[%swap3A_1553, %swap3A_1554], %swap3A_1557 {strides = array<i32>} : memref<128x16xf32, #tpu.memory_space<vmem>>, vector<1x16xf32>,
        %mul3A_1558 = arith.constant 16 : i32
        %mul3A_1559 = arith.muli %mul3A_1558, %scan3A_1229 : i32
        %add3A_1560 = arith.constant 8 : i32
        %add3A_1561 = arith.addi %mul3A_1559, %add3A_1560 : i32
        %get3A_1562 = arith.index_cast %add3A_1561 : i32 to index
        %get3A_1563 = arith.constant 0 : index
        %get3A_1564 = tpu.vector_load %arg8[%get3A_1562, %get3A_1563] {strides = array<i32>} : memref<128x16xf32, #tpu.memory_space<vmem>>, vector<1x16xf32>,
        %get3A_1565 = vector.shape_cast %get3A_1564 : vector<1x16xf32> to vector<16xf32>
        %get3A_1566 = arith.constant 0 : i32
        %get3A_1567 = arith.index_cast %get3A_1566 : i32 to index
        %get3A_1568 = arith.index_cast %add3A_1561 : i32 to index
        %get3A_1569 = arith.constant 0 : index
        %get3A_1570 = tpu.vector_load %arg7[%get3A_1567, %get3A_1568, %get3A_1569] {strides = array<i32>} : memref<8x128x16xf32, #tpu.memory_space<vmem>>, vector<1x1x16xf32>,
        %get3A_1571 = vector.shape_cast %get3A_1570 : vector<1x1x16xf32> to vector<16xf32>
        %get3A_1572 = arith.constant 1 : i32
        %get3A_1573 = arith.index_cast %get3A_1572 : i32 to index
        %get3A_1574 = arith.index_cast %add3A_1561 : i32 to index
        %get3A_1575 = arith.constant 0 : index
        %get3A_1576 = tpu.vector_load %arg7[%get3A_1573, %get3A_1574, %get3A_1575] {strides = array<i32>} : memref<8x128x16xf32, #tpu.memory_space<vmem>>, vector<1x1x16xf32>,
        %get3A_1577 = vector.shape_cast %get3A_1576 : vector<1x1x16xf32> to vector<16xf32>
        %add3A_1578 = arith.addf %get3A_1571, %get3A_1577 : vector<16xf32>
        %add3A_1579 = arith.addf %get3A_1565, %add3A_1578 : vector<16xf32>
        %get3A_1580 = arith.constant 2 : i32
        %get3A_1581 = arith.index_cast %get3A_1580 : i32 to index
        %get3A_1582 = arith.index_cast %add3A_1561 : i32 to index
        %get3A_1583 = arith.constant 0 : index
        %get3A_1584 = tpu.vector_load %arg7[%get3A_1581, %get3A_1582, %get3A_1583] {strides = array<i32>} : memref<8x128x16xf32, #tpu.memory_space<vmem>>, vector<1x1x16xf32>,
        %get3A_1585 = vector.shape_cast %get3A_1584 : vector<1x1x16xf32> to vector<16xf32>
        %get3A_1586 = arith.constant 3 : i32
        %get3A_1587 = arith.index_cast %get3A_1586 : i32 to index
        %get3A_1588 = arith.index_cast %add3A_1561 : i32 to index
        %get3A_1589 = arith.constant 0 : index
        %get3A_1590 = tpu.vector_load %arg7[%get3A_1587, %get3A_1588, %get3A_1589] {strides = array<i32>} : memref<8x128x16xf32, #tpu.memory_space<vmem>>, vector<1x1x16xf32>,
        %get3A_1591 = vector.shape_cast %get3A_1590 : vector<1x1x16xf32> to vector<16xf32>
        %add3A_1592 = arith.addf %get3A_1585, %get3A_1591 : vector<16xf32>
        %add3A_1593 = arith.addf %add3A_1579, %add3A_1592 : vector<16xf32>
        %swap3A_1594 = arith.index_cast %add3A_1561 : i32 to index
        %swap3A_1595 = arith.constant 0 : index
        %swap3A_1596 = tpu.vector_load %arg8[%swap3A_1594, %swap3A_1595] {strides = array<i32>} : memref<128x16xf32, #tpu.memory_space<vmem>>, vector<1x16xf32>,
        %swap3A_1597 = vector.shape_cast %swap3A_1596 : vector<1x16xf32> to vector<16xf32>
        %swap3A_1598 = vector.shape_cast %add3A_1593 : vector<16xf32> to vector<1x16xf32>
        tpu.vector_store %arg8[%swap3A_1594, %swap3A_1595], %swap3A_1598 {strides = array<i32>} : memref<128x16xf32, #tpu.memory_space<vmem>>, vector<1x16xf32>,
        %mul3A_1599 = arith.constant 16 : i32
        %mul3A_1600 = arith.muli %mul3A_1599, %scan3A_1229 : i32
        %add3A_1601 = arith.constant 9 : i32
        %add3A_1602 = arith.addi %mul3A_1600, %add3A_1601 : i32
        %get3A_1603 = arith.index_cast %add3A_1602 : i32 to index
        %get3A_1604 = arith.constant 0 : index
        %get3A_1605 = tpu.vector_load %arg8[%get3A_1603, %get3A_1604] {strides = array<i32>} : memref<128x16xf32, #tpu.memory_space<vmem>>, vector<1x16xf32>,
        %get3A_1606 = vector.shape_cast %get3A_1605 : vector<1x16xf32> to vector<16xf32>
        %get3A_1607 = arith.constant 0 : i32
        %get3A_1608 = arith.index_cast %get3A_1607 : i32 to index
        %get3A_1609 = arith.index_cast %add3A_1602 : i32 to index
        %get3A_1610 = arith.constant 0 : index
        %get3A_1611 = tpu.vector_load %arg7[%get3A_1608, %get3A_1609, %get3A_1610] {strides = array<i32>} : memref<8x128x16xf32, #tpu.memory_space<vmem>>, vector<1x1x16xf32>,
        %get3A_1612 = vector.shape_cast %get3A_1611 : vector<1x1x16xf32> to vector<16xf32>
        %get3A_1613 = arith.constant 1 : i32
        %get3A_1614 = arith.index_cast %get3A_1613 : i32 to index
        %get3A_1615 = arith.index_cast %add3A_1602 : i32 to index
        %get3A_1616 = arith.constant 0 : index
        %get3A_1617 = tpu.vector_load %arg7[%get3A_1614, %get3A_1615, %get3A_1616] {strides = array<i32>} : memref<8x128x16xf32, #tpu.memory_space<vmem>>, vector<1x1x16xf32>,
        %get3A_1618 = vector.shape_cast %get3A_1617 : vector<1x1x16xf32> to vector<16xf32>
        %add3A_1619 = arith.addf %get3A_1612, %get3A_1618 : vector<16xf32>
        %add3A_1620 = arith.addf %get3A_1606, %add3A_1619 : vector<16xf32>
        %get3A_1621 = arith.constant 2 : i32
        %get3A_1622 = arith.index_cast %get3A_1621 : i32 to index
        %get3A_1623 = arith.index_cast %add3A_1602 : i32 to index
        %get3A_1624 = arith.constant 0 : index
        %get3A_1625 = tpu.vector_load %arg7[%get3A_1622, %get3A_1623, %get3A_1624] {strides = array<i32>} : memref<8x128x16xf32, #tpu.memory_space<vmem>>, vector<1x1x16xf32>,
        %get3A_1626 = vector.shape_cast %get3A_1625 : vector<1x1x16xf32> to vector<16xf32>
        %get3A_1627 = arith.constant 3 : i32
        %get3A_1628 = arith.index_cast %get3A_1627 : i32 to index
        %get3A_1629 = arith.index_cast %add3A_1602 : i32 to index
        %get3A_1630 = arith.constant 0 : index
        %get3A_1631 = tpu.vector_load %arg7[%get3A_1628, %get3A_1629, %get3A_1630] {strides = array<i32>} : memref<8x128x16xf32, #tpu.memory_space<vmem>>, vector<1x1x16xf32>,
        %get3A_1632 = vector.shape_cast %get3A_1631 : vector<1x1x16xf32> to vector<16xf32>
        %add3A_1633 = arith.addf %get3A_1626, %get3A_1632 : vector<16xf32>
        %add3A_1634 = arith.addf %add3A_1620, %add3A_1633 : vector<16xf32>
        %swap3A_1635 = arith.index_cast %add3A_1602 : i32 to index
        %swap3A_1636 = arith.constant 0 : index
        %swap3A_1637 = tpu.vector_load %arg8[%swap3A_1635, %swap3A_1636] {strides = array<i32>} : memref<128x16xf32, #tpu.memory_space<vmem>>, vector<1x16xf32>,
        %swap3A_1638 = vector.shape_cast %swap3A_1637 : vector<1x16xf32> to vector<16xf32>
        %swap3A_1639 = vector.shape_cast %add3A_1634 : vector<16xf32> to vector<1x16xf32>
        tpu.vector_store %arg8[%swap3A_1635, %swap3A_1636], %swap3A_1639 {strides = array<i32>} : memref<128x16xf32, #tpu.memory_space<vmem>>, vector<1x16xf32>,
        %mul3A_1640 = arith.constant 16 : i32
        %mul3A_1641 = arith.muli %mul3A_1640, %scan3A_1229 : i32
        %add3A_1642 = arith.constant 10 : i32
        %add3A_1643 = arith.addi %mul3A_1641, %add3A_1642 : i32
        %get3A_1644 = arith.index_cast %add3A_1643 : i32 to index
        %get3A_1645 = arith.constant 0 : index
        %get3A_1646 = tpu.vector_load %arg8[%get3A_1644, %get3A_1645] {strides = array<i32>} : memref<128x16xf32, #tpu.memory_space<vmem>>, vector<1x16xf32>,
        %get3A_1647 = vector.shape_cast %get3A_1646 : vector<1x16xf32> to vector<16xf32>
        %get3A_1648 = arith.constant 0 : i32
        %get3A_1649 = arith.index_cast %get3A_1648 : i32 to index
        %get3A_1650 = arith.index_cast %add3A_1643 : i32 to index
        %get3A_1651 = arith.constant 0 : index
        %get3A_1652 = tpu.vector_load %arg7[%get3A_1649, %get3A_1650, %get3A_1651] {strides = array<i32>} : memref<8x128x16xf32, #tpu.memory_space<vmem>>, vector<1x1x16xf32>,
        %get3A_1653 = vector.shape_cast %get3A_1652 : vector<1x1x16xf32> to vector<16xf32>
        %get3A_1654 = arith.constant 1 : i32
        %get3A_1655 = arith.index_cast %get3A_1654 : i32 to index
        %get3A_1656 = arith.index_cast %add3A_1643 : i32 to index
        %get3A_1657 = arith.constant 0 : index
        %get3A_1658 = tpu.vector_load %arg7[%get3A_1655, %get3A_1656, %get3A_1657] {strides = array<i32>} : memref<8x128x16xf32, #tpu.memory_space<vmem>>, vector<1x1x16xf32>,
        %get3A_1659 = vector.shape_cast %get3A_1658 : vector<1x1x16xf32> to vector<16xf32>
        %add3A_1660 = arith.addf %get3A_1653, %get3A_1659 : vector<16xf32>
        %add3A_1661 = arith.addf %get3A_1647, %add3A_1660 : vector<16xf32>
        %get3A_1662 = arith.constant 2 : i32
        %get3A_1663 = arith.index_cast %get3A_1662 : i32 to index
        %get3A_1664 = arith.index_cast %add3A_1643 : i32 to index
        %get3A_1665 = arith.constant 0 : index
        %get3A_1666 = tpu.vector_load %arg7[%get3A_1663, %get3A_1664, %get3A_1665] {strides = array<i32>} : memref<8x128x16xf32, #tpu.memory_space<vmem>>, vector<1x1x16xf32>,
        %get3A_1667 = vector.shape_cast %get3A_1666 : vector<1x1x16xf32> to vector<16xf32>
        %get3A_1668 = arith.constant 3 : i32
        %get3A_1669 = arith.index_cast %get3A_1668 : i32 to index
        %get3A_1670 = arith.index_cast %add3A_1643 : i32 to index
        %get3A_1671 = arith.constant 0 : index
        %get3A_1672 = tpu.vector_load %arg7[%get3A_1669, %get3A_1670, %get3A_1671] {strides = array<i32>} : memref<8x128x16xf32, #tpu.memory_space<vmem>>, vector<1x1x16xf32>,
        %get3A_1673 = vector.shape_cast %get3A_1672 : vector<1x1x16xf32> to vector<16xf32>
        %add3A_1674 = arith.addf %get3A_1667, %get3A_1673 : vector<16xf32>
        %add3A_1675 = arith.addf %add3A_1661, %add3A_1674 : vector<16xf32>
        %swap3A_1676 = arith.index_cast %add3A_1643 : i32 to index
        %swap3A_1677 = arith.constant 0 : index
        %swap3A_1678 = tpu.vector_load %arg8[%swap3A_1676, %swap3A_1677] {strides = array<i32>} : memref<128x16xf32, #tpu.memory_space<vmem>>, vector<1x16xf32>,
        %swap3A_1679 = vector.shape_cast %swap3A_1678 : vector<1x16xf32> to vector<16xf32>
        %swap3A_1680 = vector.shape_cast %add3A_1675 : vector<16xf32> to vector<1x16xf32>
        tpu.vector_store %arg8[%swap3A_1676, %swap3A_1677], %swap3A_1680 {strides = array<i32>} : memref<128x16xf32, #tpu.memory_space<vmem>>, vector<1x16xf32>,
        %mul3A_1681 = arith.constant 16 : i32
        %mul3A_1682 = arith.muli %mul3A_1681, %scan3A_1229 : i32
        %add3A_1683 = arith.constant 11 : i32
        %add3A_1684 = arith.addi %mul3A_1682, %add3A_1683 : i32
        %get3A_1685 = arith.index_cast %add3A_1684 : i32 to index
        %get3A_1686 = arith.constant 0 : index
        %get3A_1687 = tpu.vector_load %arg8[%get3A_1685, %get3A_1686] {strides = array<i32>} : memref<128x16xf32, #tpu.memory_space<vmem>>, vector<1x16xf32>,
        %get3A_1688 = vector.shape_cast %get3A_1687 : vector<1x16xf32> to vector<16xf32>
        %get3A_1689 = arith.constant 0 : i32
        %get3A_1690 = arith.index_cast %get3A_1689 : i32 to index
        %get3A_1691 = arith.index_cast %add3A_1684 : i32 to index
        %get3A_1692 = arith.constant 0 : index
        %get3A_1693 = tpu.vector_load %arg7[%get3A_1690, %get3A_1691, %get3A_1692] {strides = array<i32>} : memref<8x128x16xf32, #tpu.memory_space<vmem>>, vector<1x1x16xf32>,
        %get3A_1694 = vector.shape_cast %get3A_1693 : vector<1x1x16xf32> to vector<16xf32>
        %get3A_1695 = arith.constant 1 : i32
        %get3A_1696 = arith.index_cast %get3A_1695 : i32 to index
        %get3A_1697 = arith.index_cast %add3A_1684 : i32 to index
        %get3A_1698 = arith.constant 0 : index
        %get3A_1699 = tpu.vector_load %arg7[%get3A_1696, %get3A_1697, %get3A_1698] {strides = array<i32>} : memref<8x128x16xf32, #tpu.memory_space<vmem>>, vector<1x1x16xf32>,
        %get3A_1700 = vector.shape_cast %get3A_1699 : vector<1x1x16xf32> to vector<16xf32>
        %add3A_1701 = arith.addf %get3A_1694, %get3A_1700 : vector<16xf32>
        %add3A_1702 = arith.addf %get3A_1688, %add3A_1701 : vector<16xf32>
        %get3A_1703 = arith.constant 2 : i32
        %get3A_1704 = arith.index_cast %get3A_1703 : i32 to index
        %get3A_1705 = arith.index_cast %add3A_1684 : i32 to index
        %get3A_1706 = arith.constant 0 : index
        %get3A_1707 = tpu.vector_load %arg7[%get3A_1704, %get3A_1705, %get3A_1706] {strides = array<i32>} : memref<8x128x16xf32, #tpu.memory_space<vmem>>, vector<1x1x16xf32>,
        %get3A_1708 = vector.shape_cast %get3A_1707 : vector<1x1x16xf32> to vector<16xf32>
        %get3A_1709 = arith.constant 3 : i32
        %get3A_1710 = arith.index_cast %get3A_1709 : i32 to index
        %get3A_1711 = arith.index_cast %add3A_1684 : i32 to index
        %get3A_1712 = arith.constant 0 : index
        %get3A_1713 = tpu.vector_load %arg7[%get3A_1710, %get3A_1711, %get3A_1712] {strides = array<i32>} : memref<8x128x16xf32, #tpu.memory_space<vmem>>, vector<1x1x16xf32>,
        %get3A_1714 = vector.shape_cast %get3A_1713 : vector<1x1x16xf32> to vector<16xf32>
        %add3A_1715 = arith.addf %get3A_1708, %get3A_1714 : vector<16xf32>
        %add3A_1716 = arith.addf %add3A_1702, %add3A_1715 : vector<16xf32>
        %swap3A_1717 = arith.index_cast %add3A_1684 : i32 to index
        %swap3A_1718 = arith.constant 0 : index
        %swap3A_1719 = tpu.vector_load %arg8[%swap3A_1717, %swap3A_1718] {strides = array<i32>} : memref<128x16xf32, #tpu.memory_space<vmem>>, vector<1x16xf32>,
        %swap3A_1720 = vector.shape_cast %swap3A_1719 : vector<1x16xf32> to vector<16xf32>
        %swap3A_1721 = vector.shape_cast %add3A_1716 : vector<16xf32> to vector<1x16xf32>
        tpu.vector_store %arg8[%swap3A_1717, %swap3A_1718], %swap3A_1721 {strides = array<i32>} : memref<128x16xf32, #tpu.memory_space<vmem>>, vector<1x16xf32>,
        %mul3A_1722 = arith.constant 16 : i32
        %mul3A_1723 = arith.muli %mul3A_1722, %scan3A_1229 : i32
        %add3A_1724 = arith.constant 12 : i32
        %add3A_1725 = arith.addi %mul3A_1723, %add3A_1724 : i32
        %get3A_1726 = arith.index_cast %add3A_1725 : i32 to index
        %get3A_1727 = arith.constant 0 : index
        %get3A_1728 = tpu.vector_load %arg8[%get3A_1726, %get3A_1727] {strides = array<i32>} : memref<128x16xf32, #tpu.memory_space<vmem>>, vector<1x16xf32>,
        %get3A_1729 = vector.shape_cast %get3A_1728 : vector<1x16xf32> to vector<16xf32>
        %get3A_1730 = arith.constant 0 : i32
        %get3A_1731 = arith.index_cast %get3A_1730 : i32 to index
        %get3A_1732 = arith.index_cast %add3A_1725 : i32 to index
        %get3A_1733 = arith.constant 0 : index
        %get3A_1734 = tpu.vector_load %arg7[%get3A_1731, %get3A_1732, %get3A_1733] {strides = array<i32>} : memref<8x128x16xf32, #tpu.memory_space<vmem>>, vector<1x1x16xf32>,
        %get3A_1735 = vector.shape_cast %get3A_1734 : vector<1x1x16xf32> to vector<16xf32>
        %get3A_1736 = arith.constant 1 : i32
        %get3A_1737 = arith.index_cast %get3A_1736 : i32 to index
        %get3A_1738 = arith.index_cast %add3A_1725 : i32 to index
        %get3A_1739 = arith.constant 0 : index
        %get3A_1740 = tpu.vector_load %arg7[%get3A_1737, %get3A_1738, %get3A_1739] {strides = array<i32>} : memref<8x128x16xf32, #tpu.memory_space<vmem>>, vector<1x1x16xf32>,
        %get3A_1741 = vector.shape_cast %get3A_1740 : vector<1x1x16xf32> to vector<16xf32>
        %add3A_1742 = arith.addf %get3A_1735, %get3A_1741 : vector<16xf32>
        %add3A_1743 = arith.addf %get3A_1729, %add3A_1742 : vector<16xf32>
        %get3A_1744 = arith.constant 2 : i32
        %get3A_1745 = arith.index_cast %get3A_1744 : i32 to index
        %get3A_1746 = arith.index_cast %add3A_1725 : i32 to index
        %get3A_1747 = arith.constant 0 : index
        %get3A_1748 = tpu.vector_load %arg7[%get3A_1745, %get3A_1746, %get3A_1747] {strides = array<i32>} : memref<8x128x16xf32, #tpu.memory_space<vmem>>, vector<1x1x16xf32>,
        %get3A_1749 = vector.shape_cast %get3A_1748 : vector<1x1x16xf32> to vector<16xf32>
        %get3A_1750 = arith.constant 3 : i32
        %get3A_1751 = arith.index_cast %get3A_1750 : i32 to index
        %get3A_1752 = arith.index_cast %add3A_1725 : i32 to index
        %get3A_1753 = arith.constant 0 : index
        %get3A_1754 = tpu.vector_load %arg7[%get3A_1751, %get3A_1752, %get3A_1753] {strides = array<i32>} : memref<8x128x16xf32, #tpu.memory_space<vmem>>, vector<1x1x16xf32>,
        %get3A_1755 = vector.shape_cast %get3A_1754 : vector<1x1x16xf32> to vector<16xf32>
        %add3A_1756 = arith.addf %get3A_1749, %get3A_1755 : vector<16xf32>
        %add3A_1757 = arith.addf %add3A_1743, %add3A_1756 : vector<16xf32>
        %swap3A_1758 = arith.index_cast %add3A_1725 : i32 to index
        %swap3A_1759 = arith.constant 0 : index
        %swap3A_1760 = tpu.vector_load %arg8[%swap3A_1758, %swap3A_1759] {strides = array<i32>} : memref<128x16xf32, #tpu.memory_space<vmem>>, vector<1x16xf32>,
        %swap3A_1761 = vector.shape_cast %swap3A_1760 : vector<1x16xf32> to vector<16xf32>
        %swap3A_1762 = vector.shape_cast %add3A_1757 : vector<16xf32> to vector<1x16xf32>
        tpu.vector_store %arg8[%swap3A_1758, %swap3A_1759], %swap3A_1762 {strides = array<i32>} : memref<128x16xf32, #tpu.memory_space<vmem>>, vector<1x16xf32>,
        %mul3A_1763 = arith.constant 16 : i32
        %mul3A_1764 = arith.muli %mul3A_1763, %scan3A_1229 : i32
        %add3A_1765 = arith.constant 13 : i32
        %add3A_1766 = arith.addi %mul3A_1764, %add3A_1765 : i32
        %get3A_1767 = arith.index_cast %add3A_1766 : i32 to index
        %get3A_1768 = arith.constant 0 : index
        %get3A_1769 = tpu.vector_load %arg8[%get3A_1767, %get3A_1768] {strides = array<i32>} : memref<128x16xf32, #tpu.memory_space<vmem>>, vector<1x16xf32>,
        %get3A_1770 = vector.shape_cast %get3A_1769 : vector<1x16xf32> to vector<16xf32>
        %get3A_1771 = arith.constant 0 : i32
        %get3A_1772 = arith.index_cast %get3A_1771 : i32 to index
        %get3A_1773 = arith.index_cast %add3A_1766 : i32 to index
        %get3A_1774 = arith.constant 0 : index
        %get3A_1775 = tpu.vector_load %arg7[%get3A_1772, %get3A_1773, %get3A_1774] {strides = array<i32>} : memref<8x128x16xf32, #tpu.memory_space<vmem>>, vector<1x1x16xf32>,
        %get3A_1776 = vector.shape_cast %get3A_1775 : vector<1x1x16xf32> to vector<16xf32>
        %get3A_1777 = arith.constant 1 : i32
        %get3A_1778 = arith.index_cast %get3A_1777 : i32 to index
        %get3A_1779 = arith.index_cast %add3A_1766 : i32 to index
        %get3A_1780 = arith.constant 0 : index
        %get3A_1781 = tpu.vector_load %arg7[%get3A_1778, %get3A_1779, %get3A_1780] {strides = array<i32>} : memref<8x128x16xf32, #tpu.memory_space<vmem>>, vector<1x1x16xf32>,
        %get3A_1782 = vector.shape_cast %get3A_1781 : vector<1x1x16xf32> to vector<16xf32>
        %add3A_1783 = arith.addf %get3A_1776, %get3A_1782 : vector<16xf32>
        %add3A_1784 = arith.addf %get3A_1770, %add3A_1783 : vector<16xf32>
        %get3A_1785 = arith.constant 2 : i32
        %get3A_1786 = arith.index_cast %get3A_1785 : i32 to index
        %get3A_1787 = arith.index_cast %add3A_1766 : i32 to index
        %get3A_1788 = arith.constant 0 : index
        %get3A_1789 = tpu.vector_load %arg7[%get3A_1786, %get3A_1787, %get3A_1788] {strides = array<i32>} : memref<8x128x16xf32, #tpu.memory_space<vmem>>, vector<1x1x16xf32>,
        %get3A_1790 = vector.shape_cast %get3A_1789 : vector<1x1x16xf32> to vector<16xf32>
        %get3A_1791 = arith.constant 3 : i32
        %get3A_1792 = arith.index_cast %get3A_1791 : i32 to index
        %get3A_1793 = arith.index_cast %add3A_1766 : i32 to index
        %get3A_1794 = arith.constant 0 : index
        %get3A_1795 = tpu.vector_load %arg7[%get3A_1792, %get3A_1793, %get3A_1794] {strides = array<i32>} : memref<8x128x16xf32, #tpu.memory_space<vmem>>, vector<1x1x16xf32>,
        %get3A_1796 = vector.shape_cast %get3A_1795 : vector<1x1x16xf32> to vector<16xf32>
        %add3A_1797 = arith.addf %get3A_1790, %get3A_1796 : vector<16xf32>
        %add3A_1798 = arith.addf %add3A_1784, %add3A_1797 : vector<16xf32>
        %swap3A_1799 = arith.index_cast %add3A_1766 : i32 to index
        %swap3A_1800 = arith.constant 0 : index
        %swap3A_1801 = tpu.vector_load %arg8[%swap3A_1799, %swap3A_1800] {strides = array<i32>} : memref<128x16xf32, #tpu.memory_space<vmem>>, vector<1x16xf32>,
        %swap3A_1802 = vector.shape_cast %swap3A_1801 : vector<1x16xf32> to vector<16xf32>
        %swap3A_1803 = vector.shape_cast %add3A_1798 : vector<16xf32> to vector<1x16xf32>
        tpu.vector_store %arg8[%swap3A_1799, %swap3A_1800], %swap3A_1803 {strides = array<i32>} : memref<128x16xf32, #tpu.memory_space<vmem>>, vector<1x16xf32>,
        %mul3A_1804 = arith.constant 16 : i32
        %mul3A_1805 = arith.muli %mul3A_1804, %scan3A_1229 : i32
        %add3A_1806 = arith.constant 14 : i32
        %add3A_1807 = arith.addi %mul3A_1805, %add3A_1806 : i32
        %get3A_1808 = arith.index_cast %add3A_1807 : i32 to index
        %get3A_1809 = arith.constant 0 : index
        %get3A_1810 = tpu.vector_load %arg8[%get3A_1808, %get3A_1809] {strides = array<i32>} : memref<128x16xf32, #tpu.memory_space<vmem>>, vector<1x16xf32>,
        %get3A_1811 = vector.shape_cast %get3A_1810 : vector<1x16xf32> to vector<16xf32>
        %get3A_1812 = arith.constant 0 : i32
        %get3A_1813 = arith.index_cast %get3A_1812 : i32 to index
        %get3A_1814 = arith.index_cast %add3A_1807 : i32 to index
        %get3A_1815 = arith.constant 0 : index
        %get3A_1816 = tpu.vector_load %arg7[%get3A_1813, %get3A_1814, %get3A_1815] {strides = array<i32>} : memref<8x128x16xf32, #tpu.memory_space<vmem>>, vector<1x1x16xf32>,
        %get3A_1817 = vector.shape_cast %get3A_1816 : vector<1x1x16xf32> to vector<16xf32>
        %get3A_1818 = arith.constant 1 : i32
        %get3A_1819 = arith.index_cast %get3A_1818 : i32 to index
        %get3A_1820 = arith.index_cast %add3A_1807 : i32 to index
        %get3A_1821 = arith.constant 0 : index
        %get3A_1822 = tpu.vector_load %arg7[%get3A_1819, %get3A_1820, %get3A_1821] {strides = array<i32>} : memref<8x128x16xf32, #tpu.memory_space<vmem>>, vector<1x1x16xf32>,
        %get3A_1823 = vector.shape_cast %get3A_1822 : vector<1x1x16xf32> to vector<16xf32>
        %add3A_1824 = arith.addf %get3A_1817, %get3A_1823 : vector<16xf32>
        %add3A_1825 = arith.addf %get3A_1811, %add3A_1824 : vector<16xf32>
        %get3A_1826 = arith.constant 2 : i32
        %get3A_1827 = arith.index_cast %get3A_1826 : i32 to index
        %get3A_1828 = arith.index_cast %add3A_1807 : i32 to index
        %get3A_1829 = arith.constant 0 : index
        %get3A_1830 = tpu.vector_load %arg7[%get3A_1827, %get3A_1828, %get3A_1829] {strides = array<i32>} : memref<8x128x16xf32, #tpu.memory_space<vmem>>, vector<1x1x16xf32>,
        %get3A_1831 = vector.shape_cast %get3A_1830 : vector<1x1x16xf32> to vector<16xf32>
        %get3A_1832 = arith.constant 3 : i32
        %get3A_1833 = arith.index_cast %get3A_1832 : i32 to index
        %get3A_1834 = arith.index_cast %add3A_1807 : i32 to index
        %get3A_1835 = arith.constant 0 : index
        %get3A_1836 = tpu.vector_load %arg7[%get3A_1833, %get3A_1834, %get3A_1835] {strides = array<i32>} : memref<8x128x16xf32, #tpu.memory_space<vmem>>, vector<1x1x16xf32>,
        %get3A_1837 = vector.shape_cast %get3A_1836 : vector<1x1x16xf32> to vector<16xf32>
        %add3A_1838 = arith.addf %get3A_1831, %get3A_1837 : vector<16xf32>
        %add3A_1839 = arith.addf %add3A_1825, %add3A_1838 : vector<16xf32>
        %swap3A_1840 = arith.index_cast %add3A_1807 : i32 to index
        %swap3A_1841 = arith.constant 0 : index
        %swap3A_1842 = tpu.vector_load %arg8[%swap3A_1840, %swap3A_1841] {strides = array<i32>} : memref<128x16xf32, #tpu.memory_space<vmem>>, vector<1x16xf32>,
        %swap3A_1843 = vector.shape_cast %swap3A_1842 : vector<1x16xf32> to vector<16xf32>
        %swap3A_1844 = vector.shape_cast %add3A_1839 : vector<16xf32> to vector<1x16xf32>
        tpu.vector_store %arg8[%swap3A_1840, %swap3A_1841], %swap3A_1844 {strides = array<i32>} : memref<128x16xf32, #tpu.memory_space<vmem>>, vector<1x16xf32>,
        %mul3A_1845 = arith.constant 16 : i32
        %mul3A_1846 = arith.muli %mul3A_1845, %scan3A_1229 : i32
        %add3A_1847 = arith.constant 15 : i32
        %add3A_1848 = arith.addi %mul3A_1846, %add3A_1847 : i32
        %get3A_1849 = arith.index_cast %add3A_1848 : i32 to index
        %get3A_1850 = arith.constant 0 : index
        %get3A_1851 = tpu.vector_load %arg8[%get3A_1849, %get3A_1850] {strides = array<i32>} : memref<128x16xf32, #tpu.memory_space<vmem>>, vector<1x16xf32>,
        %get3A_1852 = vector.shape_cast %get3A_1851 : vector<1x16xf32> to vector<16xf32>
        %get3A_1853 = arith.constant 0 : i32
        %get3A_1854 = arith.index_cast %get3A_1853 : i32 to index
        %get3A_1855 = arith.index_cast %add3A_1848 : i32 to index
        %get3A_1856 = arith.constant 0 : index
        %get3A_1857 = tpu.vector_load %arg7[%get3A_1854, %get3A_1855, %get3A_1856] {strides = array<i32>} : memref<8x128x16xf32, #tpu.memory_space<vmem>>, vector<1x1x16xf32>,
        %get3A_1858 = vector.shape_cast %get3A_1857 : vector<1x1x16xf32> to vector<16xf32>
        %get3A_1859 = arith.constant 1 : i32
        %get3A_1860 = arith.index_cast %get3A_1859 : i32 to index
        %get3A_1861 = arith.index_cast %add3A_1848 : i32 to index
        %get3A_1862 = arith.constant 0 : index
        %get3A_1863 = tpu.vector_load %arg7[%get3A_1860, %get3A_1861, %get3A_1862] {strides = array<i32>} : memref<8x128x16xf32, #tpu.memory_space<vmem>>, vector<1x1x16xf32>,
        %get3A_1864 = vector.shape_cast %get3A_1863 : vector<1x1x16xf32> to vector<16xf32>
        %add3A_1865 = arith.addf %get3A_1858, %get3A_1864 : vector<16xf32>
        %add3A_1866 = arith.addf %get3A_1852, %add3A_1865 : vector<16xf32>
        %get3A_1867 = arith.constant 2 : i32
        %get3A_1868 = arith.index_cast %get3A_1867 : i32 to index
        %get3A_1869 = arith.index_cast %add3A_1848 : i32 to index
        %get3A_1870 = arith.constant 0 : index
        %get3A_1871 = tpu.vector_load %arg7[%get3A_1868, %get3A_1869, %get3A_1870] {strides = array<i32>} : memref<8x128x16xf32, #tpu.memory_space<vmem>>, vector<1x1x16xf32>,
        %get3A_1872 = vector.shape_cast %get3A_1871 : vector<1x1x16xf32> to vector<16xf32>
        %get3A_1873 = arith.constant 3 : i32
        %get3A_1874 = arith.index_cast %get3A_1873 : i32 to index
        %get3A_1875 = arith.index_cast %add3A_1848 : i32 to index
        %get3A_1876 = arith.constant 0 : index
        %get3A_1877 = tpu.vector_load %arg7[%get3A_1874, %get3A_1875, %get3A_1876] {strides = array<i32>} : memref<8x128x16xf32, #tpu.memory_space<vmem>>, vector<1x1x16xf32>,
        %get3A_1878 = vector.shape_cast %get3A_1877 : vector<1x1x16xf32> to vector<16xf32>
        %add3A_1879 = arith.addf %get3A_1872, %get3A_1878 : vector<16xf32>
        %add3A_1880 = arith.addf %add3A_1866, %add3A_1879 : vector<16xf32>
        %swap3A_1881 = arith.index_cast %add3A_1848 : i32 to index
        %swap3A_1882 = arith.constant 0 : index
        %swap3A_1883 = tpu.vector_load %arg8[%swap3A_1881, %swap3A_1882] {strides = array<i32>} : memref<128x16xf32, #tpu.memory_space<vmem>>, vector<1x16xf32>,
        %swap3A_1884 = vector.shape_cast %swap3A_1883 : vector<1x16xf32> to vector<16xf32>
        %swap3A_1885 = vector.shape_cast %add3A_1880 : vector<16xf32> to vector<1x16xf32>
        tpu.vector_store %arg8[%swap3A_1881, %swap3A_1882], %swap3A_1885 {strides = array<i32>} : memref<128x16xf32, #tpu.memory_space<vmem>>, vector<1x16xf32>,
      }
      %scan3A_1152 = arith.constant 8 : i32
      %add3A_1153 = arith.constant 8 : i32
      %add3A_1154 = arith.addi %add3A_1094, %add3A_1153 : i32
      %lt3A_1155 = arith.constant 200 : i32
      %lt3A_1156 = arith.cmpi slt, %add3A_1154, %lt3A_1155 : i32
      %convert_element_type3A_1157 = arith.extui %lt3A_1156 : i1 to i32
      %cond3A_1158 = arith.constant 0 : i32
      %cond3A_1159 = arith.cmpi ne, %convert_element_type3A_1157, %cond3A_1158 : i32
      scf.if %cond3A_1159 {
        %dma_start3A_1229 = arith.constant 0 : i32
        %dma_start3A_1230 = arith.constant 0 : i32
        %dma_start3A_1231 = arith.constant 0 : i32
        %dma_start3A_1232 = arith.constant 0 : i32
        %dma_start3A_1233 = tpu.memref_slice %arg7[%dma_start3A_1230, %dma_start3A_1231, %dma_start3A_1232] : memref<8x128x16xf32, #tpu.memory_space<vmem>> -> memref<1x128x16xf32, #tpu.memory_space<vmem>>
        %dma_start3A_1234 = tpu.memref_squeeze %dma_start3A_1233 : memref<1x128x16xf32, #tpu.memory_space<vmem>> -> memref<128x16xf32, #tpu.memory_space<vmem>>
        %dma_start3A_1235 = arith.constant 0 : i32
        %dma_start3A_1236 = tpu.memref_slice %arg6[%rem3A_1090, %dma_start3A_1229, %dma_start3A_1235] : memref<3x8x128xi32, #tpu.memory_space<vmem>> -> memref<1x1x128xi32, #tpu.memory_space<vmem>>
        %dma_start3A_1237 = tpu.memref_squeeze %dma_start3A_1236 : memref<1x1x128xi32, #tpu.memory_space<vmem>> -> memref<128xi32, #tpu.memory_space<vmem>>
        %dma_start3A_1238 = arith.constant 0 : i32
        %dma_start3A_1239 = arith.constant 0 : i32
        %dma_start3A_1240 = tpu.memref_slice %arg10[%dma_start3A_1238, %dma_start3A_1239] : memref<100000x16xf32, #tpu.memory_space<vmem_shared>> -> memref<100000x16xf32, #tpu.memory_space<vmem_shared>>
        tpu.enqueue_indirect_dma source(%dma_start3A_1240 : memref<100000x16xf32, #tpu.memory_space<vmem_shared>>) target(%dma_start3A_1234 : memref<128x16xf32, #tpu.memory_space<vmem>>) offsets(%dma_start3A_1237 : memref<128xi32, #tpu.memory_space<vmem>>) semaphore(%arg11 : memref<!tpu.dma_semaphore, #tpu.memory_space<semaphore_mem>>)
        %dma_start3A_1241 = arith.constant 1 : i32
        %dma_start3A_1242 = arith.constant 1 : i32
        %dma_start3A_1243 = arith.constant 0 : i32
        %dma_start3A_1244 = arith.constant 0 : i32
        %dma_start3A_1245 = tpu.memref_slice %arg7[%dma_start3A_1242, %dma_start3A_1243, %dma_start3A_1244] : memref<8x128x16xf32, #tpu.memory_space<vmem>> -> memref<1x128x16xf32, #tpu.memory_space<vmem>>
        %dma_start3A_1246 = tpu.memref_squeeze %dma_start3A_1245 : memref<1x128x16xf32, #tpu.memory_space<vmem>> -> memref<128x16xf32, #tpu.memory_space<vmem>>
        %dma_start3A_1247 = arith.constant 0 : i32
        %dma_start3A_1248 = tpu.memref_slice %arg6[%rem3A_1090, %dma_start3A_1241, %dma_start3A_1247] : memref<3x8x128xi32, #tpu.memory_space<vmem>> -> memref<1x1x128xi32, #tpu.memory_space<vmem>>
        %dma_start3A_1249 = tpu.memref_squeeze %dma_start3A_1248 : memref<1x1x128xi32, #tpu.memory_space<vmem>> -> memref<128xi32, #tpu.memory_space<vmem>>
        %dma_start3A_1250 = arith.constant 0 : i32
        %dma_start3A_1251 = arith.constant 0 : i32
        %dma_start3A_1252 = tpu.memref_slice %arg10[%dma_start3A_1250, %dma_start3A_1251] : memref<100000x16xf32, #tpu.memory_space<vmem_shared>> -> memref<100000x16xf32, #tpu.memory_space<vmem_shared>>
        tpu.enqueue_indirect_dma source(%dma_start3A_1252 : memref<100000x16xf32, #tpu.memory_space<vmem_shared>>) target(%dma_start3A_1246 : memref<128x16xf32, #tpu.memory_space<vmem>>) offsets(%dma_start3A_1249 : memref<128xi32, #tpu.memory_space<vmem>>) semaphore(%arg12 : memref<!tpu.dma_semaphore, #tpu.memory_space<semaphore_mem>>)
        %dma_start3A_1253 = arith.constant 2 : i32
        %dma_start3A_1254 = arith.constant 2 : i32
        %dma_start3A_1255 = arith.constant 0 : i32
        %dma_start3A_1256 = arith.constant 0 : i32
        %dma_start3A_1257 = tpu.memref_slice %arg7[%dma_start3A_1254, %dma_start3A_1255, %dma_start3A_1256] : memref<8x128x16xf32, #tpu.memory_space<vmem>> -> memref<1x128x16xf32, #tpu.memory_space<vmem>>
        %dma_start3A_1258 = tpu.memref_squeeze %dma_start3A_1257 : memref<1x128x16xf32, #tpu.memory_space<vmem>> -> memref<128x16xf32, #tpu.memory_space<vmem>>
        %dma_start3A_1259 = arith.constant 0 : i32
        %dma_start3A_1260 = tpu.memref_slice %arg6[%rem3A_1090, %dma_start3A_1253, %dma_start3A_1259] : memref<3x8x128xi32, #tpu.memory_space<vmem>> -> memref<1x1x128xi32, #tpu.memory_space<vmem>>
        %dma_start3A_1261 = tpu.memref_squeeze %dma_start3A_1260 : memref<1x1x128xi32, #tpu.memory_space<vmem>> -> memref<128xi32, #tpu.memory_space<vmem>>
        %dma_start3A_1262 = arith.constant 0 : i32
        %dma_start3A_1263 = arith.constant 0 : i32
        %dma_start3A_1264 = tpu.memref_slice %arg10[%dma_start3A_1262, %dma_start3A_1263] : memref<100000x16xf32, #tpu.memory_space<vmem_shared>> -> memref<100000x16xf32, #tpu.memory_space<vmem_shared>>
        tpu.enqueue_indirect_dma source(%dma_start3A_1264 : memref<100000x16xf32, #tpu.memory_space<vmem_shared>>) target(%dma_start3A_1258 : memref<128x16xf32, #tpu.memory_space<vmem>>) offsets(%dma_start3A_1261 : memref<128xi32, #tpu.memory_space<vmem>>) semaphore(%arg13 : memref<!tpu.dma_semaphore, #tpu.memory_space<semaphore_mem>>)
        %dma_start3A_1265 = arith.constant 3 : i32
        %dma_start3A_1266 = arith.constant 3 : i32
        %dma_start3A_1267 = arith.constant 0 : i32
        %dma_start3A_1268 = arith.constant 0 : i32
        %dma_start3A_1269 = tpu.memref_slice %arg7[%dma_start3A_1266, %dma_start3A_1267, %dma_start3A_1268] : memref<8x128x16xf32, #tpu.memory_space<vmem>> -> memref<1x128x16xf32, #tpu.memory_space<vmem>>
        %dma_start3A_1270 = tpu.memref_squeeze %dma_start3A_1269 : memref<1x128x16xf32, #tpu.memory_space<vmem>> -> memref<128x16xf32, #tpu.memory_space<vmem>>
        %dma_start3A_1271 = arith.constant 0 : i32
        %dma_start3A_1272 = tpu.memref_slice %arg6[%rem3A_1090, %dma_start3A_1265, %dma_start3A_1271] : memref<3x8x128xi32, #tpu.memory_space<vmem>> -> memref<1x1x128xi32, #tpu.memory_space<vmem>>
        %dma_start3A_1273 = tpu.memref_squeeze %dma_start3A_1272 : memref<1x1x128xi32, #tpu.memory_space<vmem>> -> memref<128xi32, #tpu.memory_space<vmem>>
        %dma_start3A_1274 = arith.constant 0 : i32
        %dma_start3A_1275 = arith.constant 0 : i32
        %dma_start3A_1276 = tpu.memref_slice %arg10[%dma_start3A_1274, %dma_start3A_1275] : memref<100000x16xf32, #tpu.memory_space<vmem_shared>> -> memref<100000x16xf32, #tpu.memory_space<vmem_shared>>
        tpu.enqueue_indirect_dma source(%dma_start3A_1276 : memref<100000x16xf32, #tpu.memory_space<vmem_shared>>) target(%dma_start3A_1270 : memref<128x16xf32, #tpu.memory_space<vmem>>) offsets(%dma_start3A_1273 : memref<128xi32, #tpu.memory_space<vmem>>) semaphore(%arg14 : memref<!tpu.dma_semaphore, #tpu.memory_space<semaphore_mem>>)
      } else {
      }
      %mul3A_1160 = arith.constant 8 : i32
      %mul3A_1161 = arith.muli %mul3A_1160, %scan3A_1078 : i32
      %add3A_1162 = arith.constant 4 : i32
      %add3A_1163 = arith.addi %mul3A_1161, %add3A_1162 : i32
      %dma_wait3A_1164 = arith.constant 0 : i32
      %dma_wait3A_1165 = arith.constant 0 : i32
      %dma_wait3A_1166 = arith.constant 4 : i32
      %dma_wait3A_1167 = arith.constant 0 : i32
      %dma_wait3A_1168 = arith.constant 0 : i32
      %dma_wait3A_1169 = tpu.memref_slice %arg7[%dma_wait3A_1166, %dma_wait3A_1167, %dma_wait3A_1168] : memref<8x128x16xf32, #tpu.memory_space<vmem>> -> memref<1x128x16xf32, #tpu.memory_space<vmem>>
      %dma_wait3A_1170 = tpu.memref_squeeze %dma_wait3A_1169 : memref<1x128x16xf32, #tpu.memory_space<vmem>> -> memref<128x16xf32, #tpu.memory_space<vmem>>
      %dma_wait3A_1171 = arith.constant 0 : i32
      %dma_wait3A_1172 = tpu.memref_slice %arg6[%dma_wait3A_1164, %dma_wait3A_1165, %dma_wait3A_1171] : memref<3x8x128xi32, #tpu.memory_space<vmem>> -> memref<1x1x128xi32, #tpu.memory_space<vmem>>
      %dma_wait3A_1173 = tpu.memref_squeeze %dma_wait3A_1172 : memref<1x1x128xi32, #tpu.memory_space<vmem>> -> memref<128xi32, #tpu.memory_space<vmem>>
      %dma_wait3A_1174 = arith.constant 0 : i32
      %dma_wait3A_1175 = arith.constant 0 : i32
      %dma_wait3A_1176 = tpu.memref_slice %arg10[%dma_wait3A_1174, %dma_wait3A_1175] : memref<100000x16xf32, #tpu.memory_space<vmem_shared>> -> memref<100000x16xf32, #tpu.memory_space<vmem_shared>>
      tpu.wait_indirect_dma semaphore(%arg15 : memref<!tpu.dma_semaphore, #tpu.memory_space<semaphore_mem>>) src(%dma_wait3A_1176 : memref<100000x16xf32, #tpu.memory_space<vmem_shared>>) dst(%dma_wait3A_1170 : memref<128x16xf32, #tpu.memory_space<vmem>>)
      %dma_wait3A_1177 = arith.constant 0 : i32
      %dma_wait3A_1178 = arith.constant 0 : i32
      %dma_wait3A_1179 = arith.constant 5 : i32
      %dma_wait3A_1180 = arith.constant 0 : i32
      %dma_wait3A_1181 = arith.constant 0 : i32
      %dma_wait3A_1182 = tpu.memref_slice %arg7[%dma_wait3A_1179, %dma_wait3A_1180, %dma_wait3A_1181] : memref<8x128x16xf32, #tpu.memory_space<vmem>> -> memref<1x128x16xf32, #tpu.memory_space<vmem>>
      %dma_wait3A_1183 = tpu.memref_squeeze %dma_wait3A_1182 : memref<1x128x16xf32, #tpu.memory_space<vmem>> -> memref<128x16xf32, #tpu.memory_space<vmem>>
      %dma_wait3A_1184 = arith.constant 0 : i32
      %dma_wait3A_1185 = tpu.memref_slice %arg6[%dma_wait3A_1177, %dma_wait3A_1178, %dma_wait3A_1184] : memref<3x8x128xi32, #tpu.memory_space<vmem>> -> memref<1x1x128xi32, #tpu.memory_space<vmem>>
      %dma_wait3A_1186 = tpu.memref_squeeze %dma_wait3A_1185 : memref<1x1x128xi32, #tpu.memory_space<vmem>> -> memref<128xi32, #tpu.memory_space<vmem>>
      %dma_wait3A_1187 = arith.constant 0 : i32
      %dma_wait3A_1188 = arith.constant 0 : i32
      %dma_wait3A_1189 = tpu.memref_slice %arg10[%dma_wait3A_1187, %dma_wait3A_1188] : memref<100000x16xf32, #tpu.memory_space<vmem_shared>> -> memref<100000x16xf32, #tpu.memory_space<vmem_shared>>
      tpu.wait_indirect_dma semaphore(%arg16 : memref<!tpu.dma_semaphore, #tpu.memory_space<semaphore_mem>>) src(%dma_wait3A_1189 : memref<100000x16xf32, #tpu.memory_space<vmem_shared>>) dst(%dma_wait3A_1183 : memref<128x16xf32, #tpu.memory_space<vmem>>)
      %dma_wait3A_1190 = arith.constant 0 : i32
      %dma_wait3A_1191 = arith.constant 0 : i32
      %dma_wait3A_1192 = arith.constant 6 : i32
      %dma_wait3A_1193 = arith.constant 0 : i32
      %dma_wait3A_1194 = arith.constant 0 : i32
      %dma_wait3A_1195 = tpu.memref_slice %arg7[%dma_wait3A_1192, %dma_wait3A_1193, %dma_wait3A_1194] : memref<8x128x16xf32, #tpu.memory_space<vmem>> -> memref<1x128x16xf32, #tpu.memory_space<vmem>>
      %dma_wait3A_1196 = tpu.memref_squeeze %dma_wait3A_1195 : memref<1x128x16xf32, #tpu.memory_space<vmem>> -> memref<128x16xf32, #tpu.memory_space<vmem>>
      %dma_wait3A_1197 = arith.constant 0 : i32
      %dma_wait3A_1198 = tpu.memref_slice %arg6[%dma_wait3A_1190, %dma_wait3A_1191, %dma_wait3A_1197] : memref<3x8x128xi32, #tpu.memory_space<vmem>> -> memref<1x1x128xi32, #tpu.memory_space<vmem>>
      %dma_wait3A_1199 = tpu.memref_squeeze %dma_wait3A_1198 : memref<1x1x128xi32, #tpu.memory_space<vmem>> -> memref<128xi32, #tpu.memory_space<vmem>>
      %dma_wait3A_1200 = arith.constant 0 : i32
      %dma_wait3A_1201 = arith.constant 0 : i32
      %dma_wait3A_1202 = tpu.memref_slice %arg10[%dma_wait3A_1200, %dma_wait3A_1201] : memref<100000x16xf32, #tpu.memory_space<vmem_shared>> -> memref<100000x16xf32, #tpu.memory_space<vmem_shared>>
      tpu.wait_indirect_dma semaphore(%arg17 : memref<!tpu.dma_semaphore, #tpu.memory_space<semaphore_mem>>) src(%dma_wait3A_1202 : memref<100000x16xf32, #tpu.memory_space<vmem_shared>>) dst(%dma_wait3A_1196 : memref<128x16xf32, #tpu.memory_space<vmem>>)
      %dma_wait3A_1203 = arith.constant 0 : i32
      %dma_wait3A_1204 = arith.constant 0 : i32
      %dma_wait3A_1205 = arith.constant 7 : i32
      %dma_wait3A_1206 = arith.constant 0 : i32
      %dma_wait3A_1207 = arith.constant 0 : i32
      %dma_wait3A_1208 = tpu.memref_slice %arg7[%dma_wait3A_1205, %dma_wait3A_1206, %dma_wait3A_1207] : memref<8x128x16xf32, #tpu.memory_space<vmem>> -> memref<1x128x16xf32, #tpu.memory_space<vmem>>
      %dma_wait3A_1209 = tpu.memref_squeeze %dma_wait3A_1208 : memref<1x128x16xf32, #tpu.memory_space<vmem>> -> memref<128x16xf32, #tpu.memory_space<vmem>>
      %dma_wait3A_1210 = arith.constant 0 : i32
      %dma_wait3A_1211 = tpu.memref_slice %arg6[%dma_wait3A_1203, %dma_wait3A_1204, %dma_wait3A_1210] : memref<3x8x128xi32, #tpu.memory_space<vmem>> -> memref<1x1x128xi32, #tpu.memory_space<vmem>>
      %dma_wait3A_1212 = tpu.memref_squeeze %dma_wait3A_1211 : memref<1x1x128xi32, #tpu.memory_space<vmem>> -> memref<128xi32, #tpu.memory_space<vmem>>
      %dma_wait3A_1213 = arith.constant 0 : i32
      %dma_wait3A_1214 = arith.constant 0 : i32
      %dma_wait3A_1215 = tpu.memref_slice %arg10[%dma_wait3A_1213, %dma_wait3A_1214] : memref<100000x16xf32, #tpu.memory_space<vmem_shared>> -> memref<100000x16xf32, #tpu.memory_space<vmem_shared>>
      tpu.wait_indirect_dma semaphore(%arg18 : memref<!tpu.dma_semaphore, #tpu.memory_space<semaphore_mem>>) src(%dma_wait3A_1215 : memref<100000x16xf32, #tpu.memory_space<vmem_shared>>) dst(%dma_wait3A_1209 : memref<128x16xf32, #tpu.memory_space<vmem>>)
      %scan3A_1216 = arith.constant 0 : i32
      %scan3A_1217 = arith.constant 0 : i32
      %scan3A_1218 = arith.constant 8 : i32
      %scan3A_1219 = arith.addi %scan3A_1217, %scan3A_1218 : i32
      %scan3A_1220 = arith.constant 1 : i32
      scf.for %scan3A_1229 = %scan3A_1217 to %scan3A_1219 step %scan3A_1220  : i32 {
        %mul3A_1230 = arith.constant 16 : i32
        %mul3A_1231 = arith.muli %mul3A_1230, %scan3A_1229 : i32
        %add3A_1232 = arith.constant 0 : i32
        %add3A_1233 = arith.addi %mul3A_1231, %add3A_1232 : i32
        %get3A_1234 = arith.index_cast %add3A_1233 : i32 to index
        %get3A_1235 = arith.constant 0 : index
        %get3A_1236 = tpu.vector_load %arg8[%get3A_1234, %get3A_1235] {strides = array<i32>} : memref<128x16xf32, #tpu.memory_space<vmem>>, vector<1x16xf32>,
        %get3A_1237 = vector.shape_cast %get3A_1236 : vector<1x16xf32> to vector<16xf32>
        %get3A_1238 = arith.constant 4 : i32
        %get3A_1239 = arith.index_cast %get3A_1238 : i32 to index
        %get3A_1240 = arith.index_cast %add3A_1233 : i32 to index
        %get3A_1241 = arith.constant 0 : index
        %get3A_1242 = tpu.vector_load %arg7[%get3A_1239, %get3A_1240, %get3A_1241] {strides = array<i32>} : memref<8x128x16xf32, #tpu.memory_space<vmem>>, vector<1x1x16xf32>,
        %get3A_1243 = vector.shape_cast %get3A_1242 : vector<1x1x16xf32> to vector<16xf32>
        %get3A_1244 = arith.constant 5 : i32
        %get3A_1245 = arith.index_cast %get3A_1244 : i32 to index
        %get3A_1246 = arith.index_cast %add3A_1233 : i32 to index
        %get3A_1247 = arith.constant 0 : index
        %get3A_1248 = tpu.vector_load %arg7[%get3A_1245, %get3A_1246, %get3A_1247] {strides = array<i32>} : memref<8x128x16xf32, #tpu.memory_space<vmem>>, vector<1x1x16xf32>,
        %get3A_1249 = vector.shape_cast %get3A_1248 : vector<1x1x16xf32> to vector<16xf32>
        %add3A_1250 = arith.addf %get3A_1243, %get3A_1249 : vector<16xf32>
        %add3A_1251 = arith.addf %get3A_1237, %add3A_1250 : vector<16xf32>
        %get3A_1252 = arith.constant 6 : i32
        %get3A_1253 = arith.index_cast %get3A_1252 : i32 to index
        %get3A_1254 = arith.index_cast %add3A_1233 : i32 to index
        %get3A_1255 = arith.constant 0 : index
        %get3A_1256 = tpu.vector_load %arg7[%get3A_1253, %get3A_1254, %get3A_1255] {strides = array<i32>} : memref<8x128x16xf32, #tpu.memory_space<vmem>>, vector<1x1x16xf32>,
        %get3A_1257 = vector.shape_cast %get3A_1256 : vector<1x1x16xf32> to vector<16xf32>
        %get3A_1258 = arith.constant 7 : i32
        %get3A_1259 = arith.index_cast %get3A_1258 : i32 to index
        %get3A_1260 = arith.index_cast %add3A_1233 : i32 to index
        %get3A_1261 = arith.constant 0 : index
        %get3A_1262 = tpu.vector_load %arg7[%get3A_1259, %get3A_1260, %get3A_1261] {strides = array<i32>} : memref<8x128x16xf32, #tpu.memory_space<vmem>>, vector<1x1x16xf32>,
        %get3A_1263 = vector.shape_cast %get3A_1262 : vector<1x1x16xf32> to vector<16xf32>
        %add3A_1264 = arith.addf %get3A_1257, %get3A_1263 : vector<16xf32>
        %add3A_1265 = arith.addf %add3A_1251, %add3A_1264 : vector<16xf32>
        %swap3A_1266 = arith.index_cast %add3A_1233 : i32 to index
        %swap3A_1267 = arith.constant 0 : index
        %swap3A_1268 = tpu.vector_load %arg8[%swap3A_1266, %swap3A_1267] {strides = array<i32>} : memref<128x16xf32, #tpu.memory_space<vmem>>, vector<1x16xf32>,
        %swap3A_1269 = vector.shape_cast %swap3A_1268 : vector<1x16xf32> to vector<16xf32>
        %swap3A_1270 = vector.shape_cast %add3A_1265 : vector<16xf32> to vector<1x16xf32>
        tpu.vector_store %arg8[%swap3A_1266, %swap3A_1267], %swap3A_1270 {strides = array<i32>} : memref<128x16xf32, #tpu.memory_space<vmem>>, vector<1x16xf32>,
        %mul3A_1271 = arith.constant 16 : i32
        %mul3A_1272 = arith.muli %mul3A_1271, %scan3A_1229 : i32
        %add3A_1273 = arith.constant 1 : i32
        %add3A_1274 = arith.addi %mul3A_1272, %add3A_1273 : i32
        %get3A_1275 = arith.index_cast %add3A_1274 : i32 to index
        %get3A_1276 = arith.constant 0 : index
        %get3A_1277 = tpu.vector_load %arg8[%get3A_1275, %get3A_1276] {strides = array<i32>} : memref<128x16xf32, #tpu.memory_space<vmem>>, vector<1x16xf32>,
        %get3A_1278 = vector.shape_cast %get3A_1277 : vector<1x16xf32> to vector<16xf32>
        %get3A_1279 = arith.constant 4 : i32
        %get3A_1280 = arith.index_cast %get3A_1279 : i32 to index
        %get3A_1281 = arith.index_cast %add3A_1274 : i32 to index
        %get3A_1282 = arith.constant 0 : index
        %get3A_1283 = tpu.vector_load %arg7[%get3A_1280, %get3A_1281, %get3A_1282] {strides = array<i32>} : memref<8x128x16xf32, #tpu.memory_space<vmem>>, vector<1x1x16xf32>,
        %get3A_1284 = vector.shape_cast %get3A_1283 : vector<1x1x16xf32> to vector<16xf32>
        %get3A_1285 = arith.constant 5 : i32
        %get3A_1286 = arith.index_cast %get3A_1285 : i32 to index
        %get3A_1287 = arith.index_cast %add3A_1274 : i32 to index
        %get3A_1288 = arith.constant 0 : index
        %get3A_1289 = tpu.vector_load %arg7[%get3A_1286, %get3A_1287, %get3A_1288] {strides = array<i32>} : memref<8x128x16xf32, #tpu.memory_space<vmem>>, vector<1x1x16xf32>,
        %get3A_1290 = vector.shape_cast %get3A_1289 : vector<1x1x16xf32> to vector<16xf32>
        %add3A_1291 = arith.addf %get3A_1284, %get3A_1290 : vector<16xf32>
        %add3A_1292 = arith.addf %get3A_1278, %add3A_1291 : vector<16xf32>
        %get3A_1293 = arith.constant 6 : i32
        %get3A_1294 = arith.index_cast %get3A_1293 : i32 to index
        %get3A_1295 = arith.index_cast %add3A_1274 : i32 to index
        %get3A_1296 = arith.constant 0 : index
        %get3A_1297 = tpu.vector_load %arg7[%get3A_1294, %get3A_1295, %get3A_1296] {strides = array<i32>} : memref<8x128x16xf32, #tpu.memory_space<vmem>>, vector<1x1x16xf32>,
        %get3A_1298 = vector.shape_cast %get3A_1297 : vector<1x1x16xf32> to vector<16xf32>
        %get3A_1299 = arith.constant 7 : i32
        %get3A_1300 = arith.index_cast %get3A_1299 : i32 to index
        %get3A_1301 = arith.index_cast %add3A_1274 : i32 to index
        %get3A_1302 = arith.constant 0 : index
        %get3A_1303 = tpu.vector_load %arg7[%get3A_1300, %get3A_1301, %get3A_1302] {strides = array<i32>} : memref<8x128x16xf32, #tpu.memory_space<vmem>>, vector<1x1x16xf32>,
        %get3A_1304 = vector.shape_cast %get3A_1303 : vector<1x1x16xf32> to vector<16xf32>
        %add3A_1305 = arith.addf %get3A_1298, %get3A_1304 : vector<16xf32>
        %add3A_1306 = arith.addf %add3A_1292, %add3A_1305 : vector<16xf32>
        %swap3A_1307 = arith.index_cast %add3A_1274 : i32 to index
        %swap3A_1308 = arith.constant 0 : index
        %swap3A_1309 = tpu.vector_load %arg8[%swap3A_1307, %swap3A_1308] {strides = array<i32>} : memref<128x16xf32, #tpu.memory_space<vmem>>, vector<1x16xf32>,
        %swap3A_1310 = vector.shape_cast %swap3A_1309 : vector<1x16xf32> to vector<16xf32>
        %swap3A_1311 = vector.shape_cast %add3A_1306 : vector<16xf32> to vector<1x16xf32>
        tpu.vector_store %arg8[%swap3A_1307, %swap3A_1308], %swap3A_1311 {strides = array<i32>} : memref<128x16xf32, #tpu.memory_space<vmem>>, vector<1x16xf32>,
        %mul3A_1312 = arith.constant 16 : i32
        %mul3A_1313 = arith.muli %mul3A_1312, %scan3A_1229 : i32
        %add3A_1314 = arith.constant 2 : i32
        %add3A_1315 = arith.addi %mul3A_1313, %add3A_1314 : i32
        %get3A_1316 = arith.index_cast %add3A_1315 : i32 to index
        %get3A_1317 = arith.constant 0 : index
        %get3A_1318 = tpu.vector_load %arg8[%get3A_1316, %get3A_1317] {strides = array<i32>} : memref<128x16xf32, #tpu.memory_space<vmem>>, vector<1x16xf32>,
        %get3A_1319 = vector.shape_cast %get3A_1318 : vector<1x16xf32> to vector<16xf32>
        %get3A_1320 = arith.constant 4 : i32
        %get3A_1321 = arith.index_cast %get3A_1320 : i32 to index
        %get3A_1322 = arith.index_cast %add3A_1315 : i32 to index
        %get3A_1323 = arith.constant 0 : index
        %get3A_1324 = tpu.vector_load %arg7[%get3A_1321, %get3A_1322, %get3A_1323] {strides = array<i32>} : memref<8x128x16xf32, #tpu.memory_space<vmem>>, vector<1x1x16xf32>,
        %get3A_1325 = vector.shape_cast %get3A_1324 : vector<1x1x16xf32> to vector<16xf32>
        %get3A_1326 = arith.constant 5 : i32
        %get3A_1327 = arith.index_cast %get3A_1326 : i32 to index
        %get3A_1328 = arith.index_cast %add3A_1315 : i32 to index
        %get3A_1329 = arith.constant 0 : index
        %get3A_1330 = tpu.vector_load %arg7[%get3A_1327, %get3A_1328, %get3A_1329] {strides = array<i32>} : memref<8x128x16xf32, #tpu.memory_space<vmem>>, vector<1x1x16xf32>,
        %get3A_1331 = vector.shape_cast %get3A_1330 : vector<1x1x16xf32> to vector<16xf32>
        %add3A_1332 = arith.addf %get3A_1325, %get3A_1331 : vector<16xf32>
        %add3A_1333 = arith.addf %get3A_1319, %add3A_1332 : vector<16xf32>
        %get3A_1334 = arith.constant 6 : i32
        %get3A_1335 = arith.index_cast %get3A_1334 : i32 to index
        %get3A_1336 = arith.index_cast %add3A_1315 : i32 to index
        %get3A_1337 = arith.constant 0 : index
        %get3A_1338 = tpu.vector_load %arg7[%get3A_1335, %get3A_1336, %get3A_1337] {strides = array<i32>} : memref<8x128x16xf32, #tpu.memory_space<vmem>>, vector<1x1x16xf32>,
        %get3A_1339 = vector.shape_cast %get3A_1338 : vector<1x1x16xf32> to vector<16xf32>
        %get3A_1340 = arith.constant 7 : i32
        %get3A_1341 = arith.index_cast %get3A_1340 : i32 to index
        %get3A_1342 = arith.index_cast %add3A_1315 : i32 to index
        %get3A_1343 = arith.constant 0 : index
        %get3A_1344 = tpu.vector_load %arg7[%get3A_1341, %get3A_1342, %get3A_1343] {strides = array<i32>} : memref<8x128x16xf32, #tpu.memory_space<vmem>>, vector<1x1x16xf32>,
        %get3A_1345 = vector.shape_cast %get3A_1344 : vector<1x1x16xf32> to vector<16xf32>
        %add3A_1346 = arith.addf %get3A_1339, %get3A_1345 : vector<16xf32>
        %add3A_1347 = arith.addf %add3A_1333, %add3A_1346 : vector<16xf32>
        %swap3A_1348 = arith.index_cast %add3A_1315 : i32 to index
        %swap3A_1349 = arith.constant 0 : index
        %swap3A_1350 = tpu.vector_load %arg8[%swap3A_1348, %swap3A_1349] {strides = array<i32>} : memref<128x16xf32, #tpu.memory_space<vmem>>, vector<1x16xf32>,
        %swap3A_1351 = vector.shape_cast %swap3A_1350 : vector<1x16xf32> to vector<16xf32>
        %swap3A_1352 = vector.shape_cast %add3A_1347 : vector<16xf32> to vector<1x16xf32>
        tpu.vector_store %arg8[%swap3A_1348, %swap3A_1349], %swap3A_1352 {strides = array<i32>} : memref<128x16xf32, #tpu.memory_space<vmem>>, vector<1x16xf32>,
        %mul3A_1353 = arith.constant 16 : i32
        %mul3A_1354 = arith.muli %mul3A_1353, %scan3A_1229 : i32
        %add3A_1355 = arith.constant 3 : i32
        %add3A_1356 = arith.addi %mul3A_1354, %add3A_1355 : i32
        %get3A_1357 = arith.index_cast %add3A_1356 : i32 to index
        %get3A_1358 = arith.constant 0 : index
        %get3A_1359 = tpu.vector_load %arg8[%get3A_1357, %get3A_1358] {strides = array<i32>} : memref<128x16xf32, #tpu.memory_space<vmem>>, vector<1x16xf32>,
        %get3A_1360 = vector.shape_cast %get3A_1359 : vector<1x16xf32> to vector<16xf32>
        %get3A_1361 = arith.constant 4 : i32
        %get3A_1362 = arith.index_cast %get3A_1361 : i32 to index
        %get3A_1363 = arith.index_cast %add3A_1356 : i32 to index
        %get3A_1364 = arith.constant 0 : index
        %get3A_1365 = tpu.vector_load %arg7[%get3A_1362, %get3A_1363, %get3A_1364] {strides = array<i32>} : memref<8x128x16xf32, #tpu.memory_space<vmem>>, vector<1x1x16xf32>,
        %get3A_1366 = vector.shape_cast %get3A_1365 : vector<1x1x16xf32> to vector<16xf32>
        %get3A_1367 = arith.constant 5 : i32
        %get3A_1368 = arith.index_cast %get3A_1367 : i32 to index
        %get3A_1369 = arith.index_cast %add3A_1356 : i32 to index
        %get3A_1370 = arith.constant 0 : index
        %get3A_1371 = tpu.vector_load %arg7[%get3A_1368, %get3A_1369, %get3A_1370] {strides = array<i32>} : memref<8x128x16xf32, #tpu.memory_space<vmem>>, vector<1x1x16xf32>,
        %get3A_1372 = vector.shape_cast %get3A_1371 : vector<1x1x16xf32> to vector<16xf32>
        %add3A_1373 = arith.addf %get3A_1366, %get3A_1372 : vector<16xf32>
        %add3A_1374 = arith.addf %get3A_1360, %add3A_1373 : vector<16xf32>
        %get3A_1375 = arith.constant 6 : i32
        %get3A_1376 = arith.index_cast %get3A_1375 : i32 to index
        %get3A_1377 = arith.index_cast %add3A_1356 : i32 to index
        %get3A_1378 = arith.constant 0 : index
        %get3A_1379 = tpu.vector_load %arg7[%get3A_1376, %get3A_1377, %get3A_1378] {strides = array<i32>} : memref<8x128x16xf32, #tpu.memory_space<vmem>>, vector<1x1x16xf32>,
        %get3A_1380 = vector.shape_cast %get3A_1379 : vector<1x1x16xf32> to vector<16xf32>
        %get3A_1381 = arith.constant 7 : i32
        %get3A_1382 = arith.index_cast %get3A_1381 : i32 to index
        %get3A_1383 = arith.index_cast %add3A_1356 : i32 to index
        %get3A_1384 = arith.constant 0 : index
        %get3A_1385 = tpu.vector_load %arg7[%get3A_1382, %get3A_1383, %get3A_1384] {strides = array<i32>} : memref<8x128x16xf32, #tpu.memory_space<vmem>>, vector<1x1x16xf32>,
        %get3A_1386 = vector.shape_cast %get3A_1385 : vector<1x1x16xf32> to vector<16xf32>
        %add3A_1387 = arith.addf %get3A_1380, %get3A_1386 : vector<16xf32>
        %add3A_1388 = arith.addf %add3A_1374, %add3A_1387 : vector<16xf32>
        %swap3A_1389 = arith.index_cast %add3A_1356 : i32 to index
        %swap3A_1390 = arith.constant 0 : index
        %swap3A_1391 = tpu.vector_load %arg8[%swap3A_1389, %swap3A_1390] {strides = array<i32>} : memref<128x16xf32, #tpu.memory_space<vmem>>, vector<1x16xf32>,
        %swap3A_1392 = vector.shape_cast %swap3A_1391 : vector<1x16xf32> to vector<16xf32>
        %swap3A_1393 = vector.shape_cast %add3A_1388 : vector<16xf32> to vector<1x16xf32>
        tpu.vector_store %arg8[%swap3A_1389, %swap3A_1390], %swap3A_1393 {strides = array<i32>} : memref<128x16xf32, #tpu.memory_space<vmem>>, vector<1x16xf32>,
        %mul3A_1394 = arith.constant 16 : i32
        %mul3A_1395 = arith.muli %mul3A_1394, %scan3A_1229 : i32
        %add3A_1396 = arith.constant 4 : i32
        %add3A_1397 = arith.addi %mul3A_1395, %add3A_1396 : i32
        %get3A_1398 = arith.index_cast %add3A_1397 : i32 to index
        %get3A_1399 = arith.constant 0 : index
        %get3A_1400 = tpu.vector_load %arg8[%get3A_1398, %get3A_1399] {strides = array<i32>} : memref<128x16xf32, #tpu.memory_space<vmem>>, vector<1x16xf32>,
        %get3A_1401 = vector.shape_cast %get3A_1400 : vector<1x16xf32> to vector<16xf32>
        %get3A_1402 = arith.constant 4 : i32
        %get3A_1403 = arith.index_cast %get3A_1402 : i32 to index
        %get3A_1404 = arith.index_cast %add3A_1397 : i32 to index
        %get3A_1405 = arith.constant 0 : index
        %get3A_1406 = tpu.vector_load %arg7[%get3A_1403, %get3A_1404, %get3A_1405] {strides = array<i32>} : memref<8x128x16xf32, #tpu.memory_space<vmem>>, vector<1x1x16xf32>,
        %get3A_1407 = vector.shape_cast %get3A_1406 : vector<1x1x16xf32> to vector<16xf32>
        %get3A_1408 = arith.constant 5 : i32
        %get3A_1409 = arith.index_cast %get3A_1408 : i32 to index
        %get3A_1410 = arith.index_cast %add3A_1397 : i32 to index
        %get3A_1411 = arith.constant 0 : index
        %get3A_1412 = tpu.vector_load %arg7[%get3A_1409, %get3A_1410, %get3A_1411] {strides = array<i32>} : memref<8x128x16xf32, #tpu.memory_space<vmem>>, vector<1x1x16xf32>,
        %get3A_1413 = vector.shape_cast %get3A_1412 : vector<1x1x16xf32> to vector<16xf32>
        %add3A_1414 = arith.addf %get3A_1407, %get3A_1413 : vector<16xf32>
        %add3A_1415 = arith.addf %get3A_1401, %add3A_1414 : vector<16xf32>
        %get3A_1416 = arith.constant 6 : i32
        %get3A_1417 = arith.index_cast %get3A_1416 : i32 to index
        %get3A_1418 = arith.index_cast %add3A_1397 : i32 to index
        %get3A_1419 = arith.constant 0 : index
        %get3A_1420 = tpu.vector_load %arg7[%get3A_1417, %get3A_1418, %get3A_1419] {strides = array<i32>} : memref<8x128x16xf32, #tpu.memory_space<vmem>>, vector<1x1x16xf32>,
        %get3A_1421 = vector.shape_cast %get3A_1420 : vector<1x1x16xf32> to vector<16xf32>
        %get3A_1422 = arith.constant 7 : i32
        %get3A_1423 = arith.index_cast %get3A_1422 : i32 to index
        %get3A_1424 = arith.index_cast %add3A_1397 : i32 to index
        %get3A_1425 = arith.constant 0 : index
        %get3A_1426 = tpu.vector_load %arg7[%get3A_1423, %get3A_1424, %get3A_1425] {strides = array<i32>} : memref<8x128x16xf32, #tpu.memory_space<vmem>>, vector<1x1x16xf32>,
        %get3A_1427 = vector.shape_cast %get3A_1426 : vector<1x1x16xf32> to vector<16xf32>
        %add3A_1428 = arith.addf %get3A_1421, %get3A_1427 : vector<16xf32>
        %add3A_1429 = arith.addf %add3A_1415, %add3A_1428 : vector<16xf32>
        %swap3A_1430 = arith.index_cast %add3A_1397 : i32 to index
        %swap3A_1431 = arith.constant 0 : index
        %swap3A_1432 = tpu.vector_load %arg8[%swap3A_1430, %swap3A_1431] {strides = array<i32>} : memref<128x16xf32, #tpu.memory_space<vmem>>, vector<1x16xf32>,
        %swap3A_1433 = vector.shape_cast %swap3A_1432 : vector<1x16xf32> to vector<16xf32>
        %swap3A_1434 = vector.shape_cast %add3A_1429 : vector<16xf32> to vector<1x16xf32>
        tpu.vector_store %arg8[%swap3A_1430, %swap3A_1431], %swap3A_1434 {strides = array<i32>} : memref<128x16xf32, #tpu.memory_space<vmem>>, vector<1x16xf32>,
        %mul3A_1435 = arith.constant 16 : i32
        %mul3A_1436 = arith.muli %mul3A_1435, %scan3A_1229 : i32
        %add3A_1437 = arith.constant 5 : i32
        %add3A_1438 = arith.addi %mul3A_1436, %add3A_1437 : i32
        %get3A_1439 = arith.index_cast %add3A_1438 : i32 to index
        %get3A_1440 = arith.constant 0 : index
        %get3A_1441 = tpu.vector_load %arg8[%get3A_1439, %get3A_1440] {strides = array<i32>} : memref<128x16xf32, #tpu.memory_space<vmem>>, vector<1x16xf32>,
        %get3A_1442 = vector.shape_cast %get3A_1441 : vector<1x16xf32> to vector<16xf32>
        %get3A_1443 = arith.constant 4 : i32
        %get3A_1444 = arith.index_cast %get3A_1443 : i32 to index
        %get3A_1445 = arith.index_cast %add3A_1438 : i32 to index
        %get3A_1446 = arith.constant 0 : index
        %get3A_1447 = tpu.vector_load %arg7[%get3A_1444, %get3A_1445, %get3A_1446] {strides = array<i32>} : memref<8x128x16xf32, #tpu.memory_space<vmem>>, vector<1x1x16xf32>,
        %get3A_1448 = vector.shape_cast %get3A_1447 : vector<1x1x16xf32> to vector<16xf32>
        %get3A_1449 = arith.constant 5 : i32
        %get3A_1450 = arith.index_cast %get3A_1449 : i32 to index
        %get3A_1451 = arith.index_cast %add3A_1438 : i32 to index
        %get3A_1452 = arith.constant 0 : index
        %get3A_1453 = tpu.vector_load %arg7[%get3A_1450, %get3A_1451, %get3A_1452] {strides = array<i32>} : memref<8x128x16xf32, #tpu.memory_space<vmem>>, vector<1x1x16xf32>,
        %get3A_1454 = vector.shape_cast %get3A_1453 : vector<1x1x16xf32> to vector<16xf32>
        %add3A_1455 = arith.addf %get3A_1448, %get3A_1454 : vector<16xf32>
        %add3A_1456 = arith.addf %get3A_1442, %add3A_1455 : vector<16xf32>
        %get3A_1457 = arith.constant 6 : i32
        %get3A_1458 = arith.index_cast %get3A_1457 : i32 to index
        %get3A_1459 = arith.index_cast %add3A_1438 : i32 to index
        %get3A_1460 = arith.constant 0 : index
        %get3A_1461 = tpu.vector_load %arg7[%get3A_1458, %get3A_1459, %get3A_1460] {strides = array<i32>} : memref<8x128x16xf32, #tpu.memory_space<vmem>>, vector<1x1x16xf32>,
        %get3A_1462 = vector.shape_cast %get3A_1461 : vector<1x1x16xf32> to vector<16xf32>
        %get3A_1463 = arith.constant 7 : i32
        %get3A_1464 = arith.index_cast %get3A_1463 : i32 to index
        %get3A_1465 = arith.index_cast %add3A_1438 : i32 to index
        %get3A_1466 = arith.constant 0 : index
        %get3A_1467 = tpu.vector_load %arg7[%get3A_1464, %get3A_1465, %get3A_1466] {strides = array<i32>} : memref<8x128x16xf32, #tpu.memory_space<vmem>>, vector<1x1x16xf32>,
        %get3A_1468 = vector.shape_cast %get3A_1467 : vector<1x1x16xf32> to vector<16xf32>
        %add3A_1469 = arith.addf %get3A_1462, %get3A_1468 : vector<16xf32>
        %add3A_1470 = arith.addf %add3A_1456, %add3A_1469 : vector<16xf32>
        %swap3A_1471 = arith.index_cast %add3A_1438 : i32 to index
        %swap3A_1472 = arith.constant 0 : index
        %swap3A_1473 = tpu.vector_load %arg8[%swap3A_1471, %swap3A_1472] {strides = array<i32>} : memref<128x16xf32, #tpu.memory_space<vmem>>, vector<1x16xf32>,
        %swap3A_1474 = vector.shape_cast %swap3A_1473 : vector<1x16xf32> to vector<16xf32>
        %swap3A_1475 = vector.shape_cast %add3A_1470 : vector<16xf32> to vector<1x16xf32>
        tpu.vector_store %arg8[%swap3A_1471, %swap3A_1472], %swap3A_1475 {strides = array<i32>} : memref<128x16xf32, #tpu.memory_space<vmem>>, vector<1x16xf32>,
        %mul3A_1476 = arith.constant 16 : i32
        %mul3A_1477 = arith.muli %mul3A_1476, %scan3A_1229 : i32
        %add3A_1478 = arith.constant 6 : i32
        %add3A_1479 = arith.addi %mul3A_1477, %add3A_1478 : i32
        %get3A_1480 = arith.index_cast %add3A_1479 : i32 to index
        %get3A_1481 = arith.constant 0 : index
        %get3A_1482 = tpu.vector_load %arg8[%get3A_1480, %get3A_1481] {strides = array<i32>} : memref<128x16xf32, #tpu.memory_space<vmem>>, vector<1x16xf32>,
        %get3A_1483 = vector.shape_cast %get3A_1482 : vector<1x16xf32> to vector<16xf32>
        %get3A_1484 = arith.constant 4 : i32
        %get3A_1485 = arith.index_cast %get3A_1484 : i32 to index
        %get3A_1486 = arith.index_cast %add3A_1479 : i32 to index
        %get3A_1487 = arith.constant 0 : index
        %get3A_1488 = tpu.vector_load %arg7[%get3A_1485, %get3A_1486, %get3A_1487] {strides = array<i32>} : memref<8x128x16xf32, #tpu.memory_space<vmem>>, vector<1x1x16xf32>,
        %get3A_1489 = vector.shape_cast %get3A_1488 : vector<1x1x16xf32> to vector<16xf32>
        %get3A_1490 = arith.constant 5 : i32
        %get3A_1491 = arith.index_cast %get3A_1490 : i32 to index
        %get3A_1492 = arith.index_cast %add3A_1479 : i32 to index
        %get3A_1493 = arith.constant 0 : index
        %get3A_1494 = tpu.vector_load %arg7[%get3A_1491, %get3A_1492, %get3A_1493] {strides = array<i32>} : memref<8x128x16xf32, #tpu.memory_space<vmem>>, vector<1x1x16xf32>,
        %get3A_1495 = vector.shape_cast %get3A_1494 : vector<1x1x16xf32> to vector<16xf32>
        %add3A_1496 = arith.addf %get3A_1489, %get3A_1495 : vector<16xf32>
        %add3A_1497 = arith.addf %get3A_1483, %add3A_1496 : vector<16xf32>
        %get3A_1498 = arith.constant 6 : i32
        %get3A_1499 = arith.index_cast %get3A_1498 : i32 to index
        %get3A_1500 = arith.index_cast %add3A_1479 : i32 to index
        %get3A_1501 = arith.constant 0 : index
        %get3A_1502 = tpu.vector_load %arg7[%get3A_1499, %get3A_1500, %get3A_1501] {strides = array<i32>} : memref<8x128x16xf32, #tpu.memory_space<vmem>>, vector<1x1x16xf32>,
        %get3A_1503 = vector.shape_cast %get3A_1502 : vector<1x1x16xf32> to vector<16xf32>
        %get3A_1504 = arith.constant 7 : i32
        %get3A_1505 = arith.index_cast %get3A_1504 : i32 to index
        %get3A_1506 = arith.index_cast %add3A_1479 : i32 to index
        %get3A_1507 = arith.constant 0 : index
        %get3A_1508 = tpu.vector_load %arg7[%get3A_1505, %get3A_1506, %get3A_1507] {strides = array<i32>} : memref<8x128x16xf32, #tpu.memory_space<vmem>>, vector<1x1x16xf32>,
        %get3A_1509 = vector.shape_cast %get3A_1508 : vector<1x1x16xf32> to vector<16xf32>
        %add3A_1510 = arith.addf %get3A_1503, %get3A_1509 : vector<16xf32>
        %add3A_1511 = arith.addf %add3A_1497, %add3A_1510 : vector<16xf32>
        %swap3A_1512 = arith.index_cast %add3A_1479 : i32 to index
        %swap3A_1513 = arith.constant 0 : index
        %swap3A_1514 = tpu.vector_load %arg8[%swap3A_1512, %swap3A_1513] {strides = array<i32>} : memref<128x16xf32, #tpu.memory_space<vmem>>, vector<1x16xf32>,
        %swap3A_1515 = vector.shape_cast %swap3A_1514 : vector<1x16xf32> to vector<16xf32>
        %swap3A_1516 = vector.shape_cast %add3A_1511 : vector<16xf32> to vector<1x16xf32>
        tpu.vector_store %arg8[%swap3A_1512, %swap3A_1513], %swap3A_1516 {strides = array<i32>} : memref<128x16xf32, #tpu.memory_space<vmem>>, vector<1x16xf32>,
        %mul3A_1517 = arith.constant 16 : i32
        %mul3A_1518 = arith.muli %mul3A_1517, %scan3A_1229 : i32
        %add3A_1519 = arith.constant 7 : i32
        %add3A_1520 = arith.addi %mul3A_1518, %add3A_1519 : i32
        %get3A_1521 = arith.index_cast %add3A_1520 : i32 to index
        %get3A_1522 = arith.constant 0 : index
        %get3A_1523 = tpu.vector_load %arg8[%get3A_1521, %get3A_1522] {strides = array<i32>} : memref<128x16xf32, #tpu.memory_space<vmem>>, vector<1x16xf32>,
        %get3A_1524 = vector.shape_cast %get3A_1523 : vector<1x16xf32> to vector<16xf32>
        %get3A_1525 = arith.constant 4 : i32
        %get3A_1526 = arith.index_cast %get3A_1525 : i32 to index
        %get3A_1527 = arith.index_cast %add3A_1520 : i32 to index
        %get3A_1528 = arith.constant 0 : index
        %get3A_1529 = tpu.vector_load %arg7[%get3A_1526, %get3A_1527, %get3A_1528] {strides = array<i32>} : memref<8x128x16xf32, #tpu.memory_space<vmem>>, vector<1x1x16xf32>,
        %get3A_1530 = vector.shape_cast %get3A_1529 : vector<1x1x16xf32> to vector<16xf32>
        %get3A_1531 = arith.constant 5 : i32
        %get3A_1532 = arith.index_cast %get3A_1531 : i32 to index
        %get3A_1533 = arith.index_cast %add3A_1520 : i32 to index
        %get3A_1534 = arith.constant 0 : index
        %get3A_1535 = tpu.vector_load %arg7[%get3A_1532, %get3A_1533, %get3A_1534] {strides = array<i32>} : memref<8x128x16xf32, #tpu.memory_space<vmem>>, vector<1x1x16xf32>,
        %get3A_1536 = vector.shape_cast %get3A_1535 : vector<1x1x16xf32> to vector<16xf32>
        %add3A_1537 = arith.addf %get3A_1530, %get3A_1536 : vector<16xf32>
        %add3A_1538 = arith.addf %get3A_1524, %add3A_1537 : vector<16xf32>
        %get3A_1539 = arith.constant 6 : i32
        %get3A_1540 = arith.index_cast %get3A_1539 : i32 to index
        %get3A_1541 = arith.index_cast %add3A_1520 : i32 to index
        %get3A_1542 = arith.constant 0 : index
        %get3A_1543 = tpu.vector_load %arg7[%get3A_1540, %get3A_1541, %get3A_1542] {strides = array<i32>} : memref<8x128x16xf32, #tpu.memory_space<vmem>>, vector<1x1x16xf32>,
        %get3A_1544 = vector.shape_cast %get3A_1543 : vector<1x1x16xf32> to vector<16xf32>
        %get3A_1545 = arith.constant 7 : i32
        %get3A_1546 = arith.index_cast %get3A_1545 : i32 to index
        %get3A_1547 = arith.index_cast %add3A_1520 : i32 to index
        %get3A_1548 = arith.constant 0 : index
        %get3A_1549 = tpu.vector_load %arg7[%get3A_1546, %get3A_1547, %get3A_1548] {strides = array<i32>} : memref<8x128x16xf32, #tpu.memory_space<vmem>>, vector<1x1x16xf32>,
        %get3A_1550 = vector.shape_cast %get3A_1549 : vector<1x1x16xf32> to vector<16xf32>
        %add3A_1551 = arith.addf %get3A_1544, %get3A_1550 : vector<16xf32>
        %add3A_1552 = arith.addf %add3A_1538, %add3A_1551 : vector<16xf32>
        %swap3A_1553 = arith.index_cast %add3A_1520 : i32 to index
        %swap3A_1554 = arith.constant 0 : index
        %swap3A_1555 = tpu.vector_load %arg8[%swap3A_1553, %swap3A_1554] {strides = array<i32>} : memref<128x16xf32, #tpu.memory_space<vmem>>, vector<1x16xf32>,
        %swap3A_1556 = vector.shape_cast %swap3A_1555 : vector<1x16xf32> to vector<16xf32>
        %swap3A_1557 = vector.shape_cast %add3A_1552 : vector<16xf32> to vector<1x16xf32>
        tpu.vector_store %arg8[%swap3A_1553, %swap3A_1554], %swap3A_1557 {strides = array<i32>} : memref<128x16xf32, #tpu.memory_space<vmem>>, vector<1x16xf32>,
        %mul3A_1558 = arith.constant 16 : i32
        %mul3A_1559 = arith.muli %mul3A_1558, %scan3A_1229 : i32
        %add3A_1560 = arith.constant 8 : i32
        %add3A_1561 = arith.addi %mul3A_1559, %add3A_1560 : i32
        %get3A_1562 = arith.index_cast %add3A_1561 : i32 to index
        %get3A_1563 = arith.constant 0 : index
        %get3A_1564 = tpu.vector_load %arg8[%get3A_1562, %get3A_1563] {strides = array<i32>} : memref<128x16xf32, #tpu.memory_space<vmem>>, vector<1x16xf32>,
        %get3A_1565 = vector.shape_cast %get3A_1564 : vector<1x16xf32> to vector<16xf32>
        %get3A_1566 = arith.constant 4 : i32
        %get3A_1567 = arith.index_cast %get3A_1566 : i32 to index
        %get3A_1568 = arith.index_cast %add3A_1561 : i32 to index
        %get3A_1569 = arith.constant 0 : index
        %get3A_1570 = tpu.vector_load %arg7[%get3A_1567, %get3A_1568, %get3A_1569] {strides = array<i32>} : memref<8x128x16xf32, #tpu.memory_space<vmem>>, vector<1x1x16xf32>,
        %get3A_1571 = vector.shape_cast %get3A_1570 : vector<1x1x16xf32> to vector<16xf32>
        %get3A_1572 = arith.constant 5 : i32
        %get3A_1573 = arith.index_cast %get3A_1572 : i32 to index
        %get3A_1574 = arith.index_cast %add3A_1561 : i32 to index
        %get3A_1575 = arith.constant 0 : index
        %get3A_1576 = tpu.vector_load %arg7[%get3A_1573, %get3A_1574, %get3A_1575] {strides = array<i32>} : memref<8x128x16xf32, #tpu.memory_space<vmem>>, vector<1x1x16xf32>,
        %get3A_1577 = vector.shape_cast %get3A_1576 : vector<1x1x16xf32> to vector<16xf32>
        %add3A_1578 = arith.addf %get3A_1571, %get3A_1577 : vector<16xf32>
        %add3A_1579 = arith.addf %get3A_1565, %add3A_1578 : vector<16xf32>
        %get3A_1580 = arith.constant 6 : i32
        %get3A_1581 = arith.index_cast %get3A_1580 : i32 to index
        %get3A_1582 = arith.index_cast %add3A_1561 : i32 to index
        %get3A_1583 = arith.constant 0 : index
        %get3A_1584 = tpu.vector_load %arg7[%get3A_1581, %get3A_1582, %get3A_1583] {strides = array<i32>} : memref<8x128x16xf32, #tpu.memory_space<vmem>>, vector<1x1x16xf32>,
        %get3A_1585 = vector.shape_cast %get3A_1584 : vector<1x1x16xf32> to vector<16xf32>
        %get3A_1586 = arith.constant 7 : i32
        %get3A_1587 = arith.index_cast %get3A_1586 : i32 to index
        %get3A_1588 = arith.index_cast %add3A_1561 : i32 to index
        %get3A_1589 = arith.constant 0 : index
        %get3A_1590 = tpu.vector_load %arg7[%get3A_1587, %get3A_1588, %get3A_1589] {strides = array<i32>} : memref<8x128x16xf32, #tpu.memory_space<vmem>>, vector<1x1x16xf32>,
        %get3A_1591 = vector.shape_cast %get3A_1590 : vector<1x1x16xf32> to vector<16xf32>
        %add3A_1592 = arith.addf %get3A_1585, %get3A_1591 : vector<16xf32>
        %add3A_1593 = arith.addf %add3A_1579, %add3A_1592 : vector<16xf32>
        %swap3A_1594 = arith.index_cast %add3A_1561 : i32 to index
        %swap3A_1595 = arith.constant 0 : index
        %swap3A_1596 = tpu.vector_load %arg8[%swap3A_1594, %swap3A_1595] {strides = array<i32>} : memref<128x16xf32, #tpu.memory_space<vmem>>, vector<1x16xf32>,
        %swap3A_1597 = vector.shape_cast %swap3A_1596 : vector<1x16xf32> to vector<16xf32>
        %swap3A_1598 = vector.shape_cast %add3A_1593 : vector<16xf32> to vector<1x16xf32>
        tpu.vector_store %arg8[%swap3A_1594, %swap3A_1595], %swap3A_1598 {strides = array<i32>} : memref<128x16xf32, #tpu.memory_space<vmem>>, vector<1x16xf32>,
        %mul3A_1599 = arith.constant 16 : i32
        %mul3A_1600 = arith.muli %mul3A_1599, %scan3A_1229 : i32
        %add3A_1601 = arith.constant 9 : i32
        %add3A_1602 = arith.addi %mul3A_1600, %add3A_1601 : i32
        %get3A_1603 = arith.index_cast %add3A_1602 : i32 to index
        %get3A_1604 = arith.constant 0 : index
        %get3A_1605 = tpu.vector_load %arg8[%get3A_1603, %get3A_1604] {strides = array<i32>} : memref<128x16xf32, #tpu.memory_space<vmem>>, vector<1x16xf32>,
        %get3A_1606 = vector.shape_cast %get3A_1605 : vector<1x16xf32> to vector<16xf32>
        %get3A_1607 = arith.constant 4 : i32
        %get3A_1608 = arith.index_cast %get3A_1607 : i32 to index
        %get3A_1609 = arith.index_cast %add3A_1602 : i32 to index
        %get3A_1610 = arith.constant 0 : index
        %get3A_1611 = tpu.vector_load %arg7[%get3A_1608, %get3A_1609, %get3A_1610] {strides = array<i32>} : memref<8x128x16xf32, #tpu.memory_space<vmem>>, vector<1x1x16xf32>,
        %get3A_1612 = vector.shape_cast %get3A_1611 : vector<1x1x16xf32> to vector<16xf32>
        %get3A_1613 = arith.constant 5 : i32
        %get3A_1614 = arith.index_cast %get3A_1613 : i32 to index
        %get3A_1615 = arith.index_cast %add3A_1602 : i32 to index
        %get3A_1616 = arith.constant 0 : index
        %get3A_1617 = tpu.vector_load %arg7[%get3A_1614, %get3A_1615, %get3A_1616] {strides = array<i32>} : memref<8x128x16xf32, #tpu.memory_space<vmem>>, vector<1x1x16xf32>,
        %get3A_1618 = vector.shape_cast %get3A_1617 : vector<1x1x16xf32> to vector<16xf32>
        %add3A_1619 = arith.addf %get3A_1612, %get3A_1618 : vector<16xf32>
        %add3A_1620 = arith.addf %get3A_1606, %add3A_1619 : vector<16xf32>
        %get3A_1621 = arith.constant 6 : i32
        %get3A_1622 = arith.index_cast %get3A_1621 : i32 to index
        %get3A_1623 = arith.index_cast %add3A_1602 : i32 to index
        %get3A_1624 = arith.constant 0 : index
        %get3A_1625 = tpu.vector_load %arg7[%get3A_1622, %get3A_1623, %get3A_1624] {strides = array<i32>} : memref<8x128x16xf32, #tpu.memory_space<vmem>>, vector<1x1x16xf32>,
        %get3A_1626 = vector.shape_cast %get3A_1625 : vector<1x1x16xf32> to vector<16xf32>
        %get3A_1627 = arith.constant 7 : i32
        %get3A_1628 = arith.index_cast %get3A_1627 : i32 to index
        %get3A_1629 = arith.index_cast %add3A_1602 : i32 to index
        %get3A_1630 = arith.constant 0 : index
        %get3A_1631 = tpu.vector_load %arg7[%get3A_1628, %get3A_1629, %get3A_1630] {strides = array<i32>} : memref<8x128x16xf32, #tpu.memory_space<vmem>>, vector<1x1x16xf32>,
        %get3A_1632 = vector.shape_cast %get3A_1631 : vector<1x1x16xf32> to vector<16xf32>
        %add3A_1633 = arith.addf %get3A_1626, %get3A_1632 : vector<16xf32>
        %add3A_1634 = arith.addf %add3A_1620, %add3A_1633 : vector<16xf32>
        %swap3A_1635 = arith.index_cast %add3A_1602 : i32 to index
        %swap3A_1636 = arith.constant 0 : index
        %swap3A_1637 = tpu.vector_load %arg8[%swap3A_1635, %swap3A_1636] {strides = array<i32>} : memref<128x16xf32, #tpu.memory_space<vmem>>, vector<1x16xf32>,
        %swap3A_1638 = vector.shape_cast %swap3A_1637 : vector<1x16xf32> to vector<16xf32>
        %swap3A_1639 = vector.shape_cast %add3A_1634 : vector<16xf32> to vector<1x16xf32>
        tpu.vector_store %arg8[%swap3A_1635, %swap3A_1636], %swap3A_1639 {strides = array<i32>} : memref<128x16xf32, #tpu.memory_space<vmem>>, vector<1x16xf32>,
        %mul3A_1640 = arith.constant 16 : i32
        %mul3A_1641 = arith.muli %mul3A_1640, %scan3A_1229 : i32
        %add3A_1642 = arith.constant 10 : i32
        %add3A_1643 = arith.addi %mul3A_1641, %add3A_1642 : i32
        %get3A_1644 = arith.index_cast %add3A_1643 : i32 to index
        %get3A_1645 = arith.constant 0 : index
        %get3A_1646 = tpu.vector_load %arg8[%get3A_1644, %get3A_1645] {strides = array<i32>} : memref<128x16xf32, #tpu.memory_space<vmem>>, vector<1x16xf32>,
        %get3A_1647 = vector.shape_cast %get3A_1646 : vector<1x16xf32> to vector<16xf32>
        %get3A_1648 = arith.constant 4 : i32
        %get3A_1649 = arith.index_cast %get3A_1648 : i32 to index
        %get3A_1650 = arith.index_cast %add3A_1643 : i32 to index
        %get3A_1651 = arith.constant 0 : index
        %get3A_1652 = tpu.vector_load %arg7[%get3A_1649, %get3A_1650, %get3A_1651] {strides = array<i32>} : memref<8x128x16xf32, #tpu.memory_space<vmem>>, vector<1x1x16xf32>,
        %get3A_1653 = vector.shape_cast %get3A_1652 : vector<1x1x16xf32> to vector<16xf32>
        %get3A_1654 = arith.constant 5 : i32
        %get3A_1655 = arith.index_cast %get3A_1654 : i32 to index
        %get3A_1656 = arith.index_cast %add3A_1643 : i32 to index
        %get3A_1657 = arith.constant 0 : index
        %get3A_1658 = tpu.vector_load %arg7[%get3A_1655, %get3A_1656, %get3A_1657] {strides = array<i32>} : memref<8x128x16xf32, #tpu.memory_space<vmem>>, vector<1x1x16xf32>,
        %get3A_1659 = vector.shape_cast %get3A_1658 : vector<1x1x16xf32> to vector<16xf32>
        %add3A_1660 = arith.addf %get3A_1653, %get3A_1659 : vector<16xf32>
        %add3A_1661 = arith.addf %get3A_1647, %add3A_1660 : vector<16xf32>
        %get3A_1662 = arith.constant 6 : i32
        %get3A_1663 = arith.index_cast %get3A_1662 : i32 to index
        %get3A_1664 = arith.index_cast %add3A_1643 : i32 to index
        %get3A_1665 = arith.constant 0 : index
        %get3A_1666 = tpu.vector_load %arg7[%get3A_1663, %get3A_1664, %get3A_1665] {strides = array<i32>} : memref<8x128x16xf32, #tpu.memory_space<vmem>>, vector<1x1x16xf32>,
        %get3A_1667 = vector.shape_cast %get3A_1666 : vector<1x1x16xf32> to vector<16xf32>
        %get3A_1668 = arith.constant 7 : i32
        %get3A_1669 = arith.index_cast %get3A_1668 : i32 to index
        %get3A_1670 = arith.index_cast %add3A_1643 : i32 to index
        %get3A_1671 = arith.constant 0 : index
        %get3A_1672 = tpu.vector_load %arg7[%get3A_1669, %get3A_1670, %get3A_1671] {strides = array<i32>} : memref<8x128x16xf32, #tpu.memory_space<vmem>>, vector<1x1x16xf32>,
        %get3A_1673 = vector.shape_cast %get3A_1672 : vector<1x1x16xf32> to vector<16xf32>
        %add3A_1674 = arith.addf %get3A_1667, %get3A_1673 : vector<16xf32>
        %add3A_1675 = arith.addf %add3A_1661, %add3A_1674 : vector<16xf32>
        %swap3A_1676 = arith.index_cast %add3A_1643 : i32 to index
        %swap3A_1677 = arith.constant 0 : index
        %swap3A_1678 = tpu.vector_load %arg8[%swap3A_1676, %swap3A_1677] {strides = array<i32>} : memref<128x16xf32, #tpu.memory_space<vmem>>, vector<1x16xf32>,
        %swap3A_1679 = vector.shape_cast %swap3A_1678 : vector<1x16xf32> to vector<16xf32>
        %swap3A_1680 = vector.shape_cast %add3A_1675 : vector<16xf32> to vector<1x16xf32>
        tpu.vector_store %arg8[%swap3A_1676, %swap3A_1677], %swap3A_1680 {strides = array<i32>} : memref<128x16xf32, #tpu.memory_space<vmem>>, vector<1x16xf32>,
        %mul3A_1681 = arith.constant 16 : i32
        %mul3A_1682 = arith.muli %mul3A_1681, %scan3A_1229 : i32
        %add3A_1683 = arith.constant 11 : i32
        %add3A_1684 = arith.addi %mul3A_1682, %add3A_1683 : i32
        %get3A_1685 = arith.index_cast %add3A_1684 : i32 to index
        %get3A_1686 = arith.constant 0 : index
        %get3A_1687 = tpu.vector_load %arg8[%get3A_1685, %get3A_1686] {strides = array<i32>} : memref<128x16xf32, #tpu.memory_space<vmem>>, vector<1x16xf32>,
        %get3A_1688 = vector.shape_cast %get3A_1687 : vector<1x16xf32> to vector<16xf32>
        %get3A_1689 = arith.constant 4 : i32
        %get3A_1690 = arith.index_cast %get3A_1689 : i32 to index
        %get3A_1691 = arith.index_cast %add3A_1684 : i32 to index
        %get3A_1692 = arith.constant 0 : index
        %get3A_1693 = tpu.vector_load %arg7[%get3A_1690, %get3A_1691, %get3A_1692] {strides = array<i32>} : memref<8x128x16xf32, #tpu.memory_space<vmem>>, vector<1x1x16xf32>,
        %get3A_1694 = vector.shape_cast %get3A_1693 : vector<1x1x16xf32> to vector<16xf32>
        %get3A_1695 = arith.constant 5 : i32
        %get3A_1696 = arith.index_cast %get3A_1695 : i32 to index
        %get3A_1697 = arith.index_cast %add3A_1684 : i32 to index
        %get3A_1698 = arith.constant 0 : index
        %get3A_1699 = tpu.vector_load %arg7[%get3A_1696, %get3A_1697, %get3A_1698] {strides = array<i32>} : memref<8x128x16xf32, #tpu.memory_space<vmem>>, vector<1x1x16xf32>,
        %get3A_1700 = vector.shape_cast %get3A_1699 : vector<1x1x16xf32> to vector<16xf32>
        %add3A_1701 = arith.addf %get3A_1694, %get3A_1700 : vector<16xf32>
        %add3A_1702 = arith.addf %get3A_1688, %add3A_1701 : vector<16xf32>
        %get3A_1703 = arith.constant 6 : i32
        %get3A_1704 = arith.index_cast %get3A_1703 : i32 to index
        %get3A_1705 = arith.index_cast %add3A_1684 : i32 to index
        %get3A_1706 = arith.constant 0 : index
        %get3A_1707 = tpu.vector_load %arg7[%get3A_1704, %get3A_1705, %get3A_1706] {strides = array<i32>} : memref<8x128x16xf32, #tpu.memory_space<vmem>>, vector<1x1x16xf32>,
        %get3A_1708 = vector.shape_cast %get3A_1707 : vector<1x1x16xf32> to vector<16xf32>
        %get3A_1709 = arith.constant 7 : i32
        %get3A_1710 = arith.index_cast %get3A_1709 : i32 to index
        %get3A_1711 = arith.index_cast %add3A_1684 : i32 to index
        %get3A_1712 = arith.constant 0 : index
        %get3A_1713 = tpu.vector_load %arg7[%get3A_1710, %get3A_1711, %get3A_1712] {strides = array<i32>} : memref<8x128x16xf32, #tpu.memory_space<vmem>>, vector<1x1x16xf32>,
        %get3A_1714 = vector.shape_cast %get3A_1713 : vector<1x1x16xf32> to vector<16xf32>
        %add3A_1715 = arith.addf %get3A_1708, %get3A_1714 : vector<16xf32>
        %add3A_1716 = arith.addf %add3A_1702, %add3A_1715 : vector<16xf32>
        %swap3A_1717 = arith.index_cast %add3A_1684 : i32 to index
        %swap3A_1718 = arith.constant 0 : index
        %swap3A_1719 = tpu.vector_load %arg8[%swap3A_1717, %swap3A_1718] {strides = array<i32>} : memref<128x16xf32, #tpu.memory_space<vmem>>, vector<1x16xf32>,
        %swap3A_1720 = vector.shape_cast %swap3A_1719 : vector<1x16xf32> to vector<16xf32>
        %swap3A_1721 = vector.shape_cast %add3A_1716 : vector<16xf32> to vector<1x16xf32>
        tpu.vector_store %arg8[%swap3A_1717, %swap3A_1718], %swap3A_1721 {strides = array<i32>} : memref<128x16xf32, #tpu.memory_space<vmem>>, vector<1x16xf32>,
        %mul3A_1722 = arith.constant 16 : i32
        %mul3A_1723 = arith.muli %mul3A_1722, %scan3A_1229 : i32
        %add3A_1724 = arith.constant 12 : i32
        %add3A_1725 = arith.addi %mul3A_1723, %add3A_1724 : i32
        %get3A_1726 = arith.index_cast %add3A_1725 : i32 to index
        %get3A_1727 = arith.constant 0 : index
        %get3A_1728 = tpu.vector_load %arg8[%get3A_1726, %get3A_1727] {strides = array<i32>} : memref<128x16xf32, #tpu.memory_space<vmem>>, vector<1x16xf32>,
        %get3A_1729 = vector.shape_cast %get3A_1728 : vector<1x16xf32> to vector<16xf32>
        %get3A_1730 = arith.constant 4 : i32
        %get3A_1731 = arith.index_cast %get3A_1730 : i32 to index
        %get3A_1732 = arith.index_cast %add3A_1725 : i32 to index
        %get3A_1733 = arith.constant 0 : index
        %get3A_1734 = tpu.vector_load %arg7[%get3A_1731, %get3A_1732, %get3A_1733] {strides = array<i32>} : memref<8x128x16xf32, #tpu.memory_space<vmem>>, vector<1x1x16xf32>,
        %get3A_1735 = vector.shape_cast %get3A_1734 : vector<1x1x16xf32> to vector<16xf32>
        %get3A_1736 = arith.constant 5 : i32
        %get3A_1737 = arith.index_cast %get3A_1736 : i32 to index
        %get3A_1738 = arith.index_cast %add3A_1725 : i32 to index
        %get3A_1739 = arith.constant 0 : index
        %get3A_1740 = tpu.vector_load %arg7[%get3A_1737, %get3A_1738, %get3A_1739] {strides = array<i32>} : memref<8x128x16xf32, #tpu.memory_space<vmem>>, vector<1x1x16xf32>,
        %get3A_1741 = vector.shape_cast %get3A_1740 : vector<1x1x16xf32> to vector<16xf32>
        %add3A_1742 = arith.addf %get3A_1735, %get3A_1741 : vector<16xf32>
        %add3A_1743 = arith.addf %get3A_1729, %add3A_1742 : vector<16xf32>
        %get3A_1744 = arith.constant 6 : i32
        %get3A_1745 = arith.index_cast %get3A_1744 : i32 to index
        %get3A_1746 = arith.index_cast %add3A_1725 : i32 to index
        %get3A_1747 = arith.constant 0 : index
        %get3A_1748 = tpu.vector_load %arg7[%get3A_1745, %get3A_1746, %get3A_1747] {strides = array<i32>} : memref<8x128x16xf32, #tpu.memory_space<vmem>>, vector<1x1x16xf32>,
        %get3A_1749 = vector.shape_cast %get3A_1748 : vector<1x1x16xf32> to vector<16xf32>
        %get3A_1750 = arith.constant 7 : i32
        %get3A_1751 = arith.index_cast %get3A_1750 : i32 to index
        %get3A_1752 = arith.index_cast %add3A_1725 : i32 to index
        %get3A_1753 = arith.constant 0 : index
        %get3A_1754 = tpu.vector_load %arg7[%get3A_1751, %get3A_1752, %get3A_1753] {strides = array<i32>} : memref<8x128x16xf32, #tpu.memory_space<vmem>>, vector<1x1x16xf32>,
        %get3A_1755 = vector.shape_cast %get3A_1754 : vector<1x1x16xf32> to vector<16xf32>
        %add3A_1756 = arith.addf %get3A_1749, %get3A_1755 : vector<16xf32>
        %add3A_1757 = arith.addf %add3A_1743, %add3A_1756 : vector<16xf32>
        %swap3A_1758 = arith.index_cast %add3A_1725 : i32 to index
        %swap3A_1759 = arith.constant 0 : index
        %swap3A_1760 = tpu.vector_load %arg8[%swap3A_1758, %swap3A_1759] {strides = array<i32>} : memref<128x16xf32, #tpu.memory_space<vmem>>, vector<1x16xf32>,
        %swap3A_1761 = vector.shape_cast %swap3A_1760 : vector<1x16xf32> to vector<16xf32>
        %swap3A_1762 = vector.shape_cast %add3A_1757 : vector<16xf32> to vector<1x16xf32>
        tpu.vector_store %arg8[%swap3A_1758, %swap3A_1759], %swap3A_1762 {strides = array<i32>} : memref<128x16xf32, #tpu.memory_space<vmem>>, vector<1x16xf32>,
        %mul3A_1763 = arith.constant 16 : i32
        %mul3A_1764 = arith.muli %mul3A_1763, %scan3A_1229 : i32
        %add3A_1765 = arith.constant 13 : i32
        %add3A_1766 = arith.addi %mul3A_1764, %add3A_1765 : i32
        %get3A_1767 = arith.index_cast %add3A_1766 : i32 to index
        %get3A_1768 = arith.constant 0 : index
        %get3A_1769 = tpu.vector_load %arg8[%get3A_1767, %get3A_1768] {strides = array<i32>} : memref<128x16xf32, #tpu.memory_space<vmem>>, vector<1x16xf32>,
        %get3A_1770 = vector.shape_cast %get3A_1769 : vector<1x16xf32> to vector<16xf32>
        %get3A_1771 = arith.constant 4 : i32
        %get3A_1772 = arith.index_cast %get3A_1771 : i32 to index
        %get3A_1773 = arith.index_cast %add3A_1766 : i32 to index
        %get3A_1774 = arith.constant 0 : index
        %get3A_1775 = tpu.vector_load %arg7[%get3A_1772, %get3A_1773, %get3A_1774] {strides = array<i32>} : memref<8x128x16xf32, #tpu.memory_space<vmem>>, vector<1x1x16xf32>,
        %get3A_1776 = vector.shape_cast %get3A_1775 : vector<1x1x16xf32> to vector<16xf32>
        %get3A_1777 = arith.constant 5 : i32
        %get3A_1778 = arith.index_cast %get3A_1777 : i32 to index
        %get3A_1779 = arith.index_cast %add3A_1766 : i32 to index
        %get3A_1780 = arith.constant 0 : index
        %get3A_1781 = tpu.vector_load %arg7[%get3A_1778, %get3A_1779, %get3A_1780] {strides = array<i32>} : memref<8x128x16xf32, #tpu.memory_space<vmem>>, vector<1x1x16xf32>,
        %get3A_1782 = vector.shape_cast %get3A_1781 : vector<1x1x16xf32> to vector<16xf32>
        %add3A_1783 = arith.addf %get3A_1776, %get3A_1782 : vector<16xf32>
        %add3A_1784 = arith.addf %get3A_1770, %add3A_1783 : vector<16xf32>
        %get3A_1785 = arith.constant 6 : i32
        %get3A_1786 = arith.index_cast %get3A_1785 : i32 to index
        %get3A_1787 = arith.index_cast %add3A_1766 : i32 to index
        %get3A_1788 = arith.constant 0 : index
        %get3A_1789 = tpu.vector_load %arg7[%get3A_1786, %get3A_1787, %get3A_1788] {strides = array<i32>} : memref<8x128x16xf32, #tpu.memory_space<vmem>>, vector<1x1x16xf32>,
        %get3A_1790 = vector.shape_cast %get3A_1789 : vector<1x1x16xf32> to vector<16xf32>
        %get3A_1791 = arith.constant 7 : i32
        %get3A_1792 = arith.index_cast %get3A_1791 : i32 to index
        %get3A_1793 = arith.index_cast %add3A_1766 : i32 to index
        %get3A_1794 = arith.constant 0 : index
        %get3A_1795 = tpu.vector_load %arg7[%get3A_1792, %get3A_1793, %get3A_1794] {strides = array<i32>} : memref<8x128x16xf32, #tpu.memory_space<vmem>>, vector<1x1x16xf32>,
        %get3A_1796 = vector.shape_cast %get3A_1795 : vector<1x1x16xf32> to vector<16xf32>
        %add3A_1797 = arith.addf %get3A_1790, %get3A_1796 : vector<16xf32>
        %add3A_1798 = arith.addf %add3A_1784, %add3A_1797 : vector<16xf32>
        %swap3A_1799 = arith.index_cast %add3A_1766 : i32 to index
        %swap3A_1800 = arith.constant 0 : index
        %swap3A_1801 = tpu.vector_load %arg8[%swap3A_1799, %swap3A_1800] {strides = array<i32>} : memref<128x16xf32, #tpu.memory_space<vmem>>, vector<1x16xf32>,
        %swap3A_1802 = vector.shape_cast %swap3A_1801 : vector<1x16xf32> to vector<16xf32>
        %swap3A_1803 = vector.shape_cast %add3A_1798 : vector<16xf32> to vector<1x16xf32>
        tpu.vector_store %arg8[%swap3A_1799, %swap3A_1800], %swap3A_1803 {strides = array<i32>} : memref<128x16xf32, #tpu.memory_space<vmem>>, vector<1x16xf32>,
        %mul3A_1804 = arith.constant 16 : i32
        %mul3A_1805 = arith.muli %mul3A_1804, %scan3A_1229 : i32
        %add3A_1806 = arith.constant 14 : i32
        %add3A_1807 = arith.addi %mul3A_1805, %add3A_1806 : i32
        %get3A_1808 = arith.index_cast %add3A_1807 : i32 to index
        %get3A_1809 = arith.constant 0 : index
        %get3A_1810 = tpu.vector_load %arg8[%get3A_1808, %get3A_1809] {strides = array<i32>} : memref<128x16xf32, #tpu.memory_space<vmem>>, vector<1x16xf32>,
        %get3A_1811 = vector.shape_cast %get3A_1810 : vector<1x16xf32> to vector<16xf32>
        %get3A_1812 = arith.constant 4 : i32
        %get3A_1813 = arith.index_cast %get3A_1812 : i32 to index
        %get3A_1814 = arith.index_cast %add3A_1807 : i32 to index
        %get3A_1815 = arith.constant 0 : index
        %get3A_1816 = tpu.vector_load %arg7[%get3A_1813, %get3A_1814, %get3A_1815] {strides = array<i32>} : memref<8x128x16xf32, #tpu.memory_space<vmem>>, vector<1x1x16xf32>,
        %get3A_1817 = vector.shape_cast %get3A_1816 : vector<1x1x16xf32> to vector<16xf32>
        %get3A_1818 = arith.constant 5 : i32
        %get3A_1819 = arith.index_cast %get3A_1818 : i32 to index
        %get3A_1820 = arith.index_cast %add3A_1807 : i32 to index
        %get3A_1821 = arith.constant 0 : index
        %get3A_1822 = tpu.vector_load %arg7[%get3A_1819, %get3A_1820, %get3A_1821] {strides = array<i32>} : memref<8x128x16xf32, #tpu.memory_space<vmem>>, vector<1x1x16xf32>,
        %get3A_1823 = vector.shape_cast %get3A_1822 : vector<1x1x16xf32> to vector<16xf32>
        %add3A_1824 = arith.addf %get3A_1817, %get3A_1823 : vector<16xf32>
        %add3A_1825 = arith.addf %get3A_1811, %add3A_1824 : vector<16xf32>
        %get3A_1826 = arith.constant 6 : i32
        %get3A_1827 = arith.index_cast %get3A_1826 : i32 to index
        %get3A_1828 = arith.index_cast %add3A_1807 : i32 to index
        %get3A_1829 = arith.constant 0 : index
        %get3A_1830 = tpu.vector_load %arg7[%get3A_1827, %get3A_1828, %get3A_1829] {strides = array<i32>} : memref<8x128x16xf32, #tpu.memory_space<vmem>>, vector<1x1x16xf32>,
        %get3A_1831 = vector.shape_cast %get3A_1830 : vector<1x1x16xf32> to vector<16xf32>
        %get3A_1832 = arith.constant 7 : i32
        %get3A_1833 = arith.index_cast %get3A_1832 : i32 to index
        %get3A_1834 = arith.index_cast %add3A_1807 : i32 to index
        %get3A_1835 = arith.constant 0 : index
        %get3A_1836 = tpu.vector_load %arg7[%get3A_1833, %get3A_1834, %get3A_1835] {strides = array<i32>} : memref<8x128x16xf32, #tpu.memory_space<vmem>>, vector<1x1x16xf32>,
        %get3A_1837 = vector.shape_cast %get3A_1836 : vector<1x1x16xf32> to vector<16xf32>
        %add3A_1838 = arith.addf %get3A_1831, %get3A_1837 : vector<16xf32>
        %add3A_1839 = arith.addf %add3A_1825, %add3A_1838 : vector<16xf32>
        %swap3A_1840 = arith.index_cast %add3A_1807 : i32 to index
        %swap3A_1841 = arith.constant 0 : index
        %swap3A_1842 = tpu.vector_load %arg8[%swap3A_1840, %swap3A_1841] {strides = array<i32>} : memref<128x16xf32, #tpu.memory_space<vmem>>, vector<1x16xf32>,
        %swap3A_1843 = vector.shape_cast %swap3A_1842 : vector<1x16xf32> to vector<16xf32>
        %swap3A_1844 = vector.shape_cast %add3A_1839 : vector<16xf32> to vector<1x16xf32>
        tpu.vector_store %arg8[%swap3A_1840, %swap3A_1841], %swap3A_1844 {strides = array<i32>} : memref<128x16xf32, #tpu.memory_space<vmem>>, vector<1x16xf32>,
        %mul3A_1845 = arith.constant 16 : i32
        %mul3A_1846 = arith.muli %mul3A_1845, %scan3A_1229 : i32
        %add3A_1847 = arith.constant 15 : i32
        %add3A_1848 = arith.addi %mul3A_1846, %add3A_1847 : i32
        %get3A_1849 = arith.index_cast %add3A_1848 : i32 to index
        %get3A_1850 = arith.constant 0 : index
        %get3A_1851 = tpu.vector_load %arg8[%get3A_1849, %get3A_1850] {strides = array<i32>} : memref<128x16xf32, #tpu.memory_space<vmem>>, vector<1x16xf32>,
        %get3A_1852 = vector.shape_cast %get3A_1851 : vector<1x16xf32> to vector<16xf32>
        %get3A_1853 = arith.constant 4 : i32
        %get3A_1854 = arith.index_cast %get3A_1853 : i32 to index
        %get3A_1855 = arith.index_cast %add3A_1848 : i32 to index
        %get3A_1856 = arith.constant 0 : index
        %get3A_1857 = tpu.vector_load %arg7[%get3A_1854, %get3A_1855, %get3A_1856] {strides = array<i32>} : memref<8x128x16xf32, #tpu.memory_space<vmem>>, vector<1x1x16xf32>,
        %get3A_1858 = vector.shape_cast %get3A_1857 : vector<1x1x16xf32> to vector<16xf32>
        %get3A_1859 = arith.constant 5 : i32
        %get3A_1860 = arith.index_cast %get3A_1859 : i32 to index
        %get3A_1861 = arith.index_cast %add3A_1848 : i32 to index
        %get3A_1862 = arith.constant 0 : index
        %get3A_1863 = tpu.vector_load %arg7[%get3A_1860, %get3A_1861, %get3A_1862] {strides = array<i32>} : memref<8x128x16xf32, #tpu.memory_space<vmem>>, vector<1x1x16xf32>,
        %get3A_1864 = vector.shape_cast %get3A_1863 : vector<1x1x16xf32> to vector<16xf32>
        %add3A_1865 = arith.addf %get3A_1858, %get3A_1864 : vector<16xf32>
        %add3A_1866 = arith.addf %get3A_1852, %add3A_1865 : vector<16xf32>
        %get3A_1867 = arith.constant 6 : i32
        %get3A_1868 = arith.index_cast %get3A_1867 : i32 to index
        %get3A_1869 = arith.index_cast %add3A_1848 : i32 to index
        %get3A_1870 = arith.constant 0 : index
        %get3A_1871 = tpu.vector_load %arg7[%get3A_1868, %get3A_1869, %get3A_1870] {strides = array<i32>} : memref<8x128x16xf32, #tpu.memory_space<vmem>>, vector<1x1x16xf32>,
        %get3A_1872 = vector.shape_cast %get3A_1871 : vector<1x1x16xf32> to vector<16xf32>
        %get3A_1873 = arith.constant 7 : i32
        %get3A_1874 = arith.index_cast %get3A_1873 : i32 to index
        %get3A_1875 = arith.index_cast %add3A_1848 : i32 to index
        %get3A_1876 = arith.constant 0 : index
        %get3A_1877 = tpu.vector_load %arg7[%get3A_1874, %get3A_1875, %get3A_1876] {strides = array<i32>} : memref<8x128x16xf32, #tpu.memory_space<vmem>>, vector<1x1x16xf32>,
        %get3A_1878 = vector.shape_cast %get3A_1877 : vector<1x1x16xf32> to vector<16xf32>
        %add3A_1879 = arith.addf %get3A_1872, %get3A_1878 : vector<16xf32>
        %add3A_1880 = arith.addf %add3A_1866, %add3A_1879 : vector<16xf32>
        %swap3A_1881 = arith.index_cast %add3A_1848 : i32 to index
        %swap3A_1882 = arith.constant 0 : index
        %swap3A_1883 = tpu.vector_load %arg8[%swap3A_1881, %swap3A_1882] {strides = array<i32>} : memref<128x16xf32, #tpu.memory_space<vmem>>, vector<1x16xf32>,
        %swap3A_1884 = vector.shape_cast %swap3A_1883 : vector<1x16xf32> to vector<16xf32>
        %swap3A_1885 = vector.shape_cast %add3A_1880 : vector<16xf32> to vector<1x16xf32>
        tpu.vector_store %arg8[%swap3A_1881, %swap3A_1882], %swap3A_1885 {strides = array<i32>} : memref<128x16xf32, #tpu.memory_space<vmem>>, vector<1x16xf32>,
      }
      %scan3A_1221 = arith.constant 8 : i32
      %add3A_1222 = arith.constant 8 : i32
      %add3A_1223 = arith.addi %add3A_1163, %add3A_1222 : i32
      %lt3A_1224 = arith.constant 200 : i32
      %lt3A_1225 = arith.cmpi slt, %add3A_1223, %lt3A_1224 : i32
      %convert_element_type3A_1226 = arith.extui %lt3A_1225 : i1 to i32
      %cond3A_1227 = arith.constant 0 : i32
      %cond3A_1228 = arith.cmpi ne, %convert_element_type3A_1226, %cond3A_1227 : i32
      scf.if %cond3A_1228 {
        %dma_start3A_1229 = arith.constant 4 : i32
        %dma_start3A_1230 = arith.constant 4 : i32
        %dma_start3A_1231 = arith.constant 0 : i32
        %dma_start3A_1232 = arith.constant 0 : i32
        %dma_start3A_1233 = tpu.memref_slice %arg7[%dma_start3A_1230, %dma_start3A_1231, %dma_start3A_1232] : memref<8x128x16xf32, #tpu.memory_space<vmem>> -> memref<1x128x16xf32, #tpu.memory_space<vmem>>
        %dma_start3A_1234 = tpu.memref_squeeze %dma_start3A_1233 : memref<1x128x16xf32, #tpu.memory_space<vmem>> -> memref<128x16xf32, #tpu.memory_space<vmem>>
        %dma_start3A_1235 = arith.constant 0 : i32
        %dma_start3A_1236 = tpu.memref_slice %arg6[%rem3A_1090, %dma_start3A_1229, %dma_start3A_1235] : memref<3x8x128xi32, #tpu.memory_space<vmem>> -> memref<1x1x128xi32, #tpu.memory_space<vmem>>
        %dma_start3A_1237 = tpu.memref_squeeze %dma_start3A_1236 : memref<1x1x128xi32, #tpu.memory_space<vmem>> -> memref<128xi32, #tpu.memory_space<vmem>>
        %dma_start3A_1238 = arith.constant 0 : i32
        %dma_start3A_1239 = arith.constant 0 : i32
        %dma_start3A_1240 = tpu.memref_slice %arg10[%dma_start3A_1238, %dma_start3A_1239] : memref<100000x16xf32, #tpu.memory_space<vmem_shared>> -> memref<100000x16xf32, #tpu.memory_space<vmem_shared>>
        tpu.enqueue_indirect_dma source(%dma_start3A_1240 : memref<100000x16xf32, #tpu.memory_space<vmem_shared>>) target(%dma_start3A_1234 : memref<128x16xf32, #tpu.memory_space<vmem>>) offsets(%dma_start3A_1237 : memref<128xi32, #tpu.memory_space<vmem>>) semaphore(%arg15 : memref<!tpu.dma_semaphore, #tpu.memory_space<semaphore_mem>>)
        %dma_start3A_1241 = arith.constant 5 : i32
        %dma_start3A_1242 = arith.constant 5 : i32
        %dma_start3A_1243 = arith.constant 0 : i32
        %dma_start3A_1244 = arith.constant 0 : i32
        %dma_start3A_1245 = tpu.memref_slice %arg7[%dma_start3A_1242, %dma_start3A_1243, %dma_start3A_1244] : memref<8x128x16xf32, #tpu.memory_space<vmem>> -> memref<1x128x16xf32, #tpu.memory_space<vmem>>
        %dma_start3A_1246 = tpu.memref_squeeze %dma_start3A_1245 : memref<1x128x16xf32, #tpu.memory_space<vmem>> -> memref<128x16xf32, #tpu.memory_space<vmem>>
        %dma_start3A_1247 = arith.constant 0 : i32
        %dma_start3A_1248 = tpu.memref_slice %arg6[%rem3A_1090, %dma_start3A_1241, %dma_start3A_1247] : memref<3x8x128xi32, #tpu.memory_space<vmem>> -> memref<1x1x128xi32, #tpu.memory_space<vmem>>
        %dma_start3A_1249 = tpu.memref_squeeze %dma_start3A_1248 : memref<1x1x128xi32, #tpu.memory_space<vmem>> -> memref<128xi32, #tpu.memory_space<vmem>>
        %dma_start3A_1250 = arith.constant 0 : i32
        %dma_start3A_1251 = arith.constant 0 : i32
        %dma_start3A_1252 = tpu.memref_slice %arg10[%dma_start3A_1250, %dma_start3A_1251] : memref<100000x16xf32, #tpu.memory_space<vmem_shared>> -> memref<100000x16xf32, #tpu.memory_space<vmem_shared>>
        tpu.enqueue_indirect_dma source(%dma_start3A_1252 : memref<100000x16xf32, #tpu.memory_space<vmem_shared>>) target(%dma_start3A_1246 : memref<128x16xf32, #tpu.memory_space<vmem>>) offsets(%dma_start3A_1249 : memref<128xi32, #tpu.memory_space<vmem>>) semaphore(%arg16 : memref<!tpu.dma_semaphore, #tpu.memory_space<semaphore_mem>>)
        %dma_start3A_1253 = arith.constant 6 : i32
        %dma_start3A_1254 = arith.constant 6 : i32
        %dma_start3A_1255 = arith.constant 0 : i32
        %dma_start3A_1256 = arith.constant 0 : i32
        %dma_start3A_1257 = tpu.memref_slice %arg7[%dma_start3A_1254, %dma_start3A_1255, %dma_start3A_1256] : memref<8x128x16xf32, #tpu.memory_space<vmem>> -> memref<1x128x16xf32, #tpu.memory_space<vmem>>
        %dma_start3A_1258 = tpu.memref_squeeze %dma_start3A_1257 : memref<1x128x16xf32, #tpu.memory_space<vmem>> -> memref<128x16xf32, #tpu.memory_space<vmem>>
        %dma_start3A_1259 = arith.constant 0 : i32
        %dma_start3A_1260 = tpu.memref_slice %arg6[%rem3A_1090, %dma_start3A_1253, %dma_start3A_1259] : memref<3x8x128xi32, #tpu.memory_space<vmem>> -> memref<1x1x128xi32, #tpu.memory_space<vmem>>
        %dma_start3A_1261 = tpu.memref_squeeze %dma_start3A_1260 : memref<1x1x128xi32, #tpu.memory_space<vmem>> -> memref<128xi32, #tpu.memory_space<vmem>>
        %dma_start3A_1262 = arith.constant 0 : i32
        %dma_start3A_1263 = arith.constant 0 : i32
        %dma_start3A_1264 = tpu.memref_slice %arg10[%dma_start3A_1262, %dma_start3A_1263] : memref<100000x16xf32, #tpu.memory_space<vmem_shared>> -> memref<100000x16xf32, #tpu.memory_space<vmem_shared>>
        tpu.enqueue_indirect_dma source(%dma_start3A_1264 : memref<100000x16xf32, #tpu.memory_space<vmem_shared>>) target(%dma_start3A_1258 : memref<128x16xf32, #tpu.memory_space<vmem>>) offsets(%dma_start3A_1261 : memref<128xi32, #tpu.memory_space<vmem>>) semaphore(%arg17 : memref<!tpu.dma_semaphore, #tpu.memory_space<semaphore_mem>>)
        %dma_start3A_1265 = arith.constant 7 : i32
        %dma_start3A_1266 = arith.constant 7 : i32
        %dma_start3A_1267 = arith.constant 0 : i32
        %dma_start3A_1268 = arith.constant 0 : i32
        %dma_start3A_1269 = tpu.memref_slice %arg7[%dma_start3A_1266, %dma_start3A_1267, %dma_start3A_1268] : memref<8x128x16xf32, #tpu.memory_space<vmem>> -> memref<1x128x16xf32, #tpu.memory_space<vmem>>
        %dma_start3A_1270 = tpu.memref_squeeze %dma_start3A_1269 : memref<1x128x16xf32, #tpu.memory_space<vmem>> -> memref<128x16xf32, #tpu.memory_space<vmem>>
        %dma_start3A_1271 = arith.constant 0 : i32
        %dma_start3A_1272 = tpu.memref_slice %arg6[%rem3A_1090, %dma_start3A_1265, %dma_start3A_1271] : memref<3x8x128xi32, #tpu.memory_space<vmem>> -> memref<1x1x128xi32, #tpu.memory_space<vmem>>
        %dma_start3A_1273 = tpu.memref_squeeze %dma_start3A_1272 : memref<1x1x128xi32, #tpu.memory_space<vmem>> -> memref<128xi32, #tpu.memory_space<vmem>>
        %dma_start3A_1274 = arith.constant 0 : i32
        %dma_start3A_1275 = arith.constant 0 : i32
        %dma_start3A_1276 = tpu.memref_slice %arg10[%dma_start3A_1274, %dma_start3A_1275] : memref<100000x16xf32, #tpu.memory_space<vmem_shared>> -> memref<100000x16xf32, #tpu.memory_space<vmem_shared>>
        tpu.enqueue_indirect_dma source(%dma_start3A_1276 : memref<100000x16xf32, #tpu.memory_space<vmem_shared>>) target(%dma_start3A_1270 : memref<128x16xf32, #tpu.memory_space<vmem>>) offsets(%dma_start3A_1273 : memref<128xi32, #tpu.memory_space<vmem>>) semaphore(%arg18 : memref<!tpu.dma_semaphore, #tpu.memory_space<semaphore_mem>>)
      } else {
      }
    }
    %scan3A_1077 = arith.constant 25 : i32
    "tpu.region"() ({
      %run_scoped3A_1078 = tpu.sem_alloc : memref<!tpu.dma_semaphore, #tpu.memory_space<semaphore_mem>>
      %dma_start3A_1079 = arith.constant 0 : i32
      %dma_start3A_1080 = tpu.memref_slice %arg5[%mul3A_2, %dma_start3A_1079] : memref<4096x16xf32, #tpu.memory_space<hbm>> -> memref<128x16xf32, #tpu.memory_space<hbm>>
      %dma_start3A_1081 = arith.constant 0 : i32
      %dma_start3A_1082 = tpu.memref_slice %arg5[%mul3A_2, %dma_start3A_1081] : memref<4096x16xf32, #tpu.memory_space<hbm>> -> memref<128x16xf32, #tpu.memory_space<hbm>>
      tpu.enqueue_dma source(%arg8 : memref<128x16xf32, #tpu.memory_space<vmem>>) target(%dma_start3A_1082 : memref<128x16xf32, #tpu.memory_space<hbm>>) target_semaphore(%run_scoped3A_1078 : memref<!tpu.dma_semaphore, #tpu.memory_space<semaphore_mem>>)
      %dma_wait3A_1083 = arith.constant 0 : i32
      %dma_wait3A_1084 = tpu.memref_slice %arg5[%mul3A_2, %dma_wait3A_1083] : memref<4096x16xf32, #tpu.memory_space<hbm>> -> memref<128x16xf32, #tpu.memory_space<hbm>>
      %dma_wait3A_1085 = arith.constant 0 : i32
      %dma_wait3A_1086 = tpu.memref_slice %arg5[%mul3A_2, %dma_wait3A_1085] : memref<4096x16xf32, #tpu.memory_space<hbm>> -> memref<128x16xf32, #tpu.memory_space<hbm>>
      tpu.wait_dma2 semaphore(%run_scoped3A_1078 : memref<!tpu.dma_semaphore, #tpu.memory_space<semaphore_mem>>) src(%arg8 : memref<128x16xf32, #tpu.memory_space<vmem>>) dst(%dma_wait3A_1086 : memref<128x16xf32, #tpu.memory_space<hbm>>)
      tpu.yield
    }) : () -> ()
    return
  }
}

module attributes {stable_mosaic.version = 14 : i64} {
  func.func @_proj_body(%arg0: i32, %arg1: memref<64x4096xf32, #tpu.memory_space<vmem>>, %arg2: memref<64x5xf32, #tpu.memory_space<vmem>>, %arg3: memref<4096x128xf32, #tpu.memory_space<vmem>>) attributes {dimension_semantics = [#tpu.dimension_semantics<arbitrary>], iteration_bounds = array<i64: 25>, scalar_prefetch = 0 : i64, scratch_operands = 0 : i64, tpu.core_type = #tpu.core_type<tc>, window_params = [{transform_indices = @transform_0, window_bounds = array<i64: 64, 4096>}, {pipeline_mode = #tpu.pipeline_mode<synchronous>, transform_indices = @transform_1, window_bounds = array<i64: 64, 5>}, {transform_indices = @transform_2, window_bounds = array<i64: 4096, 128>}]} {
    %get3A = arith.constant 0 : index
    %get3A_0 = arith.constant 0 : index
    %get3A_1 = vector.load %arg1[%get3A, %get3A_0] : memref<64x4096xf32, #tpu.memory_space<vmem>>, vector<64x4096xf32>
    %get3A_2 = arith.constant 0 : index
    %get3A_3 = arith.constant 0 : index
    %get3A_4 = vector.load %arg2[%get3A_2, %get3A_3] : memref<64x5xf32, #tpu.memory_space<vmem>>, vector<64x5xf32>
    %dot_general3A = arith.constant dense<0.000000e+00> : vector<4096x5xf32>
    %dot_general3A_5 = tpu.matmul %get3A_1, %get3A_4, %dot_general3A {dimension_numbers = #tpu.dot_dimension_numbers<[0], [0], [1], [1], [0, 1, 1, 1], [], []>, transpose_lhs_hint = false} : vector<64x4096xf32>, vector<64x5xf32>, vector<4096x5xf32> -> vector<4096x5xf32>
    %swap3A = arith.constant 0 : index
    %swap3A_6 = arith.constant 0 : index
    %swap3A_7 = vector.load %arg3[%swap3A, %swap3A_6] : memref<4096x128xf32, #tpu.memory_space<vmem>>, vector<4096x5xf32>
    tpu.vector_store %arg3[%swap3A, %swap3A_6], %dot_general3A_5 {strides = array<i32>} : memref<4096x128xf32, #tpu.memory_space<vmem>>, vector<4096x5xf32>,
    return
  }
  func.func @transform_0(%arg0: i32) -> (i32, i32) {
    %c0_i32 = arith.constant 0 : i32
    %c0_i32_0 = arith.constant 0 : i32
    return %c0_i32, %arg0 : i32, i32
  }
  func.func @transform_1(%arg0: i32) -> (i32, i32) {
    %c0_i32 = arith.constant 0 : i32
    %c0_i32_0 = arith.constant 0 : i32
    %c0_i32_1 = arith.constant 0 : i32
    return %c0_i32, %c0_i32_0 : i32, i32
  }
  func.func @transform_2(%arg0: i32) -> (i32, i32) {
    %c0_i32 = arith.constant 0 : i32
    %c0_i32_0 = arith.constant 0 : i32
    return %arg0, %c0_i32 : i32, i32
  }
}

</mosaic_0001>

<sc_bundles>
// kernel: kernel.4.cloned.1.call-start
scs
__scs_entry_jumppad:
0x0: {  	(pc) =	sbr.rel $0x88, $3  }
0x1: {  	(tag) =	ssettag $0x0;
	lr =	simm.s32 $0x1  }
0x2: {  	[smem:$0x3F9D] =	sst lr;
	_ =	strace $0xD0000000  }
0x3: {  	_ = 	snop  }
0x4: {  	_ = 	snop  }
0x5: {  	_ = 	snop  }
0x6: {  	_ = 	snop  }
0x7: {  	_ = 	snop  }
__scs_overlays_trampoline_lowered:
0x8: {  	[smem:$0x3FAC] =	sst s0  }
0x9: {  	[smem:$0x3FAD] =	sst s1  }
0xa: {  	[smem:$0x3FAE] =	sst s2  }
0xb: {  	[smem:$0x3FAF] =	sst s3  }
0xc: {  	[smem:$0x3FB0] =	sst s4  }
0xd: {  	[smem:$0x3FB1] =	sst s5  }
0xe: {  	[smem:$0x3FB2] =	sst s6  }
0xf: {  	[smem:$0x3FB3] =	sst s7  }
0x10: {  	[smem:$0x3FB4] =	sst s8  }
0x11: {  	[smem:$0x3FB5] =	sst s9;
	s0 =	simm.s32 @!p0 $0x0  }
0x12: {  	s1 =	sld [smem:$0x3F9B];
	s0 =	simm.s32 @p0 $0x1  }
0x13: {  	[smem:$0x3FB6] =	sst s0;
	s0 =	simm.s32 @!p1 $0x0  }
0x14: {  	s2 =	sld [smem:$0x3F9A];
	s0 =	simm.s32 @p1 $0x1  }
0x15: {  	[smem:$0x3FB7] =	sst s0;
	s0 =	simm.s32 @!p2 $0x0  }
0x16: {  	s3 =	sld [smem:$0x3FDB];
	s0 =	simm.s32 @p2 $0x1  }
0x17: {  	s4 =	simm.s32 $0x1BF5;
	[smem:$0x3FB9] =	sst s0  }
0x18: {  	s0 =	sld [smem:$0x3F9C];
	_ =	swait.ge [sflag:s4], $0x0  }
0x19: {  	s7 =	sld [smem:$0x3F9D]  }
0x1a: {  	s8 =	sadd.s32 $0xFFFFE003, lr  }
0x1b: {  	s9 =	sadd.s32 $0xFFFFFEF7, lr;
	s5 =	simm.s32 $0xFFFFFFFF;
	p2 =	slt.u32 s8, $0xFFFFF086  }
0x1c: {  	p1 =	slt.u32 s9, $0xF7A;
	s5 =	simm.s32 @!p2 $0x0  }
0x1d: {  	s5 =	simm.s32 @p1 $0x1;
	p0 =	seq.s32 s7, s2  }
0x1e: {  	s7 =	smul.u32 @!p0 $0xF7A, s2;
	p2 =	seq.s32 @!p0 s5, $0x0  }
0x1f: {  	s9 =	smul.u32 $0xF7A, s1;
	s8 =	simm.s32 @!p0 $0x1BF5;
	p2 =	por !p2, p0  }
0x20: {  	[sflag:s8] =	ssyncset.s32 @!p0 $0xFFFFF086;
	s6 =	sadd.s32 @!p0 s3, s7;
	s7 =	simm.s32 @!p0 $0x108  }
0x21: {  	s3 =	sadd.s32 s3, s9;
	s6 =	sadd.s32 @!p0 $0x88, s6;
	s7 =	simm.s32 @p2 $0x1082  }
0x22: {  	[simem:s7], [sflag:s8] =	dma.local @!p0 [hbm:s6], $0xF7A  }
0x23: {  	s9 =	sor.u32 $0xD0000000, s2;
	s6 =	simm.s32 $0x108;
	_ =	swait.ge @!p0 [sflag:s8], $0x0  }
0x24: {  	s3 =	sadd.s32 $0x88, s3;
	s6 =	simm.s32 @!p1 $0x1082;
	[sflag:s4] =	ssyncset.s32 $0xFFFFF086  }
0x25: {  	[simem:s6], [sflag:s4] =	dma.local [hbm:s3], $0xF7A  }
0x26: {  	[smem:$0x3F9D] =	sst s1;
	(tag) =	ssettag s2;
	_ =	strace s9  }
0x27: {  	s1 =	sld [smem:$0x3FAD]  }
0x28: {  	s2 =	sld [smem:$0x3FAE]  }
0x29: {  	s4 =	sld [smem:$0x3FB0]  }
0x2a: {  	p0 =	seq.s32 s5, $0x0;
	s5 =	sld [smem:$0x3FB1]  }
0x2b: {  	s6 =	sld [smem:$0x3FB2]  }
0x2c: {  	s7 =	sld [smem:$0x3FB3]  }
0x2d: {  	s3 =	simm.s32 $0x108;
	s8 =	sld [smem:$0x3FB4]  }
0x2e: {  	s3 =	simm.s32 @!p0 $0x1082;
	s9 =	sld [smem:$0x3FB5]  }
0x2f: {  	lr =	sadd.s32 s0, s3;
	s0 =	sld [smem:$0x3FAC]  }
0x30: {  	s3 =	sld [smem:$0x3FAF]  }
0x31: {  	[smem:$0x3FB8] =	sst s10  }
0x32: {  	s10 =	sld [smem:$0x3FB6];
	_ =	sdelay $0x3  }
0x33: {  	p0 =	seq.s32 s10, $0x1;
	s10 =	sld [smem:$0x3FB8];
	_ =	sdelay $0x3  }
0x34: {  	[smem:$0x3FB8] =	sst s10  }
0x35: {  	s10 =	sld [smem:$0x3FB7];
	_ =	sdelay $0x3  }
0x36: {  	p1 =	seq.s32 s10, $0x1;
	s10 =	sld [smem:$0x3FB8];
	_ =	sdelay $0x3  }
0x37: {  	[smem:$0x3FB8] =	sst s10  }
0x38: {  	s10 =	sld [smem:$0x3FB9]  }
0x39: {  	_ = 	snop;
	(pc) =	sbr.ind lr, $3  }
0x3a: {  	_ = 	snop  }
0x3b: {  	_ = 	snop  }
0x3c: {  	p2 =	seq.s32 s10, $0x1;
	s10 =	sld [smem:$0x3FB8]  }
0x3d: {  	_ =	shalt  }
0x3e: {  	_ =	shalt  }
0x3f: {  	_ =	shalt  }
0x40: {  	_ =	shalt  }
0x41: {  	_ =	shalt  }
0x42: {  	_ =	shalt  }
0x43: {  	_ =	shalt  }
0x44: {  	_ =	shalt  }
0x45: {  	_ =	shalt  }
0x46: {  	_ =	shalt  }
0x47: {  	_ =	shalt  }
0x48: {  	_ =	shalt  }
0x49: {  	_ =	shalt  }
0x4a: {  	_ =	shalt  }
0x4b: {  	_ =	shalt  }
0x4c: {  	_ =	shalt  }
0x4d: {  	_ =	shalt  }
0x4e: {  	_ =	shalt  }
0x4f: {  	_ =	shalt  }
0x50: {  	_ =	shalt  }
0x51: {  	_ =	shalt  }
0x52: {  	_ =	shalt  }
0x53: {  	_ =	shalt  }
0x54: {  	_ =	shalt  }
0x55: {  	_ =	shalt  }
0x56: {  	_ =	shalt  }
0x57: {  	_ =	shalt  }
0x58: {  	_ =	shalt  }
0x59: {  	_ =	shalt  }
0x5a: {  	_ =	shalt  }
0x5b: {  	_ =	shalt  }
0x5c: {  	_ =	shalt  }
0x5d: {  	_ =	shalt  }
0x5e: {  	_ =	shalt  }
0x5f: {  	_ =	shalt  }
0x60: {  	_ =	shalt  }
0x61: {  	_ =	shalt  }
0x62: {  	_ =	shalt  }
0x63: {  	_ =	shalt  }
0x64: {  	_ =	shalt  }
0x65: {  	_ =	shalt  }
0x66: {  	_ =	shalt  }
0x67: {  	_ =	shalt  }
0x68: {  	_ =	shalt  }
0x69: {  	_ =	shalt  }
0x6a: {  	_ =	shalt  }
0x6b: {  	_ =	shalt  }
0x6c: {  	_ =	shalt  }
0x6d: {  	_ =	shalt  }
0x6e: {  	_ =	shalt  }
0x6f: {  	_ =	shalt  }
0x70: {  	_ =	shalt  }
0x71: {  	_ =	shalt  }
0x72: {  	_ =	shalt  }
0x73: {  	_ =	shalt  }
0x74: {  	_ =	shalt  }
0x75: {  	_ =	shalt  }
0x76: {  	_ =	shalt  }
0x77: {  	_ =	shalt  }
0x78: {  	_ =	shalt  }
0x79: {  	_ =	shalt  }
0x7a: {  	_ =	shalt  }
0x7b: {  	_ =	shalt  }
0x7c: {  	_ =	shalt  }
0x7d: {  	_ =	shalt  }
0x7e: {  	_ =	shalt  }
0x7f: {  	_ =	shalt  }
0x80: {  	_ =	shalt  }
0x81: {  	_ =	shalt  }
0x82: {  	_ =	shalt  }
0x83: {  	_ =	shalt  }
0x84: {  	_ =	shalt  }
0x85: {  	_ =	shalt  }
0x86: {  	_ =	shalt  }
0x87: {  	_ =	shalt  }
.Lfunc_end0:
.L_simem_size_0:
called_computation_lowered:
.L_overlay_start_0:
0x88: {  	s2 =	sld [smem:$0x3FD9]  }
0x89: {  	s3 =	sld [smem:$0x3FFE];
	_ =	sdelay $0x1  }
0x8a: {  	s1 =	srdreg.scid  }
0x8b: {  	s0 =	sand.u32 $0x1, s1  }
0x8c: {  	s17 =	sshll.u32 s0, $0xA;
	s2 =	sadd.s32 s3, s2  }
0x8d: {  	s2 =	sadd.s32 s2, s17  }
0x8e: {  	[smem:$0x3FC4] =	sst s2  }
0x8f: {  	_ = 	snop  }
0x90: {  	s2 =	sld [smem:$0x3FC9]  }
0x91: {  	s18 =	sld [smem:$0x3FD0];
	(tm) =	ssettm $0x1  }
0x92: {  	s4 =	sld [smem:$0x3FFB];
	_ =	sdelay $0x3  }
0x93: {  	_ =	strace s4  }
0x94: {  	s4 =	sld [smem:$0x3FFC];
	_ =	sdelay $0x3  }
0x95: {  	_ =	strace s4  }
0x96: {  	s4 =	sld [smem:$0x3FFD];
	_ =	sdelay $0x3  }
0x97: {  	_ =	strace s4  }
0x98: {  	_ =	strace $0x8FFFFFFF  }
0x99: {  	s19 =	sld [smem:$0x3FDB];
	_ =	sdelay $0x1  }
0x9a: {  	s5 =	simm.s32 $_scs_section_size  }
0x9b: {  	s6 =	simm.s32 $_size__tile_overlayer_lowered;
	s7 =	simm.s32 $_tile_overlayer_lowered  }
0x9c: {  	s22 =	simm.s32 $0x1BFF;
	s21 =	sshll.u32 s7, $0x1;
	s4 =	sadd.s32 s5, s19  }
0x9d: {  	s8 =	simm.s32 $0x0;
	s20 =	sshll.u32 s6, $0x1;
	s6 =	sadd.s32 s21, s4  }
0x9e: {  	[timem:s8], [sflag:s22] =	dma.local [hbm:s6], s20  }
0x9f: {  	_ =	swait.ge [sflag:s22], s20  }
0xa0: {  	s5 =	ssub.s32 $0x0, s20;
	[sflag:s22] =	ssyncset.done $0x0  }
0xa1: {  	[sflag:s22] =	ssyncadd.s32 s5;
	_ =	sdelay $0x1  }
0xa2: {  	s23 =	simm.s32 $0x1B8B  }
0xa3: {  	_ =	swait.ge [sflag:s23], $0x1  }
0xa4: {  	[sflag:s23] =	ssyncset.done $0x0  }
0xa5: {  	s25 =	simm.s32 $0x1B8E;
	s24 =	sld [smem:$0x3FFE];
	[sflag:s23] =	ssyncadd.s32 $0xFFFFFFFF  }
0xa6: {  	s26 =	simm.s32 $execute0_lowered;
	[smem:$0x3FD2] =	sst s25  }
0xa7: {  	s6 =	sshll.u32 s26, $0x1;
	_ =	strace $0x80000046;
	[dreg:$0x1] =	wrdreg $0xFFFFFFFF  }
0xa8: {  	s28 =	simm.s32 $_size_execute0_lowered;
	s4 =	sadd.s32 s4, s6;
	[dreg:$0x0] =	wrdreg $0x0  }
0xa9: {  	s6 =	sshll.u32 s28, $0x1;
	[dreg:$0x2] =	wrdreg s4  }
0xaa: {  	[dreg:$0x3] =	wrdreg s6  }
0xab: {  	[dreg:$0x4] =	wrdreg $0xC0  }
0xac: {  	_ =	task [dreg:s8], $0x5FFFF  }
0xad: {  	[dreg:$0x1] =	wrdreg $0xFFFFFFFF  }
0xae: {  	[dreg:$0x0] =	wrdreg $0x60  }
0xaf: {  	[dreg:$0x2] =	wrdreg s2  }
0xb0: {  	[dreg:$0x3] =	wrdreg s24  }
0xb1: {  	[dreg:$0x4] =	wrdreg s18  }
0xb2: {  	[dreg:$0x5] =	wrdreg $0x54100  }
0xb3: {  	[dreg:$0x6] =	wrdreg $0x9  }
0xb4: {  	_ =	task.clear_ibuf [dreg:s8], $0x7FFFF;
	_ =	strace $0x90000046  }
0xb5: {  	s29 =	simm.s32 $0x9;
	_ =	strace $0x80000048  }
0xb6: {  	_ =	swait.ge [sflag:s29], $0x1  }
0xb7: {  	[sflag:s29] =	ssyncadd.s32 $0xFFFFFFFF  }
0xb8: {  	_ =	strace $0x90000048  }
0xb9: {  	_ =	sfence  }
0xba: {  	s30 =	sld [smem:$0x0];
	_ =	sdelay $0x2  }
0xbb: {  	s31 =	sshll.u32 s1, $0xD;
	s1 =	sshrl.u32 s1, $0x2  }
0xbc: {  	s3 =	sand.u32 $0x4000, s31;
	s1 =	sadd.s32 s1, s30  }
0xbd: {  	s0 =	sor.u32 s3, s0;
	s1 =	sshll.u32 s1, $0x11  }
0xbe: {  	s0 =	sor.u32 s1, s0  }
0xbf: {  	s0 =	sadd.s32 $0x8F2B, s0  }
0xc0: {  	[sflag:s0] =	ssyncadd.remote.s32 $0x1  }
0xc1: {  	_ =	sfence.sel $0xFFFF  }
0xc2: {  	[dreg:$0x0] =	wrdreg $0xFFFFFFFF;
	(pc) =	sbr.abs _section_cstart, $3  }
0xc3: {  	[dreg:$0x1] =	wrdreg $0xFFFFFFFF  }
0xc4: {  	_ =	task.clear_ibuf [dreg:s8], $0x2FFFF;
	_ =	strace $0x9FFFFFFF  }
0xc5: {  	(tm) =	ssettm $0x7FFFFFFF  }
tec
execute0_lowered:
.L_overlay_start_1:
0x0: {  	(tag) =	ssettag $0x1  }
0x1: {  	s0 =	rddreg [dreg:$0x0]  }
0x2: {  	s1 =	rddreg [dreg:$0x1]  }
0x3: {  	s3 =	rddreg [dreg:$0x3]  }
0x4: {  	s2 =	srdreg.scid;
	s9 =	stileid.u32;
	s4 =	simm.s32 $0x0  }
0x5: {  	s30 =	simm.s32 $0xB;
	s31 =	simm.s32 $0x2;
	s2 =	sand.u32 $0x1, s2  }
0x6: {  	s5 =	sshll.u32 s9, $0x1;
	[smem:$0x7FF] =	sst s4;
	s17 =	smul.u32 $0x61A80, s9  }
0x7: {  	s6 =	sadd.s32 $0x400, s1;
	s9 =	smul.u32 $0x186A0, s9;
	s5 =	sor.u32 s2, s5  }
0x8: {  	_ =	strace $0x80000047;
	s2 =	ssub.s32 $0x2, s2;
	s7 =	sshll.u32 s5, $0x8  }
0x9: {  	s8 =	sshrl.u32 s2, $0x1;
	s5 =	sshll.u32 s5, $0x7;
	s18 =	sshrl.u32 s17, $0x2  }
0xa: {  	s19 =	sadd.s32 $0x2710, s9;
	s20 =	sadd.s32 $0x4E20, s9;
	s22 =	sadd.s32 $0x7530, s9  }
0xb: {  	s11 =	sadd.s32 $0x9C40, s9;
	s24 =	sadd.s32 $0xC350, s9;
	s13 =	sadd.s32 $0xEA60, s9  }
0xc: {  	s26 =	sadd.s32 $0x11170, s9;
	s15 =	sadd.s32 $0x13880, s9;
	s17 =	sadd.s32 s6, s9  }
0xd: {  	s9 =	sadd.s32 $0x15F90, s9;
	s1 =	sadd.s32 s7, s1;
	s2 =	ssub.s32 s2, s8  }
0xe: {  	s5 =	sadd.s32 s0, s5;
	s0 =	sadd.s32 s18, s3;
	s10 =	sadd.s32 s19, s3  }
0xf: {  	s7 =	sadd.s32 s6, s19;
	s21 =	sadd.s32 s20, s3;
	s8 =	sadd.s32 s6, s20  }
0x10: {  	s12 =	sadd.s32 s22, s3;
	s23 =	sadd.s32 s11, s3;
	[dreg:$0xd] =	wrdreg s17  }
0x11: {  	s11 =	sadd.s32 s6, s11;
	s14 =	sadd.s32 s24, s3;
	[dreg:$0x5] =	wrdreg s7  }
0x12: {  	s25 =	sadd.s32 s13, s3;
	s13 =	sadd.s32 s6, s13;
	[dreg:$0x6] =	wrdreg s8  }
0x13: {  	s16 =	sadd.s32 s26, s3;
	s18 =	sadd.s32 s9, s3;
	[dreg:$0x8] =	wrdreg s11  }
0x14: {  	s8 =	sadd.s32 s6, s22;
	s11 =	sadd.s32 s6, s24;
	[dreg:$0xa] =	wrdreg s13  }
0x15: {  	s13 =	sadd.s32 s6, s26;
	s1 =	sadd.s32 $0x186E00, s1;
	s26 =	smax.u32 s2, $0x1  }
0x16: {  	s0 =	sshrl.u32 s0, $0x3;
	s19 =	sshrl.u32 s10, $0x3;
	s20 =	sshrl.u32 s21, $0x3  }
0x17: {  	s21 =	sshrl.u32 s12, $0x3;
	s22 =	sshrl.u32 s23, $0x3;
	s23 =	sshrl.u32 s14, $0x3  }
0x18: {  	s24 =	sshrl.u32 s25, $0x3;
	s25 =	sshrl.u32 s16, $0x3;
	[dreg:$0x7] =	wrdreg s8  }
0x19: {  	s28 =	sshrl.u32 s18, $0x3;
	s29 =	sadd.s32 $0x1000, s5;
	[dreg:$0x9] =	wrdreg s11  }
0x1a: {  	s2 =	simm.s32 $0x1;
	s7 =	simm.s32 $0x3;
	[dreg:$0xb] =	wrdreg s13  }
0x1b: {  	s10 =	simm.s32 $0x6;
	s12 =	simm.s32 $0x8;
	[dreg:$0xf] =	wrdreg s1  }
0x1c: {  	s13 =	sadd.s32 s15, s3;
	s15 =	sadd.s32 s6, s15;
	[dreg:$0x10] =	wrdreg s26  }
0x1d: {  	s6 =	sadd.s32 s6, s9;
	[dreg:$0x11] =	wrdreg s0;
	s0 =	simm.s32 $0x10  }
0x1e: {  	s1 =	simm.s32 $0xA;
	s8 =	simm.s32 $0x4;
	[dreg:$0xc] =	wrdreg s15  }
0x1f: {  	s9 =	simm.s32 $0x5;
	s11 =	simm.s32 $0x7;
	[dreg:$0xe] =	wrdreg s6  }
0x20: {  	s26 =	sshrl.u32 s13, $0x3;
	s6 =	simm.s32 $0x80;
	s13 =	simm.s32 $0x0  }
.LBB2_1:
0x21: {  	[tilespmem:s4], [sflag:$0xB] =	stream.linear.gather [hbm4b:s5+s4], $0x400, $0x38;
	[tilespmem:$0x1DAB0] =	vst v63  }
0x22: {  	_ =	swait.ge [sflag:s30], $0x400  }
0x23: {  	[sflag:s30] =	ssyncset.done $0x0  }
0x24: {  	s14 =	simm.s32 $0x400;
	[sflag:s30] =	ssyncadd.s32 $0xFFFFFC00  }
0x25: {  	[tilespmem:s14], [sflag:$0x9] =	stream.linear.gather [hbm4b:s29+s4], $0x400, $0x38;
	[tilespmem:$0x1DAB0] =	vst v63  }
0x26: {  	s15 =	simm.s32 $0x5400;
	s16 =	rddreg [dreg:$0x2]  }
0x27: {  	[tilespmem:s15], [sflag:$0xB] =	stream.linear.gather [hbm4b:s16+s4], $0x10, $0x38;
	[tilespmem:$0x1DAB0] =	vst v63  }
0x28: {  	_ =	swait.ge [sflag:s30], $0x10  }
0x29: {  	[sflag:s30] =	ssyncset.done $0x0  }
0x2a: {  	[sflag:s30] =	ssyncadd.s32 $0xFFFFFFF0  }
0x2b: {  	v0 =	vld [tilespmem:$0x5400];
	_ =	sdelay $0x4  }
0x2c: {  	[tilespmem:$0x4C00] =	vst v0  }
0x2d: {  	[tilespmem:$0x4C10] =	vst v0  }
0x2e: {  	[tilespmem:$0x4C20] =	vst v0  }
0x2f: {  	[tilespmem:$0x4C30] =	vst v0  }
0x30: {  	[tilespmem:$0x4C40] =	vst v0  }
0x31: {  	[tilespmem:$0x4C50] =	vst v0  }
0x32: {  	[tilespmem:$0x4C60] =	vst v0  }
0x33: {  	[tilespmem:$0x4C70] =	vst v0  }
0x34: {  	[tilespmem:$0x4C80] =	vst v0  }
0x35: {  	[tilespmem:$0x4C90] =	vst v0  }
0x36: {  	[tilespmem:$0x4CA0] =	vst v0  }
0x37: {  	[tilespmem:$0x4CB0] =	vst v0  }
0x38: {  	[tilespmem:$0x4CC0] =	vst v0  }
0x39: {  	[tilespmem:$0x4CD0] =	vst v0  }
0x3a: {  	[tilespmem:$0x4CE0] =	vst v0  }
0x3b: {  	[tilespmem:$0x4CF0] =	vst v0  }
0x3c: {  	[tilespmem:$0x4D00] =	vst v0  }
0x3d: {  	[tilespmem:$0x4D10] =	vst v0  }
0x3e: {  	[tilespmem:$0x4D20] =	vst v0  }
0x3f: {  	[tilespmem:$0x4D30] =	vst v0  }
0x40: {  	[tilespmem:$0x4D40] =	vst v0  }
0x41: {  	[tilespmem:$0x4D50] =	vst v0  }
0x42: {  	[tilespmem:$0x4D60] =	vst v0  }
0x43: {  	[tilespmem:$0x4D70] =	vst v0  }
0x44: {  	[tilespmem:$0x4D80] =	vst v0  }
0x45: {  	[tilespmem:$0x4D90] =	vst v0  }
0x46: {  	[tilespmem:$0x4DA0] =	vst v0  }
0x47: {  	[tilespmem:$0x4DB0] =	vst v0  }
0x48: {  	[tilespmem:$0x4DC0] =	vst v0  }
0x49: {  	[tilespmem:$0x4DD0] =	vst v0  }
0x4a: {  	[tilespmem:$0x4DE0] =	vst v0  }
0x4b: {  	[tilespmem:$0x4DF0] =	vst v0  }
0x4c: {  	[tilespmem:$0x4E00] =	vst v0  }
0x4d: {  	[tilespmem:$0x4E10] =	vst v0  }
0x4e: {  	[tilespmem:$0x4E20] =	vst v0  }
0x4f: {  	[tilespmem:$0x4E30] =	vst v0  }
0x50: {  	[tilespmem:$0x4E40] =	vst v0  }
0x51: {  	[tilespmem:$0x4E50] =	vst v0  }
0x52: {  	[tilespmem:$0x4E60] =	vst v0  }
0x53: {  	[tilespmem:$0x4E70] =	vst v0  }
0x54: {  	[tilespmem:$0x4E80] =	vst v0  }
0x55: {  	[tilespmem:$0x4E90] =	vst v0  }
0x56: {  	[tilespmem:$0x4EA0] =	vst v0  }
0x57: {  	[tilespmem:$0x4EB0] =	vst v0  }
0x58: {  	[tilespmem:$0x4EC0] =	vst v0  }
0x59: {  	[tilespmem:$0x4ED0] =	vst v0  }
0x5a: {  	[tilespmem:$0x4EE0] =	vst v0  }
0x5b: {  	[tilespmem:$0x4EF0] =	vst v0  }
0x5c: {  	[tilespmem:$0x4F00] =	vst v0  }
0x5d: {  	[tilespmem:$0x4F10] =	vst v0  }
0x5e: {  	[tilespmem:$0x4F20] =	vst v0  }
0x5f: {  	[tilespmem:$0x4F30] =	vst v0  }
0x60: {  	[tilespmem:$0x4F40] =	vst v0  }
0x61: {  	[tilespmem:$0x4F50] =	vst v0  }
0x62: {  	[tilespmem:$0x4F60] =	vst v0  }
0x63: {  	[tilespmem:$0x4F70] =	vst v0  }
0x64: {  	[tilespmem:$0x4F80] =	vst v0  }
0x65: {  	[tilespmem:$0x4F90] =	vst v0  }
0x66: {  	[tilespmem:$0x4FA0] =	vst v0  }
0x67: {  	[tilespmem:$0x4FB0] =	vst v0  }
0x68: {  	[tilespmem:$0x4FC0] =	vst v0  }
0x69: {  	[tilespmem:$0x4FD0] =	vst v0  }
0x6a: {  	[tilespmem:$0x4FE0] =	vst v0  }
0x6b: {  	[tilespmem:$0x4FF0] =	vst v0  }
0x6c: {  	[tilespmem:$0x5000] =	vst v0  }
0x6d: {  	[tilespmem:$0x5010] =	vst v0  }
0x6e: {  	[tilespmem:$0x5020] =	vst v0  }
0x6f: {  	[tilespmem:$0x5030] =	vst v0  }
0x70: {  	[tilespmem:$0x5040] =	vst v0  }
0x71: {  	[tilespmem:$0x5050] =	vst v0  }
0x72: {  	[tilespmem:$0x5060] =	vst v0  }
0x73: {  	[tilespmem:$0x5070] =	vst v0  }
0x74: {  	[tilespmem:$0x5080] =	vst v0  }
0x75: {  	[tilespmem:$0x5090] =	vst v0  }
0x76: {  	[tilespmem:$0x50A0] =	vst v0  }
0x77: {  	[tilespmem:$0x50B0] =	vst v0  }
0x78: {  	[tilespmem:$0x50C0] =	vst v0  }
0x79: {  	[tilespmem:$0x50D0] =	vst v0  }
0x7a: {  	[tilespmem:$0x50E0] =	vst v0  }
0x7b: {  	[tilespmem:$0x50F0] =	vst v0  }
0x7c: {  	[tilespmem:$0x5100] =	vst v0  }
0x7d: {  	[tilespmem:$0x5110] =	vst v0  }
0x7e: {  	[tilespmem:$0x5120] =	vst v0  }
0x7f: {  	[tilespmem:$0x5130] =	vst v0  }
0x80: {  	[tilespmem:$0x5140] =	vst v0  }
0x81: {  	[tilespmem:$0x5150] =	vst v0  }
0x82: {  	[tilespmem:$0x5160] =	vst v0  }
0x83: {  	[tilespmem:$0x5170] =	vst v0  }
0x84: {  	[tilespmem:$0x5180] =	vst v0  }
0x85: {  	[tilespmem:$0x5190] =	vst v0  }
0x86: {  	[tilespmem:$0x51A0] =	vst v0  }
0x87: {  	[tilespmem:$0x51B0] =	vst v0  }
0x88: {  	[tilespmem:$0x51C0] =	vst v0  }
0x89: {  	[tilespmem:$0x51D0] =	vst v0  }
0x8a: {  	[tilespmem:$0x51E0] =	vst v0  }
0x8b: {  	[tilespmem:$0x51F0] =	vst v0  }
0x8c: {  	[tilespmem:$0x5200] =	vst v0  }
0x8d: {  	[tilespmem:$0x5210] =	vst v0  }
0x8e: {  	[tilespmem:$0x5220] =	vst v0  }
0x8f: {  	[tilespmem:$0x5230] =	vst v0  }
0x90: {  	[tilespmem:$0x5240] =	vst v0  }
0x91: {  	[tilespmem:$0x5250] =	vst v0  }
0x92: {  	[tilespmem:$0x5260] =	vst v0  }
0x93: {  	[tilespmem:$0x5270] =	vst v0  }
0x94: {  	[tilespmem:$0x5280] =	vst v0  }
0x95: {  	[tilespmem:$0x5290] =	vst v0  }
0x96: {  	[tilespmem:$0x52A0] =	vst v0  }
0x97: {  	[tilespmem:$0x52B0] =	vst v0  }
0x98: {  	[tilespmem:$0x52C0] =	vst v0  }
0x99: {  	[tilespmem:$0x52D0] =	vst v0  }
0x9a: {  	[tilespmem:$0x52E0] =	vst v0  }
0x9b: {  	[tilespmem:$0x52F0] =	vst v0  }
0x9c: {  	[tilespmem:$0x5300] =	vst v0  }
0x9d: {  	[tilespmem:$0x5310] =	vst v0  }
0x9e: {  	[tilespmem:$0x5320] =	vst v0  }
0x9f: {  	[tilespmem:$0x5330] =	vst v0  }
0xa0: {  	[tilespmem:$0x5340] =	vst v0  }
0xa1: {  	[tilespmem:$0x5350] =	vst v0  }
0xa2: {  	[tilespmem:$0x5360] =	vst v0  }
0xa3: {  	[tilespmem:$0x5370] =	vst v0  }
0xa4: {  	[tilespmem:$0x5380] =	vst v0  }
0xa5: {  	[tilespmem:$0x5390] =	vst v0  }
0xa6: {  	[tilespmem:$0x53A0] =	vst v0  }
0xa7: {  	[tilespmem:$0x53B0] =	vst v0  }
0xa8: {  	[tilespmem:$0x53C0] =	vst v0  }
0xa9: {  	s17 =	stileid.u32;
	[tilespmem:$0x53D0] =	vst v0  }
0xaa: {  	s14 =	sshll.u32 s17, $0x6;
	s18 =	rddreg [dreg:$0xd];
	[tilespmem:$0x53E0] =	vst v0  }
0xab: {  	s14 =	sor.u32 $0x1C0A, s14;
	s16 =	rddreg [dreg:$0x11];
	[tilespmem:$0x53F0] =	vst v0  }
0xac: {  	[spmem:s16@s31], [sflag:s14] =	dma.strided [hbm:s18@s0], $0x4E2, s2, $0x2   }
0xad: {  	s15 =	rddreg [dreg:$0x5]  }
0xae: {  	[spmem:s19@s31], [sflag:s14] =	dma.strided [hbm:s15@s0], $0x4E2, s2, $0x2   }
0xaf: {  	s15 =	rddreg [dreg:$0x6]  }
0xb0: {  	[spmem:s20@s31], [sflag:s14] =	dma.strided [hbm:s15@s0], $0x4E2, s2, $0x2   }
0xb1: {  	s15 =	rddreg [dreg:$0x7]  }
0xb2: {  	[spmem:s21@s31], [sflag:s14] =	dma.strided [hbm:s15@s0], $0x4E2, s2, $0x2   }
0xb3: {  	s15 =	rddreg [dreg:$0x8]  }
0xb4: {  	[spmem:s22@s31], [sflag:s14] =	dma.strided [hbm:s15@s0], $0x4E2, s2, $0x2   }
0xb5: {  	s15 =	rddreg [dreg:$0x9]  }
0xb6: {  	[spmem:s23@s31], [sflag:s14] =	dma.strided [hbm:s15@s0], $0x4E2, s2, $0x2   }
0xb7: {  	s15 =	rddreg [dreg:$0xa]  }
0xb8: {  	[spmem:s24@s31], [sflag:s14] =	dma.strided [hbm:s15@s0], $0x4E2, s2, $0x2   }
0xb9: {  	s15 =	rddreg [dreg:$0xb]  }
0xba: {  	[spmem:s25@s31], [sflag:s14] =	dma.strided [hbm:s15@s0], $0x4E2, s2, $0x2   }
0xbb: {  	s15 =	rddreg [dreg:$0xc]  }
0xbc: {  	[spmem:s26@s31], [sflag:s14] =	dma.strided [hbm:s15@s0], $0x4E2, s2, $0x2   }
0xbd: {  	s15 =	rddreg [dreg:$0xe]  }
0xbe: {  	[spmem:s28@s31], [sflag:s14] =	dma.strided [hbm:s15@s0], $0x4E2, s2, $0x2   }
0xbf: {  	_ =	swait.ge [sflag:s1], $0x4E2  }
0xc0: {  	[sflag:s1] =	ssyncset.done $0x0  }
0xc1: {  	[sflag:s1] =	ssyncadd.s32 $0xFFFFFB1E  }
0xc2: {  	_ =	swait.ge [sflag:s1], $0x4E2  }
0xc3: {  	[sflag:s1] =	ssyncset.done $0x0  }
0xc4: {  	[sflag:s1] =	ssyncadd.s32 $0xFFFFFB1E  }
0xc5: {  	_ =	swait.ge [sflag:s1], $0x4E2  }
0xc6: {  	[sflag:s1] =	ssyncset.done $0x0  }
0xc7: {  	[sflag:s1] =	ssyncadd.s32 $0xFFFFFB1E  }
0xc8: {  	_ =	swait.ge [sflag:s1], $0x4E2  }
0xc9: {  	[sflag:s1] =	ssyncset.done $0x0  }
0xca: {  	[sflag:s1] =	ssyncadd.s32 $0xFFFFFB1E  }
0xcb: {  	_ =	swait.ge [sflag:s1], $0x4E2  }
0xcc: {  	[sflag:s1] =	ssyncset.done $0x0  }
0xcd: {  	[sflag:s1] =	ssyncadd.s32 $0xFFFFFB1E  }
0xce: {  	_ =	swait.ge [sflag:s1], $0x4E2  }
0xcf: {  	[sflag:s1] =	ssyncset.done $0x0  }
0xd0: {  	[sflag:s1] =	ssyncadd.s32 $0xFFFFFB1E  }
0xd1: {  	_ =	swait.ge [sflag:s1], $0x4E2  }
0xd2: {  	[sflag:s1] =	ssyncset.done $0x0  }
0xd3: {  	[sflag:s1] =	ssyncadd.s32 $0xFFFFFB1E  }
0xd4: {  	_ =	swait.ge [sflag:s1], $0x4E2  }
0xd5: {  	[sflag:s1] =	ssyncset.done $0x0  }
0xd6: {  	[sflag:s1] =	ssyncadd.s32 $0xFFFFFB1E  }
0xd7: {  	_ =	swait.ge [sflag:s1], $0x4E2  }
0xd8: {  	[sflag:s1] =	ssyncset.done $0x0  }
0xd9: {  	[sflag:s1] =	ssyncadd.s32 $0xFFFFFB1E  }
0xda: {  	_ =	swait.ge [sflag:s1], $0x4E2  }
0xdb: {  	[sflag:s1] =	ssyncset.done $0x0  }
0xdc: {  	[sflag:s1] =	ssyncadd.s32 $0xFFFFFB1E  }
0xdd: {  	s17 =	simm.s32 $0xC00;
	[bflag:$0x0] =	sbarrier.arrive $0xFFFF  }
0xde: {  	[tilespmem:s17], [sflag:$0x1] =	stream.indirect.gather [spmem:s3], $0x10, s4, s6, $0xb8;
	[tilespmem:$0x1DAB0] =	vst v63  }
0xdf: {  	s18 =	simm.s32 $0x1400  }
0xe0: {  	[tilespmem:s18], [sflag:$0x2] =	stream.indirect.gather [spmem:s3], $0x10, s6, s6, $0xb8;
	[tilespmem:$0x1DAB0] =	vst v63  }
0xe1: {  	s16 =	simm.s32 $0x1C00;
	s15 =	simm.s32 $0x100  }
0xe2: {  	[tilespmem:s16], [sflag:$0x3] =	stream.indirect.gather [spmem:s3], $0x10, s15, s6, $0xb8;
	[tilespmem:$0x1DAB0] =	vst v63  }
0xe3: {  	s17 =	simm.s32 $0x180;
	s18 =	simm.s32 $0x2400  }
0xe4: {  	[tilespmem:s18], [sflag:$0x4] =	stream.indirect.gather [spmem:s3], $0x10, s17, s6, $0xb8;
	[tilespmem:$0x1DAB0] =	vst v63  }
0xe5: {  	s15 =	simm.s32 $0x200;
	s16 =	simm.s32 $0x2C00  }
0xe6: {  	[tilespmem:s16], [sflag:$0x5] =	stream.indirect.gather [spmem:s3], $0x10, s15, s6, $0xb8;
	[tilespmem:$0x1DAB0] =	vst v63  }
0xe7: {  	s17 =	simm.s32 $0x280;
	s18 =	simm.s32 $0x3400  }
0xe8: {  	[tilespmem:s18], [sflag:$0x6] =	stream.indirect.gather [spmem:s3], $0x10, s17, s6, $0xb8;
	[tilespmem:$0x1DAB0] =	vst v63  }
0xe9: {  	s15 =	simm.s32 $0x300;
	s16 =	simm.s32 $0x3C00  }
0xea: {  	[tilespmem:s16], [sflag:$0x7] =	stream.indirect.gather [spmem:s3], $0x10, s15, s6, $0xb8;
	[tilespmem:$0x1DAB0] =	vst v63  }
0xeb: {  	s14 =	simm.s32 $0x0;
	s17 =	simm.s32 $0x380;
	s18 =	simm.s32 $0x4400  }
0xec: {  	[tilespmem:s18], [sflag:$0x8] =	stream.indirect.gather [spmem:s3], $0x10, s17, s6, $0xb8;
	[tilespmem:$0x1DAB0] =	vst v63  }
.LBB2_2:
0xed: {  	p0 =	seq.s32 s14, $0x18  }
0xee: {  	p1 =	sgt.u32 @!p0 s14, $0x16  }
0xef: {  	p1 =	por p1, p0  }
0xf0: {  	s15 =	sadd.s32 @!p1 $0x2, s14  }
0xf1: {  	s16 =	smul.u32 @!p1 $0xAB, s15;
	_ =	sdelay $0x1  }
0xf2: {  	s16 =	sshrl.u32 @!p1 s16, $0x9  }
0xf3: {  	s16 =	sand.u32 @!p1 $0x7F, s16  }
0xf4: {  	s17 =	simm.s32 @!p0 $0x9;
	s16 =	smul.u32 @!p1 $0x3, s16  }
0xf5: {  	_ =	swait.ge @!p0 [sflag:s17], $0x400  }
0xf6: {  	[sflag:s17] =	ssyncset.done @!p0 $0x0;
	s16 =	ssub.s32 @!p1 s15, s16  }
0xf7: {  	[sflag:s17] =	ssyncadd.s32 @!p0 $0xFFFFFC00;
	s15 =	sshll.u32 @!p1 s15, $0xC;
	s16 =	sand.u32 @!p1 $0xFF, s16  }
0xf8: {  	s17 =	simm.s32 @!p1 $0x0;
	s15 =	sadd.s32 @!p1 s15, s5;
	s16 =	sshll.u32 @!p1 s16, $0xA  }
0xf9: {  	[tilespmem:s16], [sflag:$0x9] =	stream.linear.gather @!p1 [hbm4b:s15+s17], $0x400, $0x38;
	[tilespmem:$0x1DAB0] =	vst v63  }
0xfa: {  	_ =	swait.ge [sflag:s2], $0x800  }
0xfb: {  	[sflag:s2] =	ssyncset.done $0x0  }
0xfc: {  	[sflag:s2] =	ssyncadd.s32 $0xFFFFF800  }
0xfd: {  	_ =	swait.ge [sflag:s31], $0x800  }
0xfe: {  	[sflag:s31] =	ssyncset.done $0x0  }
0xff: {  	[sflag:s31] =	ssyncadd.s32 $0xFFFFF800  }
0x100: {  	_ =	swait.ge [sflag:s7], $0x800  }
0x101: {  	[sflag:s7] =	ssyncset.done $0x0  }
0x102: {  	[sflag:s7] =	ssyncadd.s32 $0xFFFFF800  }
0x103: {  	_ =	swait.ge [sflag:s8], $0x800  }
0x104: {  	[sflag:s8] =	ssyncset.done $0x0  }
0x105: {  	s15 =	simm.s32 $0x0;
	[sflag:s8] =	ssyncadd.s32 $0xFFFFF800  }
0x106: {  	v21 =	vld [tilespmem:s15+$0x1C00]  }
0x107: {  	v1 =	vld [tilespmem:s15+$0x2400]  }
0x108: {  	v2 =	vld [tilespmem:s15+$0x1C10]  }
0x109: {  	v3 =	vld [tilespmem:s15+$0x2410]  }
0x10a: {  	v4 =	vld [tilespmem:s15+$0x1C20]  }
0x10b: {  	v5 =	vld [tilespmem:s15+$0x2420]  }
0x10c: {  	v6 =	vld [tilespmem:s15+$0x1C30]  }
0x10d: {  	v7 =	vld [tilespmem:s15+$0x2430]  }
0x10e: {  	v8 =	vld [tilespmem:s15+$0x1C40]  }
0x10f: {  	v9 =	vld [tilespmem:s15+$0x2440]  }
0x110: {  	v10 =	vld [tilespmem:s15+$0x1C50]  }
0x111: {  	v11 =	vld [tilespmem:s15+$0x2450]  }
0x112: {  	v12 =	vld [tilespmem:s15+$0x1C60]  }
0x113: {  	v13 =	vld [tilespmem:s15+$0x2460]  }
0x114: {  	v14 =	vld [tilespmem:s15+$0x1C70]  }
0x115: {  	v15 =	vld [tilespmem:s15+$0x2470]  }
0x116: {  	v16 =	vld [tilespmem:s15+$0x1C80]  }
0x117: {  	v17 =	vld [tilespmem:s15+$0x2480]  }
0x118: {  	v18 =	vld [tilespmem:s15+$0x1C90]  }
0x119: {  	v19 =	vld [tilespmem:s15+$0x2490]  }
0x11a: {  	v20 =	vld [tilespmem:s15+$0x1CA0]  }
0x11b: {  	v0 =	vld [tilespmem:s15+$0x24A0]  }
0x11c: {  	v22 =	vld [tilespmem:s15+$0x1CB0]  }
0x11d: {  	v23 =	vld [tilespmem:s15+$0x24B0]  }
0x11e: {  	v24 =	vld [tilespmem:s15+$0x1CC0]  }
0x11f: {  	v25 =	vld [tilespmem:s15+$0x24C0]  }
0x120: {  	v26 =	vld [tilespmem:s15+$0x1CD0]  }
0x121: {  	v27 =	vld [tilespmem:s15+$0x24D0]  }
0x122: {  	v28 =	vld [tilespmem:s15+$0x1CE0]  }
0x123: {  	v29 =	vld [tilespmem:s15+$0x24E0]  }
0x124: {  	v30 =	vld [tilespmem:s15+$0x1CF0]  }
0x125: {  	v31 =	vld [tilespmem:s15+$0x24F0]  }
0x126: {  	v32 =	vld [tilespmem:s15+$0xC00]  }
0x127: {  	v33 =	vld [tilespmem:s15+$0x1400]  }
0x128: {  	v34 =	vld [tilespmem:s15+$0xC10]  }
0x129: {  	v35 =	vld [tilespmem:s15+$0x1410]  }
0x12a: {  	v36 =	vld [tilespmem:s15+$0xC20]  }
0x12b: {  	v37 =	vld [tilespmem:s15+$0x1420]  }
0x12c: {  	v38 =	vld [tilespmem:s15+$0xC30]  }
0x12d: {  	v39 =	vld [tilespmem:s15+$0x1430]  }
0x12e: {  	v40 =	vld [tilespmem:s15+$0xC40]  }
0x12f: {  	v41 =	vld [tilespmem:s15+$0x1440]  }
0x130: {  	v42 =	vld [tilespmem:s15+$0xC50]  }
0x131: {  	v43 =	vld [tilespmem:s15+$0x1450]  }
0x132: {  	v44 =	vld [tilespmem:s15+$0xC60]  }
0x133: {  	v45 =	vld [tilespmem:s15+$0x1460]  }
0x134: {  	v46 =	vld [tilespmem:s15+$0xC70]  }
0x135: {  	v47 =	vld [tilespmem:s15+$0x1470]  }
0x136: {  	v48 =	vld [tilespmem:s15+$0xC80]  }
0x137: {  	v49 =	vld [tilespmem:s15+$0x1480]  }
0x138: {  	v50 =	vld [tilespmem:s15+$0xC90]  }
0x139: {  	v51 =	vld [tilespmem:s15+$0x1490]  }
0x13a: {  	v52 =	vld [tilespmem:s15+$0xCA0]  }
0x13b: {  	v53 =	vld [tilespmem:s15+$0x14A0]  }
0x13c: {  	v54 =	vld [tilespmem:s15+$0xCB0]  }
0x13d: {  	v55 =	vld [tilespmem:s15+$0x14B0]  }
0x13e: {  	v56 =	vld [tilespmem:s15+$0xCC0];
	v58 =	vadd.f32 v1, v21;
	v59 =	vadd.f32 v3, v2  }
0x13f: {  	v57 =	vld [tilespmem:s15+$0x14C0];
	v61 =	vadd.f32 v5, v4;
	v62 =	vadd.f32 v7, v6  }
0x140: {  	v60 =	vld [tilespmem:s15+$0xCD0];
	v1 =	vadd.f32 v9, v8;
	v9 =	vadd.f32 v13, v12  }
0x141: {  	v63 =	vld [tilespmem:s15+$0x14D0];
	v8 =	vadd.f32 v15, v14;
	v7 =	vadd.f32 v17, v16  }
0x142: {  	v6 =	vadd.f32 v19, v18;
	v21 =	vld [tilespmem:s15+$0xCF0];
	v5 =	vadd.f32 v0, v20  }
0x143: {  	v4 =	vadd.f32 v23, v22;
	v22 =	vld [tilespmem:s15+$0x14F0];
	v3 =	vadd.f32 v25, v24  }
0x144: {  	v2 =	vadd.f32 v27, v26;
	v12 =	vld [tilespmem:s15+$0x4C00];
	v0 =	vadd.f32 v31, v30  }
0x145: {  	v14 =	vadd.f32 v33, v32;
	v15 =	vadd.f32 v35, v34;
	v19 =	vld [tilespmem:s15+$0x4C20]  }
0x146: {  	v20 =	vadd.f32 v37, v36;
	v23 =	vadd.f32 v39, v38;
	v24 =	vld [tilespmem:s15+$0x4C30]  }
0x147: {  	v13 =	vld [tilespmem:s15+$0x4C10];
	v25 =	vadd.f32 v41, v40;
	v26 =	vadd.f32 v43, v42  }
0x148: {  	v27 =	vld [tilespmem:s15+$0x4C40];
	v44 =	vadd.f32 v45, v44;
	v47 =	vadd.f32 v47, v46  }
0x149: {  	v45 =	vld [tilespmem:s15+$0x4C50];
	v17 =	vadd.f32 v49, v48;
	v16 =	vadd.f32 v51, v50  }
0x14a: {  	v49 =	vld [tilespmem:s15+$0x4C60];
	[tilespmem:$0x1FFE0] =	vst v1;
	v1 =	vadd.f32 v11, v10;
	v20 =	vadd.f32 v20, v19  }
0x14b: {  	v10 =	vld [tilespmem:s15+$0xCE0];
	v12 =	vadd.f32 v14, v12;
	v23 =	vadd.f32 v23, v24  }
0x14c: {  	v11 =	vld [tilespmem:s15+$0x14E0];
	[tilespmem:$0x1FFF0] =	vst v1;
	v1 =	vadd.f32 v29, v28;
	v24 =	vadd.f32 v61, v20  }
0x14d: {  	v12 =	vadd.f32 v58, v12;
	v58 =	vld [tilespmem:s15+$0x4C70];
	v23 =	vadd.f32 v62, v23  }
0x14e: {  	v13 =	vadd.f32 v15, v13;
	v15 =	vadd.f32 v53, v52;
	[tilespmem:s15+$0x4C20] =	vst v24;
	v24 =	vld [tilespmem:$0x1FFE0]  }
0x14f: {  	v14 =	vadd.f32 v55, v54;
	v25 =	vadd.f32 v25, v27;
	[tilespmem:s15+$0x4C30] =	vst v23;
	v23 =	vld [tilespmem:$0x1FFF0]  }
0x150: {  	v18 =	vld [tilespmem:s15+$0x4C80];
	v59 =	vadd.f32 v59, v13;
	v13 =	vadd.f32 v57, v56  }
0x151: {  	v19 =	vld [tilespmem:s15+$0x4C90];
	v10 =	vadd.f32 v11, v10;
	v11 =	vadd.f32 v22, v21  }
0x152: {  	v20 =	vld [tilespmem:s15+$0x4CA0];
	v22 =	vadd.f32 v26, v45;
	[tilespmem:s15+$0x4C00] =	vst v12;
	v12 =	vadd.f32 v63, v60  }
0x153: {  	v21 =	vld [tilespmem:s15+$0x4CB0];
	v25 =	vadd.f32 v24, v25;
	v24 =	vadd.f32 v44, v49  }
0x154: {  	s16 =	simm.s32 $0x400;
	[tilespmem:s15+$0x4C10] =	vst v59;
	v26 =	vadd.f32 v23, v22;
	v23 =	vadd.f32 v47, v58;
	v22 =	vld [tilespmem:s15+$0x4CC0]  }
.LBB2_3:
0x155: {  	p1 =	sne.s32 s16, $0x1C00;
	[tilespmem:s15+$0x4C40] =	vst v25;
	v9 =	vadd.f32 v9, v24;
	v17 =	vadd.f32 v17, v18;
	v18 =	vld [tilespmem:s15+$0x4CD0]  }
0x156: {  	[tilespmem:s15+$0x4C50] =	vst v26;
	v8 =	vadd.f32 v8, v23;
	v16 =	vadd.f32 v16, v19;
	v19 =	vld [tilespmem:s15+$0x4CE0]  }
0x157: {  	s17 =	sshra.s32 s16, $0x2;
	[tilespmem:s15+$0x4C60] =	vst v9;
	v9 =	vadd.f32 v7, v17;
	v15 =	vadd.f32 v15, v20;
	v17 =	vld [tilespmem:s15+$0x4CF0]  }
0x158: {  	v7 =	vld [tilespmem:s17+$0x1C00];
	[tilespmem:s15+$0x4C70] =	vst v8;
	v6 =	vadd.f32 v6, v16;
	v8 =	vadd.f32 v14, v21  }
0x159: {  	v14 =	vld [tilespmem:s17+$0x2400];
	[tilespmem:s15+$0x4C80] =	vst v9;
	v5 =	vadd.f32 v5, v15;
	v9 =	vadd.f32 v13, v22  }
0x15a: {  	v13 =	vld [tilespmem:s17+$0x1C10];
	[tilespmem:s15+$0x4C90] =	vst v6;
	v4 =	vadd.f32 v4, v8;
	v6 =	vadd.f32 v12, v18  }
0x15b: {  	v8 =	vld [tilespmem:s17+$0x2410];
	[tilespmem:s15+$0x4CA0] =	vst v5;
	v3 =	vadd.f32 v3, v9;
	v5 =	vadd.f32 v10, v19  }
0x15c: {  	v9 =	vld [tilespmem:s17+$0x1C20];
	[tilespmem:s15+$0x4CB0] =	vst v4;
	v2 =	vadd.f32 v2, v6;
	v4 =	vadd.f32 v11, v17  }
0x15d: {  	v6 =	vld [tilespmem:s17+$0x2420];
	[tilespmem:s15+$0x4CC0] =	vst v3;
	v1 =	vadd.f32 v1, v5  }
0x15e: {  	v3 =	vld [tilespmem:s17+$0x1C30];
	[tilespmem:s15+$0x4CD0] =	vst v2;
	v0 =	vadd.f32 v0, v4  }
0x15f: {  	v2 =	vld [tilespmem:s17+$0x2430];
	[tilespmem:s15+$0x4CE0] =	vst v1  }
0x160: {  	v1 =	vld [tilespmem:s17+$0x1C40];
	[tilespmem:s15+$0x4CF0] =	vst v0;
	s15 =	smov.u32 s17  }
0x161: {  	v0 =	vld [tilespmem:s15+$0x2440]  }
0x162: {  	v4 =	vld [tilespmem:s15+$0x1C50]  }
0x163: {  	v5 =	vld [tilespmem:s15+$0x2450]  }
0x164: {  	v10 =	vld [tilespmem:s15+$0x1C60]  }
0x165: {  	v11 =	vld [tilespmem:s15+$0x2460]  }
0x166: {  	v12 =	vld [tilespmem:s15+$0x1C70]  }
0x167: {  	v15 =	vld [tilespmem:s15+$0x2470]  }
0x168: {  	v16 =	vld [tilespmem:s15+$0x1C80]  }
0x169: {  	v17 =	vld [tilespmem:s15+$0x2480]  }
0x16a: {  	v18 =	vld [tilespmem:s15+$0x1C90]  }
0x16b: {  	v19 =	vld [tilespmem:s15+$0x2490]  }
0x16c: {  	v20 =	vld [tilespmem:s15+$0x1CA0]  }
0x16d: {  	v21 =	vld [tilespmem:s15+$0x24A0]  }
0x16e: {  	v22 =	vld [tilespmem:s15+$0x1CB0]  }
0x16f: {  	v23 =	vld [tilespmem:s15+$0x24B0]  }
0x170: {  	v24 =	vld [tilespmem:s15+$0x1CC0]  }
0x171: {  	v25 =	vld [tilespmem:s15+$0x24C0]  }
0x172: {  	v26 =	vld [tilespmem:s15+$0x1CD0]  }
0x173: {  	v27 =	vld [tilespmem:s15+$0x24D0]  }
0x174: {  	v28 =	vld [tilespmem:s15+$0x1CE0]  }
0x175: {  	v29 =	vld [tilespmem:s15+$0x24E0]  }
0x176: {  	v30 =	vld [tilespmem:s15+$0x1CF0]  }
0x177: {  	v31 =	vld [tilespmem:s15+$0x24F0]  }
0x178: {  	v32 =	vld [tilespmem:s15+$0xC00]  }
0x179: {  	v33 =	vld [tilespmem:s15+$0x1400]  }
0x17a: {  	v34 =	vld [tilespmem:s15+$0xC10]  }
0x17b: {  	v35 =	vld [tilespmem:s15+$0x1410]  }
0x17c: {  	v36 =	vld [tilespmem:s15+$0xC20]  }
0x17d: {  	v37 =	vld [tilespmem:s15+$0x1420]  }
0x17e: {  	v38 =	vld [tilespmem:s15+$0xC30]  }
0x17f: {  	v39 =	vld [tilespmem:s15+$0x1430]  }
0x180: {  	v40 =	vld [tilespmem:s15+$0xC40]  }
0x181: {  	v41 =	vld [tilespmem:s15+$0x1440]  }
0x182: {  	v42 =	vld [tilespmem:s15+$0xC50]  }
0x183: {  	v43 =	vld [tilespmem:s15+$0x1450]  }
0x184: {  	v44 =	vld [tilespmem:s15+$0xC60]  }
0x185: {  	v45 =	vld [tilespmem:s15+$0x1460]  }
0x186: {  	v46 =	vld [tilespmem:s15+$0xC70]  }
0x187: {  	v47 =	vld [tilespmem:s15+$0x1470]  }
0x188: {  	v48 =	vld [tilespmem:s15+$0xC80]  }
0x189: {  	v49 =	vld [tilespmem:s15+$0x1480]  }
0x18a: {  	v50 =	vld [tilespmem:s15+$0xC90]  }
0x18b: {  	v51 =	vld [tilespmem:s15+$0x1490]  }
0x18c: {  	v52 =	vld [tilespmem:s15+$0xCA0]  }
0x18d: {  	v53 =	vld [tilespmem:s15+$0x14A0]  }
0x18e: {  	v54 =	vadd.f32 v14, v7;
	v55 =	vadd.f32 v8, v13;
	v13 =	vld [tilespmem:s15+$0xCB0]  }
0x18f: {  	v56 =	vadd.f32 v6, v9;
	v57 =	vadd.f32 v2, v3;
	v14 =	vld [tilespmem:s15+$0x14B0]  }
0x190: {  	v58 =	vadd.f32 v0, v1;
	v59 =	vadd.f32 v5, v4;
	v60 =	vld [tilespmem:s15+$0xCC0]  }
0x191: {  	v9 =	vadd.f32 v11, v10;
	v8 =	vadd.f32 v15, v12;
	v10 =	vld [tilespmem:s15+$0x14C0]  }
0x192: {  	v7 =	vadd.f32 v17, v16;
	v6 =	vadd.f32 v19, v18;
	v11 =	vld [tilespmem:s15+$0xCD0]  }
0x193: {  	v5 =	vadd.f32 v21, v20;
	v4 =	vadd.f32 v23, v22;
	v12 =	vld [tilespmem:s15+$0x14D0]  }
0x194: {  	v3 =	vadd.f32 v25, v24;
	v2 =	vadd.f32 v27, v26;
	v18 =	vld [tilespmem:s15+$0xCE0]  }
0x195: {  	v1 =	vadd.f32 v29, v28;
	v0 =	vadd.f32 v31, v30;
	v19 =	vld [tilespmem:s15+$0x14E0]  }
0x196: {  	v20 =	vadd.f32 v33, v32;
	v21 =	vadd.f32 v35, v34;
	v22 =	vld [tilespmem:s15+$0xCF0]  }
0x197: {  	v23 =	vadd.f32 v37, v36;
	v24 =	vadd.f32 v39, v38;
	v25 =	vld [tilespmem:s15+$0x14F0]  }
0x198: {  	v27 =	vadd.f32 v41, v40;
	v28 =	vadd.f32 v43, v42;
	v26 =	vld [tilespmem:s15+$0x4C00]  }
0x199: {  	v30 =	vadd.f32 v45, v44;
	v31 =	vadd.f32 v47, v46;
	v29 =	vld [tilespmem:s15+$0x4C10]  }
0x19a: {  	v17 =	vadd.f32 v49, v48;
	v16 =	vadd.f32 v51, v50;
	v32 =	vld [tilespmem:s15+$0x4C20]  }
0x19b: {  	v15 =	vadd.f32 v53, v52;
	v14 =	vadd.f32 v14, v13;
	v33 =	vld [tilespmem:s15+$0x4C30]  }
0x19c: {  	v13 =	vadd.f32 v10, v60;
	v12 =	vadd.f32 v12, v11;
	v34 =	vld [tilespmem:s15+$0x4C40]  }
0x19d: {  	v10 =	vadd.f32 v19, v18;
	v20 =	vadd.f32 v20, v26;
	v26 =	vld [tilespmem:s15+$0x4C50]  }
0x19e: {  	v11 =	vadd.f32 v25, v22;
	v18 =	vadd.f32 v21, v29;
	v21 =	vld [tilespmem:s15+$0x4C60]  }
0x19f: {  	v19 =	vadd.f32 v54, v20;
	v20 =	vadd.f32 v23, v32;
	v22 =	vld [tilespmem:s15+$0x4C70]  }
.Ltmp0:
0x1a0: {  	v23 =	vadd.f32 v55, v18;
	v24 =	vadd.f32 v24, v33;
	v18 =	vld [tilespmem:s15+$0x4C80];
	(pc) =	sbr.rel @p1 .LBB2_3-.Ltmp0, $4  }
0x1a1: {  	[tilespmem:s15+$0x4C00] =	vst v19;
	v25 =	vadd.f32 v56, v20;
	v27 =	vadd.f32 v27, v34;
	v19 =	vld [tilespmem:s15+$0x4C90]  }
0x1a2: {  	[tilespmem:s15+$0x4C10] =	vst v23;
	v23 =	vadd.f32 v57, v24;
	v26 =	vadd.f32 v28, v26;
	v20 =	vld [tilespmem:s15+$0x4CA0]  }
0x1a3: {  	[tilespmem:s15+$0x4C20] =	vst v25;
	v25 =	vadd.f32 v58, v27;
	v24 =	vadd.f32 v30, v21;
	v21 =	vld [tilespmem:s15+$0x4CB0]  }
0x1a4: {  	s16 =	sadd.s32 $0x400, s16;
	[tilespmem:s15+$0x4C30] =	vst v23;
	v26 =	vadd.f32 v59, v26;
	v23 =	vadd.f32 v31, v22;
	v22 =	vld [tilespmem:s15+$0x4CC0]  }
0x1a5: {  	[tilespmem:s15+$0x4C40] =	vst v25;
	v25 =	vld [tilespmem:s15+$0x4CD0];
	v9 =	vadd.f32 v9, v24;
	v17 =	vadd.f32 v17, v18  }
0x1a6: {  	v18 =	vld [tilespmem:s15+$0x4CE0];
	[tilespmem:s15+$0x4C50] =	vst v26;
	v8 =	vadd.f32 v8, v23;
	v16 =	vadd.f32 v16, v19  }
0x1a7: {  	s14 =	sadd.s32 $0x1, s14;
	[tilespmem:s15+$0x4C60] =	vst v9;
	v7 =	vadd.f32 v7, v17;
	v9 =	vadd.f32 v15, v20;
	v15 =	vld [tilespmem:s15+$0x4CF0]  }
0x1a8: {  	s16 =	smul.u32 $0xAB, s14;
	[tilespmem:s15+$0x4C70] =	vst v8;
	v6 =	vadd.f32 v6, v16;
	v8 =	vadd.f32 v14, v21  }
0x1a9: {  	[tilespmem:s15+$0x4C80] =	vst v7;
	v5 =	vadd.f32 v5, v9;
	v7 =	vadd.f32 v13, v22  }
0x1aa: {  	s16 =	sshrl.u32 s16, $0x9;
	[tilespmem:s15+$0x4C90] =	vst v6;
	v4 =	vadd.f32 v4, v8;
	v6 =	vadd.f32 v12, v25  }
0x1ab: {  	s16 =	sand.u32 $0x7F, s16;
	[tilespmem:s15+$0x4CA0] =	vst v5;
	v3 =	vadd.f32 v3, v7;
	v5 =	vadd.f32 v10, v18  }
0x1ac: {  	s16 =	smul.u32 $0x3, s16;
	[tilespmem:s15+$0x4CB0] =	vst v4;
	v2 =	vadd.f32 v2, v6;
	v4 =	vadd.f32 v11, v15  }
0x1ad: {  	[tilespmem:s15+$0x4CC0] =	vst v3;
	v1 =	vadd.f32 v1, v5  }
0x1ae: {  	s16 =	ssub.s32 s14, s16;
	[tilespmem:s15+$0x4CD0] =	vst v2;
	v0 =	vadd.f32 v0, v4  }
0x1af: {  	s16 =	sand.u32 $0xFF, s16;
	[tilespmem:s15+$0x4CE0] =	vst v1  }
0x1b0: {  	s17 =	simm.s32 @!p0 $0xC00;
	[tilespmem:s15+$0x4CF0] =	vst v0;
	s15 =	sshll.u32 @!p0 s16, $0xA;
	s16 =	simm.s32 @!p0 $0x80  }
0x1b1: {  	[tilespmem:s17], [sflag:$0x1] =	stream.indirect.gather @!p0 [spmem:s3], $0x10, s15, s16, $0xb8;
	[tilespmem:$0x1DAB0] =	vst v63  }
0x1b2: {  	s18 =	simm.s32 @!p0 $0x1400;
	s17 =	sor.u32 @!p0 $0x80, s15  }
0x1b3: {  	[tilespmem:s18], [sflag:$0x2] =	stream.indirect.gather @!p0 [spmem:s3], $0x10, s17, s16, $0xb8;
	[tilespmem:$0x1DAB0] =	vst v63  }
0x1b4: {  	s17 =	sor.u32 @!p0 $0x100, s15;
	s18 =	simm.s32 @!p0 $0x1C00  }
0x1b5: {  	[tilespmem:s18], [sflag:$0x3] =	stream.indirect.gather @!p0 [spmem:s3], $0x10, s17, s16, $0xb8;
	[tilespmem:$0x1DAB0] =	vst v63  }
0x1b6: {  	s17 =	sor.u32 @!p0 $0x180, s15;
	s18 =	simm.s32 @!p0 $0x2400  }
0x1b7: {  	[tilespmem:s18], [sflag:$0x4] =	stream.indirect.gather @!p0 [spmem:s3], $0x10, s17, s16, $0xb8;
	[tilespmem:$0x1DAB0] =	vst v63  }
0x1b8: {  	_ =	swait.ge [sflag:s9], $0x800  }
0x1b9: {  	[sflag:s9] =	ssyncset.done $0x0  }
0x1ba: {  	[sflag:s9] =	ssyncadd.s32 $0xFFFFF800  }
0x1bb: {  	_ =	swait.ge [sflag:s10], $0x800  }
0x1bc: {  	[sflag:s10] =	ssyncset.done $0x0  }
0x1bd: {  	[sflag:s10] =	ssyncadd.s32 $0xFFFFF800  }
0x1be: {  	_ =	swait.ge [sflag:s11], $0x800  }
0x1bf: {  	[sflag:s11] =	ssyncset.done $0x0  }
0x1c0: {  	[sflag:s11] =	ssyncadd.s32 $0xFFFFF800  }
0x1c1: {  	_ =	swait.ge [sflag:s12], $0x800  }
0x1c2: {  	[sflag:s12] =	ssyncset.done $0x0  }
0x1c3: {  	s16 =	simm.s32 $0x0;
	[sflag:s12] =	ssyncadd.s32 $0xFFFFF800  }
0x1c4: {  	v21 =	vld [tilespmem:s16+$0x3C00]  }
0x1c5: {  	v1 =	vld [tilespmem:s16+$0x4400]  }
0x1c6: {  	v2 =	vld [tilespmem:s16+$0x3C10]  }
0x1c7: {  	v3 =	vld [tilespmem:s16+$0x4410]  }
0x1c8: {  	v4 =	vld [tilespmem:s16+$0x3C20]  }
0x1c9: {  	v5 =	vld [tilespmem:s16+$0x4420]  }
0x1ca: {  	v6 =	vld [tilespmem:s16+$0x3C30]  }
0x1cb: {  	v7 =	vld [tilespmem:s16+$0x4430]  }
0x1cc: {  	v8 =	vld [tilespmem:s16+$0x3C40]  }
0x1cd: {  	v9 =	vld [tilespmem:s16+$0x4440]  }
0x1ce: {  	v10 =	vld [tilespmem:s16+$0x3C50]  }
0x1cf: {  	v11 =	vld [tilespmem:s16+$0x4450]  }
0x1d0: {  	v12 =	vld [tilespmem:s16+$0x3C60]  }
0x1d1: {  	v13 =	vld [tilespmem:s16+$0x4460]  }
0x1d2: {  	v14 =	vld [tilespmem:s16+$0x3C70]  }
0x1d3: {  	v15 =	vld [tilespmem:s16+$0x4470]  }
0x1d4: {  	v16 =	vld [tilespmem:s16+$0x3C80]  }
0x1d5: {  	v17 =	vld [tilespmem:s16+$0x4480]  }
0x1d6: {  	v18 =	vld [tilespmem:s16+$0x3C90]  }
0x1d7: {  	v19 =	vld [tilespmem:s16+$0x4490]  }
0x1d8: {  	v20 =	vld [tilespmem:s16+$0x3CA0]  }
0x1d9: {  	v0 =	vld [tilespmem:s16+$0x44A0]  }
0x1da: {  	v22 =	vld [tilespmem:s16+$0x3CB0]  }
0x1db: {  	v23 =	vld [tilespmem:s16+$0x44B0]  }
0x1dc: {  	v24 =	vld [tilespmem:s16+$0x3CC0]  }
0x1dd: {  	v25 =	vld [tilespmem:s16+$0x44C0]  }
0x1de: {  	v26 =	vld [tilespmem:s16+$0x3CD0]  }
0x1df: {  	v27 =	vld [tilespmem:s16+$0x44D0]  }
0x1e0: {  	v28 =	vld [tilespmem:s16+$0x3CE0]  }
0x1e1: {  	v29 =	vld [tilespmem:s16+$0x44E0]  }
0x1e2: {  	v30 =	vld [tilespmem:s16+$0x3CF0]  }
0x1e3: {  	v31 =	vld [tilespmem:s16+$0x44F0]  }
0x1e4: {  	v32 =	vld [tilespmem:s16+$0x2C00]  }
0x1e5: {  	v33 =	vld [tilespmem:s16+$0x3400]  }
0x1e6: {  	v34 =	vld [tilespmem:s16+$0x2C10]  }
0x1e7: {  	v35 =	vld [tilespmem:s16+$0x3410]  }
0x1e8: {  	v36 =	vld [tilespmem:s16+$0x2C20]  }
0x1e9: {  	v37 =	vld [tilespmem:s16+$0x3420]  }
0x1ea: {  	v38 =	vld [tilespmem:s16+$0x2C30]  }
0x1eb: {  	v39 =	vld [tilespmem:s16+$0x3430]  }
0x1ec: {  	v40 =	vld [tilespmem:s16+$0x2C40]  }
0x1ed: {  	v41 =	vld [tilespmem:s16+$0x3440]  }
0x1ee: {  	v42 =	vld [tilespmem:s16+$0x2C50]  }
0x1ef: {  	v43 =	vld [tilespmem:s16+$0x3450]  }
0x1f0: {  	v44 =	vld [tilespmem:s16+$0x2C60]  }
0x1f1: {  	v45 =	vld [tilespmem:s16+$0x3460]  }
0x1f2: {  	v46 =	vld [tilespmem:s16+$0x2C70]  }
0x1f3: {  	v47 =	vld [tilespmem:s16+$0x3470]  }
0x1f4: {  	v48 =	vld [tilespmem:s16+$0x2C80]  }
0x1f5: {  	v49 =	vld [tilespmem:s16+$0x3480]  }
0x1f6: {  	v50 =	vld [tilespmem:s16+$0x2C90]  }
0x1f7: {  	v51 =	vld [tilespmem:s16+$0x3490]  }
0x1f8: {  	v52 =	vld [tilespmem:s16+$0x2CA0]  }
0x1f9: {  	v53 =	vld [tilespmem:s16+$0x34A0]  }
0x1fa: {  	v54 =	vld [tilespmem:s16+$0x2CB0]  }
0x1fb: {  	v55 =	vld [tilespmem:s16+$0x34B0]  }
0x1fc: {  	v56 =	vld [tilespmem:s16+$0x2CC0];
	v58 =	vadd.f32 v1, v21;
	v59 =	vadd.f32 v3, v2  }
0x1fd: {  	v57 =	vld [tilespmem:s16+$0x34C0];
	v61 =	vadd.f32 v5, v4;
	v62 =	vadd.f32 v7, v6  }
0x1fe: {  	v60 =	vld [tilespmem:s16+$0x2CD0];
	v1 =	vadd.f32 v9, v8;
	v9 =	vadd.f32 v13, v12  }
0x1ff: {  	v63 =	vld [tilespmem:s16+$0x34D0];
	v8 =	vadd.f32 v15, v14;
	v7 =	vadd.f32 v17, v16  }
0x200: {  	v6 =	vadd.f32 v19, v18;
	v21 =	vld [tilespmem:s16+$0x2CF0];
	v5 =	vadd.f32 v0, v20  }
0x201: {  	v4 =	vadd.f32 v23, v22;
	v22 =	vld [tilespmem:s16+$0x34F0];
	v3 =	vadd.f32 v25, v24  }
0x202: {  	v2 =	vadd.f32 v27, v26;
	v12 =	vld [tilespmem:s16+$0x4C00];
	v0 =	vadd.f32 v31, v30  }
0x203: {  	v14 =	vadd.f32 v33, v32;
	v15 =	vadd.f32 v35, v34;
	v19 =	vld [tilespmem:s16+$0x4C20]  }
0x204: {  	v20 =	vadd.f32 v37, v36;
	v23 =	vadd.f32 v39, v38;
	v24 =	vld [tilespmem:s16+$0x4C30]  }
0x205: {  	v13 =	vld [tilespmem:s16+$0x4C10];
	v25 =	vadd.f32 v41, v40;
	v26 =	vadd.f32 v43, v42  }
0x206: {  	v27 =	vld [tilespmem:s16+$0x4C40];
	v44 =	vadd.f32 v45, v44;
	v47 =	vadd.f32 v47, v46  }
0x207: {  	v45 =	vld [tilespmem:s16+$0x4C50];
	v17 =	vadd.f32 v49, v48;
	v16 =	vadd.f32 v51, v50  }
0x208: {  	v49 =	vld [tilespmem:s16+$0x4C60];
	[tilespmem:$0x1FFC0] =	vst v1;
	v1 =	vadd.f32 v11, v10;
	v20 =	vadd.f32 v20, v19  }
0x209: {  	v10 =	vld [tilespmem:s16+$0x2CE0];
	v12 =	vadd.f32 v14, v12;
	v23 =	vadd.f32 v23, v24  }
0x20a: {  	v11 =	vld [tilespmem:s16+$0x34E0];
	[tilespmem:$0x1FFD0] =	vst v1;
	v1 =	vadd.f32 v29, v28;
	v24 =	vadd.f32 v61, v20  }
0x20b: {  	v12 =	vadd.f32 v58, v12;
	v58 =	vld [tilespmem:s16+$0x4C70];
	v23 =	vadd.f32 v62, v23  }
0x20c: {  	v13 =	vadd.f32 v15, v13;
	v15 =	vadd.f32 v53, v52;
	[tilespmem:s16+$0x4C20] =	vst v24;
	v24 =	vld [tilespmem:$0x1FFC0]  }
0x20d: {  	v14 =	vadd.f32 v55, v54;
	v25 =	vadd.f32 v25, v27;
	[tilespmem:s16+$0x4C30] =	vst v23;
	v23 =	vld [tilespmem:$0x1FFD0]  }
0x20e: {  	v18 =	vld [tilespmem:s16+$0x4C80];
	v59 =	vadd.f32 v59, v13;
	v13 =	vadd.f32 v57, v56  }
0x20f: {  	v19 =	vld [tilespmem:s16+$0x4C90];
	v10 =	vadd.f32 v11, v10;
	v11 =	vadd.f32 v22, v21  }
0x210: {  	v20 =	vld [tilespmem:s16+$0x4CA0];
	v22 =	vadd.f32 v26, v45;
	[tilespmem:s16+$0x4C00] =	vst v12;
	v12 =	vadd.f32 v63, v60  }
0x211: {  	v21 =	vld [tilespmem:s16+$0x4CB0];
	v25 =	vadd.f32 v24, v25;
	v24 =	vadd.f32 v44, v49  }
0x212: {  	s17 =	simm.s32 $0x400;
	[tilespmem:s16+$0x4C10] =	vst v59;
	v26 =	vadd.f32 v23, v22;
	v23 =	vadd.f32 v47, v58;
	v22 =	vld [tilespmem:s16+$0x4CC0]  }
.LBB2_5:
0x213: {  	p1 =	sne.s32 s17, $0x1C00;
	[tilespmem:s16+$0x4C40] =	vst v25;
	v9 =	vadd.f32 v9, v24;
	v17 =	vadd.f32 v17, v18;
	v18 =	vld [tilespmem:s16+$0x4CD0]  }
0x214: {  	[tilespmem:s16+$0x4C50] =	vst v26;
	v8 =	vadd.f32 v8, v23;
	v16 =	vadd.f32 v16, v19;
	v19 =	vld [tilespmem:s16+$0x4CE0]  }
0x215: {  	s18 =	sshra.s32 s17, $0x2;
	[tilespmem:s16+$0x4C60] =	vst v9;
	v9 =	vadd.f32 v7, v17;
	v15 =	vadd.f32 v15, v20;
	v17 =	vld [tilespmem:s16+$0x4CF0]  }
0x216: {  	v7 =	vld [tilespmem:s18+$0x3C00];
	[tilespmem:s16+$0x4C70] =	vst v8;
	v6 =	vadd.f32 v6, v16;
	v8 =	vadd.f32 v14, v21  }
0x217: {  	v14 =	vld [tilespmem:s18+$0x4400];
	[tilespmem:s16+$0x4C80] =	vst v9;
	v5 =	vadd.f32 v5, v15;
	v9 =	vadd.f32 v13, v22  }
0x218: {  	v13 =	vld [tilespmem:s18+$0x3C10];
	[tilespmem:s16+$0x4C90] =	vst v6;
	v4 =	vadd.f32 v4, v8;
	v6 =	vadd.f32 v12, v18  }
0x219: {  	v8 =	vld [tilespmem:s18+$0x4410];
	[tilespmem:s16+$0x4CA0] =	vst v5;
	v3 =	vadd.f32 v3, v9;
	v5 =	vadd.f32 v10, v19  }
0x21a: {  	v9 =	vld [tilespmem:s18+$0x3C20];
	[tilespmem:s16+$0x4CB0] =	vst v4;
	v2 =	vadd.f32 v2, v6;
	v4 =	vadd.f32 v11, v17  }
0x21b: {  	v6 =	vld [tilespmem:s18+$0x4420];
	[tilespmem:s16+$0x4CC0] =	vst v3;
	v1 =	vadd.f32 v1, v5  }
0x21c: {  	v3 =	vld [tilespmem:s18+$0x3C30];
	[tilespmem:s16+$0x4CD0] =	vst v2;
	v0 =	vadd.f32 v0, v4  }
0x21d: {  	v2 =	vld [tilespmem:s18+$0x4430];
	[tilespmem:s16+$0x4CE0] =	vst v1  }
0x21e: {  	v1 =	vld [tilespmem:s18+$0x3C40];
	[tilespmem:s16+$0x4CF0] =	vst v0;
	s16 =	smov.u32 s18  }
0x21f: {  	v0 =	vld [tilespmem:s16+$0x4440]  }
0x220: {  	v4 =	vld [tilespmem:s16+$0x3C50]  }
0x221: {  	v5 =	vld [tilespmem:s16+$0x4450]  }
0x222: {  	v10 =	vld [tilespmem:s16+$0x3C60]  }
0x223: {  	v11 =	vld [tilespmem:s16+$0x4460]  }
0x224: {  	v12 =	vld [tilespmem:s16+$0x3C70]  }
0x225: {  	v15 =	vld [tilespmem:s16+$0x4470]  }
0x226: {  	v16 =	vld [tilespmem:s16+$0x3C80]  }
0x227: {  	v17 =	vld [tilespmem:s16+$0x4480]  }
0x228: {  	v18 =	vld [tilespmem:s16+$0x3C90]  }
0x229: {  	v19 =	vld [tilespmem:s16+$0x4490]  }
0x22a: {  	v20 =	vld [tilespmem:s16+$0x3CA0]  }
0x22b: {  	v21 =	vld [tilespmem:s16+$0x44A0]  }
0x22c: {  	v22 =	vld [tilespmem:s16+$0x3CB0]  }
0x22d: {  	v23 =	vld [tilespmem:s16+$0x44B0]  }
0x22e: {  	v24 =	vld [tilespmem:s16+$0x3CC0]  }
0x22f: {  	v25 =	vld [tilespmem:s16+$0x44C0]  }
0x230: {  	v26 =	vld [tilespmem:s16+$0x3CD0]  }
0x231: {  	v27 =	vld [tilespmem:s16+$0x44D0]  }
0x232: {  	v28 =	vld [tilespmem:s16+$0x3CE0]  }
0x233: {  	v29 =	vld [tilespmem:s16+$0x44E0]  }
0x234: {  	v30 =	vld [tilespmem:s16+$0x3CF0]  }
0x235: {  	v31 =	vld [tilespmem:s16+$0x44F0]  }
0x236: {  	v32 =	vld [tilespmem:s16+$0x2C00]  }
0x237: {  	v33 =	vld [tilespmem:s16+$0x3400]  }
0x238: {  	v34 =	vld [tilespmem:s16+$0x2C10]  }
0x239: {  	v35 =	vld [tilespmem:s16+$0x3410]  }
0x23a: {  	v36 =	vld [tilespmem:s16+$0x2C20]  }
0x23b: {  	v37 =	vld [tilespmem:s16+$0x3420]  }
0x23c: {  	v38 =	vld [tilespmem:s16+$0x2C30]  }
0x23d: {  	v39 =	vld [tilespmem:s16+$0x3430]  }
0x23e: {  	v40 =	vld [tilespmem:s16+$0x2C40]  }
0x23f: {  	v41 =	vld [tilespmem:s16+$0x3440]  }
0x240: {  	v42 =	vld [tilespmem:s16+$0x2C50]  }
0x241: {  	v43 =	vld [tilespmem:s16+$0x3450]  }
0x242: {  	v44 =	vld [tilespmem:s16+$0x2C60]  }
0x243: {  	v45 =	vld [tilespmem:s16+$0x3460]  }
0x244: {  	v46 =	vld [tilespmem:s16+$0x2C70]  }
0x245: {  	v47 =	vld [tilespmem:s16+$0x3470]  }
0x246: {  	v48 =	vld [tilespmem:s16+$0x2C80]  }
0x247: {  	v49 =	vld [tilespmem:s16+$0x3480]  }
0x248: {  	v50 =	vld [tilespmem:s16+$0x2C90]  }
0x249: {  	v51 =	vld [tilespmem:s16+$0x3490]  }
0x24a: {  	v52 =	vld [tilespmem:s16+$0x2CA0]  }
0x24b: {  	v53 =	vld [tilespmem:s16+$0x34A0]  }
0x24c: {  	v54 =	vadd.f32 v14, v7;
	v55 =	vadd.f32 v8, v13;
	v13 =	vld [tilespmem:s16+$0x2CB0]  }
0x24d: {  	v56 =	vadd.f32 v6, v9;
	v57 =	vadd.f32 v2, v3;
	v14 =	vld [tilespmem:s16+$0x34B0]  }
0x24e: {  	v58 =	vadd.f32 v0, v1;
	v59 =	vadd.f32 v5, v4;
	v60 =	vld [tilespmem:s16+$0x2CC0]  }
0x24f: {  	v9 =	vadd.f32 v11, v10;
	v8 =	vadd.f32 v15, v12;
	v10 =	vld [tilespmem:s16+$0x34C0]  }
0x250: {  	v7 =	vadd.f32 v17, v16;
	v6 =	vadd.f32 v19, v18;
	v11 =	vld [tilespmem:s16+$0x2CD0]  }
0x251: {  	v5 =	vadd.f32 v21, v20;
	v4 =	vadd.f32 v23, v22;
	v12 =	vld [tilespmem:s16+$0x34D0]  }
0x252: {  	v3 =	vadd.f32 v25, v24;
	v2 =	vadd.f32 v27, v26;
	v18 =	vld [tilespmem:s16+$0x2CE0]  }
0x253: {  	v1 =	vadd.f32 v29, v28;
	v0 =	vadd.f32 v31, v30;
	v19 =	vld [tilespmem:s16+$0x34E0]  }
0x254: {  	v20 =	vadd.f32 v33, v32;
	v21 =	vadd.f32 v35, v34;
	v22 =	vld [tilespmem:s16+$0x2CF0]  }
0x255: {  	v23 =	vadd.f32 v37, v36;
	v24 =	vadd.f32 v39, v38;
	v25 =	vld [tilespmem:s16+$0x34F0]  }
0x256: {  	v27 =	vadd.f32 v41, v40;
	v28 =	vadd.f32 v43, v42;
	v26 =	vld [tilespmem:s16+$0x4C00]  }
0x257: {  	v30 =	vadd.f32 v45, v44;
	v31 =	vadd.f32 v47, v46;
	v29 =	vld [tilespmem:s16+$0x4C10]  }
0x258: {  	v17 =	vadd.f32 v49, v48;
	v16 =	vadd.f32 v51, v50;
	v32 =	vld [tilespmem:s16+$0x4C20]  }
0x259: {  	v15 =	vadd.f32 v53, v52;
	v14 =	vadd.f32 v14, v13;
	v33 =	vld [tilespmem:s16+$0x4C30]  }
0x25a: {  	v13 =	vadd.f32 v10, v60;
	v12 =	vadd.f32 v12, v11;
	v34 =	vld [tilespmem:s16+$0x4C40]  }
0x25b: {  	v10 =	vadd.f32 v19, v18;
	v20 =	vadd.f32 v20, v26;
	v26 =	vld [tilespmem:s16+$0x4C50]  }
0x25c: {  	v11 =	vadd.f32 v25, v22;
	v18 =	vadd.f32 v21, v29;
	v21 =	vld [tilespmem:s16+$0x4C60]  }
0x25d: {  	v19 =	vadd.f32 v54, v20;
	v20 =	vadd.f32 v23, v32;
	v22 =	vld [tilespmem:s16+$0x4C70]  }
.Ltmp1:
0x25e: {  	v23 =	vadd.f32 v55, v18;
	v24 =	vadd.f32 v24, v33;
	v18 =	vld [tilespmem:s16+$0x4C80];
	(pc) =	sbr.rel @p1 .LBB2_5-.Ltmp1, $4  }
0x25f: {  	[tilespmem:s16+$0x4C00] =	vst v19;
	v25 =	vadd.f32 v56, v20;
	v27 =	vadd.f32 v27, v34;
	v19 =	vld [tilespmem:s16+$0x4C90]  }
0x260: {  	[tilespmem:s16+$0x4C10] =	vst v23;
	v23 =	vadd.f32 v57, v24;
	v26 =	vadd.f32 v28, v26;
	v20 =	vld [tilespmem:s16+$0x4CA0]  }
0x261: {  	[tilespmem:s16+$0x4C20] =	vst v25;
	v25 =	vadd.f32 v58, v27;
	v24 =	vadd.f32 v30, v21;
	v21 =	vld [tilespmem:s16+$0x4CB0]  }
0x262: {  	s17 =	sadd.s32 $0x400, s17;
	[tilespmem:s16+$0x4C30] =	vst v23;
	v26 =	vadd.f32 v59, v26;
	v23 =	vadd.f32 v31, v22;
	v22 =	vld [tilespmem:s16+$0x4CC0]  }
0x263: {  	[tilespmem:s16+$0x4C40] =	vst v25;
	v55 =	vld [tilespmem:s16+$0x4CD0];
	v9 =	vadd.f32 v9, v24;
	v17 =	vadd.f32 v17, v18  }
0x264: {  	v56 =	vld [tilespmem:s16+$0x4CE0];
	[tilespmem:s16+$0x4C50] =	vst v26;
	v8 =	vadd.f32 v8, v23;
	v16 =	vadd.f32 v16, v19  }
0x265: {  	v58 =	vld [tilespmem:s16+$0x4CF0];
	[tilespmem:s16+$0x4C60] =	vst v9;
	v7 =	vadd.f32 v7, v17;
	v57 =	vadd.f32 v15, v20  }
0x266: {  	[tilespmem:s16+$0x4C70] =	vst v8;
	v6 =	vadd.f32 v6, v16;
	v59 =	vadd.f32 v14, v21  }
0x267: {  	[tilespmem:s16+$0x4C80] =	vst v7;
	v5 =	vadd.f32 v5, v57;
	v60 =	vadd.f32 v13, v22  }
0x268: {  	[tilespmem:s16+$0x4C90] =	vst v6;
	v4 =	vadd.f32 v4, v59;
	v61 =	vadd.f32 v12, v55  }
0x269: {  	v62 =	vadd.f32 v10, v56;
	[tilespmem:s16+$0x4CA0] =	vst v5;
	v3 =	vadd.f32 v3, v60  }
0x26a: {  	v63 =	vadd.f32 v11, v58;
	[tilespmem:s16+$0x4CB0] =	vst v4;
	v2 =	vadd.f32 v2, v61  }
0x26b: {  	v1 =	vadd.f32 v1, v62;
	[tilespmem:s16+$0x4CC0] =	vst v3  }
0x26c: {  	v0 =	vadd.f32 v0, v63;
	[tilespmem:s16+$0x4CD0] =	vst v2  }
0x26d: {  	[tilespmem:s16+$0x4CE0] =	vst v1  }
0x26e: {  	s17 =	simm.s32 @!p0 $0x80;
	s18 =	simm.s32 @!p0 $0x2C00;
	[tilespmem:s16+$0x4CF0] =	vst v0;
	s16 =	sor.u32 @!p0 $0x200, s15  }
0x26f: {  	[tilespmem:s18], [sflag:$0x5] =	stream.indirect.gather @!p0 [spmem:s3], $0x10, s16, s17, $0xb8;
	[tilespmem:$0x1DAB0] =	vst v63  }
0x270: {  	s16 =	sor.u32 @!p0 $0x280, s15;
	s18 =	simm.s32 @!p0 $0x3400  }
0x271: {  	[tilespmem:s18], [sflag:$0x6] =	stream.indirect.gather @!p0 [spmem:s3], $0x10, s16, s17, $0xb8;
	[tilespmem:$0x1DAB0] =	vst v63  }
0x272: {  	s16 =	sor.u32 @!p0 $0x300, s15;
	s18 =	simm.s32 @!p0 $0x3C00  }
0x273: {  	[tilespmem:s18], [sflag:$0x7] =	stream.indirect.gather @!p0 [spmem:s3], $0x10, s16, s17, $0xb8;
	[tilespmem:$0x1DAB0] =	vst v63  }
0x274: {  	p1 =	sne.s32 @!p0 s14, $0x19;
	s15 =	sor.u32 @!p0 $0x380, s15;
	s16 =	simm.s32 @!p0 $0x4400  }
0x275: {  	[tilespmem:s16], [sflag:$0x8] =	stream.indirect.gather @!p0 [spmem:s3], $0x10, s15, s17, $0xb8;
	[tilespmem:$0x1DAB0] =	vst v63  }
0x276: {  	p0 =	por p0, !p1  }
.Ltmp2:
0x277: {  	_ = 	snop;
	(pc) =	sbr.rel @!p0 .LBB2_2-.Ltmp2, $1  }
0x278: {  	_ =	sdelay $0x3  }
0x279: {  	s14 =	rddreg [dreg:$0xf];
	s15 =	simm.s32 $0x4C00  }
0x27a: {  	[hbm4b:s14+s4] =	stream.linear.scatter [tilespmem:s15], [sflag:$0xB], $0x800, $0x38;
	[tilespmem:$0x1DAB0] =	vst v63  }
0x27b: {  	_ =	swait.ge [sflag:s30], $0x800  }
0x27c: {  	s13 =	sadd.s32 $0x1, s13;
	s18 =	rddreg [dreg:$0x10]  }
0x27d: {  	p0 =	sne.s32 s13, s18  }
.Ltmp3:
0x27e: {  	_ = 	snop;
	(pc) =	sbr.rel @p0 .LBB2_1-.Ltmp3, $3  }
0x27f: {  	_ =	sdelay $0x1  }
0x280: {  	[sflag:s30] =	ssyncset.done $0x0  }
0x281: {  	[sflag:s30] =	ssyncadd.s32 $0xFFFFF800  }
0x282: {  	_ =	sfence.sel $0x180000  }
0x283: {  	[bflag:$0x0] =	sbarrier.arrive $0xFFFF  }
0x284: {  	_ =	strace $0x90000047  }
0x285: {  	s0 =	stileid.u32;
	[bflag:$0x2] =	sbarrier.arrive $0xFFFF  }
0x286: {  	p0 =	sne.s32 s0, $0x0;
	s0 =	rddreg [dreg:$0x4]  }
0x287: {  	s0 =	sadd.s32 @!p0 $0x100000, s0  }
0x288: {  	[sflag:s0] =	ssyncadd.tile.s32 @!p0 $0x1;
	_ =	shalt  }
.Lfunc_end2:
_tile_overlayer_lowered:
.L_overlay_start_2:
0x289: {  	(tag) =	ssettag $0x2  }
0x28a: {  	s0 =	rddreg [dreg:$0x0];
	s2 =	stileid.u32  }
0x28b: {  	s1 =	rddreg [dreg:$0x1];
	p0 =	sne.s32 s2, $0x0  }
0x28c: {  	s3 =	rddreg [dreg:$0x2];
	[bflag:$0x3] =	sbarrier.arrive $0xFFFF;
	s2 =	simm.s32 @!p0 $0x1C0B  }
0x28d: {  	[timem:s3], [sflag:s2] =	dma.local @!p0 [hbm:s0], s1  }
0x28e: {  	s0 =	simm.s32 @!p0 $0xB  }
0x28f: {  	_ =	swait.ge @!p0 [sflag:s0], s1  }
0x290: {  	s1 =	ssub.s32 @!p0 $0x0, s1;
	[sflag:s0] =	ssyncset.done @!p0 $0x0  }
0x291: {  	[sflag:s0] =	ssyncadd.s32 @!p0 s1  }
0x292: {  	[bflag:$0x3] =	sbarrier.arrive $0xFFFF  }
0x293: {  	_ =	shalt  }

</sc_bundles>
